<compile_context>
chip_gen: v7x
topology: tpu7x:2x2x1
jax: 0.10.2.dev20260603
libtpu: 0.0.44.dev20260713+nightly
codegen_flags: <defaults>
</compile_context>

<pallas_src>
import functools

import jax
import jax.numpy as jnp
from jax import lax
from jax.experimental import pallas as pl
from jax.experimental.pallas import tpu as pltpu
from jax.experimental.pallas import tpu_sc as plsc

N = 50000
E = 800000
B = 2048
G = 16

NBLK = 2000
RBLK = 1000
EPS = 1e-12

NC = 2
NS = 16
NW = NC * NS
EPAD = 819200
EROWS = EPAD // 128
RW = EROWS // NW
CR = 8
NCH = RW // CR
CHS = CR * 128
NPAD = 50048
NROWS_SUB = NPAD // NS
EBLK = 6400


def _leaky(x):
    return jnp.where(x >= 0, x, 0.01 * x)


def _sigmoid(x):
    return 1.0 / (1.0 + jnp.exp(-x))


def _elu(x):
    return jnp.where(x > 0, x, jnp.exp(x) - 1.0)


def _mm(a, b):
    return jax.lax.dot_general(a, b, (((1,), (0,)), ((), ())),
                               preferred_element_type=jnp.float32)


def _k1(nf_ref, Wpn_ref, bpn_ref, Wpa_ref, u_ref, bpe2_ref, o_hv, o_P, o_D):
    nf = nf_ref[...]
    hv = _leaky(_mm(nf, Wpn_ref[...]) + bpn_ref[...])
    o_hv[...] = hv
    o_P[...] = _mm(nf, Wpa_ref[...])
    o_D[...] = _mm(hv, u_ref[...]) + bpe2_ref[0, 0]


def _k2(Ps_ref, Dd_ref, ef_ref, Wpb_ref, bpe1_ref, vv_ref, emb_ref, col_ref,
        o_mx):
    i = pl.program_id(0)
    he1 = _leaky(Ps_ref[...] + _mm(ef_ref[...], Wpb_ref[...]) + bpe1_ref[...])
    lg = Dd_ref[...] + _mm(he1, vv_ref[...])
    ex = jnp.exp(_leaky(lg))
    eid = i * EBLK + jax.lax.broadcasted_iota(jnp.int32, (EBLK, 1), 0)
    ex = jnp.where(eid < E, ex, 0.0)
    o_mx[...] = _mm(ex * he1, emb_ref[...]) + ex * col_ref[...]


def _sc_gather(P_hbm, D_hbm, src2_hbm, dst1_hbm, o_psrc, o_ddst,
               idx_v, rows_v, dst_v, dd_v, D_v, sem):
    c = lax.axis_index("c")
    s = lax.axis_index("s")
    w = s * NC + c
    rowbase = w * RW
    pltpu.sync_copy(D_hbm, D_v)

    def chunk(g, carry):
        rb = rowbase + g * CR
        eb = rb * 128
        pltpu.sync_copy(src2_hbm.at[pl.ds(rb, CR)], idx_v)
        descs = [
            pltpu.async_copy(P_hbm.at[idx_v.at[j]],
                             rows_v.at[pl.ds(j * 128, 128)], sem)
            for j in range(CR)
        ]
        pltpu.sync_copy(dst1_hbm.at[pl.ds(eb, CHS)], dst_v)
        for d in descs:
            d.wait()
        pltpu.sync_copy(rows_v, o_psrc.at[pl.ds(eb, CHS)])

        for j2 in range(CR * 8):
            ii = dst_v[pl.ds(j2 * 16, 16)]
            dd_v[pl.ds(j2 * 16, 16)] = plsc.load_gather(D_v, [ii])
        pltpu.sync_copy(dd_v, o_ddst.at[pl.ds(eb, CHS)])
        return carry

    lax.fori_loop(0, NCH, chunk, 0)


def _sc_scatter(mx_hbm, dst2_hbm, z_hbm, o_acc, mx_v, idx_v, table, sem):
    c = lax.axis_index("c")
    s = lax.axis_index("s")
    w = s * NC + c
    nbase = s * NROWS_SUB
    pltpu.sync_copy(z_hbm, table.at[pl.ds(nbase, NROWS_SUB)])
    plsc.subcore_barrier()

    def chunk(g, carry):
        rb = w * RW + g * CR
        eb = rb * 128
        pltpu.sync_copy(dst2_hbm.at[pl.ds(rb, CR)], idx_v)
        for h in range(2):
            pltpu.sync_copy(mx_hbm.at[pl.ds(eb + h * (CHS // 2), CHS // 2)],
                            mx_v)
            descs = [
                pltpu.async_copy(mx_v.at[pl.ds(j * 128, 128)],
                                 table.at[idx_v.at[h * (CR // 2) + j]],
                                 sem, add=True)
                for j in range(CR // 2)
            ]
            for d in descs:
                d.wait()
        return carry

    lax.fori_loop(0, NCH, chunk, 0)
    plsc.subcore_barrier()
    pltpu.sync_copy(table.at[pl.ds(nbase, NROWS_SUB)],
                    o_acc.at[c].at[pl.ds(nbase, NROWS_SUB)])


def _k4(ts0_ref, ts1_ref, hv_ref, Wet_ref, bet_ref, Wg_ref, bg_ref, Wpr_ref,
        bpr_ref, c2_ref, o_hf, o_hv2, o_zn):
    ts = ts0_ref[...] + ts1_ref[...]
    t = ts[:, 0:16]
    s = ts[:, 16:17]
    occ = s / (s + EPS)
    c = _mm(t / (s + EPS), Wet_ref[...]) + bet_ref[...] * occ
    xg = _elu(c)
    h = hv_ref[...]
    gi = _mm(xg, Wg_ref[:, 0:48])
    gh = _mm(h, Wg_ref[:, 48:96])
    bg = bg_ref[...]
    r = _sigmoid(gi[:, 0:16] + gh[:, 0:16] + bg[:, 0:16])
    z = _sigmoid(gi[:, 16:32] + gh[:, 16:32] + bg[:, 16:32])
    n = jnp.tanh(gi[:, 32:48] + bg[:, 32:48] + r * (gh[:, 32:48] + bg[:, 48:64]))
    hf = jnp.maximum((1.0 - z) * n + z * h, 0.0)
    o_hf[...] = hf
    o_hv2[...] = _mm(hf, Wpr_ref[...]) + bpr_ref[...]
    o_zn[...] = _mm(hf, c2_ref[...])


def _k5(hf_ref, gid_ref, c1_ref, bcl_ref, o_gf, o_dg):
    i = pl.program_id(0)
    gid = gid_ref[...]
    iota = jax.lax.broadcasted_iota(jnp.int32, (RBLK, B), 1)
    oh = jnp.where(gid == iota, 1.0, 0.0)
    contrib = jax.lax.dot_general(oh, hf_ref[...], (((0,), (0,)), ((), ())),
                                  preferred_element_type=jnp.float32)

    @pl.when(i == 0)
    def _():
        o_gf[...] = jnp.zeros_like(o_gf)
        o_dg[...] = jnp.zeros_like(o_dg)

    o_gf[...] += contrib

    @pl.when(i == pl.num_programs(0) - 1)
    def _():
        gf = o_gf[...]
        o_dg[...] = _mm(jnp.maximum(gf, 0.0), c1_ref[...]) + bcl_ref[0, 0]


def _k6(hv_ref, zn_ref, gid_ref, dg_ref, o_t2, o_s2):
    i = pl.program_id(0)
    gid = gid_ref[...]
    iota = jax.lax.broadcasted_iota(jnp.int32, (RBLK, B), 1)
    oh = jnp.where(gid == iota, 1.0, 0.0)
    dgn = _mm(oh, dg_ref[...])
    zl = _leaky(dgn + zn_ref[...])
    ex2 = jnp.exp(zl)
    ct = jax.lax.dot_general(oh, ex2 * hv_ref[...], (((0,), (0,)), ((), ())),
                             preferred_element_type=jnp.float32)
    cs = jax.lax.dot_general(oh, ex2, (((0,), (0,)), ((), ())),
                             preferred_element_type=jnp.float32)

    @pl.when(i == 0)
    def _():
        o_t2[...] = jnp.zeros_like(o_t2)
        o_s2[...] = jnp.zeros_like(o_s2)

    o_t2[...] += ct
    o_s2[...] += cs


def _k7(t21_ref, s21_ref, gf1_ref, t22_ref, s22_ref, gf2_ref, Wr_ref, br_ref,
        x_ref, W_ref, b_ref, emb_ref, o_ref):
    def graph_branch(t2, s2, gf):
        grepr = _elu(t2 / (s2 + EPS))
        gi = _mm(grepr, Wr_ref[:, 0:48])
        gh = _mm(gf, Wr_ref[:, 48:96])
        br = br_ref[...]
        r = _sigmoid(gi[:, 0:16] + gh[:, 0:16] + br[:, 0:16])
        z = _sigmoid(gi[:, 16:32] + gh[:, 16:32] + br[:, 16:32])
        n = jnp.tanh(gi[:, 32:48] + br[:, 32:48] + r * (gh[:, 32:48] + br[:, 48:64]))
        return jnp.maximum((1.0 - z) * n + z * gf, 0.0)

    h1 = graph_branch(t21_ref[...], s21_ref[...], gf1_ref[...])
    h2 = graph_branch(t22_ref[...], s22_ref[...], gf2_ref[...])
    d1 = jnp.sum(h1 * h1, axis=1, keepdims=True)
    d2 = jnp.sum(h2 * h2, axis=1, keepdims=True)
    h = h1 * h2 / (jnp.sqrt(d1) * jnp.sqrt(d2))
    hp = _mm(h, emb_ref[...])
    lane = jax.lax.broadcasted_iota(jnp.int32, hp.shape, 1)
    hp = jnp.where((lane >= G) & (lane < 2 * G), 1.0, hp)
    x = x_ref[...]
    out = _mm(x, W_ref[0]) + b_ref[0]
    out2 = _mm(out, W_ref[1]) + b_ref[1]
    out3 = jnp.tanh(out2)
    out4 = _mm(out3, W_ref[2]) + b_ref[2] + out
    out5 = jnp.tanh(out4)
    out6 = _mm(out5, W_ref[3]) + b_ref[3]
    out7 = jnp.tanh(out6)
    out8 = _mm(out7, W_ref[4]) + b_ref[4] + out5
    o_ref[...] = _mm(hp * out8, W_ref[5]) + b_ref[5]


def _pad128(a, rows=None):
    pads = [(0, 0)] * a.ndim
    pads[-1] = (0, 128 - a.shape[-1])
    if rows is not None:
        pads[0] = (0, rows - a.shape[0])
    return jnp.pad(a, pads)


def _row_spec(blk, width):
    return pl.BlockSpec((blk, width), lambda i: (i, 0))


def _full_spec(shape):
    return pl.BlockSpec(shape, lambda i: (0,) * len(shape))


def kernel(n1, e1, edge_index1, gid1, n2, e2, edge_index2, gid2, x, W_pn, b_pn, W_pe1, b_pe1, W_pe2, b_pe2, W_et, b_et, Wg_ih, Wg_hh, bg_ih, bg_hh, W_cl, b_cl, W_pr, b_pr, Wr_ih, Wr_hh, br_ih, br_hh, W1, b1, W2, b2, W3, b3, W4, b4, W5, b5, Wf, bf):
    f32 = jnp.float32
    Wpnp = jnp.pad(W_pn, ((0, 4), (0, 0)))
    Wpa = jnp.pad(W_pe1[:12], ((0, 4), (0, 0)))
    Wpb = jnp.pad(W_pe1[12:], ((0, 3), (0, 0)))
    u = W_pe2[:16]
    vv = W_pe2[16:]
    c1 = W_cl[:16]
    c2 = W_cl[16:]
    bpn2 = b_pn.reshape(1, G)
    bpe1_2 = b_pe1.reshape(1, G)
    bet2 = b_et.reshape(1, G)
    bpr2 = b_pr.reshape(1, G)
    bcl2 = jnp.reshape(b_cl, (1, 1))
    bpe2_2 = jnp.reshape(b_pe2, (1, 1))

    def gru_pack(W_ih, W_hh, b_ih, b_hh):
        Wg = jnp.concatenate([W_ih.T, W_hh.T], axis=1)
        bg = jnp.concatenate([b_ih[0:16] + b_hh[0:16],
                              b_ih[16:32] + b_hh[16:32],
                              b_ih[32:48], b_hh[32:48]]).reshape(1, 64)
        return Wg, bg

    Wg, bg = gru_pack(Wg_ih, Wg_hh, bg_ih, bg_hh)
    Wr, br = gru_pack(Wr_ih, Wr_hh, br_ih, br_hh)

    mesh = plsc.VectorSubcoreMesh(core_axis_name="c", subcore_axis_name="s")
    zeros_blk = jnp.zeros((NROWS_SUB, 32), f32)
    emb1632 = jnp.pad(jnp.eye(G, dtype=f32), ((0, 0), (0, 16)))
    col16 = jnp.zeros((1, 32), f32).at[0, 16].set(1.0)

    sc_gather = pl.kernel(
        _sc_gather,
        out_type=[jax.ShapeDtypeStruct((EPAD, G), f32),
                  jax.ShapeDtypeStruct((EPAD,), f32)],
        mesh=mesh,
        scratch_types=[pltpu.VMEM((CR, 128), jnp.int32),
                       pltpu.VMEM((CHS, G), f32),
                       pltpu.VMEM((CHS,), jnp.int32),
                       pltpu.VMEM((CHS,), f32),
                       pltpu.VMEM((N,), f32),
                       pltpu.SemaphoreType.DMA],
        compiler_params=pltpu.CompilerParams(needs_layout_passes=False,
                                             use_tc_tiling_on_sc=False),
    )

    sc_scatter = pl.kernel(
        _sc_scatter,
        out_type=jax.ShapeDtypeStruct((NC, NPAD, 32), f32),
        mesh=mesh,
        scratch_types=[pltpu.VMEM((CHS // 2, 32), f32),
                       pltpu.VMEM((CR, 128), jnp.int32),
                       pltpu.VMEM_SHARED((NPAD, 32), f32),
                       pltpu.SemaphoreType.DMA],
        compiler_params=pltpu.CompilerParams(use_tc_tiling_on_sc=False),
    )

    def branch(nf, ef, ei, gid):
        src = ei[0]
        dst = ei[1]
        nfp = jnp.pad(nf, ((0, 0), (0, 4)))
        efp = jnp.pad(ef, ((0, EPAD - E), (0, 3)))
        src2 = jnp.pad(src, (0, EPAD - E)).reshape(EROWS, 128)
        dstp = jnp.pad(dst, (0, EPAD - E))
        dst2 = dstp.reshape(EROWS, 128)

        hv_new, P, D0 = pl.pallas_call(
            _k1,
            grid=(N // NBLK,),
            in_specs=[_row_spec(NBLK, 16), _full_spec((16, 16)),
                      _full_spec((1, 16)), _full_spec((16, 16)),
                      _full_spec((16, 1)), _full_spec((1, 1))],
            out_specs=[_row_spec(NBLK, 16), _row_spec(NBLK, 16),
                       _row_spec(NBLK, 1)],
            out_shape=[jax.ShapeDtypeStruct((N, G), f32),
                       jax.ShapeDtypeStruct((N, G), f32),
                       jax.ShapeDtypeStruct((N, 1), f32)],
        )(nfp, Wpnp, bpn2, Wpa, u, bpe2_2)

        Psrc, Ddst = sc_gather(P, D0.reshape(N), src2, dstp)

        mx = pl.pallas_call(
            _k2,
            grid=(EPAD // EBLK,),
            in_specs=[_row_spec(EBLK, 16), _row_spec(EBLK, 1),
                      _row_spec(EBLK, 8), _full_spec((8, 16)),
                      _full_spec((1, 16)), _full_spec((16, 1)),
                      _full_spec((16, 32)), _full_spec((1, 32))],
            out_specs=_row_spec(EBLK, 32),
            out_shape=jax.ShapeDtypeStruct((EPAD, 32), f32),
        )(Psrc, Ddst.reshape(EPAD, 1), efp, Wpb, bpe1_2, vv, emb1632, col16)

        acc = sc_scatter(mx, dst2, zeros_blk)
        acc = acc[:, :N]

        hfeat, hv, zn = pl.pallas_call(
            _k4,
            grid=(N // NBLK,),
            in_specs=[_row_spec(NBLK, 32), _row_spec(NBLK, 32),
                      _row_spec(NBLK, 16), _full_spec((16, 16)),
                      _full_spec((1, 16)), _full_spec((16, 96)),
                      _full_spec((1, 64)), _full_spec((16, 16)),
                      _full_spec((1, 16)), _full_spec((16, 1))],
            out_specs=[_row_spec(NBLK, 16), _row_spec(NBLK, 16),
                       _row_spec(NBLK, 1)],
            out_shape=[jax.ShapeDtypeStruct((N, G), f32),
                       jax.ShapeDtypeStruct((N, G), f32),
                       jax.ShapeDtypeStruct((N, 1), f32)],
        )(acc[0], acc[1], hv_new, W_et, bet2, Wg, bg, W_pr, bpr2, c2)

        gid2d = gid.reshape(N, 1)
        gf, dg = pl.pallas_call(
            _k5,
            grid=(N // RBLK,),
            in_specs=[_row_spec(RBLK, 16), _row_spec(RBLK, 1),
                      _full_spec((16, 1)), _full_spec((1, 1))],
            out_specs=[pl.BlockSpec((B, 16), lambda i: (0, 0)),
                       pl.BlockSpec((B, 1), lambda i: (0, 0))],
            out_shape=[jax.ShapeDtypeStruct((B, G), f32),
                       jax.ShapeDtypeStruct((B, 1), f32)],
        )(hfeat, gid2d, c1, bcl2)

        t2, s2 = pl.pallas_call(
            _k6,
            grid=(N // RBLK,),
            in_specs=[_row_spec(RBLK, 16), _row_spec(RBLK, 1),
                      _row_spec(RBLK, 1), _full_spec((B, 1))],
            out_specs=[pl.BlockSpec((B, 16), lambda i: (0, 0)),
                       pl.BlockSpec((B, 1), lambda i: (0, 0))],
            out_shape=[jax.ShapeDtypeStruct((B, G), f32),
                       jax.ShapeDtypeStruct((B, 1), f32)],
        )(hv, zn, gid2d, dg)
        return t2, s2, gf

    t21, s21, gf1 = branch(n1, e1, edge_index1, gid1)
    t22, s22, gf2 = branch(n2, e2, edge_index2, gid2)

    Ws = jnp.stack([_pad128(W1, 128), _pad128(W2, 128), _pad128(W3, 128),
                    _pad128(W4, 128), _pad128(W5, 128), _pad128(Wf, 128)])
    bs = jnp.stack([_pad128(b1), _pad128(b2), _pad128(b3), _pad128(b4),
                    _pad128(b5), _pad128(bf), jnp.zeros((128,), f32),
                    jnp.zeros((128,), f32)])
    emb = jnp.pad(jnp.eye(G, dtype=f32), ((0, 0), (0, 112)))

    out_p = pl.pallas_call(
        _k7,
        out_shape=jax.ShapeDtypeStruct((B, 128), f32),
    )(t21, s21, gf1, t22, s22, gf2, Wr, br, _pad128(x), Ws, bs, emb)
    return out_p[:, :2]

# --- scband reference (transcript-rebuilt; emitter-appended) ---
"""Pipeline reference for scband-nn-ecs-8340826489063 (READ-ONLY COPY).

The authoritative reference and input builder live on the scoring server;
editing this copy changes nothing except your own understanding.
"""

import jax, jax.numpy as jnp
import numpy as np

N = 50000
E = 800000
B = 2048
NODE_F = 12
EDGE_F = 5
G = 16

def _leaky(x):
    return jax.nn.leaky_relu(x, 0.01)

def _gru(x, h, W_ih, W_hh, b_ih, b_hh):
    gi = x @ W_ih.T + b_ih
    gh = h @ W_hh.T + b_hh
    ir, iz, inn = jnp.split(gi, 3, axis=1)
    hr, hz, hn = jnp.split(gh, 3, axis=1)
    r = jax.nn.sigmoid(ir + hr)
    z = jax.nn.sigmoid(iz + hz)
    n = jnp.tanh(inn + r * hn)
    return (1.0 - z) * n + z * h

def _seg_softmax(logits, seg, num):
    m = jax.ops.segment_max(logits, seg, num_segments=num)
    m = jax.lax.stop_gradient(jnp.where(jnp.isfinite(m), m, 0.0))
    ex = jnp.exp(logits - m[seg])
    s = jax.ops.segment_sum(ex, seg, num_segments=num)
    return ex / (s[seg] + 1e-12)

_PARAM_SHAPES = [('W_pn', (NODE_F, G)), ('b_pn', (G,)), ('W_pe1', (NODE_F + EDGE_F, G)), ('b_pe1', (G,)), ('W_pe2', (2 * G, 1)), ('b_pe2', (1,)), ('W_et', (G, G)), ('b_et', (G,)), ('Wg_ih', (3 * G, G)), ('Wg_hh', (3 * G, G)), ('bg_ih', (3 * G,)), ('bg_hh', (3 * G,)), ('W_cl', (2 * G, 1)), ('b_cl', (1,)), ('W_pr', (G, G)), ('b_pr', (G,)), ('Wr_ih', (3 * G, G)), ('Wr_hh', (3 * G, G)), ('br_ih', (3 * G,)), ('br_hh', (3 * G,)), ('W1', (2, 32)), ('b1', (32,)), ('W2', (32, 32)), ('b2', (32,)), ('W3', (32, 32)), ('b3', (32,)), ('W4', (32, 32)), ('b4', (32,)), ('W5', (32, 32)), ('b5', (32,)), ('Wf', (32, 2)), ('bf', (2,))]

def setup_inputs(seed: int = 0):
    key = jax.random.key(seed)
    ks = jax.random.split(key, 64)
    inp = {}
    inp['n1'] = jax.random.normal(ks[0], (N, NODE_F), dtype=jnp.float32)
    inp['e1'] = jax.random.normal(ks[1], (E, EDGE_F), dtype=jnp.float32)
    inp['edge_index1'] = jax.random.randint(ks[2], (2, E), 0, N, dtype=jnp.int32)
    inp['gid1'] = jnp.sort(jax.random.randint(ks[3], (N,), 0, B, dtype=jnp.int32))
    inp['n2'] = jax.random.normal(ks[4], (N, NODE_F), dtype=jnp.float32)
    inp['e2'] = jax.random.normal(ks[5], (E, EDGE_F), dtype=jnp.float32)
    inp['edge_index2'] = jax.random.randint(ks[6], (2, E), 0, N, dtype=jnp.int32)
    inp['gid2'] = jnp.sort(jax.random.randint(ks[7], (N,), 0, B, dtype=jnp.int32))
    inp['x'] = jax.random.normal(ks[8], (B, 2), dtype=jnp.float32)
    for i, (name, shp) in enumerate(_PARAM_SHAPES):
        inp[name] = jax.random.normal(ks[9 + i], shp, dtype=jnp.float32) * 0.1
    return inp

def _forward(n1, e1, n2, e2, x, W_pn, b_pn, W_pe1, b_pe1, W_pe2, b_pe2, W_et, b_et, Wg_ih, Wg_hh, bg_ih, bg_hh, W_cl, b_cl, W_pr, b_pr, Wr_ih, Wr_hh, br_ih, br_hh, W1, b1, W2, b2, W3, b3, W4, b4, W5, b5, Wf, bf, edge_index1, gid1, edge_index2, gid2):
    def branch(nf, ef, ei, gid):
        src = ei[0]
        dst = ei[1]
        hv_new = _leaky(nf @ W_pn + b_pn)
        he1 = _leaky(jnp.concatenate([nf[src], ef], axis=1) @ W_pe1 + b_pe1)
        he2 = jnp.concatenate([hv_new[dst], he1], axis=1)
        logits = _leaky(he2 @ W_pe2 + b_pe2)
        a = _seg_softmax(logits, dst, N)
        e = a * (he1 @ W_et + b_et)
        c = jax.ops.segment_sum(e, dst, num_segments=N)
        hfeat = jax.nn.relu(_gru(jax.nn.elu(c), hv_new, Wg_ih, Wg_hh, bg_ih, bg_hh))
        gf = jax.ops.segment_sum(hfeat, gid, num_segments=B)
        zl = _leaky(jnp.concatenate([jax.nn.relu(gf)[gid], hfeat], axis=1) @ W_cl + b_cl)
        an = _seg_softmax(zl, gid, B)
        hv = hfeat @ W_pr + b_pr
        grepr = jax.nn.elu(jax.ops.segment_sum(an * hv, gid, num_segments=B))
        return jax.nn.relu(_gru(grepr, gf, Wr_ih, Wr_hh, br_ih, br_hh))
    h1 = branch(n1, e1, edge_index1, gid1)
    h2 = branch(n2, e2, edge_index2, gid2)
    denom = (jnp.sum(h1 ** 2, axis=1) ** 0.5 * jnp.sum(h2 ** 2, axis=1) ** 0.5).reshape(-1, 1)
    h = h1 * h2 / denom
    h = jnp.concatenate([h, jnp.ones_like(h)], axis=-1)
    out = x @ W1 + b1
    out2 = out @ W2 + b2
    out3 = jnp.tanh(out2)
    out4 = out3 @ W3 + b3 + out
    out5 = jnp.tanh(out4)
    out6 = out5 @ W4 + b4
    out7 = jnp.tanh(out6)
    out8 = out7 @ W5 + b5 + out5
    ff = h * out8
    return ff @ Wf + bf

def reference(n1, e1, edge_index1, gid1, n2, e2, edge_index2, gid2, x, W_pn, b_pn, W_pe1, b_pe1, W_pe2, b_pe2, W_et, b_et, Wg_ih, Wg_hh, bg_ih, bg_hh, W_cl, b_cl, W_pr, b_pr, Wr_ih, Wr_hh, br_ih, br_hh, W1, b1, W2, b2, W3, b3, W4, b4, W5, b5, Wf, bf):
    return _forward(n1, e1, n2, e2, x, W_pn, b_pn, W_pe1, b_pe1, W_pe2, b_pe2, W_et, b_et, Wg_ih, Wg_hh, bg_ih, bg_hh, W_cl, b_cl, W_pr, b_pr, Wr_ih, Wr_hh, br_ih, br_hh, W1, b1, W2, b2, W3, b3, W4, b4, W5, b5, Wf, bf, edge_index1, gid1, edge_index2, gid2)

if __name__ == "__main__":
    import jax
    _d = setup_inputs()
    print(jax.jit(kernel)(*tuple(_d.values())))

</pallas_src>

<mosaic_0001>
#map = affine_map<(d0, d1) -> (0, 0)>
#map1 = affine_map<(d0, d1) -> (0)>
module attributes {stable_mosaic.version = 14 : i64} {
  func.func @_sc_gather(%arg0: i32, %arg1: i32, %arg2: memref<50000x16xf32, #tpu.memory_space<hbm>>, %arg3: memref<50000xf32, #tpu.memory_space<hbm>>, %arg4: memref<6400x128xi32, #tpu.memory_space<hbm>>, %arg5: memref<819200xi32, #tpu.memory_space<hbm>>, %arg6: memref<819200x16xf32, #tpu.memory_space<hbm>>, %arg7: memref<819200xf32, #tpu.memory_space<hbm>>, %arg8: memref<8x128xi32, #tpu.memory_space<vmem>>, %arg9: memref<1024x16xf32, #tpu.memory_space<vmem>>, %arg10: memref<1024xi32, #tpu.memory_space<vmem>>, %arg11: memref<1024xf32, #tpu.memory_space<vmem>>, %arg12: memref<50000xf32, #tpu.memory_space<vmem>>, %arg13: memref<!tpu.dma_semaphore, #tpu.memory_space<semaphore_mem>>) attributes {dimension_semantics = [#tpu.dimension_semantics<core_parallel>, #tpu.dimension_semantics<subcore_parallel>], iteration_bounds = array<i64: 2, 16>, scalar_prefetch = 0 : i64, scratch_operands = 6 : i64, tpu.core_type = #tpu.core_type<sc_vector_subcore>, window_params = [{transform_indices = #map}, {transform_indices = #map1}, {transform_indices = #map}, {transform_indices = #map1}, {transform_indices = #map}, {transform_indices = #map1}]} {
    %mul3A = arith.constant 2 : i32
    %mul3A_0 = arith.muli %arg1, %mul3A : i32
    %add3A = arith.addi %mul3A_0, %arg0 : i32
    %mul3A_1 = arith.constant 200 : i32
    %mul3A_2 = arith.muli %add3A, %mul3A_1 : i32
    "tpu.region"() ({
      %run_scoped3A = tpu.sem_alloc : memref<!tpu.dma_semaphore, #tpu.memory_space<semaphore_mem>>
      tpu.enqueue_dma source(%arg3 : memref<50000xf32, #tpu.memory_space<hbm>>) target(%arg12 : memref<50000xf32, #tpu.memory_space<vmem>>) target_semaphore(%run_scoped3A : memref<!tpu.dma_semaphore, #tpu.memory_space<semaphore_mem>>)
      tpu.wait_dma2 semaphore(%run_scoped3A : memref<!tpu.dma_semaphore, #tpu.memory_space<semaphore_mem>>) src(%arg3 : memref<50000xf32, #tpu.memory_space<hbm>>) dst(%arg12 : memref<50000xf32, #tpu.memory_space<vmem>>)
      tpu.yield
    }) : () -> ()
    %scan3A = arith.constant 0 : i32
    %scan3A_3 = arith.constant 0 : i32
    %scan3A_4 = arith.constant 25 : i32
    %scan3A_5 = arith.addi %scan3A_3, %scan3A_4 : i32
    %scan3A_6 = arith.constant 1 : i32
    scf.for %scan3A_8 = %scan3A_3 to %scan3A_5 step %scan3A_6  : i32 {
      %mul3A_9 = arith.constant 8 : i32
      %mul3A_10 = arith.muli %scan3A_8, %mul3A_9 : i32
      %add3A_11 = arith.addi %mul3A_2, %mul3A_10 : i32
      %mul3A_12 = arith.constant 128 : i32
      %mul3A_13 = arith.muli %add3A_11, %mul3A_12 : i32
      "tpu.region"() ({
        %run_scoped3A = tpu.sem_alloc : memref<!tpu.dma_semaphore, #tpu.memory_space<semaphore_mem>>
        %dma_start3A_489 = arith.constant 0 : i32
        %dma_start3A_490 = tpu.memref_slice %arg4[%add3A_11, %dma_start3A_489] : memref<6400x128xi32, #tpu.memory_space<hbm>> -> memref<8x128xi32, #tpu.memory_space<hbm>>
        %dma_start3A_491 = arith.constant 0 : i32
        %dma_start3A_492 = tpu.memref_slice %arg4[%add3A_11, %dma_start3A_491] : memref<6400x128xi32, #tpu.memory_space<hbm>> -> memref<8x128xi32, #tpu.memory_space<hbm>>
        tpu.enqueue_dma source(%dma_start3A_492 : memref<8x128xi32, #tpu.memory_space<hbm>>) target(%arg8 : memref<8x128xi32, #tpu.memory_space<vmem>>) target_semaphore(%run_scoped3A : memref<!tpu.dma_semaphore, #tpu.memory_space<semaphore_mem>>)
        %dma_wait3A_493 = arith.constant 0 : i32
        %dma_wait3A_494 = tpu.memref_slice %arg4[%add3A_11, %dma_wait3A_493] : memref<6400x128xi32, #tpu.memory_space<hbm>> -> memref<8x128xi32, #tpu.memory_space<hbm>>
        %dma_wait3A_495 = arith.constant 0 : i32
        %dma_wait3A_496 = tpu.memref_slice %arg4[%add3A_11, %dma_wait3A_495] : memref<6400x128xi32, #tpu.memory_space<hbm>> -> memref<8x128xi32, #tpu.memory_space<hbm>>
        tpu.wait_dma2 semaphore(%run_scoped3A : memref<!tpu.dma_semaphore, #tpu.memory_space<semaphore_mem>>) src(%dma_wait3A_496 : memref<8x128xi32, #tpu.memory_space<hbm>>) dst(%arg8 : memref<8x128xi32, #tpu.memory_space<vmem>>)
        tpu.yield
      }) : () -> ()
      %dma_start3A = arith.constant 0 : i32
      %dma_start3A_14 = arith.constant 0 : i32
      %dma_start3A_15 = arith.constant 0 : i32
      %dma_start3A_16 = tpu.memref_slice %arg9[%dma_start3A_14, %dma_start3A_15] : memref<1024x16xf32, #tpu.memory_space<vmem>> -> memref<128x16xf32, #tpu.memory_space<vmem>>
      %dma_start3A_17 = arith.constant 0 : i32
      %dma_start3A_18 = tpu.memref_slice %arg8[%dma_start3A, %dma_start3A_17] : memref<8x128xi32, #tpu.memory_space<vmem>> -> memref<1x128xi32, #tpu.memory_space<vmem>>
      %dma_start3A_19 = tpu.memref_squeeze %dma_start3A_18 : memref<1x128xi32, #tpu.memory_space<vmem>> -> memref<128xi32, #tpu.memory_space<vmem>>
      %dma_start3A_20 = arith.constant 0 : i32
      %dma_start3A_21 = arith.constant 0 : i32
      %dma_start3A_22 = tpu.memref_slice %arg2[%dma_start3A_20, %dma_start3A_21] : memref<50000x16xf32, #tpu.memory_space<hbm>> -> memref<50000x16xf32, #tpu.memory_space<hbm>>
      tpu.enqueue_indirect_dma source(%dma_start3A_22 : memref<50000x16xf32, #tpu.memory_space<hbm>>) target(%dma_start3A_16 : memref<128x16xf32, #tpu.memory_space<vmem>>) offsets(%dma_start3A_19 : memref<128xi32, #tpu.memory_space<vmem>>) semaphore(%arg13 : memref<!tpu.dma_semaphore, #tpu.memory_space<semaphore_mem>>)
      %dma_start3A_23 = arith.constant 1 : i32
      %dma_start3A_24 = arith.constant 128 : i32
      %dma_start3A_25 = arith.constant 0 : i32
      %dma_start3A_26 = tpu.memref_slice %arg9[%dma_start3A_24, %dma_start3A_25] : memref<1024x16xf32, #tpu.memory_space<vmem>> -> memref<128x16xf32, #tpu.memory_space<vmem>>
      %dma_start3A_27 = arith.constant 0 : i32
      %dma_start3A_28 = tpu.memref_slice %arg8[%dma_start3A_23, %dma_start3A_27] : memref<8x128xi32, #tpu.memory_space<vmem>> -> memref<1x128xi32, #tpu.memory_space<vmem>>
      %dma_start3A_29 = tpu.memref_squeeze %dma_start3A_28 : memref<1x128xi32, #tpu.memory_space<vmem>> -> memref<128xi32, #tpu.memory_space<vmem>>
      %dma_start3A_30 = arith.constant 0 : i32
      %dma_start3A_31 = arith.constant 0 : i32
      %dma_start3A_32 = tpu.memref_slice %arg2[%dma_start3A_30, %dma_start3A_31] : memref<50000x16xf32, #tpu.memory_space<hbm>> -> memref<50000x16xf32, #tpu.memory_space<hbm>>
      tpu.enqueue_indirect_dma source(%dma_start3A_32 : memref<50000x16xf32, #tpu.memory_space<hbm>>) target(%dma_start3A_26 : memref<128x16xf32, #tpu.memory_space<vmem>>) offsets(%dma_start3A_29 : memref<128xi32, #tpu.memory_space<vmem>>) semaphore(%arg13 : memref<!tpu.dma_semaphore, #tpu.memory_space<semaphore_mem>>)
      %dma_start3A_33 = arith.constant 2 : i32
      %dma_start3A_34 = arith.constant 256 : i32
      %dma_start3A_35 = arith.constant 0 : i32
      %dma_start3A_36 = tpu.memref_slice %arg9[%dma_start3A_34, %dma_start3A_35] : memref<1024x16xf32, #tpu.memory_space<vmem>> -> memref<128x16xf32, #tpu.memory_space<vmem>>
      %dma_start3A_37 = arith.constant 0 : i32
      %dma_start3A_38 = tpu.memref_slice %arg8[%dma_start3A_33, %dma_start3A_37] : memref<8x128xi32, #tpu.memory_space<vmem>> -> memref<1x128xi32, #tpu.memory_space<vmem>>
      %dma_start3A_39 = tpu.memref_squeeze %dma_start3A_38 : memref<1x128xi32, #tpu.memory_space<vmem>> -> memref<128xi32, #tpu.memory_space<vmem>>
      %dma_start3A_40 = arith.constant 0 : i32
      %dma_start3A_41 = arith.constant 0 : i32
      %dma_start3A_42 = tpu.memref_slice %arg2[%dma_start3A_40, %dma_start3A_41] : memref<50000x16xf32, #tpu.memory_space<hbm>> -> memref<50000x16xf32, #tpu.memory_space<hbm>>
      tpu.enqueue_indirect_dma source(%dma_start3A_42 : memref<50000x16xf32, #tpu.memory_space<hbm>>) target(%dma_start3A_36 : memref<128x16xf32, #tpu.memory_space<vmem>>) offsets(%dma_start3A_39 : memref<128xi32, #tpu.memory_space<vmem>>) semaphore(%arg13 : memref<!tpu.dma_semaphore, #tpu.memory_space<semaphore_mem>>)
      %dma_start3A_43 = arith.constant 3 : i32
      %dma_start3A_44 = arith.constant 384 : i32
      %dma_start3A_45 = arith.constant 0 : i32
      %dma_start3A_46 = tpu.memref_slice %arg9[%dma_start3A_44, %dma_start3A_45] : memref<1024x16xf32, #tpu.memory_space<vmem>> -> memref<128x16xf32, #tpu.memory_space<vmem>>
      %dma_start3A_47 = arith.constant 0 : i32
      %dma_start3A_48 = tpu.memref_slice %arg8[%dma_start3A_43, %dma_start3A_47] : memref<8x128xi32, #tpu.memory_space<vmem>> -> memref<1x128xi32, #tpu.memory_space<vmem>>
      %dma_start3A_49 = tpu.memref_squeeze %dma_start3A_48 : memref<1x128xi32, #tpu.memory_space<vmem>> -> memref<128xi32, #tpu.memory_space<vmem>>
      %dma_start3A_50 = arith.constant 0 : i32
      %dma_start3A_51 = arith.constant 0 : i32
      %dma_start3A_52 = tpu.memref_slice %arg2[%dma_start3A_50, %dma_start3A_51] : memref<50000x16xf32, #tpu.memory_space<hbm>> -> memref<50000x16xf32, #tpu.memory_space<hbm>>
      tpu.enqueue_indirect_dma source(%dma_start3A_52 : memref<50000x16xf32, #tpu.memory_space<hbm>>) target(%dma_start3A_46 : memref<128x16xf32, #tpu.memory_space<vmem>>) offsets(%dma_start3A_49 : memref<128xi32, #tpu.memory_space<vmem>>) semaphore(%arg13 : memref<!tpu.dma_semaphore, #tpu.memory_space<semaphore_mem>>)
      %dma_start3A_53 = arith.constant 4 : i32
      %dma_start3A_54 = arith.constant 512 : i32
      %dma_start3A_55 = arith.constant 0 : i32
      %dma_start3A_56 = tpu.memref_slice %arg9[%dma_start3A_54, %dma_start3A_55] : memref<1024x16xf32, #tpu.memory_space<vmem>> -> memref<128x16xf32, #tpu.memory_space<vmem>>
      %dma_start3A_57 = arith.constant 0 : i32
      %dma_start3A_58 = tpu.memref_slice %arg8[%dma_start3A_53, %dma_start3A_57] : memref<8x128xi32, #tpu.memory_space<vmem>> -> memref<1x128xi32, #tpu.memory_space<vmem>>
      %dma_start3A_59 = tpu.memref_squeeze %dma_start3A_58 : memref<1x128xi32, #tpu.memory_space<vmem>> -> memref<128xi32, #tpu.memory_space<vmem>>
      %dma_start3A_60 = arith.constant 0 : i32
      %dma_start3A_61 = arith.constant 0 : i32
      %dma_start3A_62 = tpu.memref_slice %arg2[%dma_start3A_60, %dma_start3A_61] : memref<50000x16xf32, #tpu.memory_space<hbm>> -> memref<50000x16xf32, #tpu.memory_space<hbm>>
      tpu.enqueue_indirect_dma source(%dma_start3A_62 : memref<50000x16xf32, #tpu.memory_space<hbm>>) target(%dma_start3A_56 : memref<128x16xf32, #tpu.memory_space<vmem>>) offsets(%dma_start3A_59 : memref<128xi32, #tpu.memory_space<vmem>>) semaphore(%arg13 : memref<!tpu.dma_semaphore, #tpu.memory_space<semaphore_mem>>)
      %dma_start3A_63 = arith.constant 5 : i32
      %dma_start3A_64 = arith.constant 640 : i32
      %dma_start3A_65 = arith.constant 0 : i32
      %dma_start3A_66 = tpu.memref_slice %arg9[%dma_start3A_64, %dma_start3A_65] : memref<1024x16xf32, #tpu.memory_space<vmem>> -> memref<128x16xf32, #tpu.memory_space<vmem>>
      %dma_start3A_67 = arith.constant 0 : i32
      %dma_start3A_68 = tpu.memref_slice %arg8[%dma_start3A_63, %dma_start3A_67] : memref<8x128xi32, #tpu.memory_space<vmem>> -> memref<1x128xi32, #tpu.memory_space<vmem>>
      %dma_start3A_69 = tpu.memref_squeeze %dma_start3A_68 : memref<1x128xi32, #tpu.memory_space<vmem>> -> memref<128xi32, #tpu.memory_space<vmem>>
      %dma_start3A_70 = arith.constant 0 : i32
      %dma_start3A_71 = arith.constant 0 : i32
      %dma_start3A_72 = tpu.memref_slice %arg2[%dma_start3A_70, %dma_start3A_71] : memref<50000x16xf32, #tpu.memory_space<hbm>> -> memref<50000x16xf32, #tpu.memory_space<hbm>>
      tpu.enqueue_indirect_dma source(%dma_start3A_72 : memref<50000x16xf32, #tpu.memory_space<hbm>>) target(%dma_start3A_66 : memref<128x16xf32, #tpu.memory_space<vmem>>) offsets(%dma_start3A_69 : memref<128xi32, #tpu.memory_space<vmem>>) semaphore(%arg13 : memref<!tpu.dma_semaphore, #tpu.memory_space<semaphore_mem>>)
      %dma_start3A_73 = arith.constant 6 : i32
      %dma_start3A_74 = arith.constant 768 : i32
      %dma_start3A_75 = arith.constant 0 : i32
      %dma_start3A_76 = tpu.memref_slice %arg9[%dma_start3A_74, %dma_start3A_75] : memref<1024x16xf32, #tpu.memory_space<vmem>> -> memref<128x16xf32, #tpu.memory_space<vmem>>
      %dma_start3A_77 = arith.constant 0 : i32
      %dma_start3A_78 = tpu.memref_slice %arg8[%dma_start3A_73, %dma_start3A_77] : memref<8x128xi32, #tpu.memory_space<vmem>> -> memref<1x128xi32, #tpu.memory_space<vmem>>
      %dma_start3A_79 = tpu.memref_squeeze %dma_start3A_78 : memref<1x128xi32, #tpu.memory_space<vmem>> -> memref<128xi32, #tpu.memory_space<vmem>>
      %dma_start3A_80 = arith.constant 0 : i32
      %dma_start3A_81 = arith.constant 0 : i32
      %dma_start3A_82 = tpu.memref_slice %arg2[%dma_start3A_80, %dma_start3A_81] : memref<50000x16xf32, #tpu.memory_space<hbm>> -> memref<50000x16xf32, #tpu.memory_space<hbm>>
      tpu.enqueue_indirect_dma source(%dma_start3A_82 : memref<50000x16xf32, #tpu.memory_space<hbm>>) target(%dma_start3A_76 : memref<128x16xf32, #tpu.memory_space<vmem>>) offsets(%dma_start3A_79 : memref<128xi32, #tpu.memory_space<vmem>>) semaphore(%arg13 : memref<!tpu.dma_semaphore, #tpu.memory_space<semaphore_mem>>)
      %dma_start3A_83 = arith.constant 7 : i32
      %dma_start3A_84 = arith.constant 896 : i32
      %dma_start3A_85 = arith.constant 0 : i32
      %dma_start3A_86 = tpu.memref_slice %arg9[%dma_start3A_84, %dma_start3A_85] : memref<1024x16xf32, #tpu.memory_space<vmem>> -> memref<128x16xf32, #tpu.memory_space<vmem>>
      %dma_start3A_87 = arith.constant 0 : i32
      %dma_start3A_88 = tpu.memref_slice %arg8[%dma_start3A_83, %dma_start3A_87] : memref<8x128xi32, #tpu.memory_space<vmem>> -> memref<1x128xi32, #tpu.memory_space<vmem>>
      %dma_start3A_89 = tpu.memref_squeeze %dma_start3A_88 : memref<1x128xi32, #tpu.memory_space<vmem>> -> memref<128xi32, #tpu.memory_space<vmem>>
      %dma_start3A_90 = arith.constant 0 : i32
      %dma_start3A_91 = arith.constant 0 : i32
      %dma_start3A_92 = tpu.memref_slice %arg2[%dma_start3A_90, %dma_start3A_91] : memref<50000x16xf32, #tpu.memory_space<hbm>> -> memref<50000x16xf32, #tpu.memory_space<hbm>>
      tpu.enqueue_indirect_dma source(%dma_start3A_92 : memref<50000x16xf32, #tpu.memory_space<hbm>>) target(%dma_start3A_86 : memref<128x16xf32, #tpu.memory_space<vmem>>) offsets(%dma_start3A_89 : memref<128xi32, #tpu.memory_space<vmem>>) semaphore(%arg13 : memref<!tpu.dma_semaphore, #tpu.memory_space<semaphore_mem>>)
      "tpu.region"() ({
        %run_scoped3A = tpu.sem_alloc : memref<!tpu.dma_semaphore, #tpu.memory_space<semaphore_mem>>
        %dma_start3A_489 = tpu.memref_slice %arg5[%mul3A_13] : memref<819200xi32, #tpu.memory_space<hbm>> -> memref<1024xi32, #tpu.memory_space<hbm>>
        %dma_start3A_490 = tpu.memref_slice %arg5[%mul3A_13] : memref<819200xi32, #tpu.memory_space<hbm>> -> memref<1024xi32, #tpu.memory_space<hbm>>
        tpu.enqueue_dma source(%dma_start3A_490 : memref<1024xi32, #tpu.memory_space<hbm>>) target(%arg10 : memref<1024xi32, #tpu.memory_space<vmem>>) target_semaphore(%run_scoped3A : memref<!tpu.dma_semaphore, #tpu.memory_space<semaphore_mem>>)
        %dma_wait3A_491 = tpu.memref_slice %arg5[%mul3A_13] : memref<819200xi32, #tpu.memory_space<hbm>> -> memref<1024xi32, #tpu.memory_space<hbm>>
        %dma_wait3A_492 = tpu.memref_slice %arg5[%mul3A_13] : memref<819200xi32, #tpu.memory_space<hbm>> -> memref<1024xi32, #tpu.memory_space<hbm>>
        tpu.wait_dma2 semaphore(%run_scoped3A : memref<!tpu.dma_semaphore, #tpu.memory_space<semaphore_mem>>) src(%dma_wait3A_492 : memref<1024xi32, #tpu.memory_space<hbm>>) dst(%arg10 : memref<1024xi32, #tpu.memory_space<vmem>>)
        tpu.yield
      }) : () -> ()
      %dma_wait3A = arith.constant 0 : i32
      %dma_wait3A_93 = arith.constant 0 : i32
      %dma_wait3A_94 = arith.constant 0 : i32
      %dma_wait3A_95 = tpu.memref_slice %arg9[%dma_wait3A_93, %dma_wait3A_94] : memref<1024x16xf32, #tpu.memory_space<vmem>> -> memref<128x16xf32, #tpu.memory_space<vmem>>
      %dma_wait3A_96 = arith.constant 0 : i32
      %dma_wait3A_97 = tpu.memref_slice %arg8[%dma_wait3A, %dma_wait3A_96] : memref<8x128xi32, #tpu.memory_space<vmem>> -> memref<1x128xi32, #tpu.memory_space<vmem>>
      %dma_wait3A_98 = tpu.memref_squeeze %dma_wait3A_97 : memref<1x128xi32, #tpu.memory_space<vmem>> -> memref<128xi32, #tpu.memory_space<vmem>>
      %dma_wait3A_99 = arith.constant 0 : i32
      %dma_wait3A_100 = arith.constant 0 : i32
      %dma_wait3A_101 = tpu.memref_slice %arg2[%dma_wait3A_99, %dma_wait3A_100] : memref<50000x16xf32, #tpu.memory_space<hbm>> -> memref<50000x16xf32, #tpu.memory_space<hbm>>
      tpu.wait_indirect_dma semaphore(%arg13 : memref<!tpu.dma_semaphore, #tpu.memory_space<semaphore_mem>>) src(%dma_wait3A_101 : memref<50000x16xf32, #tpu.memory_space<hbm>>) dst(%dma_wait3A_95 : memref<128x16xf32, #tpu.memory_space<vmem>>)
      %dma_wait3A_102 = arith.constant 1 : i32
      %dma_wait3A_103 = arith.constant 128 : i32
      %dma_wait3A_104 = arith.constant 0 : i32
      %dma_wait3A_105 = tpu.memref_slice %arg9[%dma_wait3A_103, %dma_wait3A_104] : memref<1024x16xf32, #tpu.memory_space<vmem>> -> memref<128x16xf32, #tpu.memory_space<vmem>>
      %dma_wait3A_106 = arith.constant 0 : i32
      %dma_wait3A_107 = tpu.memref_slice %arg8[%dma_wait3A_102, %dma_wait3A_106] : memref<8x128xi32, #tpu.memory_space<vmem>> -> memref<1x128xi32, #tpu.memory_space<vmem>>
      %dma_wait3A_108 = tpu.memref_squeeze %dma_wait3A_107 : memref<1x128xi32, #tpu.memory_space<vmem>> -> memref<128xi32, #tpu.memory_space<vmem>>
      %dma_wait3A_109 = arith.constant 0 : i32
      %dma_wait3A_110 = arith.constant 0 : i32
      %dma_wait3A_111 = tpu.memref_slice %arg2[%dma_wait3A_109, %dma_wait3A_110] : memref<50000x16xf32, #tpu.memory_space<hbm>> -> memref<50000x16xf32, #tpu.memory_space<hbm>>
      tpu.wait_indirect_dma semaphore(%arg13 : memref<!tpu.dma_semaphore, #tpu.memory_space<semaphore_mem>>) src(%dma_wait3A_111 : memref<50000x16xf32, #tpu.memory_space<hbm>>) dst(%dma_wait3A_105 : memref<128x16xf32, #tpu.memory_space<vmem>>)
      %dma_wait3A_112 = arith.constant 2 : i32
      %dma_wait3A_113 = arith.constant 256 : i32
      %dma_wait3A_114 = arith.constant 0 : i32
      %dma_wait3A_115 = tpu.memref_slice %arg9[%dma_wait3A_113, %dma_wait3A_114] : memref<1024x16xf32, #tpu.memory_space<vmem>> -> memref<128x16xf32, #tpu.memory_space<vmem>>
      %dma_wait3A_116 = arith.constant 0 : i32
      %dma_wait3A_117 = tpu.memref_slice %arg8[%dma_wait3A_112, %dma_wait3A_116] : memref<8x128xi32, #tpu.memory_space<vmem>> -> memref<1x128xi32, #tpu.memory_space<vmem>>
      %dma_wait3A_118 = tpu.memref_squeeze %dma_wait3A_117 : memref<1x128xi32, #tpu.memory_space<vmem>> -> memref<128xi32, #tpu.memory_space<vmem>>
      %dma_wait3A_119 = arith.constant 0 : i32
      %dma_wait3A_120 = arith.constant 0 : i32
      %dma_wait3A_121 = tpu.memref_slice %arg2[%dma_wait3A_119, %dma_wait3A_120] : memref<50000x16xf32, #tpu.memory_space<hbm>> -> memref<50000x16xf32, #tpu.memory_space<hbm>>
      tpu.wait_indirect_dma semaphore(%arg13 : memref<!tpu.dma_semaphore, #tpu.memory_space<semaphore_mem>>) src(%dma_wait3A_121 : memref<50000x16xf32, #tpu.memory_space<hbm>>) dst(%dma_wait3A_115 : memref<128x16xf32, #tpu.memory_space<vmem>>)
      %dma_wait3A_122 = arith.constant 3 : i32
      %dma_wait3A_123 = arith.constant 384 : i32
      %dma_wait3A_124 = arith.constant 0 : i32
      %dma_wait3A_125 = tpu.memref_slice %arg9[%dma_wait3A_123, %dma_wait3A_124] : memref<1024x16xf32, #tpu.memory_space<vmem>> -> memref<128x16xf32, #tpu.memory_space<vmem>>
      %dma_wait3A_126 = arith.constant 0 : i32
      %dma_wait3A_127 = tpu.memref_slice %arg8[%dma_wait3A_122, %dma_wait3A_126] : memref<8x128xi32, #tpu.memory_space<vmem>> -> memref<1x128xi32, #tpu.memory_space<vmem>>
      %dma_wait3A_128 = tpu.memref_squeeze %dma_wait3A_127 : memref<1x128xi32, #tpu.memory_space<vmem>> -> memref<128xi32, #tpu.memory_space<vmem>>
      %dma_wait3A_129 = arith.constant 0 : i32
      %dma_wait3A_130 = arith.constant 0 : i32
      %dma_wait3A_131 = tpu.memref_slice %arg2[%dma_wait3A_129, %dma_wait3A_130] : memref<50000x16xf32, #tpu.memory_space<hbm>> -> memref<50000x16xf32, #tpu.memory_space<hbm>>
      tpu.wait_indirect_dma semaphore(%arg13 : memref<!tpu.dma_semaphore, #tpu.memory_space<semaphore_mem>>) src(%dma_wait3A_131 : memref<50000x16xf32, #tpu.memory_space<hbm>>) dst(%dma_wait3A_125 : memref<128x16xf32, #tpu.memory_space<vmem>>)
      %dma_wait3A_132 = arith.constant 4 : i32
      %dma_wait3A_133 = arith.constant 512 : i32
      %dma_wait3A_134 = arith.constant 0 : i32
      %dma_wait3A_135 = tpu.memref_slice %arg9[%dma_wait3A_133, %dma_wait3A_134] : memref<1024x16xf32, #tpu.memory_space<vmem>> -> memref<128x16xf32, #tpu.memory_space<vmem>>
      %dma_wait3A_136 = arith.constant 0 : i32
      %dma_wait3A_137 = tpu.memref_slice %arg8[%dma_wait3A_132, %dma_wait3A_136] : memref<8x128xi32, #tpu.memory_space<vmem>> -> memref<1x128xi32, #tpu.memory_space<vmem>>
      %dma_wait3A_138 = tpu.memref_squeeze %dma_wait3A_137 : memref<1x128xi32, #tpu.memory_space<vmem>> -> memref<128xi32, #tpu.memory_space<vmem>>
      %dma_wait3A_139 = arith.constant 0 : i32
      %dma_wait3A_140 = arith.constant 0 : i32
      %dma_wait3A_141 = tpu.memref_slice %arg2[%dma_wait3A_139, %dma_wait3A_140] : memref<50000x16xf32, #tpu.memory_space<hbm>> -> memref<50000x16xf32, #tpu.memory_space<hbm>>
      tpu.wait_indirect_dma semaphore(%arg13 : memref<!tpu.dma_semaphore, #tpu.memory_space<semaphore_mem>>) src(%dma_wait3A_141 : memref<50000x16xf32, #tpu.memory_space<hbm>>) dst(%dma_wait3A_135 : memref<128x16xf32, #tpu.memory_space<vmem>>)
      %dma_wait3A_142 = arith.constant 5 : i32
      %dma_wait3A_143 = arith.constant 640 : i32
      %dma_wait3A_144 = arith.constant 0 : i32
      %dma_wait3A_145 = tpu.memref_slice %arg9[%dma_wait3A_143, %dma_wait3A_144] : memref<1024x16xf32, #tpu.memory_space<vmem>> -> memref<128x16xf32, #tpu.memory_space<vmem>>
      %dma_wait3A_146 = arith.constant 0 : i32
      %dma_wait3A_147 = tpu.memref_slice %arg8[%dma_wait3A_142, %dma_wait3A_146] : memref<8x128xi32, #tpu.memory_space<vmem>> -> memref<1x128xi32, #tpu.memory_space<vmem>>
      %dma_wait3A_148 = tpu.memref_squeeze %dma_wait3A_147 : memref<1x128xi32, #tpu.memory_space<vmem>> -> memref<128xi32, #tpu.memory_space<vmem>>
      %dma_wait3A_149 = arith.constant 0 : i32
      %dma_wait3A_150 = arith.constant 0 : i32
      %dma_wait3A_151 = tpu.memref_slice %arg2[%dma_wait3A_149, %dma_wait3A_150] : memref<50000x16xf32, #tpu.memory_space<hbm>> -> memref<50000x16xf32, #tpu.memory_space<hbm>>
      tpu.wait_indirect_dma semaphore(%arg13 : memref<!tpu.dma_semaphore, #tpu.memory_space<semaphore_mem>>) src(%dma_wait3A_151 : memref<50000x16xf32, #tpu.memory_space<hbm>>) dst(%dma_wait3A_145 : memref<128x16xf32, #tpu.memory_space<vmem>>)
      %dma_wait3A_152 = arith.constant 6 : i32
      %dma_wait3A_153 = arith.constant 768 : i32
      %dma_wait3A_154 = arith.constant 0 : i32
      %dma_wait3A_155 = tpu.memref_slice %arg9[%dma_wait3A_153, %dma_wait3A_154] : memref<1024x16xf32, #tpu.memory_space<vmem>> -> memref<128x16xf32, #tpu.memory_space<vmem>>
      %dma_wait3A_156 = arith.constant 0 : i32
      %dma_wait3A_157 = tpu.memref_slice %arg8[%dma_wait3A_152, %dma_wait3A_156] : memref<8x128xi32, #tpu.memory_space<vmem>> -> memref<1x128xi32, #tpu.memory_space<vmem>>
      %dma_wait3A_158 = tpu.memref_squeeze %dma_wait3A_157 : memref<1x128xi32, #tpu.memory_space<vmem>> -> memref<128xi32, #tpu.memory_space<vmem>>
      %dma_wait3A_159 = arith.constant 0 : i32
      %dma_wait3A_160 = arith.constant 0 : i32
      %dma_wait3A_161 = tpu.memref_slice %arg2[%dma_wait3A_159, %dma_wait3A_160] : memref<50000x16xf32, #tpu.memory_space<hbm>> -> memref<50000x16xf32, #tpu.memory_space<hbm>>
      tpu.wait_indirect_dma semaphore(%arg13 : memref<!tpu.dma_semaphore, #tpu.memory_space<semaphore_mem>>) src(%dma_wait3A_161 : memref<50000x16xf32, #tpu.memory_space<hbm>>) dst(%dma_wait3A_155 : memref<128x16xf32, #tpu.memory_space<vmem>>)
      %dma_wait3A_162 = arith.constant 7 : i32
      %dma_wait3A_163 = arith.constant 896 : i32
      %dma_wait3A_164 = arith.constant 0 : i32
      %dma_wait3A_165 = tpu.memref_slice %arg9[%dma_wait3A_163, %dma_wait3A_164] : memref<1024x16xf32, #tpu.memory_space<vmem>> -> memref<128x16xf32, #tpu.memory_space<vmem>>
      %dma_wait3A_166 = arith.constant 0 : i32
      %dma_wait3A_167 = tpu.memref_slice %arg8[%dma_wait3A_162, %dma_wait3A_166] : memref<8x128xi32, #tpu.memory_space<vmem>> -> memref<1x128xi32, #tpu.memory_space<vmem>>
      %dma_wait3A_168 = tpu.memref_squeeze %dma_wait3A_167 : memref<1x128xi32, #tpu.memory_space<vmem>> -> memref<128xi32, #tpu.memory_space<vmem>>
      %dma_wait3A_169 = arith.constant 0 : i32
      %dma_wait3A_170 = arith.constant 0 : i32
      %dma_wait3A_171 = tpu.memref_slice %arg2[%dma_wait3A_169, %dma_wait3A_170] : memref<50000x16xf32, #tpu.memory_space<hbm>> -> memref<50000x16xf32, #tpu.memory_space<hbm>>
      tpu.wait_indirect_dma semaphore(%arg13 : memref<!tpu.dma_semaphore, #tpu.memory_space<semaphore_mem>>) src(%dma_wait3A_171 : memref<50000x16xf32, #tpu.memory_space<hbm>>) dst(%dma_wait3A_165 : memref<128x16xf32, #tpu.memory_space<vmem>>)
      "tpu.region"() ({
        %run_scoped3A = tpu.sem_alloc : memref<!tpu.dma_semaphore, #tpu.memory_space<semaphore_mem>>
        %dma_start3A_489 = arith.constant 0 : i32
        %dma_start3A_490 = tpu.memref_slice %arg6[%mul3A_13, %dma_start3A_489] : memref<819200x16xf32, #tpu.memory_space<hbm>> -> memref<1024x16xf32, #tpu.memory_space<hbm>>
        %dma_start3A_491 = arith.constant 0 : i32
        %dma_start3A_492 = tpu.memref_slice %arg6[%mul3A_13, %dma_start3A_491] : memref<819200x16xf32, #tpu.memory_space<hbm>> -> memref<1024x16xf32, #tpu.memory_space<hbm>>
        tpu.enqueue_dma source(%arg9 : memref<1024x16xf32, #tpu.memory_space<vmem>>) target(%dma_start3A_492 : memref<1024x16xf32, #tpu.memory_space<hbm>>) target_semaphore(%run_scoped3A : memref<!tpu.dma_semaphore, #tpu.memory_space<semaphore_mem>>)
        %dma_wait3A_493 = arith.constant 0 : i32
        %dma_wait3A_494 = tpu.memref_slice %arg6[%mul3A_13, %dma_wait3A_493] : memref<819200x16xf32, #tpu.memory_space<hbm>> -> memref<1024x16xf32, #tpu.memory_space<hbm>>
        %dma_wait3A_495 = arith.constant 0 : i32
        %dma_wait3A_496 = tpu.memref_slice %arg6[%mul3A_13, %dma_wait3A_495] : memref<819200x16xf32, #tpu.memory_space<hbm>> -> memref<1024x16xf32, #tpu.memory_space<hbm>>
        tpu.wait_dma2 semaphore(%run_scoped3A : memref<!tpu.dma_semaphore, #tpu.memory_space<semaphore_mem>>) src(%arg9 : memref<1024x16xf32, #tpu.memory_space<vmem>>) dst(%dma_wait3A_496 : memref<1024x16xf32, #tpu.memory_space<hbm>>)
        tpu.yield
      }) : () -> ()
      %get3A = arith.constant 0 : index
      %get3A_172 = tpu.vector_load %arg10[%get3A] {strides = array<i32>} : memref<1024xi32, #tpu.memory_space<vmem>>, vector<16xi32>,
      %gather3A = tpu.vector_load_idx %arg12[%get3A_172] : memref<50000xf32, #tpu.memory_space<vmem>>[vector<16xi32>], vector<16xf32>,
      %swap3A = arith.constant 0 : index
      %swap3A_173 = tpu.vector_load %arg11[%swap3A] {strides = array<i32>} : memref<1024xf32, #tpu.memory_space<vmem>>, vector<16xf32>,
      tpu.vector_store %arg11[%swap3A], %gather3A {strides = array<i32>} : memref<1024xf32, #tpu.memory_space<vmem>>, vector<16xf32>,
      %get3A_174 = arith.constant 16 : index
      %get3A_175 = tpu.vector_load %arg10[%get3A_174] {strides = array<i32>} : memref<1024xi32, #tpu.memory_space<vmem>>, vector<16xi32>,
      %gather3A_176 = tpu.vector_load_idx %arg12[%get3A_175] : memref<50000xf32, #tpu.memory_space<vmem>>[vector<16xi32>], vector<16xf32>,
      %swap3A_177 = arith.constant 16 : index
      %swap3A_178 = tpu.vector_load %arg11[%swap3A_177] {strides = array<i32>} : memref<1024xf32, #tpu.memory_space<vmem>>, vector<16xf32>,
      tpu.vector_store %arg11[%swap3A_177], %gather3A_176 {strides = array<i32>} : memref<1024xf32, #tpu.memory_space<vmem>>, vector<16xf32>,
      %get3A_179 = arith.constant 32 : index
      %get3A_180 = tpu.vector_load %arg10[%get3A_179] {strides = array<i32>} : memref<1024xi32, #tpu.memory_space<vmem>>, vector<16xi32>,
      %gather3A_181 = tpu.vector_load_idx %arg12[%get3A_180] : memref<50000xf32, #tpu.memory_space<vmem>>[vector<16xi32>], vector<16xf32>,
      %swap3A_182 = arith.constant 32 : index
      %swap3A_183 = tpu.vector_load %arg11[%swap3A_182] {strides = array<i32>} : memref<1024xf32, #tpu.memory_space<vmem>>, vector<16xf32>,
      tpu.vector_store %arg11[%swap3A_182], %gather3A_181 {strides = array<i32>} : memref<1024xf32, #tpu.memory_space<vmem>>, vector<16xf32>,
      %get3A_184 = arith.constant 48 : index
      %get3A_185 = tpu.vector_load %arg10[%get3A_184] {strides = array<i32>} : memref<1024xi32, #tpu.memory_space<vmem>>, vector<16xi32>,
      %gather3A_186 = tpu.vector_load_idx %arg12[%get3A_185] : memref<50000xf32, #tpu.memory_space<vmem>>[vector<16xi32>], vector<16xf32>,
      %swap3A_187 = arith.constant 48 : index
      %swap3A_188 = tpu.vector_load %arg11[%swap3A_187] {strides = array<i32>} : memref<1024xf32, #tpu.memory_space<vmem>>, vector<16xf32>,
      tpu.vector_store %arg11[%swap3A_187], %gather3A_186 {strides = array<i32>} : memref<1024xf32, #tpu.memory_space<vmem>>, vector<16xf32>,
      %get3A_189 = arith.constant 64 : index
      %get3A_190 = tpu.vector_load %arg10[%get3A_189] {strides = array<i32>} : memref<1024xi32, #tpu.memory_space<vmem>>, vector<16xi32>,
      %gather3A_191 = tpu.vector_load_idx %arg12[%get3A_190] : memref<50000xf32, #tpu.memory_space<vmem>>[vector<16xi32>], vector<16xf32>,
      %swap3A_192 = arith.constant 64 : index
      %swap3A_193 = tpu.vector_load %arg11[%swap3A_192] {strides = array<i32>} : memref<1024xf32, #tpu.memory_space<vmem>>, vector<16xf32>,
      tpu.vector_store %arg11[%swap3A_192], %gather3A_191 {strides = array<i32>} : memref<1024xf32, #tpu.memory_space<vmem>>, vector<16xf32>,
      %get3A_194 = arith.constant 80 : index
      %get3A_195 = tpu.vector_load %arg10[%get3A_194] {strides = array<i32>} : memref<1024xi32, #tpu.memory_space<vmem>>, vector<16xi32>,
      %gather3A_196 = tpu.vector_load_idx %arg12[%get3A_195] : memref<50000xf32, #tpu.memory_space<vmem>>[vector<16xi32>], vector<16xf32>,
      %swap3A_197 = arith.constant 80 : index
      %swap3A_198 = tpu.vector_load %arg11[%swap3A_197] {strides = array<i32>} : memref<1024xf32, #tpu.memory_space<vmem>>, vector<16xf32>,
      tpu.vector_store %arg11[%swap3A_197], %gather3A_196 {strides = array<i32>} : memref<1024xf32, #tpu.memory_space<vmem>>, vector<16xf32>,
      %get3A_199 = arith.constant 96 : index
      %get3A_200 = tpu.vector_load %arg10[%get3A_199] {strides = array<i32>} : memref<1024xi32, #tpu.memory_space<vmem>>, vector<16xi32>,
      %gather3A_201 = tpu.vector_load_idx %arg12[%get3A_200] : memref<50000xf32, #tpu.memory_space<vmem>>[vector<16xi32>], vector<16xf32>,
      %swap3A_202 = arith.constant 96 : index
      %swap3A_203 = tpu.vector_load %arg11[%swap3A_202] {strides = array<i32>} : memref<1024xf32, #tpu.memory_space<vmem>>, vector<16xf32>,
      tpu.vector_store %arg11[%swap3A_202], %gather3A_201 {strides = array<i32>} : memref<1024xf32, #tpu.memory_space<vmem>>, vector<16xf32>,
      %get3A_204 = arith.constant 112 : index
      %get3A_205 = tpu.vector_load %arg10[%get3A_204] {strides = array<i32>} : memref<1024xi32, #tpu.memory_space<vmem>>, vector<16xi32>,
      %gather3A_206 = tpu.vector_load_idx %arg12[%get3A_205] : memref<50000xf32, #tpu.memory_space<vmem>>[vector<16xi32>], vector<16xf32>,
      %swap3A_207 = arith.constant 112 : index
      %swap3A_208 = tpu.vector_load %arg11[%swap3A_207] {strides = array<i32>} : memref<1024xf32, #tpu.memory_space<vmem>>, vector<16xf32>,
      tpu.vector_store %arg11[%swap3A_207], %gather3A_206 {strides = array<i32>} : memref<1024xf32, #tpu.memory_space<vmem>>, vector<16xf32>,
      %get3A_209 = arith.constant 128 : index
      %get3A_210 = tpu.vector_load %arg10[%get3A_209] {strides = array<i32>} : memref<1024xi32, #tpu.memory_space<vmem>>, vector<16xi32>,
      %gather3A_211 = tpu.vector_load_idx %arg12[%get3A_210] : memref<50000xf32, #tpu.memory_space<vmem>>[vector<16xi32>], vector<16xf32>,
      %swap3A_212 = arith.constant 128 : index
      %swap3A_213 = tpu.vector_load %arg11[%swap3A_212] {strides = array<i32>} : memref<1024xf32, #tpu.memory_space<vmem>>, vector<16xf32>,
      tpu.vector_store %arg11[%swap3A_212], %gather3A_211 {strides = array<i32>} : memref<1024xf32, #tpu.memory_space<vmem>>, vector<16xf32>,
      %get3A_214 = arith.constant 144 : index
      %get3A_215 = tpu.vector_load %arg10[%get3A_214] {strides = array<i32>} : memref<1024xi32, #tpu.memory_space<vmem>>, vector<16xi32>,
      %gather3A_216 = tpu.vector_load_idx %arg12[%get3A_215] : memref<50000xf32, #tpu.memory_space<vmem>>[vector<16xi32>], vector<16xf32>,
      %swap3A_217 = arith.constant 144 : index
      %swap3A_218 = tpu.vector_load %arg11[%swap3A_217] {strides = array<i32>} : memref<1024xf32, #tpu.memory_space<vmem>>, vector<16xf32>,
      tpu.vector_store %arg11[%swap3A_217], %gather3A_216 {strides = array<i32>} : memref<1024xf32, #tpu.memory_space<vmem>>, vector<16xf32>,
      %get3A_219 = arith.constant 160 : index
      %get3A_220 = tpu.vector_load %arg10[%get3A_219] {strides = array<i32>} : memref<1024xi32, #tpu.memory_space<vmem>>, vector<16xi32>,
      %gather3A_221 = tpu.vector_load_idx %arg12[%get3A_220] : memref<50000xf32, #tpu.memory_space<vmem>>[vector<16xi32>], vector<16xf32>,
      %swap3A_222 = arith.constant 160 : index
      %swap3A_223 = tpu.vector_load %arg11[%swap3A_222] {strides = array<i32>} : memref<1024xf32, #tpu.memory_space<vmem>>, vector<16xf32>,
      tpu.vector_store %arg11[%swap3A_222], %gather3A_221 {strides = array<i32>} : memref<1024xf32, #tpu.memory_space<vmem>>, vector<16xf32>,
      %get3A_224 = arith.constant 176 : index
      %get3A_225 = tpu.vector_load %arg10[%get3A_224] {strides = array<i32>} : memref<1024xi32, #tpu.memory_space<vmem>>, vector<16xi32>,
      %gather3A_226 = tpu.vector_load_idx %arg12[%get3A_225] : memref<50000xf32, #tpu.memory_space<vmem>>[vector<16xi32>], vector<16xf32>,
      %swap3A_227 = arith.constant 176 : index
      %swap3A_228 = tpu.vector_load %arg11[%swap3A_227] {strides = array<i32>} : memref<1024xf32, #tpu.memory_space<vmem>>, vector<16xf32>,
      tpu.vector_store %arg11[%swap3A_227], %gather3A_226 {strides = array<i32>} : memref<1024xf32, #tpu.memory_space<vmem>>, vector<16xf32>,
      %get3A_229 = arith.constant 192 : index
      %get3A_230 = tpu.vector_load %arg10[%get3A_229] {strides = array<i32>} : memref<1024xi32, #tpu.memory_space<vmem>>, vector<16xi32>,
      %gather3A_231 = tpu.vector_load_idx %arg12[%get3A_230] : memref<50000xf32, #tpu.memory_space<vmem>>[vector<16xi32>], vector<16xf32>,
      %swap3A_232 = arith.constant 192 : index
      %swap3A_233 = tpu.vector_load %arg11[%swap3A_232] {strides = array<i32>} : memref<1024xf32, #tpu.memory_space<vmem>>, vector<16xf32>,
      tpu.vector_store %arg11[%swap3A_232], %gather3A_231 {strides = array<i32>} : memref<1024xf32, #tpu.memory_space<vmem>>, vector<16xf32>,
      %get3A_234 = arith.constant 208 : index
      %get3A_235 = tpu.vector_load %arg10[%get3A_234] {strides = array<i32>} : memref<1024xi32, #tpu.memory_space<vmem>>, vector<16xi32>,
      %gather3A_236 = tpu.vector_load_idx %arg12[%get3A_235] : memref<50000xf32, #tpu.memory_space<vmem>>[vector<16xi32>], vector<16xf32>,
      %swap3A_237 = arith.constant 208 : index
      %swap3A_238 = tpu.vector_load %arg11[%swap3A_237] {strides = array<i32>} : memref<1024xf32, #tpu.memory_space<vmem>>, vector<16xf32>,
      tpu.vector_store %arg11[%swap3A_237], %gather3A_236 {strides = array<i32>} : memref<1024xf32, #tpu.memory_space<vmem>>, vector<16xf32>,
      %get3A_239 = arith.constant 224 : index
      %get3A_240 = tpu.vector_load %arg10[%get3A_239] {strides = array<i32>} : memref<1024xi32, #tpu.memory_space<vmem>>, vector<16xi32>,
      %gather3A_241 = tpu.vector_load_idx %arg12[%get3A_240] : memref<50000xf32, #tpu.memory_space<vmem>>[vector<16xi32>], vector<16xf32>,
      %swap3A_242 = arith.constant 224 : index
      %swap3A_243 = tpu.vector_load %arg11[%swap3A_242] {strides = array<i32>} : memref<1024xf32, #tpu.memory_space<vmem>>, vector<16xf32>,
      tpu.vector_store %arg11[%swap3A_242], %gather3A_241 {strides = array<i32>} : memref<1024xf32, #tpu.memory_space<vmem>>, vector<16xf32>,
      %get3A_244 = arith.constant 240 : index
      %get3A_245 = tpu.vector_load %arg10[%get3A_244] {strides = array<i32>} : memref<1024xi32, #tpu.memory_space<vmem>>, vector<16xi32>,
      %gather3A_246 = tpu.vector_load_idx %arg12[%get3A_245] : memref<50000xf32, #tpu.memory_space<vmem>>[vector<16xi32>], vector<16xf32>,
      %swap3A_247 = arith.constant 240 : index
      %swap3A_248 = tpu.vector_load %arg11[%swap3A_247] {strides = array<i32>} : memref<1024xf32, #tpu.memory_space<vmem>>, vector<16xf32>,
      tpu.vector_store %arg11[%swap3A_247], %gather3A_246 {strides = array<i32>} : memref<1024xf32, #tpu.memory_space<vmem>>, vector<16xf32>,
      %get3A_249 = arith.constant 256 : index
      %get3A_250 = tpu.vector_load %arg10[%get3A_249] {strides = array<i32>} : memref<1024xi32, #tpu.memory_space<vmem>>, vector<16xi32>,
      %gather3A_251 = tpu.vector_load_idx %arg12[%get3A_250] : memref<50000xf32, #tpu.memory_space<vmem>>[vector<16xi32>], vector<16xf32>,
      %swap3A_252 = arith.constant 256 : index
      %swap3A_253 = tpu.vector_load %arg11[%swap3A_252] {strides = array<i32>} : memref<1024xf32, #tpu.memory_space<vmem>>, vector<16xf32>,
      tpu.vector_store %arg11[%swap3A_252], %gather3A_251 {strides = array<i32>} : memref<1024xf32, #tpu.memory_space<vmem>>, vector<16xf32>,
      %get3A_254 = arith.constant 272 : index
      %get3A_255 = tpu.vector_load %arg10[%get3A_254] {strides = array<i32>} : memref<1024xi32, #tpu.memory_space<vmem>>, vector<16xi32>,
      %gather3A_256 = tpu.vector_load_idx %arg12[%get3A_255] : memref<50000xf32, #tpu.memory_space<vmem>>[vector<16xi32>], vector<16xf32>,
      %swap3A_257 = arith.constant 272 : index
      %swap3A_258 = tpu.vector_load %arg11[%swap3A_257] {strides = array<i32>} : memref<1024xf32, #tpu.memory_space<vmem>>, vector<16xf32>,
      tpu.vector_store %arg11[%swap3A_257], %gather3A_256 {strides = array<i32>} : memref<1024xf32, #tpu.memory_space<vmem>>, vector<16xf32>,
      %get3A_259 = arith.constant 288 : index
      %get3A_260 = tpu.vector_load %arg10[%get3A_259] {strides = array<i32>} : memref<1024xi32, #tpu.memory_space<vmem>>, vector<16xi32>,
      %gather3A_261 = tpu.vector_load_idx %arg12[%get3A_260] : memref<50000xf32, #tpu.memory_space<vmem>>[vector<16xi32>], vector<16xf32>,
      %swap3A_262 = arith.constant 288 : index
      %swap3A_263 = tpu.vector_load %arg11[%swap3A_262] {strides = array<i32>} : memref<1024xf32, #tpu.memory_space<vmem>>, vector<16xf32>,
      tpu.vector_store %arg11[%swap3A_262], %gather3A_261 {strides = array<i32>} : memref<1024xf32, #tpu.memory_space<vmem>>, vector<16xf32>,
      %get3A_264 = arith.constant 304 : index
      %get3A_265 = tpu.vector_load %arg10[%get3A_264] {strides = array<i32>} : memref<1024xi32, #tpu.memory_space<vmem>>, vector<16xi32>,
      %gather3A_266 = tpu.vector_load_idx %arg12[%get3A_265] : memref<50000xf32, #tpu.memory_space<vmem>>[vector<16xi32>], vector<16xf32>,
      %swap3A_267 = arith.constant 304 : index
      %swap3A_268 = tpu.vector_load %arg11[%swap3A_267] {strides = array<i32>} : memref<1024xf32, #tpu.memory_space<vmem>>, vector<16xf32>,
      tpu.vector_store %arg11[%swap3A_267], %gather3A_266 {strides = array<i32>} : memref<1024xf32, #tpu.memory_space<vmem>>, vector<16xf32>,
      %get3A_269 = arith.constant 320 : index
      %get3A_270 = tpu.vector_load %arg10[%get3A_269] {strides = array<i32>} : memref<1024xi32, #tpu.memory_space<vmem>>, vector<16xi32>,
      %gather3A_271 = tpu.vector_load_idx %arg12[%get3A_270] : memref<50000xf32, #tpu.memory_space<vmem>>[vector<16xi32>], vector<16xf32>,
      %swap3A_272 = arith.constant 320 : index
      %swap3A_273 = tpu.vector_load %arg11[%swap3A_272] {strides = array<i32>} : memref<1024xf32, #tpu.memory_space<vmem>>, vector<16xf32>,
      tpu.vector_store %arg11[%swap3A_272], %gather3A_271 {strides = array<i32>} : memref<1024xf32, #tpu.memory_space<vmem>>, vector<16xf32>,
      %get3A_274 = arith.constant 336 : index
      %get3A_275 = tpu.vector_load %arg10[%get3A_274] {strides = array<i32>} : memref<1024xi32, #tpu.memory_space<vmem>>, vector<16xi32>,
      %gather3A_276 = tpu.vector_load_idx %arg12[%get3A_275] : memref<50000xf32, #tpu.memory_space<vmem>>[vector<16xi32>], vector<16xf32>,
      %swap3A_277 = arith.constant 336 : index
      %swap3A_278 = tpu.vector_load %arg11[%swap3A_277] {strides = array<i32>} : memref<1024xf32, #tpu.memory_space<vmem>>, vector<16xf32>,
      tpu.vector_store %arg11[%swap3A_277], %gather3A_276 {strides = array<i32>} : memref<1024xf32, #tpu.memory_space<vmem>>, vector<16xf32>,
      %get3A_279 = arith.constant 352 : index
      %get3A_280 = tpu.vector_load %arg10[%get3A_279] {strides = array<i32>} : memref<1024xi32, #tpu.memory_space<vmem>>, vector<16xi32>,
      %gather3A_281 = tpu.vector_load_idx %arg12[%get3A_280] : memref<50000xf32, #tpu.memory_space<vmem>>[vector<16xi32>], vector<16xf32>,
      %swap3A_282 = arith.constant 352 : index
      %swap3A_283 = tpu.vector_load %arg11[%swap3A_282] {strides = array<i32>} : memref<1024xf32, #tpu.memory_space<vmem>>, vector<16xf32>,
      tpu.vector_store %arg11[%swap3A_282], %gather3A_281 {strides = array<i32>} : memref<1024xf32, #tpu.memory_space<vmem>>, vector<16xf32>,
      %get3A_284 = arith.constant 368 : index
      %get3A_285 = tpu.vector_load %arg10[%get3A_284] {strides = array<i32>} : memref<1024xi32, #tpu.memory_space<vmem>>, vector<16xi32>,
      %gather3A_286 = tpu.vector_load_idx %arg12[%get3A_285] : memref<50000xf32, #tpu.memory_space<vmem>>[vector<16xi32>], vector<16xf32>,
      %swap3A_287 = arith.constant 368 : index
      %swap3A_288 = tpu.vector_load %arg11[%swap3A_287] {strides = array<i32>} : memref<1024xf32, #tpu.memory_space<vmem>>, vector<16xf32>,
      tpu.vector_store %arg11[%swap3A_287], %gather3A_286 {strides = array<i32>} : memref<1024xf32, #tpu.memory_space<vmem>>, vector<16xf32>,
      %get3A_289 = arith.constant 384 : index
      %get3A_290 = tpu.vector_load %arg10[%get3A_289] {strides = array<i32>} : memref<1024xi32, #tpu.memory_space<vmem>>, vector<16xi32>,
      %gather3A_291 = tpu.vector_load_idx %arg12[%get3A_290] : memref<50000xf32, #tpu.memory_space<vmem>>[vector<16xi32>], vector<16xf32>,
      %swap3A_292 = arith.constant 384 : index
      %swap3A_293 = tpu.vector_load %arg11[%swap3A_292] {strides = array<i32>} : memref<1024xf32, #tpu.memory_space<vmem>>, vector<16xf32>,
      tpu.vector_store %arg11[%swap3A_292], %gather3A_291 {strides = array<i32>} : memref<1024xf32, #tpu.memory_space<vmem>>, vector<16xf32>,
      %get3A_294 = arith.constant 400 : index
      %get3A_295 = tpu.vector_load %arg10[%get3A_294] {strides = array<i32>} : memref<1024xi32, #tpu.memory_space<vmem>>, vector<16xi32>,
      %gather3A_296 = tpu.vector_load_idx %arg12[%get3A_295] : memref<50000xf32, #tpu.memory_space<vmem>>[vector<16xi32>], vector<16xf32>,
      %swap3A_297 = arith.constant 400 : index
      %swap3A_298 = tpu.vector_load %arg11[%swap3A_297] {strides = array<i32>} : memref<1024xf32, #tpu.memory_space<vmem>>, vector<16xf32>,
      tpu.vector_store %arg11[%swap3A_297], %gather3A_296 {strides = array<i32>} : memref<1024xf32, #tpu.memory_space<vmem>>, vector<16xf32>,
      %get3A_299 = arith.constant 416 : index
      %get3A_300 = tpu.vector_load %arg10[%get3A_299] {strides = array<i32>} : memref<1024xi32, #tpu.memory_space<vmem>>, vector<16xi32>,
      %gather3A_301 = tpu.vector_load_idx %arg12[%get3A_300] : memref<50000xf32, #tpu.memory_space<vmem>>[vector<16xi32>], vector<16xf32>,
      %swap3A_302 = arith.constant 416 : index
      %swap3A_303 = tpu.vector_load %arg11[%swap3A_302] {strides = array<i32>} : memref<1024xf32, #tpu.memory_space<vmem>>, vector<16xf32>,
      tpu.vector_store %arg11[%swap3A_302], %gather3A_301 {strides = array<i32>} : memref<1024xf32, #tpu.memory_space<vmem>>, vector<16xf32>,
      %get3A_304 = arith.constant 432 : index
      %get3A_305 = tpu.vector_load %arg10[%get3A_304] {strides = array<i32>} : memref<1024xi32, #tpu.memory_space<vmem>>, vector<16xi32>,
      %gather3A_306 = tpu.vector_load_idx %arg12[%get3A_305] : memref<50000xf32, #tpu.memory_space<vmem>>[vector<16xi32>], vector<16xf32>,
      %swap3A_307 = arith.constant 432 : index
      %swap3A_308 = tpu.vector_load %arg11[%swap3A_307] {strides = array<i32>} : memref<1024xf32, #tpu.memory_space<vmem>>, vector<16xf32>,
      tpu.vector_store %arg11[%swap3A_307], %gather3A_306 {strides = array<i32>} : memref<1024xf32, #tpu.memory_space<vmem>>, vector<16xf32>,
      %get3A_309 = arith.constant 448 : index
      %get3A_310 = tpu.vector_load %arg10[%get3A_309] {strides = array<i32>} : memref<1024xi32, #tpu.memory_space<vmem>>, vector<16xi32>,
      %gather3A_311 = tpu.vector_load_idx %arg12[%get3A_310] : memref<50000xf32, #tpu.memory_space<vmem>>[vector<16xi32>], vector<16xf32>,
      %swap3A_312 = arith.constant 448 : index
      %swap3A_313 = tpu.vector_load %arg11[%swap3A_312] {strides = array<i32>} : memref<1024xf32, #tpu.memory_space<vmem>>, vector<16xf32>,
      tpu.vector_store %arg11[%swap3A_312], %gather3A_311 {strides = array<i32>} : memref<1024xf32, #tpu.memory_space<vmem>>, vector<16xf32>,
      %get3A_314 = arith.constant 464 : index
      %get3A_315 = tpu.vector_load %arg10[%get3A_314] {strides = array<i32>} : memref<1024xi32, #tpu.memory_space<vmem>>, vector<16xi32>,
      %gather3A_316 = tpu.vector_load_idx %arg12[%get3A_315] : memref<50000xf32, #tpu.memory_space<vmem>>[vector<16xi32>], vector<16xf32>,
      %swap3A_317 = arith.constant 464 : index
      %swap3A_318 = tpu.vector_load %arg11[%swap3A_317] {strides = array<i32>} : memref<1024xf32, #tpu.memory_space<vmem>>, vector<16xf32>,
      tpu.vector_store %arg11[%swap3A_317], %gather3A_316 {strides = array<i32>} : memref<1024xf32, #tpu.memory_space<vmem>>, vector<16xf32>,
      %get3A_319 = arith.constant 480 : index
      %get3A_320 = tpu.vector_load %arg10[%get3A_319] {strides = array<i32>} : memref<1024xi32, #tpu.memory_space<vmem>>, vector<16xi32>,
      %gather3A_321 = tpu.vector_load_idx %arg12[%get3A_320] : memref<50000xf32, #tpu.memory_space<vmem>>[vector<16xi32>], vector<16xf32>,
      %swap3A_322 = arith.constant 480 : index
      %swap3A_323 = tpu.vector_load %arg11[%swap3A_322] {strides = array<i32>} : memref<1024xf32, #tpu.memory_space<vmem>>, vector<16xf32>,
      tpu.vector_store %arg11[%swap3A_322], %gather3A_321 {strides = array<i32>} : memref<1024xf32, #tpu.memory_space<vmem>>, vector<16xf32>,
      %get3A_324 = arith.constant 496 : index
      %get3A_325 = tpu.vector_load %arg10[%get3A_324] {strides = array<i32>} : memref<1024xi32, #tpu.memory_space<vmem>>, vector<16xi32>,
      %gather3A_326 = tpu.vector_load_idx %arg12[%get3A_325] : memref<50000xf32, #tpu.memory_space<vmem>>[vector<16xi32>], vector<16xf32>,
      %swap3A_327 = arith.constant 496 : index
      %swap3A_328 = tpu.vector_load %arg11[%swap3A_327] {strides = array<i32>} : memref<1024xf32, #tpu.memory_space<vmem>>, vector<16xf32>,
      tpu.vector_store %arg11[%swap3A_327], %gather3A_326 {strides = array<i32>} : memref<1024xf32, #tpu.memory_space<vmem>>, vector<16xf32>,
      %get3A_329 = arith.constant 512 : index
      %get3A_330 = tpu.vector_load %arg10[%get3A_329] {strides = array<i32>} : memref<1024xi32, #tpu.memory_space<vmem>>, vector<16xi32>,
      %gather3A_331 = tpu.vector_load_idx %arg12[%get3A_330] : memref<50000xf32, #tpu.memory_space<vmem>>[vector<16xi32>], vector<16xf32>,
      %swap3A_332 = arith.constant 512 : index
      %swap3A_333 = tpu.vector_load %arg11[%swap3A_332] {strides = array<i32>} : memref<1024xf32, #tpu.memory_space<vmem>>, vector<16xf32>,
      tpu.vector_store %arg11[%swap3A_332], %gather3A_331 {strides = array<i32>} : memref<1024xf32, #tpu.memory_space<vmem>>, vector<16xf32>,
      %get3A_334 = arith.constant 528 : index
      %get3A_335 = tpu.vector_load %arg10[%get3A_334] {strides = array<i32>} : memref<1024xi32, #tpu.memory_space<vmem>>, vector<16xi32>,
      %gather3A_336 = tpu.vector_load_idx %arg12[%get3A_335] : memref<50000xf32, #tpu.memory_space<vmem>>[vector<16xi32>], vector<16xf32>,
      %swap3A_337 = arith.constant 528 : index
      %swap3A_338 = tpu.vector_load %arg11[%swap3A_337] {strides = array<i32>} : memref<1024xf32, #tpu.memory_space<vmem>>, vector<16xf32>,
      tpu.vector_store %arg11[%swap3A_337], %gather3A_336 {strides = array<i32>} : memref<1024xf32, #tpu.memory_space<vmem>>, vector<16xf32>,
      %get3A_339 = arith.constant 544 : index
      %get3A_340 = tpu.vector_load %arg10[%get3A_339] {strides = array<i32>} : memref<1024xi32, #tpu.memory_space<vmem>>, vector<16xi32>,
      %gather3A_341 = tpu.vector_load_idx %arg12[%get3A_340] : memref<50000xf32, #tpu.memory_space<vmem>>[vector<16xi32>], vector<16xf32>,
      %swap3A_342 = arith.constant 544 : index
      %swap3A_343 = tpu.vector_load %arg11[%swap3A_342] {strides = array<i32>} : memref<1024xf32, #tpu.memory_space<vmem>>, vector<16xf32>,
      tpu.vector_store %arg11[%swap3A_342], %gather3A_341 {strides = array<i32>} : memref<1024xf32, #tpu.memory_space<vmem>>, vector<16xf32>,
      %get3A_344 = arith.constant 560 : index
      %get3A_345 = tpu.vector_load %arg10[%get3A_344] {strides = array<i32>} : memref<1024xi32, #tpu.memory_space<vmem>>, vector<16xi32>,
      %gather3A_346 = tpu.vector_load_idx %arg12[%get3A_345] : memref<50000xf32, #tpu.memory_space<vmem>>[vector<16xi32>], vector<16xf32>,
      %swap3A_347 = arith.constant 560 : index
      %swap3A_348 = tpu.vector_load %arg11[%swap3A_347] {strides = array<i32>} : memref<1024xf32, #tpu.memory_space<vmem>>, vector<16xf32>,
      tpu.vector_store %arg11[%swap3A_347], %gather3A_346 {strides = array<i32>} : memref<1024xf32, #tpu.memory_space<vmem>>, vector<16xf32>,
      %get3A_349 = arith.constant 576 : index
      %get3A_350 = tpu.vector_load %arg10[%get3A_349] {strides = array<i32>} : memref<1024xi32, #tpu.memory_space<vmem>>, vector<16xi32>,
      %gather3A_351 = tpu.vector_load_idx %arg12[%get3A_350] : memref<50000xf32, #tpu.memory_space<vmem>>[vector<16xi32>], vector<16xf32>,
      %swap3A_352 = arith.constant 576 : index
      %swap3A_353 = tpu.vector_load %arg11[%swap3A_352] {strides = array<i32>} : memref<1024xf32, #tpu.memory_space<vmem>>, vector<16xf32>,
      tpu.vector_store %arg11[%swap3A_352], %gather3A_351 {strides = array<i32>} : memref<1024xf32, #tpu.memory_space<vmem>>, vector<16xf32>,
      %get3A_354 = arith.constant 592 : index
      %get3A_355 = tpu.vector_load %arg10[%get3A_354] {strides = array<i32>} : memref<1024xi32, #tpu.memory_space<vmem>>, vector<16xi32>,
      %gather3A_356 = tpu.vector_load_idx %arg12[%get3A_355] : memref<50000xf32, #tpu.memory_space<vmem>>[vector<16xi32>], vector<16xf32>,
      %swap3A_357 = arith.constant 592 : index
      %swap3A_358 = tpu.vector_load %arg11[%swap3A_357] {strides = array<i32>} : memref<1024xf32, #tpu.memory_space<vmem>>, vector<16xf32>,
      tpu.vector_store %arg11[%swap3A_357], %gather3A_356 {strides = array<i32>} : memref<1024xf32, #tpu.memory_space<vmem>>, vector<16xf32>,
      %get3A_359 = arith.constant 608 : index
      %get3A_360 = tpu.vector_load %arg10[%get3A_359] {strides = array<i32>} : memref<1024xi32, #tpu.memory_space<vmem>>, vector<16xi32>,
      %gather3A_361 = tpu.vector_load_idx %arg12[%get3A_360] : memref<50000xf32, #tpu.memory_space<vmem>>[vector<16xi32>], vector<16xf32>,
      %swap3A_362 = arith.constant 608 : index
      %swap3A_363 = tpu.vector_load %arg11[%swap3A_362] {strides = array<i32>} : memref<1024xf32, #tpu.memory_space<vmem>>, vector<16xf32>,
      tpu.vector_store %arg11[%swap3A_362], %gather3A_361 {strides = array<i32>} : memref<1024xf32, #tpu.memory_space<vmem>>, vector<16xf32>,
      %get3A_364 = arith.constant 624 : index
      %get3A_365 = tpu.vector_load %arg10[%get3A_364] {strides = array<i32>} : memref<1024xi32, #tpu.memory_space<vmem>>, vector<16xi32>,
      %gather3A_366 = tpu.vector_load_idx %arg12[%get3A_365] : memref<50000xf32, #tpu.memory_space<vmem>>[vector<16xi32>], vector<16xf32>,
      %swap3A_367 = arith.constant 624 : index
      %swap3A_368 = tpu.vector_load %arg11[%swap3A_367] {strides = array<i32>} : memref<1024xf32, #tpu.memory_space<vmem>>, vector<16xf32>,
      tpu.vector_store %arg11[%swap3A_367], %gather3A_366 {strides = array<i32>} : memref<1024xf32, #tpu.memory_space<vmem>>, vector<16xf32>,
      %get3A_369 = arith.constant 640 : index
      %get3A_370 = tpu.vector_load %arg10[%get3A_369] {strides = array<i32>} : memref<1024xi32, #tpu.memory_space<vmem>>, vector<16xi32>,
      %gather3A_371 = tpu.vector_load_idx %arg12[%get3A_370] : memref<50000xf32, #tpu.memory_space<vmem>>[vector<16xi32>], vector<16xf32>,
      %swap3A_372 = arith.constant 640 : index
      %swap3A_373 = tpu.vector_load %arg11[%swap3A_372] {strides = array<i32>} : memref<1024xf32, #tpu.memory_space<vmem>>, vector<16xf32>,
      tpu.vector_store %arg11[%swap3A_372], %gather3A_371 {strides = array<i32>} : memref<1024xf32, #tpu.memory_space<vmem>>, vector<16xf32>,
      %get3A_374 = arith.constant 656 : index
      %get3A_375 = tpu.vector_load %arg10[%get3A_374] {strides = array<i32>} : memref<1024xi32, #tpu.memory_space<vmem>>, vector<16xi32>,
      %gather3A_376 = tpu.vector_load_idx %arg12[%get3A_375] : memref<50000xf32, #tpu.memory_space<vmem>>[vector<16xi32>], vector<16xf32>,
      %swap3A_377 = arith.constant 656 : index
      %swap3A_378 = tpu.vector_load %arg11[%swap3A_377] {strides = array<i32>} : memref<1024xf32, #tpu.memory_space<vmem>>, vector<16xf32>,
      tpu.vector_store %arg11[%swap3A_377], %gather3A_376 {strides = array<i32>} : memref<1024xf32, #tpu.memory_space<vmem>>, vector<16xf32>,
      %get3A_379 = arith.constant 672 : index
      %get3A_380 = tpu.vector_load %arg10[%get3A_379] {strides = array<i32>} : memref<1024xi32, #tpu.memory_space<vmem>>, vector<16xi32>,
      %gather3A_381 = tpu.vector_load_idx %arg12[%get3A_380] : memref<50000xf32, #tpu.memory_space<vmem>>[vector<16xi32>], vector<16xf32>,
      %swap3A_382 = arith.constant 672 : index
      %swap3A_383 = tpu.vector_load %arg11[%swap3A_382] {strides = array<i32>} : memref<1024xf32, #tpu.memory_space<vmem>>, vector<16xf32>,
      tpu.vector_store %arg11[%swap3A_382], %gather3A_381 {strides = array<i32>} : memref<1024xf32, #tpu.memory_space<vmem>>, vector<16xf32>,
      %get3A_384 = arith.constant 688 : index
      %get3A_385 = tpu.vector_load %arg10[%get3A_384] {strides = array<i32>} : memref<1024xi32, #tpu.memory_space<vmem>>, vector<16xi32>,
      %gather3A_386 = tpu.vector_load_idx %arg12[%get3A_385] : memref<50000xf32, #tpu.memory_space<vmem>>[vector<16xi32>], vector<16xf32>,
      %swap3A_387 = arith.constant 688 : index
      %swap3A_388 = tpu.vector_load %arg11[%swap3A_387] {strides = array<i32>} : memref<1024xf32, #tpu.memory_space<vmem>>, vector<16xf32>,
      tpu.vector_store %arg11[%swap3A_387], %gather3A_386 {strides = array<i32>} : memref<1024xf32, #tpu.memory_space<vmem>>, vector<16xf32>,
      %get3A_389 = arith.constant 704 : index
      %get3A_390 = tpu.vector_load %arg10[%get3A_389] {strides = array<i32>} : memref<1024xi32, #tpu.memory_space<vmem>>, vector<16xi32>,
      %gather3A_391 = tpu.vector_load_idx %arg12[%get3A_390] : memref<50000xf32, #tpu.memory_space<vmem>>[vector<16xi32>], vector<16xf32>,
      %swap3A_392 = arith.constant 704 : index
      %swap3A_393 = tpu.vector_load %arg11[%swap3A_392] {strides = array<i32>} : memref<1024xf32, #tpu.memory_space<vmem>>, vector<16xf32>,
      tpu.vector_store %arg11[%swap3A_392], %gather3A_391 {strides = array<i32>} : memref<1024xf32, #tpu.memory_space<vmem>>, vector<16xf32>,
      %get3A_394 = arith.constant 720 : index
      %get3A_395 = tpu.vector_load %arg10[%get3A_394] {strides = array<i32>} : memref<1024xi32, #tpu.memory_space<vmem>>, vector<16xi32>,
      %gather3A_396 = tpu.vector_load_idx %arg12[%get3A_395] : memref<50000xf32, #tpu.memory_space<vmem>>[vector<16xi32>], vector<16xf32>,
      %swap3A_397 = arith.constant 720 : index
      %swap3A_398 = tpu.vector_load %arg11[%swap3A_397] {strides = array<i32>} : memref<1024xf32, #tpu.memory_space<vmem>>, vector<16xf32>,
      tpu.vector_store %arg11[%swap3A_397], %gather3A_396 {strides = array<i32>} : memref<1024xf32, #tpu.memory_space<vmem>>, vector<16xf32>,
      %get3A_399 = arith.constant 736 : index
      %get3A_400 = tpu.vector_load %arg10[%get3A_399] {strides = array<i32>} : memref<1024xi32, #tpu.memory_space<vmem>>, vector<16xi32>,
      %gather3A_401 = tpu.vector_load_idx %arg12[%get3A_400] : memref<50000xf32, #tpu.memory_space<vmem>>[vector<16xi32>], vector<16xf32>,
      %swap3A_402 = arith.constant 736 : index
      %swap3A_403 = tpu.vector_load %arg11[%swap3A_402] {strides = array<i32>} : memref<1024xf32, #tpu.memory_space<vmem>>, vector<16xf32>,
      tpu.vector_store %arg11[%swap3A_402], %gather3A_401 {strides = array<i32>} : memref<1024xf32, #tpu.memory_space<vmem>>, vector<16xf32>,
      %get3A_404 = arith.constant 752 : index
      %get3A_405 = tpu.vector_load %arg10[%get3A_404] {strides = array<i32>} : memref<1024xi32, #tpu.memory_space<vmem>>, vector<16xi32>,
      %gather3A_406 = tpu.vector_load_idx %arg12[%get3A_405] : memref<50000xf32, #tpu.memory_space<vmem>>[vector<16xi32>], vector<16xf32>,
      %swap3A_407 = arith.constant 752 : index
      %swap3A_408 = tpu.vector_load %arg11[%swap3A_407] {strides = array<i32>} : memref<1024xf32, #tpu.memory_space<vmem>>, vector<16xf32>,
      tpu.vector_store %arg11[%swap3A_407], %gather3A_406 {strides = array<i32>} : memref<1024xf32, #tpu.memory_space<vmem>>, vector<16xf32>,
      %get3A_409 = arith.constant 768 : index
      %get3A_410 = tpu.vector_load %arg10[%get3A_409] {strides = array<i32>} : memref<1024xi32, #tpu.memory_space<vmem>>, vector<16xi32>,
      %gather3A_411 = tpu.vector_load_idx %arg12[%get3A_410] : memref<50000xf32, #tpu.memory_space<vmem>>[vector<16xi32>], vector<16xf32>,
      %swap3A_412 = arith.constant 768 : index
      %swap3A_413 = tpu.vector_load %arg11[%swap3A_412] {strides = array<i32>} : memref<1024xf32, #tpu.memory_space<vmem>>, vector<16xf32>,
      tpu.vector_store %arg11[%swap3A_412], %gather3A_411 {strides = array<i32>} : memref<1024xf32, #tpu.memory_space<vmem>>, vector<16xf32>,
      %get3A_414 = arith.constant 784 : index
      %get3A_415 = tpu.vector_load %arg10[%get3A_414] {strides = array<i32>} : memref<1024xi32, #tpu.memory_space<vmem>>, vector<16xi32>,
      %gather3A_416 = tpu.vector_load_idx %arg12[%get3A_415] : memref<50000xf32, #tpu.memory_space<vmem>>[vector<16xi32>], vector<16xf32>,
      %swap3A_417 = arith.constant 784 : index
      %swap3A_418 = tpu.vector_load %arg11[%swap3A_417] {strides = array<i32>} : memref<1024xf32, #tpu.memory_space<vmem>>, vector<16xf32>,
      tpu.vector_store %arg11[%swap3A_417], %gather3A_416 {strides = array<i32>} : memref<1024xf32, #tpu.memory_space<vmem>>, vector<16xf32>,
      %get3A_419 = arith.constant 800 : index
      %get3A_420 = tpu.vector_load %arg10[%get3A_419] {strides = array<i32>} : memref<1024xi32, #tpu.memory_space<vmem>>, vector<16xi32>,
      %gather3A_421 = tpu.vector_load_idx %arg12[%get3A_420] : memref<50000xf32, #tpu.memory_space<vmem>>[vector<16xi32>], vector<16xf32>,
      %swap3A_422 = arith.constant 800 : index
      %swap3A_423 = tpu.vector_load %arg11[%swap3A_422] {strides = array<i32>} : memref<1024xf32, #tpu.memory_space<vmem>>, vector<16xf32>,
      tpu.vector_store %arg11[%swap3A_422], %gather3A_421 {strides = array<i32>} : memref<1024xf32, #tpu.memory_space<vmem>>, vector<16xf32>,
      %get3A_424 = arith.constant 816 : index
      %get3A_425 = tpu.vector_load %arg10[%get3A_424] {strides = array<i32>} : memref<1024xi32, #tpu.memory_space<vmem>>, vector<16xi32>,
      %gather3A_426 = tpu.vector_load_idx %arg12[%get3A_425] : memref<50000xf32, #tpu.memory_space<vmem>>[vector<16xi32>], vector<16xf32>,
      %swap3A_427 = arith.constant 816 : index
      %swap3A_428 = tpu.vector_load %arg11[%swap3A_427] {strides = array<i32>} : memref<1024xf32, #tpu.memory_space<vmem>>, vector<16xf32>,
      tpu.vector_store %arg11[%swap3A_427], %gather3A_426 {strides = array<i32>} : memref<1024xf32, #tpu.memory_space<vmem>>, vector<16xf32>,
      %get3A_429 = arith.constant 832 : index
      %get3A_430 = tpu.vector_load %arg10[%get3A_429] {strides = array<i32>} : memref<1024xi32, #tpu.memory_space<vmem>>, vector<16xi32>,
      %gather3A_431 = tpu.vector_load_idx %arg12[%get3A_430] : memref<50000xf32, #tpu.memory_space<vmem>>[vector<16xi32>], vector<16xf32>,
      %swap3A_432 = arith.constant 832 : index
      %swap3A_433 = tpu.vector_load %arg11[%swap3A_432] {strides = array<i32>} : memref<1024xf32, #tpu.memory_space<vmem>>, vector<16xf32>,
      tpu.vector_store %arg11[%swap3A_432], %gather3A_431 {strides = array<i32>} : memref<1024xf32, #tpu.memory_space<vmem>>, vector<16xf32>,
      %get3A_434 = arith.constant 848 : index
      %get3A_435 = tpu.vector_load %arg10[%get3A_434] {strides = array<i32>} : memref<1024xi32, #tpu.memory_space<vmem>>, vector<16xi32>,
      %gather3A_436 = tpu.vector_load_idx %arg12[%get3A_435] : memref<50000xf32, #tpu.memory_space<vmem>>[vector<16xi32>], vector<16xf32>,
      %swap3A_437 = arith.constant 848 : index
      %swap3A_438 = tpu.vector_load %arg11[%swap3A_437] {strides = array<i32>} : memref<1024xf32, #tpu.memory_space<vmem>>, vector<16xf32>,
      tpu.vector_store %arg11[%swap3A_437], %gather3A_436 {strides = array<i32>} : memref<1024xf32, #tpu.memory_space<vmem>>, vector<16xf32>,
      %get3A_439 = arith.constant 864 : index
      %get3A_440 = tpu.vector_load %arg10[%get3A_439] {strides = array<i32>} : memref<1024xi32, #tpu.memory_space<vmem>>, vector<16xi32>,
      %gather3A_441 = tpu.vector_load_idx %arg12[%get3A_440] : memref<50000xf32, #tpu.memory_space<vmem>>[vector<16xi32>], vector<16xf32>,
      %swap3A_442 = arith.constant 864 : index
      %swap3A_443 = tpu.vector_load %arg11[%swap3A_442] {strides = array<i32>} : memref<1024xf32, #tpu.memory_space<vmem>>, vector<16xf32>,
      tpu.vector_store %arg11[%swap3A_442], %gather3A_441 {strides = array<i32>} : memref<1024xf32, #tpu.memory_space<vmem>>, vector<16xf32>,
      %get3A_444 = arith.constant 880 : index
      %get3A_445 = tpu.vector_load %arg10[%get3A_444] {strides = array<i32>} : memref<1024xi32, #tpu.memory_space<vmem>>, vector<16xi32>,
      %gather3A_446 = tpu.vector_load_idx %arg12[%get3A_445] : memref<50000xf32, #tpu.memory_space<vmem>>[vector<16xi32>], vector<16xf32>,
      %swap3A_447 = arith.constant 880 : index
      %swap3A_448 = tpu.vector_load %arg11[%swap3A_447] {strides = array<i32>} : memref<1024xf32, #tpu.memory_space<vmem>>, vector<16xf32>,
      tpu.vector_store %arg11[%swap3A_447], %gather3A_446 {strides = array<i32>} : memref<1024xf32, #tpu.memory_space<vmem>>, vector<16xf32>,
      %get3A_449 = arith.constant 896 : index
      %get3A_450 = tpu.vector_load %arg10[%get3A_449] {strides = array<i32>} : memref<1024xi32, #tpu.memory_space<vmem>>, vector<16xi32>,
      %gather3A_451 = tpu.vector_load_idx %arg12[%get3A_450] : memref<50000xf32, #tpu.memory_space<vmem>>[vector<16xi32>], vector<16xf32>,
      %swap3A_452 = arith.constant 896 : index
      %swap3A_453 = tpu.vector_load %arg11[%swap3A_452] {strides = array<i32>} : memref<1024xf32, #tpu.memory_space<vmem>>, vector<16xf32>,
      tpu.vector_store %arg11[%swap3A_452], %gather3A_451 {strides = array<i32>} : memref<1024xf32, #tpu.memory_space<vmem>>, vector<16xf32>,
      %get3A_454 = arith.constant 912 : index
      %get3A_455 = tpu.vector_load %arg10[%get3A_454] {strides = array<i32>} : memref<1024xi32, #tpu.memory_space<vmem>>, vector<16xi32>,
      %gather3A_456 = tpu.vector_load_idx %arg12[%get3A_455] : memref<50000xf32, #tpu.memory_space<vmem>>[vector<16xi32>], vector<16xf32>,
      %swap3A_457 = arith.constant 912 : index
      %swap3A_458 = tpu.vector_load %arg11[%swap3A_457] {strides = array<i32>} : memref<1024xf32, #tpu.memory_space<vmem>>, vector<16xf32>,
      tpu.vector_store %arg11[%swap3A_457], %gather3A_456 {strides = array<i32>} : memref<1024xf32, #tpu.memory_space<vmem>>, vector<16xf32>,
      %get3A_459 = arith.constant 928 : index
      %get3A_460 = tpu.vector_load %arg10[%get3A_459] {strides = array<i32>} : memref<1024xi32, #tpu.memory_space<vmem>>, vector<16xi32>,
      %gather3A_461 = tpu.vector_load_idx %arg12[%get3A_460] : memref<50000xf32, #tpu.memory_space<vmem>>[vector<16xi32>], vector<16xf32>,
      %swap3A_462 = arith.constant 928 : index
      %swap3A_463 = tpu.vector_load %arg11[%swap3A_462] {strides = array<i32>} : memref<1024xf32, #tpu.memory_space<vmem>>, vector<16xf32>,
      tpu.vector_store %arg11[%swap3A_462], %gather3A_461 {strides = array<i32>} : memref<1024xf32, #tpu.memory_space<vmem>>, vector<16xf32>,
      %get3A_464 = arith.constant 944 : index
      %get3A_465 = tpu.vector_load %arg10[%get3A_464] {strides = array<i32>} : memref<1024xi32, #tpu.memory_space<vmem>>, vector<16xi32>,
      %gather3A_466 = tpu.vector_load_idx %arg12[%get3A_465] : memref<50000xf32, #tpu.memory_space<vmem>>[vector<16xi32>], vector<16xf32>,
      %swap3A_467 = arith.constant 944 : index
      %swap3A_468 = tpu.vector_load %arg11[%swap3A_467] {strides = array<i32>} : memref<1024xf32, #tpu.memory_space<vmem>>, vector<16xf32>,
      tpu.vector_store %arg11[%swap3A_467], %gather3A_466 {strides = array<i32>} : memref<1024xf32, #tpu.memory_space<vmem>>, vector<16xf32>,
      %get3A_469 = arith.constant 960 : index
      %get3A_470 = tpu.vector_load %arg10[%get3A_469] {strides = array<i32>} : memref<1024xi32, #tpu.memory_space<vmem>>, vector<16xi32>,
      %gather3A_471 = tpu.vector_load_idx %arg12[%get3A_470] : memref<50000xf32, #tpu.memory_space<vmem>>[vector<16xi32>], vector<16xf32>,
      %swap3A_472 = arith.constant 960 : index
      %swap3A_473 = tpu.vector_load %arg11[%swap3A_472] {strides = array<i32>} : memref<1024xf32, #tpu.memory_space<vmem>>, vector<16xf32>,
      tpu.vector_store %arg11[%swap3A_472], %gather3A_471 {strides = array<i32>} : memref<1024xf32, #tpu.memory_space<vmem>>, vector<16xf32>,
      %get3A_474 = arith.constant 976 : index
      %get3A_475 = tpu.vector_load %arg10[%get3A_474] {strides = array<i32>} : memref<1024xi32, #tpu.memory_space<vmem>>, vector<16xi32>,
      %gather3A_476 = tpu.vector_load_idx %arg12[%get3A_475] : memref<50000xf32, #tpu.memory_space<vmem>>[vector<16xi32>], vector<16xf32>,
      %swap3A_477 = arith.constant 976 : index
      %swap3A_478 = tpu.vector_load %arg11[%swap3A_477] {strides = array<i32>} : memref<1024xf32, #tpu.memory_space<vmem>>, vector<16xf32>,
      tpu.vector_store %arg11[%swap3A_477], %gather3A_476 {strides = array<i32>} : memref<1024xf32, #tpu.memory_space<vmem>>, vector<16xf32>,
      %get3A_479 = arith.constant 992 : index
      %get3A_480 = tpu.vector_load %arg10[%get3A_479] {strides = array<i32>} : memref<1024xi32, #tpu.memory_space<vmem>>, vector<16xi32>,
      %gather3A_481 = tpu.vector_load_idx %arg12[%get3A_480] : memref<50000xf32, #tpu.memory_space<vmem>>[vector<16xi32>], vector<16xf32>,
      %swap3A_482 = arith.constant 992 : index
      %swap3A_483 = tpu.vector_load %arg11[%swap3A_482] {strides = array<i32>} : memref<1024xf32, #tpu.memory_space<vmem>>, vector<16xf32>,
      tpu.vector_store %arg11[%swap3A_482], %gather3A_481 {strides = array<i32>} : memref<1024xf32, #tpu.memory_space<vmem>>, vector<16xf32>,
      %get3A_484 = arith.constant 1008 : index
      %get3A_485 = tpu.vector_load %arg10[%get3A_484] {strides = array<i32>} : memref<1024xi32, #tpu.memory_space<vmem>>, vector<16xi32>,
      %gather3A_486 = tpu.vector_load_idx %arg12[%get3A_485] : memref<50000xf32, #tpu.memory_space<vmem>>[vector<16xi32>], vector<16xf32>,
      %swap3A_487 = arith.constant 1008 : index
      %swap3A_488 = tpu.vector_load %arg11[%swap3A_487] {strides = array<i32>} : memref<1024xf32, #tpu.memory_space<vmem>>, vector<16xf32>,
      tpu.vector_store %arg11[%swap3A_487], %gather3A_486 {strides = array<i32>} : memref<1024xf32, #tpu.memory_space<vmem>>, vector<16xf32>,
      "tpu.region"() ({
        %run_scoped3A = tpu.sem_alloc : memref<!tpu.dma_semaphore, #tpu.memory_space<semaphore_mem>>
        %dma_start3A_489 = tpu.memref_slice %arg7[%mul3A_13] : memref<819200xf32, #tpu.memory_space<hbm>> -> memref<1024xf32, #tpu.memory_space<hbm>>
        %dma_start3A_490 = tpu.memref_slice %arg7[%mul3A_13] : memref<819200xf32, #tpu.memory_space<hbm>> -> memref<1024xf32, #tpu.memory_space<hbm>>
        tpu.enqueue_dma source(%arg11 : memref<1024xf32, #tpu.memory_space<vmem>>) target(%dma_start3A_490 : memref<1024xf32, #tpu.memory_space<hbm>>) target_semaphore(%run_scoped3A : memref<!tpu.dma_semaphore, #tpu.memory_space<semaphore_mem>>)
        %dma_wait3A_491 = tpu.memref_slice %arg7[%mul3A_13] : memref<819200xf32, #tpu.memory_space<hbm>> -> memref<1024xf32, #tpu.memory_space<hbm>>
        %dma_wait3A_492 = tpu.memref_slice %arg7[%mul3A_13] : memref<819200xf32, #tpu.memory_space<hbm>> -> memref<1024xf32, #tpu.memory_space<hbm>>
        tpu.wait_dma2 semaphore(%run_scoped3A : memref<!tpu.dma_semaphore, #tpu.memory_space<semaphore_mem>>) src(%arg11 : memref<1024xf32, #tpu.memory_space<vmem>>) dst(%dma_wait3A_492 : memref<1024xf32, #tpu.memory_space<hbm>>)
        tpu.yield
      }) : () -> ()
    }
    %scan3A_7 = arith.constant 25 : i32
    return
  }
}

#map = affine_map<(d0, d1) -> (0, 0)>
#map1 = affine_map<(d0, d1) -> (0, 0, 0)>
module attributes {stable_mosaic.version = 14 : i64} {
  func.func @_sc_scatter(%arg0: i32, %arg1: i32, %arg2: memref<819200x32xf32, #tpu.memory_space<hbm>>, %arg3: memref<6400x128xi32, #tpu.memory_space<hbm>>, %arg4: memref<3128x32xf32, #tpu.memory_space<hbm>>, %arg5: memref<2x50048x32xf32, #tpu.memory_space<hbm>>, %arg6: memref<512x32xf32, #tpu.memory_space<vmem>>, %arg7: memref<8x128xi32, #tpu.memory_space<vmem>>, %arg8: memref<50048x32xf32, #tpu.memory_space<vmem_shared>>, %arg9: memref<!tpu.dma_semaphore, #tpu.memory_space<semaphore_mem>>) attributes {dimension_semantics = [#tpu.dimension_semantics<core_parallel>, #tpu.dimension_semantics<subcore_parallel>], iteration_bounds = array<i64: 2, 16>, scalar_prefetch = 0 : i64, scratch_operands = 4 : i64, tpu.core_type = #tpu.core_type<sc_vector_subcore>, window_params = [{transform_indices = #map}, {transform_indices = #map}, {transform_indices = #map}, {transform_indices = #map1}]} {
    %mul3A = arith.constant 2 : i32
    %mul3A_0 = arith.muli %arg1, %mul3A : i32
    %add3A = arith.addi %mul3A_0, %arg0 : i32
    %mul3A_1 = arith.constant 3128 : i32
    %mul3A_2 = arith.muli %arg1, %mul3A_1 : i32
    "tpu.region"() ({
      %run_scoped3A = tpu.sem_alloc : memref<!tpu.dma_semaphore, #tpu.memory_space<semaphore_mem>>
      %dma_start3A = arith.constant 0 : i32
      %dma_start3A_9 = tpu.memref_slice %arg8[%mul3A_2, %dma_start3A] : memref<50048x32xf32, #tpu.memory_space<vmem_shared>> -> memref<3128x32xf32, #tpu.memory_space<vmem_shared>>
      tpu.enqueue_dma source(%arg4 : memref<3128x32xf32, #tpu.memory_space<hbm>>) target(%dma_start3A_9 : memref<3128x32xf32, #tpu.memory_space<vmem_shared>>) target_semaphore(%run_scoped3A : memref<!tpu.dma_semaphore, #tpu.memory_space<semaphore_mem>>)
      %dma_wait3A = arith.constant 0 : i32
      %dma_wait3A_10 = tpu.memref_slice %arg8[%mul3A_2, %dma_wait3A] : memref<50048x32xf32, #tpu.memory_space<vmem_shared>> -> memref<3128x32xf32, #tpu.memory_space<vmem_shared>>
      tpu.wait_dma2 semaphore(%run_scoped3A : memref<!tpu.dma_semaphore, #tpu.memory_space<semaphore_mem>>) src(%arg4 : memref<3128x32xf32, #tpu.memory_space<hbm>>) dst(%dma_wait3A_10 : memref<3128x32xf32, #tpu.memory_space<vmem_shared>>)
      tpu.yield
    }) : () -> ()
    %barrier3A = arith.constant 0 : index
    tpu.barrier barrier_id(%barrier3A)
    %scan3A = arith.constant 0 : i32
    %scan3A_3 = arith.constant 0 : i32
    %scan3A_4 = arith.constant 25 : i32
    %scan3A_5 = arith.addi %scan3A_3, %scan3A_4 : i32
    %scan3A_6 = arith.constant 1 : i32
    scf.for %scan3A_9 = %scan3A_3 to %scan3A_5 step %scan3A_6  : i32 {
      %mul3A_10 = arith.constant 200 : i32
      %mul3A_11 = arith.muli %add3A, %mul3A_10 : i32
      %mul3A_12 = arith.constant 8 : i32
      %mul3A_13 = arith.muli %scan3A_9, %mul3A_12 : i32
      %add3A_14 = arith.addi %mul3A_11, %mul3A_13 : i32
      %mul3A_15 = arith.constant 128 : i32
      %mul3A_16 = arith.muli %add3A_14, %mul3A_15 : i32
      "tpu.region"() ({
        %run_scoped3A = tpu.sem_alloc : memref<!tpu.dma_semaphore, #tpu.memory_space<semaphore_mem>>
        %dma_start3A_179 = arith.constant 0 : i32
        %dma_start3A_180 = tpu.memref_slice %arg3[%add3A_14, %dma_start3A_179] : memref<6400x128xi32, #tpu.memory_space<hbm>> -> memref<8x128xi32, #tpu.memory_space<hbm>>
        %dma_start3A_181 = arith.constant 0 : i32
        %dma_start3A_182 = tpu.memref_slice %arg3[%add3A_14, %dma_start3A_181] : memref<6400x128xi32, #tpu.memory_space<hbm>> -> memref<8x128xi32, #tpu.memory_space<hbm>>
        tpu.enqueue_dma source(%dma_start3A_182 : memref<8x128xi32, #tpu.memory_space<hbm>>) target(%arg7 : memref<8x128xi32, #tpu.memory_space<vmem>>) target_semaphore(%run_scoped3A : memref<!tpu.dma_semaphore, #tpu.memory_space<semaphore_mem>>)
        %dma_wait3A_183 = arith.constant 0 : i32
        %dma_wait3A_184 = tpu.memref_slice %arg3[%add3A_14, %dma_wait3A_183] : memref<6400x128xi32, #tpu.memory_space<hbm>> -> memref<8x128xi32, #tpu.memory_space<hbm>>
        %dma_wait3A_185 = arith.constant 0 : i32
        %dma_wait3A_186 = tpu.memref_slice %arg3[%add3A_14, %dma_wait3A_185] : memref<6400x128xi32, #tpu.memory_space<hbm>> -> memref<8x128xi32, #tpu.memory_space<hbm>>
        tpu.wait_dma2 semaphore(%run_scoped3A : memref<!tpu.dma_semaphore, #tpu.memory_space<semaphore_mem>>) src(%dma_wait3A_186 : memref<8x128xi32, #tpu.memory_space<hbm>>) dst(%arg7 : memref<8x128xi32, #tpu.memory_space<vmem>>)
        tpu.yield
      }) : () -> ()
      %add3A_17 = arith.constant 0 : i32
      %add3A_18 = arith.addi %mul3A_16, %add3A_17 : i32
      "tpu.region"() ({
        %run_scoped3A = tpu.sem_alloc : memref<!tpu.dma_semaphore, #tpu.memory_space<semaphore_mem>>
        %dma_start3A_179 = arith.constant 0 : i32
        %dma_start3A_180 = tpu.memref_slice %arg2[%add3A_18, %dma_start3A_179] : memref<819200x32xf32, #tpu.memory_space<hbm>> -> memref<512x32xf32, #tpu.memory_space<hbm>>
        %dma_start3A_181 = arith.constant 0 : i32
        %dma_start3A_182 = tpu.memref_slice %arg2[%add3A_18, %dma_start3A_181] : memref<819200x32xf32, #tpu.memory_space<hbm>> -> memref<512x32xf32, #tpu.memory_space<hbm>>
        tpu.enqueue_dma source(%dma_start3A_182 : memref<512x32xf32, #tpu.memory_space<hbm>>) target(%arg6 : memref<512x32xf32, #tpu.memory_space<vmem>>) target_semaphore(%run_scoped3A : memref<!tpu.dma_semaphore, #tpu.memory_space<semaphore_mem>>)
        %dma_wait3A_183 = arith.constant 0 : i32
        %dma_wait3A_184 = tpu.memref_slice %arg2[%add3A_18, %dma_wait3A_183] : memref<819200x32xf32, #tpu.memory_space<hbm>> -> memref<512x32xf32, #tpu.memory_space<hbm>>
        %dma_wait3A_185 = arith.constant 0 : i32
        %dma_wait3A_186 = tpu.memref_slice %arg2[%add3A_18, %dma_wait3A_185] : memref<819200x32xf32, #tpu.memory_space<hbm>> -> memref<512x32xf32, #tpu.memory_space<hbm>>
        tpu.wait_dma2 semaphore(%run_scoped3A : memref<!tpu.dma_semaphore, #tpu.memory_space<semaphore_mem>>) src(%dma_wait3A_186 : memref<512x32xf32, #tpu.memory_space<hbm>>) dst(%arg6 : memref<512x32xf32, #tpu.memory_space<vmem>>)
        tpu.yield
      }) : () -> ()
      %dma_start3A = arith.constant 0 : i32
      %dma_start3A_19 = arith.constant 0 : i32
      %dma_start3A_20 = arith.constant 0 : i32
      %dma_start3A_21 = tpu.memref_slice %arg6[%dma_start3A_19, %dma_start3A_20] : memref<512x32xf32, #tpu.memory_space<vmem>> -> memref<128x32xf32, #tpu.memory_space<vmem>>
      %dma_start3A_22 = arith.constant 0 : i32
      %dma_start3A_23 = tpu.memref_slice %arg7[%dma_start3A, %dma_start3A_22] : memref<8x128xi32, #tpu.memory_space<vmem>> -> memref<1x128xi32, #tpu.memory_space<vmem>>
      %dma_start3A_24 = tpu.memref_squeeze %dma_start3A_23 : memref<1x128xi32, #tpu.memory_space<vmem>> -> memref<128xi32, #tpu.memory_space<vmem>>
      %dma_start3A_25 = arith.constant 0 : i32
      %dma_start3A_26 = arith.constant 0 : i32
      %dma_start3A_27 = tpu.memref_slice %arg8[%dma_start3A_25, %dma_start3A_26] : memref<50048x32xf32, #tpu.memory_space<vmem_shared>> -> memref<50048x32xf32, #tpu.memory_space<vmem_shared>>
      tpu.enqueue_indirect_dma source(%dma_start3A_21 : memref<128x32xf32, #tpu.memory_space<vmem>>) target(%dma_start3A_27 : memref<50048x32xf32, #tpu.memory_space<vmem_shared>>) offsets(%dma_start3A_24 : memref<128xi32, #tpu.memory_space<vmem>>) semaphore(%arg9 : memref<!tpu.dma_semaphore, #tpu.memory_space<semaphore_mem>>) {add = true}
      %dma_start3A_28 = arith.constant 1 : i32
      %dma_start3A_29 = arith.constant 128 : i32
      %dma_start3A_30 = arith.constant 0 : i32
      %dma_start3A_31 = tpu.memref_slice %arg6[%dma_start3A_29, %dma_start3A_30] : memref<512x32xf32, #tpu.memory_space<vmem>> -> memref<128x32xf32, #tpu.memory_space<vmem>>
      %dma_start3A_32 = arith.constant 0 : i32
      %dma_start3A_33 = tpu.memref_slice %arg7[%dma_start3A_28, %dma_start3A_32] : memref<8x128xi32, #tpu.memory_space<vmem>> -> memref<1x128xi32, #tpu.memory_space<vmem>>
      %dma_start3A_34 = tpu.memref_squeeze %dma_start3A_33 : memref<1x128xi32, #tpu.memory_space<vmem>> -> memref<128xi32, #tpu.memory_space<vmem>>
      %dma_start3A_35 = arith.constant 0 : i32
      %dma_start3A_36 = arith.constant 0 : i32
      %dma_start3A_37 = tpu.memref_slice %arg8[%dma_start3A_35, %dma_start3A_36] : memref<50048x32xf32, #tpu.memory_space<vmem_shared>> -> memref<50048x32xf32, #tpu.memory_space<vmem_shared>>
      tpu.enqueue_indirect_dma source(%dma_start3A_31 : memref<128x32xf32, #tpu.memory_space<vmem>>) target(%dma_start3A_37 : memref<50048x32xf32, #tpu.memory_space<vmem_shared>>) offsets(%dma_start3A_34 : memref<128xi32, #tpu.memory_space<vmem>>) semaphore(%arg9 : memref<!tpu.dma_semaphore, #tpu.memory_space<semaphore_mem>>) {add = true}
      %dma_start3A_38 = arith.constant 2 : i32
      %dma_start3A_39 = arith.constant 256 : i32
      %dma_start3A_40 = arith.constant 0 : i32
      %dma_start3A_41 = tpu.memref_slice %arg6[%dma_start3A_39, %dma_start3A_40] : memref<512x32xf32, #tpu.memory_space<vmem>> -> memref<128x32xf32, #tpu.memory_space<vmem>>
      %dma_start3A_42 = arith.constant 0 : i32
      %dma_start3A_43 = tpu.memref_slice %arg7[%dma_start3A_38, %dma_start3A_42] : memref<8x128xi32, #tpu.memory_space<vmem>> -> memref<1x128xi32, #tpu.memory_space<vmem>>
      %dma_start3A_44 = tpu.memref_squeeze %dma_start3A_43 : memref<1x128xi32, #tpu.memory_space<vmem>> -> memref<128xi32, #tpu.memory_space<vmem>>
      %dma_start3A_45 = arith.constant 0 : i32
      %dma_start3A_46 = arith.constant 0 : i32
      %dma_start3A_47 = tpu.memref_slice %arg8[%dma_start3A_45, %dma_start3A_46] : memref<50048x32xf32, #tpu.memory_space<vmem_shared>> -> memref<50048x32xf32, #tpu.memory_space<vmem_shared>>
      tpu.enqueue_indirect_dma source(%dma_start3A_41 : memref<128x32xf32, #tpu.memory_space<vmem>>) target(%dma_start3A_47 : memref<50048x32xf32, #tpu.memory_space<vmem_shared>>) offsets(%dma_start3A_44 : memref<128xi32, #tpu.memory_space<vmem>>) semaphore(%arg9 : memref<!tpu.dma_semaphore, #tpu.memory_space<semaphore_mem>>) {add = true}
      %dma_start3A_48 = arith.constant 3 : i32
      %dma_start3A_49 = arith.constant 384 : i32
      %dma_start3A_50 = arith.constant 0 : i32
      %dma_start3A_51 = tpu.memref_slice %arg6[%dma_start3A_49, %dma_start3A_50] : memref<512x32xf32, #tpu.memory_space<vmem>> -> memref<128x32xf32, #tpu.memory_space<vmem>>
      %dma_start3A_52 = arith.constant 0 : i32
      %dma_start3A_53 = tpu.memref_slice %arg7[%dma_start3A_48, %dma_start3A_52] : memref<8x128xi32, #tpu.memory_space<vmem>> -> memref<1x128xi32, #tpu.memory_space<vmem>>
      %dma_start3A_54 = tpu.memref_squeeze %dma_start3A_53 : memref<1x128xi32, #tpu.memory_space<vmem>> -> memref<128xi32, #tpu.memory_space<vmem>>
      %dma_start3A_55 = arith.constant 0 : i32
      %dma_start3A_56 = arith.constant 0 : i32
      %dma_start3A_57 = tpu.memref_slice %arg8[%dma_start3A_55, %dma_start3A_56] : memref<50048x32xf32, #tpu.memory_space<vmem_shared>> -> memref<50048x32xf32, #tpu.memory_space<vmem_shared>>
      tpu.enqueue_indirect_dma source(%dma_start3A_51 : memref<128x32xf32, #tpu.memory_space<vmem>>) target(%dma_start3A_57 : memref<50048x32xf32, #tpu.memory_space<vmem_shared>>) offsets(%dma_start3A_54 : memref<128xi32, #tpu.memory_space<vmem>>) semaphore(%arg9 : memref<!tpu.dma_semaphore, #tpu.memory_space<semaphore_mem>>) {add = true}
      %dma_wait3A = arith.constant 0 : i32
      %dma_wait3A_58 = arith.constant 0 : i32
      %dma_wait3A_59 = arith.constant 0 : i32
      %dma_wait3A_60 = tpu.memref_slice %arg6[%dma_wait3A_58, %dma_wait3A_59] : memref<512x32xf32, #tpu.memory_space<vmem>> -> memref<128x32xf32, #tpu.memory_space<vmem>>
      %dma_wait3A_61 = arith.constant 0 : i32
      %dma_wait3A_62 = tpu.memref_slice %arg7[%dma_wait3A, %dma_wait3A_61] : memref<8x128xi32, #tpu.memory_space<vmem>> -> memref<1x128xi32, #tpu.memory_space<vmem>>
      %dma_wait3A_63 = tpu.memref_squeeze %dma_wait3A_62 : memref<1x128xi32, #tpu.memory_space<vmem>> -> memref<128xi32, #tpu.memory_space<vmem>>
      %dma_wait3A_64 = arith.constant 0 : i32
      %dma_wait3A_65 = arith.constant 0 : i32
      %dma_wait3A_66 = tpu.memref_slice %arg8[%dma_wait3A_64, %dma_wait3A_65] : memref<50048x32xf32, #tpu.memory_space<vmem_shared>> -> memref<50048x32xf32, #tpu.memory_space<vmem_shared>>
      tpu.wait_indirect_dma semaphore(%arg9 : memref<!tpu.dma_semaphore, #tpu.memory_space<semaphore_mem>>) src(%dma_wait3A_60 : memref<128x32xf32, #tpu.memory_space<vmem>>) dst(%dma_wait3A_66 : memref<50048x32xf32, #tpu.memory_space<vmem_shared>>)
      %dma_wait3A_67 = arith.constant 1 : i32
      %dma_wait3A_68 = arith.constant 128 : i32
      %dma_wait3A_69 = arith.constant 0 : i32
      %dma_wait3A_70 = tpu.memref_slice %arg6[%dma_wait3A_68, %dma_wait3A_69] : memref<512x32xf32, #tpu.memory_space<vmem>> -> memref<128x32xf32, #tpu.memory_space<vmem>>
      %dma_wait3A_71 = arith.constant 0 : i32
      %dma_wait3A_72 = tpu.memref_slice %arg7[%dma_wait3A_67, %dma_wait3A_71] : memref<8x128xi32, #tpu.memory_space<vmem>> -> memref<1x128xi32, #tpu.memory_space<vmem>>
      %dma_wait3A_73 = tpu.memref_squeeze %dma_wait3A_72 : memref<1x128xi32, #tpu.memory_space<vmem>> -> memref<128xi32, #tpu.memory_space<vmem>>
      %dma_wait3A_74 = arith.constant 0 : i32
      %dma_wait3A_75 = arith.constant 0 : i32
      %dma_wait3A_76 = tpu.memref_slice %arg8[%dma_wait3A_74, %dma_wait3A_75] : memref<50048x32xf32, #tpu.memory_space<vmem_shared>> -> memref<50048x32xf32, #tpu.memory_space<vmem_shared>>
      tpu.wait_indirect_dma semaphore(%arg9 : memref<!tpu.dma_semaphore, #tpu.memory_space<semaphore_mem>>) src(%dma_wait3A_70 : memref<128x32xf32, #tpu.memory_space<vmem>>) dst(%dma_wait3A_76 : memref<50048x32xf32, #tpu.memory_space<vmem_shared>>)
      %dma_wait3A_77 = arith.constant 2 : i32
      %dma_wait3A_78 = arith.constant 256 : i32
      %dma_wait3A_79 = arith.constant 0 : i32
      %dma_wait3A_80 = tpu.memref_slice %arg6[%dma_wait3A_78, %dma_wait3A_79] : memref<512x32xf32, #tpu.memory_space<vmem>> -> memref<128x32xf32, #tpu.memory_space<vmem>>
      %dma_wait3A_81 = arith.constant 0 : i32
      %dma_wait3A_82 = tpu.memref_slice %arg7[%dma_wait3A_77, %dma_wait3A_81] : memref<8x128xi32, #tpu.memory_space<vmem>> -> memref<1x128xi32, #tpu.memory_space<vmem>>
      %dma_wait3A_83 = tpu.memref_squeeze %dma_wait3A_82 : memref<1x128xi32, #tpu.memory_space<vmem>> -> memref<128xi32, #tpu.memory_space<vmem>>
      %dma_wait3A_84 = arith.constant 0 : i32
      %dma_wait3A_85 = arith.constant 0 : i32
      %dma_wait3A_86 = tpu.memref_slice %arg8[%dma_wait3A_84, %dma_wait3A_85] : memref<50048x32xf32, #tpu.memory_space<vmem_shared>> -> memref<50048x32xf32, #tpu.memory_space<vmem_shared>>
      tpu.wait_indirect_dma semaphore(%arg9 : memref<!tpu.dma_semaphore, #tpu.memory_space<semaphore_mem>>) src(%dma_wait3A_80 : memref<128x32xf32, #tpu.memory_space<vmem>>) dst(%dma_wait3A_86 : memref<50048x32xf32, #tpu.memory_space<vmem_shared>>)
      %dma_wait3A_87 = arith.constant 3 : i32
      %dma_wait3A_88 = arith.constant 384 : i32
      %dma_wait3A_89 = arith.constant 0 : i32
      %dma_wait3A_90 = tpu.memref_slice %arg6[%dma_wait3A_88, %dma_wait3A_89] : memref<512x32xf32, #tpu.memory_space<vmem>> -> memref<128x32xf32, #tpu.memory_space<vmem>>
      %dma_wait3A_91 = arith.constant 0 : i32
      %dma_wait3A_92 = tpu.memref_slice %arg7[%dma_wait3A_87, %dma_wait3A_91] : memref<8x128xi32, #tpu.memory_space<vmem>> -> memref<1x128xi32, #tpu.memory_space<vmem>>
      %dma_wait3A_93 = tpu.memref_squeeze %dma_wait3A_92 : memref<1x128xi32, #tpu.memory_space<vmem>> -> memref<128xi32, #tpu.memory_space<vmem>>
      %dma_wait3A_94 = arith.constant 0 : i32
      %dma_wait3A_95 = arith.constant 0 : i32
      %dma_wait3A_96 = tpu.memref_slice %arg8[%dma_wait3A_94, %dma_wait3A_95] : memref<50048x32xf32, #tpu.memory_space<vmem_shared>> -> memref<50048x32xf32, #tpu.memory_space<vmem_shared>>
      tpu.wait_indirect_dma semaphore(%arg9 : memref<!tpu.dma_semaphore, #tpu.memory_space<semaphore_mem>>) src(%dma_wait3A_90 : memref<128x32xf32, #tpu.memory_space<vmem>>) dst(%dma_wait3A_96 : memref<50048x32xf32, #tpu.memory_space<vmem_shared>>)
      %add3A_97 = arith.constant 512 : i32
      %add3A_98 = arith.addi %mul3A_16, %add3A_97 : i32
      "tpu.region"() ({
        %run_scoped3A = tpu.sem_alloc : memref<!tpu.dma_semaphore, #tpu.memory_space<semaphore_mem>>
        %dma_start3A_179 = arith.constant 0 : i32
        %dma_start3A_180 = tpu.memref_slice %arg2[%add3A_98, %dma_start3A_179] : memref<819200x32xf32, #tpu.memory_space<hbm>> -> memref<512x32xf32, #tpu.memory_space<hbm>>
        %dma_start3A_181 = arith.constant 0 : i32
        %dma_start3A_182 = tpu.memref_slice %arg2[%add3A_98, %dma_start3A_181] : memref<819200x32xf32, #tpu.memory_space<hbm>> -> memref<512x32xf32, #tpu.memory_space<hbm>>
        tpu.enqueue_dma source(%dma_start3A_182 : memref<512x32xf32, #tpu.memory_space<hbm>>) target(%arg6 : memref<512x32xf32, #tpu.memory_space<vmem>>) target_semaphore(%run_scoped3A : memref<!tpu.dma_semaphore, #tpu.memory_space<semaphore_mem>>)
        %dma_wait3A_183 = arith.constant 0 : i32
        %dma_wait3A_184 = tpu.memref_slice %arg2[%add3A_98, %dma_wait3A_183] : memref<819200x32xf32, #tpu.memory_space<hbm>> -> memref<512x32xf32, #tpu.memory_space<hbm>>
        %dma_wait3A_185 = arith.constant 0 : i32
        %dma_wait3A_186 = tpu.memref_slice %arg2[%add3A_98, %dma_wait3A_185] : memref<819200x32xf32, #tpu.memory_space<hbm>> -> memref<512x32xf32, #tpu.memory_space<hbm>>
        tpu.wait_dma2 semaphore(%run_scoped3A : memref<!tpu.dma_semaphore, #tpu.memory_space<semaphore_mem>>) src(%dma_wait3A_186 : memref<512x32xf32, #tpu.memory_space<hbm>>) dst(%arg6 : memref<512x32xf32, #tpu.memory_space<vmem>>)
        tpu.yield
      }) : () -> ()
      %dma_start3A_99 = arith.constant 4 : i32
      %dma_start3A_100 = arith.constant 0 : i32
      %dma_start3A_101 = arith.constant 0 : i32
      %dma_start3A_102 = tpu.memref_slice %arg6[%dma_start3A_100, %dma_start3A_101] : memref<512x32xf32, #tpu.memory_space<vmem>> -> memref<128x32xf32, #tpu.memory_space<vmem>>
      %dma_start3A_103 = arith.constant 0 : i32
      %dma_start3A_104 = tpu.memref_slice %arg7[%dma_start3A_99, %dma_start3A_103] : memref<8x128xi32, #tpu.memory_space<vmem>> -> memref<1x128xi32, #tpu.memory_space<vmem>>
      %dma_start3A_105 = tpu.memref_squeeze %dma_start3A_104 : memref<1x128xi32, #tpu.memory_space<vmem>> -> memref<128xi32, #tpu.memory_space<vmem>>
      %dma_start3A_106 = arith.constant 0 : i32
      %dma_start3A_107 = arith.constant 0 : i32
      %dma_start3A_108 = tpu.memref_slice %arg8[%dma_start3A_106, %dma_start3A_107] : memref<50048x32xf32, #tpu.memory_space<vmem_shared>> -> memref<50048x32xf32, #tpu.memory_space<vmem_shared>>
      tpu.enqueue_indirect_dma source(%dma_start3A_102 : memref<128x32xf32, #tpu.memory_space<vmem>>) target(%dma_start3A_108 : memref<50048x32xf32, #tpu.memory_space<vmem_shared>>) offsets(%dma_start3A_105 : memref<128xi32, #tpu.memory_space<vmem>>) semaphore(%arg9 : memref<!tpu.dma_semaphore, #tpu.memory_space<semaphore_mem>>) {add = true}
      %dma_start3A_109 = arith.constant 5 : i32
      %dma_start3A_110 = arith.constant 128 : i32
      %dma_start3A_111 = arith.constant 0 : i32
      %dma_start3A_112 = tpu.memref_slice %arg6[%dma_start3A_110, %dma_start3A_111] : memref<512x32xf32, #tpu.memory_space<vmem>> -> memref<128x32xf32, #tpu.memory_space<vmem>>
      %dma_start3A_113 = arith.constant 0 : i32
      %dma_start3A_114 = tpu.memref_slice %arg7[%dma_start3A_109, %dma_start3A_113] : memref<8x128xi32, #tpu.memory_space<vmem>> -> memref<1x128xi32, #tpu.memory_space<vmem>>
      %dma_start3A_115 = tpu.memref_squeeze %dma_start3A_114 : memref<1x128xi32, #tpu.memory_space<vmem>> -> memref<128xi32, #tpu.memory_space<vmem>>
      %dma_start3A_116 = arith.constant 0 : i32
      %dma_start3A_117 = arith.constant 0 : i32
      %dma_start3A_118 = tpu.memref_slice %arg8[%dma_start3A_116, %dma_start3A_117] : memref<50048x32xf32, #tpu.memory_space<vmem_shared>> -> memref<50048x32xf32, #tpu.memory_space<vmem_shared>>
      tpu.enqueue_indirect_dma source(%dma_start3A_112 : memref<128x32xf32, #tpu.memory_space<vmem>>) target(%dma_start3A_118 : memref<50048x32xf32, #tpu.memory_space<vmem_shared>>) offsets(%dma_start3A_115 : memref<128xi32, #tpu.memory_space<vmem>>) semaphore(%arg9 : memref<!tpu.dma_semaphore, #tpu.memory_space<semaphore_mem>>) {add = true}
      %dma_start3A_119 = arith.constant 6 : i32
      %dma_start3A_120 = arith.constant 256 : i32
      %dma_start3A_121 = arith.constant 0 : i32
      %dma_start3A_122 = tpu.memref_slice %arg6[%dma_start3A_120, %dma_start3A_121] : memref<512x32xf32, #tpu.memory_space<vmem>> -> memref<128x32xf32, #tpu.memory_space<vmem>>
      %dma_start3A_123 = arith.constant 0 : i32
      %dma_start3A_124 = tpu.memref_slice %arg7[%dma_start3A_119, %dma_start3A_123] : memref<8x128xi32, #tpu.memory_space<vmem>> -> memref<1x128xi32, #tpu.memory_space<vmem>>
      %dma_start3A_125 = tpu.memref_squeeze %dma_start3A_124 : memref<1x128xi32, #tpu.memory_space<vmem>> -> memref<128xi32, #tpu.memory_space<vmem>>
      %dma_start3A_126 = arith.constant 0 : i32
      %dma_start3A_127 = arith.constant 0 : i32
      %dma_start3A_128 = tpu.memref_slice %arg8[%dma_start3A_126, %dma_start3A_127] : memref<50048x32xf32, #tpu.memory_space<vmem_shared>> -> memref<50048x32xf32, #tpu.memory_space<vmem_shared>>
      tpu.enqueue_indirect_dma source(%dma_start3A_122 : memref<128x32xf32, #tpu.memory_space<vmem>>) target(%dma_start3A_128 : memref<50048x32xf32, #tpu.memory_space<vmem_shared>>) offsets(%dma_start3A_125 : memref<128xi32, #tpu.memory_space<vmem>>) semaphore(%arg9 : memref<!tpu.dma_semaphore, #tpu.memory_space<semaphore_mem>>) {add = true}
      %dma_start3A_129 = arith.constant 7 : i32
      %dma_start3A_130 = arith.constant 384 : i32
      %dma_start3A_131 = arith.constant 0 : i32
      %dma_start3A_132 = tpu.memref_slice %arg6[%dma_start3A_130, %dma_start3A_131] : memref<512x32xf32, #tpu.memory_space<vmem>> -> memref<128x32xf32, #tpu.memory_space<vmem>>
      %dma_start3A_133 = arith.constant 0 : i32
      %dma_start3A_134 = tpu.memref_slice %arg7[%dma_start3A_129, %dma_start3A_133] : memref<8x128xi32, #tpu.memory_space<vmem>> -> memref<1x128xi32, #tpu.memory_space<vmem>>
      %dma_start3A_135 = tpu.memref_squeeze %dma_start3A_134 : memref<1x128xi32, #tpu.memory_space<vmem>> -> memref<128xi32, #tpu.memory_space<vmem>>
      %dma_start3A_136 = arith.constant 0 : i32
      %dma_start3A_137 = arith.constant 0 : i32
      %dma_start3A_138 = tpu.memref_slice %arg8[%dma_start3A_136, %dma_start3A_137] : memref<50048x32xf32, #tpu.memory_space<vmem_shared>> -> memref<50048x32xf32, #tpu.memory_space<vmem_shared>>
      tpu.enqueue_indirect_dma source(%dma_start3A_132 : memref<128x32xf32, #tpu.memory_space<vmem>>) target(%dma_start3A_138 : memref<50048x32xf32, #tpu.memory_space<vmem_shared>>) offsets(%dma_start3A_135 : memref<128xi32, #tpu.memory_space<vmem>>) semaphore(%arg9 : memref<!tpu.dma_semaphore, #tpu.memory_space<semaphore_mem>>) {add = true}
      %dma_wait3A_139 = arith.constant 4 : i32
      %dma_wait3A_140 = arith.constant 0 : i32
      %dma_wait3A_141 = arith.constant 0 : i32
      %dma_wait3A_142 = tpu.memref_slice %arg6[%dma_wait3A_140, %dma_wait3A_141] : memref<512x32xf32, #tpu.memory_space<vmem>> -> memref<128x32xf32, #tpu.memory_space<vmem>>
      %dma_wait3A_143 = arith.constant 0 : i32
      %dma_wait3A_144 = tpu.memref_slice %arg7[%dma_wait3A_139, %dma_wait3A_143] : memref<8x128xi32, #tpu.memory_space<vmem>> -> memref<1x128xi32, #tpu.memory_space<vmem>>
      %dma_wait3A_145 = tpu.memref_squeeze %dma_wait3A_144 : memref<1x128xi32, #tpu.memory_space<vmem>> -> memref<128xi32, #tpu.memory_space<vmem>>
      %dma_wait3A_146 = arith.constant 0 : i32
      %dma_wait3A_147 = arith.constant 0 : i32
      %dma_wait3A_148 = tpu.memref_slice %arg8[%dma_wait3A_146, %dma_wait3A_147] : memref<50048x32xf32, #tpu.memory_space<vmem_shared>> -> memref<50048x32xf32, #tpu.memory_space<vmem_shared>>
      tpu.wait_indirect_dma semaphore(%arg9 : memref<!tpu.dma_semaphore, #tpu.memory_space<semaphore_mem>>) src(%dma_wait3A_142 : memref<128x32xf32, #tpu.memory_space<vmem>>) dst(%dma_wait3A_148 : memref<50048x32xf32, #tpu.memory_space<vmem_shared>>)
      %dma_wait3A_149 = arith.constant 5 : i32
      %dma_wait3A_150 = arith.constant 128 : i32
      %dma_wait3A_151 = arith.constant 0 : i32
      %dma_wait3A_152 = tpu.memref_slice %arg6[%dma_wait3A_150, %dma_wait3A_151] : memref<512x32xf32, #tpu.memory_space<vmem>> -> memref<128x32xf32, #tpu.memory_space<vmem>>
      %dma_wait3A_153 = arith.constant 0 : i32
      %dma_wait3A_154 = tpu.memref_slice %arg7[%dma_wait3A_149, %dma_wait3A_153] : memref<8x128xi32, #tpu.memory_space<vmem>> -> memref<1x128xi32, #tpu.memory_space<vmem>>
      %dma_wait3A_155 = tpu.memref_squeeze %dma_wait3A_154 : memref<1x128xi32, #tpu.memory_space<vmem>> -> memref<128xi32, #tpu.memory_space<vmem>>
      %dma_wait3A_156 = arith.constant 0 : i32
      %dma_wait3A_157 = arith.constant 0 : i32
      %dma_wait3A_158 = tpu.memref_slice %arg8[%dma_wait3A_156, %dma_wait3A_157] : memref<50048x32xf32, #tpu.memory_space<vmem_shared>> -> memref<50048x32xf32, #tpu.memory_space<vmem_shared>>
      tpu.wait_indirect_dma semaphore(%arg9 : memref<!tpu.dma_semaphore, #tpu.memory_space<semaphore_mem>>) src(%dma_wait3A_152 : memref<128x32xf32, #tpu.memory_space<vmem>>) dst(%dma_wait3A_158 : memref<50048x32xf32, #tpu.memory_space<vmem_shared>>)
      %dma_wait3A_159 = arith.constant 6 : i32
      %dma_wait3A_160 = arith.constant 256 : i32
      %dma_wait3A_161 = arith.constant 0 : i32
      %dma_wait3A_162 = tpu.memref_slice %arg6[%dma_wait3A_160, %dma_wait3A_161] : memref<512x32xf32, #tpu.memory_space<vmem>> -> memref<128x32xf32, #tpu.memory_space<vmem>>
      %dma_wait3A_163 = arith.constant 0 : i32
      %dma_wait3A_164 = tpu.memref_slice %arg7[%dma_wait3A_159, %dma_wait3A_163] : memref<8x128xi32, #tpu.memory_space<vmem>> -> memref<1x128xi32, #tpu.memory_space<vmem>>
      %dma_wait3A_165 = tpu.memref_squeeze %dma_wait3A_164 : memref<1x128xi32, #tpu.memory_space<vmem>> -> memref<128xi32, #tpu.memory_space<vmem>>
      %dma_wait3A_166 = arith.constant 0 : i32
      %dma_wait3A_167 = arith.constant 0 : i32
      %dma_wait3A_168 = tpu.memref_slice %arg8[%dma_wait3A_166, %dma_wait3A_167] : memref<50048x32xf32, #tpu.memory_space<vmem_shared>> -> memref<50048x32xf32, #tpu.memory_space<vmem_shared>>
      tpu.wait_indirect_dma semaphore(%arg9 : memref<!tpu.dma_semaphore, #tpu.memory_space<semaphore_mem>>) src(%dma_wait3A_162 : memref<128x32xf32, #tpu.memory_space<vmem>>) dst(%dma_wait3A_168 : memref<50048x32xf32, #tpu.memory_space<vmem_shared>>)
      %dma_wait3A_169 = arith.constant 7 : i32
      %dma_wait3A_170 = arith.constant 384 : i32
      %dma_wait3A_171 = arith.constant 0 : i32
      %dma_wait3A_172 = tpu.memref_slice %arg6[%dma_wait3A_170, %dma_wait3A_171] : memref<512x32xf32, #tpu.memory_space<vmem>> -> memref<128x32xf32, #tpu.memory_space<vmem>>
      %dma_wait3A_173 = arith.constant 0 : i32
      %dma_wait3A_174 = tpu.memref_slice %arg7[%dma_wait3A_169, %dma_wait3A_173] : memref<8x128xi32, #tpu.memory_space<vmem>> -> memref<1x128xi32, #tpu.memory_space<vmem>>
      %dma_wait3A_175 = tpu.memref_squeeze %dma_wait3A_174 : memref<1x128xi32, #tpu.memory_space<vmem>> -> memref<128xi32, #tpu.memory_space<vmem>>
      %dma_wait3A_176 = arith.constant 0 : i32
      %dma_wait3A_177 = arith.constant 0 : i32
      %dma_wait3A_178 = tpu.memref_slice %arg8[%dma_wait3A_176, %dma_wait3A_177] : memref<50048x32xf32, #tpu.memory_space<vmem_shared>> -> memref<50048x32xf32, #tpu.memory_space<vmem_shared>>
      tpu.wait_indirect_dma semaphore(%arg9 : memref<!tpu.dma_semaphore, #tpu.memory_space<semaphore_mem>>) src(%dma_wait3A_172 : memref<128x32xf32, #tpu.memory_space<vmem>>) dst(%dma_wait3A_178 : memref<50048x32xf32, #tpu.memory_space<vmem_shared>>)
    }
    %scan3A_7 = arith.constant 25 : i32
    %barrier3A_8 = arith.constant 0 : index
    tpu.barrier barrier_id(%barrier3A_8)
    "tpu.region"() ({
      %run_scoped3A = tpu.sem_alloc : memref<!tpu.dma_semaphore, #tpu.memory_space<semaphore_mem>>
      %dma_start3A = arith.constant 0 : i32
      %dma_start3A_9 = arith.constant 0 : i32
      %dma_start3A_10 = tpu.memref_slice %arg5[%arg0, %dma_start3A, %dma_start3A_9] : memref<2x50048x32xf32, #tpu.memory_space<hbm>> -> memref<1x50048x32xf32, #tpu.memory_space<hbm>>
      %dma_start3A_11 = tpu.memref_squeeze %dma_start3A_10 : memref<1x50048x32xf32, #tpu.memory_space<hbm>> -> memref<50048x32xf32, #tpu.memory_space<hbm>>
      %dma_start3A_12 = arith.constant 0 : i32
      %dma_start3A_13 = tpu.memref_slice %dma_start3A_11[%mul3A_2, %dma_start3A_12] : memref<50048x32xf32, #tpu.memory_space<hbm>> -> memref<3128x32xf32, #tpu.memory_space<hbm>>
      %dma_start3A_14 = arith.constant 0 : i32
      %dma_start3A_15 = tpu.memref_slice %arg8[%mul3A_2, %dma_start3A_14] : memref<50048x32xf32, #tpu.memory_space<vmem_shared>> -> memref<3128x32xf32, #tpu.memory_space<vmem_shared>>
      tpu.enqueue_dma source(%dma_start3A_15 : memref<3128x32xf32, #tpu.memory_space<vmem_shared>>) target(%dma_start3A_13 : memref<3128x32xf32, #tpu.memory_space<hbm>>) target_semaphore(%run_scoped3A : memref<!tpu.dma_semaphore, #tpu.memory_space<semaphore_mem>>)
      %dma_wait3A = arith.constant 0 : i32
      %dma_wait3A_16 = arith.constant 0 : i32
      %dma_wait3A_17 = tpu.memref_slice %arg5[%arg0, %dma_wait3A, %dma_wait3A_16] : memref<2x50048x32xf32, #tpu.memory_space<hbm>> -> memref<1x50048x32xf32, #tpu.memory_space<hbm>>
      %dma_wait3A_18 = tpu.memref_squeeze %dma_wait3A_17 : memref<1x50048x32xf32, #tpu.memory_space<hbm>> -> memref<50048x32xf32, #tpu.memory_space<hbm>>
      %dma_wait3A_19 = arith.constant 0 : i32
      %dma_wait3A_20 = tpu.memref_slice %dma_wait3A_18[%mul3A_2, %dma_wait3A_19] : memref<50048x32xf32, #tpu.memory_space<hbm>> -> memref<3128x32xf32, #tpu.memory_space<hbm>>
      %dma_wait3A_21 = arith.constant 0 : i32
      %dma_wait3A_22 = tpu.memref_slice %arg8[%mul3A_2, %dma_wait3A_21] : memref<50048x32xf32, #tpu.memory_space<vmem_shared>> -> memref<3128x32xf32, #tpu.memory_space<vmem_shared>>
      tpu.wait_dma2 semaphore(%run_scoped3A : memref<!tpu.dma_semaphore, #tpu.memory_space<semaphore_mem>>) src(%dma_wait3A_22 : memref<3128x32xf32, #tpu.memory_space<vmem_shared>>) dst(%dma_wait3A_20 : memref<3128x32xf32, #tpu.memory_space<hbm>>)
      tpu.yield
    }) : () -> ()
    return
  }
}

#map = affine_map<(d0, d1) -> (0, 0)>
#map1 = affine_map<(d0, d1) -> (0, 0, 0)>
module attributes {stable_mosaic.version = 14 : i64} {
  func.func @_sc_scatter(%arg0: i32, %arg1: i32, %arg2: memref<819200x32xf32, #tpu.memory_space<hbm>>, %arg3: memref<6400x128xi32, #tpu.memory_space<hbm>>, %arg4: memref<3128x32xf32, #tpu.memory_space<hbm>>, %arg5: memref<2x50048x32xf32, #tpu.memory_space<hbm>>, %arg6: memref<512x32xf32, #tpu.memory_space<vmem>>, %arg7: memref<8x128xi32, #tpu.memory_space<vmem>>, %arg8: memref<50048x32xf32, #tpu.memory_space<vmem_shared>>, %arg9: memref<!tpu.dma_semaphore, #tpu.memory_space<semaphore_mem>>) attributes {dimension_semantics = [#tpu.dimension_semantics<core_parallel>, #tpu.dimension_semantics<subcore_parallel>], iteration_bounds = array<i64: 2, 16>, scalar_prefetch = 0 : i64, scratch_operands = 4 : i64, tpu.core_type = #tpu.core_type<sc_vector_subcore>, window_params = [{transform_indices = #map}, {transform_indices = #map}, {transform_indices = #map}, {transform_indices = #map1}]} {
    %mul3A = arith.constant 2 : i32
    %mul3A_0 = arith.muli %arg1, %mul3A : i32
    %add3A = arith.addi %mul3A_0, %arg0 : i32
    %mul3A_1 = arith.constant 3128 : i32
    %mul3A_2 = arith.muli %arg1, %mul3A_1 : i32
    "tpu.region"() ({
      %run_scoped3A = tpu.sem_alloc : memref<!tpu.dma_semaphore, #tpu.memory_space<semaphore_mem>>
      %dma_start3A = arith.constant 0 : i32
      %dma_start3A_9 = tpu.memref_slice %arg8[%mul3A_2, %dma_start3A] : memref<50048x32xf32, #tpu.memory_space<vmem_shared>> -> memref<3128x32xf32, #tpu.memory_space<vmem_shared>>
      tpu.enqueue_dma source(%arg4 : memref<3128x32xf32, #tpu.memory_space<hbm>>) target(%dma_start3A_9 : memref<3128x32xf32, #tpu.memory_space<vmem_shared>>) target_semaphore(%run_scoped3A : memref<!tpu.dma_semaphore, #tpu.memory_space<semaphore_mem>>)
      %dma_wait3A = arith.constant 0 : i32
      %dma_wait3A_10 = tpu.memref_slice %arg8[%mul3A_2, %dma_wait3A] : memref<50048x32xf32, #tpu.memory_space<vmem_shared>> -> memref<3128x32xf32, #tpu.memory_space<vmem_shared>>
      tpu.wait_dma2 semaphore(%run_scoped3A : memref<!tpu.dma_semaphore, #tpu.memory_space<semaphore_mem>>) src(%arg4 : memref<3128x32xf32, #tpu.memory_space<hbm>>) dst(%dma_wait3A_10 : memref<3128x32xf32, #tpu.memory_space<vmem_shared>>)
      tpu.yield
    }) : () -> ()
    %barrier3A = arith.constant 0 : index
    tpu.barrier barrier_id(%barrier3A)
    %scan3A = arith.constant 0 : i32
    %scan3A_3 = arith.constant 0 : i32
    %scan3A_4 = arith.constant 25 : i32
    %scan3A_5 = arith.addi %scan3A_3, %scan3A_4 : i32
    %scan3A_6 = arith.constant 1 : i32
    scf.for %scan3A_9 = %scan3A_3 to %scan3A_5 step %scan3A_6  : i32 {
      %mul3A_10 = arith.constant 200 : i32
      %mul3A_11 = arith.muli %add3A, %mul3A_10 : i32
      %mul3A_12 = arith.constant 8 : i32
      %mul3A_13 = arith.muli %scan3A_9, %mul3A_12 : i32
      %add3A_14 = arith.addi %mul3A_11, %mul3A_13 : i32
      %mul3A_15 = arith.constant 128 : i32
      %mul3A_16 = arith.muli %add3A_14, %mul3A_15 : i32
      "tpu.region"() ({
        %run_scoped3A = tpu.sem_alloc : memref<!tpu.dma_semaphore, #tpu.memory_space<semaphore_mem>>
        %dma_start3A_179 = arith.constant 0 : i32
        %dma_start3A_180 = tpu.memref_slice %arg3[%add3A_14, %dma_start3A_179] : memref<6400x128xi32, #tpu.memory_space<hbm>> -> memref<8x128xi32, #tpu.memory_space<hbm>>
        %dma_start3A_181 = arith.constant 0 : i32
        %dma_start3A_182 = tpu.memref_slice %arg3[%add3A_14, %dma_start3A_181] : memref<6400x128xi32, #tpu.memory_space<hbm>> -> memref<8x128xi32, #tpu.memory_space<hbm>>
        tpu.enqueue_dma source(%dma_start3A_182 : memref<8x128xi32, #tpu.memory_space<hbm>>) target(%arg7 : memref<8x128xi32, #tpu.memory_space<vmem>>) target_semaphore(%run_scoped3A : memref<!tpu.dma_semaphore, #tpu.memory_space<semaphore_mem>>)
        %dma_wait3A_183 = arith.constant 0 : i32
        %dma_wait3A_184 = tpu.memref_slice %arg3[%add3A_14, %dma_wait3A_183] : memref<6400x128xi32, #tpu.memory_space<hbm>> -> memref<8x128xi32, #tpu.memory_space<hbm>>
        %dma_wait3A_185 = arith.constant 0 : i32
        %dma_wait3A_186 = tpu.memref_slice %arg3[%add3A_14, %dma_wait3A_185] : memref<6400x128xi32, #tpu.memory_space<hbm>> -> memref<8x128xi32, #tpu.memory_space<hbm>>
        tpu.wait_dma2 semaphore(%run_scoped3A : memref<!tpu.dma_semaphore, #tpu.memory_space<semaphore_mem>>) src(%dma_wait3A_186 : memref<8x128xi32, #tpu.memory_space<hbm>>) dst(%arg7 : memref<8x128xi32, #tpu.memory_space<vmem>>)
        tpu.yield
      }) : () -> ()
      %add3A_17 = arith.constant 0 : i32
      %add3A_18 = arith.addi %mul3A_16, %add3A_17 : i32
      "tpu.region"() ({
        %run_scoped3A = tpu.sem_alloc : memref<!tpu.dma_semaphore, #tpu.memory_space<semaphore_mem>>
        %dma_start3A_179 = arith.constant 0 : i32
        %dma_start3A_180 = tpu.memref_slice %arg2[%add3A_18, %dma_start3A_179] : memref<819200x32xf32, #tpu.memory_space<hbm>> -> memref<512x32xf32, #tpu.memory_space<hbm>>
        %dma_start3A_181 = arith.constant 0 : i32
        %dma_start3A_182 = tpu.memref_slice %arg2[%add3A_18, %dma_start3A_181] : memref<819200x32xf32, #tpu.memory_space<hbm>> -> memref<512x32xf32, #tpu.memory_space<hbm>>
        tpu.enqueue_dma source(%dma_start3A_182 : memref<512x32xf32, #tpu.memory_space<hbm>>) target(%arg6 : memref<512x32xf32, #tpu.memory_space<vmem>>) target_semaphore(%run_scoped3A : memref<!tpu.dma_semaphore, #tpu.memory_space<semaphore_mem>>)
        %dma_wait3A_183 = arith.constant 0 : i32
        %dma_wait3A_184 = tpu.memref_slice %arg2[%add3A_18, %dma_wait3A_183] : memref<819200x32xf32, #tpu.memory_space<hbm>> -> memref<512x32xf32, #tpu.memory_space<hbm>>
        %dma_wait3A_185 = arith.constant 0 : i32
        %dma_wait3A_186 = tpu.memref_slice %arg2[%add3A_18, %dma_wait3A_185] : memref<819200x32xf32, #tpu.memory_space<hbm>> -> memref<512x32xf32, #tpu.memory_space<hbm>>
        tpu.wait_dma2 semaphore(%run_scoped3A : memref<!tpu.dma_semaphore, #tpu.memory_space<semaphore_mem>>) src(%dma_wait3A_186 : memref<512x32xf32, #tpu.memory_space<hbm>>) dst(%arg6 : memref<512x32xf32, #tpu.memory_space<vmem>>)
        tpu.yield
      }) : () -> ()
      %dma_start3A = arith.constant 0 : i32
      %dma_start3A_19 = arith.constant 0 : i32
      %dma_start3A_20 = arith.constant 0 : i32
      %dma_start3A_21 = tpu.memref_slice %arg6[%dma_start3A_19, %dma_start3A_20] : memref<512x32xf32, #tpu.memory_space<vmem>> -> memref<128x32xf32, #tpu.memory_space<vmem>>
      %dma_start3A_22 = arith.constant 0 : i32
      %dma_start3A_23 = tpu.memref_slice %arg7[%dma_start3A, %dma_start3A_22] : memref<8x128xi32, #tpu.memory_space<vmem>> -> memref<1x128xi32, #tpu.memory_space<vmem>>
      %dma_start3A_24 = tpu.memref_squeeze %dma_start3A_23 : memref<1x128xi32, #tpu.memory_space<vmem>> -> memref<128xi32, #tpu.memory_space<vmem>>
      %dma_start3A_25 = arith.constant 0 : i32
      %dma_start3A_26 = arith.constant 0 : i32
      %dma_start3A_27 = tpu.memref_slice %arg8[%dma_start3A_25, %dma_start3A_26] : memref<50048x32xf32, #tpu.memory_space<vmem_shared>> -> memref<50048x32xf32, #tpu.memory_space<vmem_shared>>
      tpu.enqueue_indirect_dma source(%dma_start3A_21 : memref<128x32xf32, #tpu.memory_space<vmem>>) target(%dma_start3A_27 : memref<50048x32xf32, #tpu.memory_space<vmem_shared>>) offsets(%dma_start3A_24 : memref<128xi32, #tpu.memory_space<vmem>>) semaphore(%arg9 : memref<!tpu.dma_semaphore, #tpu.memory_space<semaphore_mem>>) {add = true}
      %dma_start3A_28 = arith.constant 1 : i32
      %dma_start3A_29 = arith.constant 128 : i32
      %dma_start3A_30 = arith.constant 0 : i32
      %dma_start3A_31 = tpu.memref_slice %arg6[%dma_start3A_29, %dma_start3A_30] : memref<512x32xf32, #tpu.memory_space<vmem>> -> memref<128x32xf32, #tpu.memory_space<vmem>>
      %dma_start3A_32 = arith.constant 0 : i32
      %dma_start3A_33 = tpu.memref_slice %arg7[%dma_start3A_28, %dma_start3A_32] : memref<8x128xi32, #tpu.memory_space<vmem>> -> memref<1x128xi32, #tpu.memory_space<vmem>>
      %dma_start3A_34 = tpu.memref_squeeze %dma_start3A_33 : memref<1x128xi32, #tpu.memory_space<vmem>> -> memref<128xi32, #tpu.memory_space<vmem>>
      %dma_start3A_35 = arith.constant 0 : i32
      %dma_start3A_36 = arith.constant 0 : i32
      %dma_start3A_37 = tpu.memref_slice %arg8[%dma_start3A_35, %dma_start3A_36] : memref<50048x32xf32, #tpu.memory_space<vmem_shared>> -> memref<50048x32xf32, #tpu.memory_space<vmem_shared>>
      tpu.enqueue_indirect_dma source(%dma_start3A_31 : memref<128x32xf32, #tpu.memory_space<vmem>>) target(%dma_start3A_37 : memref<50048x32xf32, #tpu.memory_space<vmem_shared>>) offsets(%dma_start3A_34 : memref<128xi32, #tpu.memory_space<vmem>>) semaphore(%arg9 : memref<!tpu.dma_semaphore, #tpu.memory_space<semaphore_mem>>) {add = true}
      %dma_start3A_38 = arith.constant 2 : i32
      %dma_start3A_39 = arith.constant 256 : i32
      %dma_start3A_40 = arith.constant 0 : i32
      %dma_start3A_41 = tpu.memref_slice %arg6[%dma_start3A_39, %dma_start3A_40] : memref<512x32xf32, #tpu.memory_space<vmem>> -> memref<128x32xf32, #tpu.memory_space<vmem>>
      %dma_start3A_42 = arith.constant 0 : i32
      %dma_start3A_43 = tpu.memref_slice %arg7[%dma_start3A_38, %dma_start3A_42] : memref<8x128xi32, #tpu.memory_space<vmem>> -> memref<1x128xi32, #tpu.memory_space<vmem>>
      %dma_start3A_44 = tpu.memref_squeeze %dma_start3A_43 : memref<1x128xi32, #tpu.memory_space<vmem>> -> memref<128xi32, #tpu.memory_space<vmem>>
      %dma_start3A_45 = arith.constant 0 : i32
      %dma_start3A_46 = arith.constant 0 : i32
      %dma_start3A_47 = tpu.memref_slice %arg8[%dma_start3A_45, %dma_start3A_46] : memref<50048x32xf32, #tpu.memory_space<vmem_shared>> -> memref<50048x32xf32, #tpu.memory_space<vmem_shared>>
      tpu.enqueue_indirect_dma source(%dma_start3A_41 : memref<128x32xf32, #tpu.memory_space<vmem>>) target(%dma_start3A_47 : memref<50048x32xf32, #tpu.memory_space<vmem_shared>>) offsets(%dma_start3A_44 : memref<128xi32, #tpu.memory_space<vmem>>) semaphore(%arg9 : memref<!tpu.dma_semaphore, #tpu.memory_space<semaphore_mem>>) {add = true}
      %dma_start3A_48 = arith.constant 3 : i32
      %dma_start3A_49 = arith.constant 384 : i32
      %dma_start3A_50 = arith.constant 0 : i32
      %dma_start3A_51 = tpu.memref_slice %arg6[%dma_start3A_49, %dma_start3A_50] : memref<512x32xf32, #tpu.memory_space<vmem>> -> memref<128x32xf32, #tpu.memory_space<vmem>>
      %dma_start3A_52 = arith.constant 0 : i32
      %dma_start3A_53 = tpu.memref_slice %arg7[%dma_start3A_48, %dma_start3A_52] : memref<8x128xi32, #tpu.memory_space<vmem>> -> memref<1x128xi32, #tpu.memory_space<vmem>>
      %dma_start3A_54 = tpu.memref_squeeze %dma_start3A_53 : memref<1x128xi32, #tpu.memory_space<vmem>> -> memref<128xi32, #tpu.memory_space<vmem>>
      %dma_start3A_55 = arith.constant 0 : i32
      %dma_start3A_56 = arith.constant 0 : i32
      %dma_start3A_57 = tpu.memref_slice %arg8[%dma_start3A_55, %dma_start3A_56] : memref<50048x32xf32, #tpu.memory_space<vmem_shared>> -> memref<50048x32xf32, #tpu.memory_space<vmem_shared>>
      tpu.enqueue_indirect_dma source(%dma_start3A_51 : memref<128x32xf32, #tpu.memory_space<vmem>>) target(%dma_start3A_57 : memref<50048x32xf32, #tpu.memory_space<vmem_shared>>) offsets(%dma_start3A_54 : memref<128xi32, #tpu.memory_space<vmem>>) semaphore(%arg9 : memref<!tpu.dma_semaphore, #tpu.memory_space<semaphore_mem>>) {add = true}
      %dma_wait3A = arith.constant 0 : i32
      %dma_wait3A_58 = arith.constant 0 : i32
      %dma_wait3A_59 = arith.constant 0 : i32
      %dma_wait3A_60 = tpu.memref_slice %arg6[%dma_wait3A_58, %dma_wait3A_59] : memref<512x32xf32, #tpu.memory_space<vmem>> -> memref<128x32xf32, #tpu.memory_space<vmem>>
      %dma_wait3A_61 = arith.constant 0 : i32
      %dma_wait3A_62 = tpu.memref_slice %arg7[%dma_wait3A, %dma_wait3A_61] : memref<8x128xi32, #tpu.memory_space<vmem>> -> memref<1x128xi32, #tpu.memory_space<vmem>>
      %dma_wait3A_63 = tpu.memref_squeeze %dma_wait3A_62 : memref<1x128xi32, #tpu.memory_space<vmem>> -> memref<128xi32, #tpu.memory_space<vmem>>
      %dma_wait3A_64 = arith.constant 0 : i32
      %dma_wait3A_65 = arith.constant 0 : i32
      %dma_wait3A_66 = tpu.memref_slice %arg8[%dma_wait3A_64, %dma_wait3A_65] : memref<50048x32xf32, #tpu.memory_space<vmem_shared>> -> memref<50048x32xf32, #tpu.memory_space<vmem_shared>>
      tpu.wait_indirect_dma semaphore(%arg9 : memref<!tpu.dma_semaphore, #tpu.memory_space<semaphore_mem>>) src(%dma_wait3A_60 : memref<128x32xf32, #tpu.memory_space<vmem>>) dst(%dma_wait3A_66 : memref<50048x32xf32, #tpu.memory_space<vmem_shared>>)
      %dma_wait3A_67 = arith.constant 1 : i32
      %dma_wait3A_68 = arith.constant 128 : i32
      %dma_wait3A_69 = arith.constant 0 : i32
      %dma_wait3A_70 = tpu.memref_slice %arg6[%dma_wait3A_68, %dma_wait3A_69] : memref<512x32xf32, #tpu.memory_space<vmem>> -> memref<128x32xf32, #tpu.memory_space<vmem>>
      %dma_wait3A_71 = arith.constant 0 : i32
      %dma_wait3A_72 = tpu.memref_slice %arg7[%dma_wait3A_67, %dma_wait3A_71] : memref<8x128xi32, #tpu.memory_space<vmem>> -> memref<1x128xi32, #tpu.memory_space<vmem>>
      %dma_wait3A_73 = tpu.memref_squeeze %dma_wait3A_72 : memref<1x128xi32, #tpu.memory_space<vmem>> -> memref<128xi32, #tpu.memory_space<vmem>>
      %dma_wait3A_74 = arith.constant 0 : i32
      %dma_wait3A_75 = arith.constant 0 : i32
      %dma_wait3A_76 = tpu.memref_slice %arg8[%dma_wait3A_74, %dma_wait3A_75] : memref<50048x32xf32, #tpu.memory_space<vmem_shared>> -> memref<50048x32xf32, #tpu.memory_space<vmem_shared>>
      tpu.wait_indirect_dma semaphore(%arg9 : memref<!tpu.dma_semaphore, #tpu.memory_space<semaphore_mem>>) src(%dma_wait3A_70 : memref<128x32xf32, #tpu.memory_space<vmem>>) dst(%dma_wait3A_76 : memref<50048x32xf32, #tpu.memory_space<vmem_shared>>)
      %dma_wait3A_77 = arith.constant 2 : i32
      %dma_wait3A_78 = arith.constant 256 : i32
      %dma_wait3A_79 = arith.constant 0 : i32
      %dma_wait3A_80 = tpu.memref_slice %arg6[%dma_wait3A_78, %dma_wait3A_79] : memref<512x32xf32, #tpu.memory_space<vmem>> -> memref<128x32xf32, #tpu.memory_space<vmem>>
      %dma_wait3A_81 = arith.constant 0 : i32
      %dma_wait3A_82 = tpu.memref_slice %arg7[%dma_wait3A_77, %dma_wait3A_81] : memref<8x128xi32, #tpu.memory_space<vmem>> -> memref<1x128xi32, #tpu.memory_space<vmem>>
      %dma_wait3A_83 = tpu.memref_squeeze %dma_wait3A_82 : memref<1x128xi32, #tpu.memory_space<vmem>> -> memref<128xi32, #tpu.memory_space<vmem>>
      %dma_wait3A_84 = arith.constant 0 : i32
      %dma_wait3A_85 = arith.constant 0 : i32
      %dma_wait3A_86 = tpu.memref_slice %arg8[%dma_wait3A_84, %dma_wait3A_85] : memref<50048x32xf32, #tpu.memory_space<vmem_shared>> -> memref<50048x32xf32, #tpu.memory_space<vmem_shared>>
      tpu.wait_indirect_dma semaphore(%arg9 : memref<!tpu.dma_semaphore, #tpu.memory_space<semaphore_mem>>) src(%dma_wait3A_80 : memref<128x32xf32, #tpu.memory_space<vmem>>) dst(%dma_wait3A_86 : memref<50048x32xf32, #tpu.memory_space<vmem_shared>>)
      %dma_wait3A_87 = arith.constant 3 : i32
      %dma_wait3A_88 = arith.constant 384 : i32
      %dma_wait3A_89 = arith.constant 0 : i32
      %dma_wait3A_90 = tpu.memref_slice %arg6[%dma_wait3A_88, %dma_wait3A_89] : memref<512x32xf32, #tpu.memory_space<vmem>> -> memref<128x32xf32, #tpu.memory_space<vmem>>
      %dma_wait3A_91 = arith.constant 0 : i32
      %dma_wait3A_92 = tpu.memref_slice %arg7[%dma_wait3A_87, %dma_wait3A_91] : memref<8x128xi32, #tpu.memory_space<vmem>> -> memref<1x128xi32, #tpu.memory_space<vmem>>
      %dma_wait3A_93 = tpu.memref_squeeze %dma_wait3A_92 : memref<1x128xi32, #tpu.memory_space<vmem>> -> memref<128xi32, #tpu.memory_space<vmem>>
      %dma_wait3A_94 = arith.constant 0 : i32
      %dma_wait3A_95 = arith.constant 0 : i32
      %dma_wait3A_96 = tpu.memref_slice %arg8[%dma_wait3A_94, %dma_wait3A_95] : memref<50048x32xf32, #tpu.memory_space<vmem_shared>> -> memref<50048x32xf32, #tpu.memory_space<vmem_shared>>
      tpu.wait_indirect_dma semaphore(%arg9 : memref<!tpu.dma_semaphore, #tpu.memory_space<semaphore_mem>>) src(%dma_wait3A_90 : memref<128x32xf32, #tpu.memory_space<vmem>>) dst(%dma_wait3A_96 : memref<50048x32xf32, #tpu.memory_space<vmem_shared>>)
      %add3A_97 = arith.constant 512 : i32
      %add3A_98 = arith.addi %mul3A_16, %add3A_97 : i32
      "tpu.region"() ({
        %run_scoped3A = tpu.sem_alloc : memref<!tpu.dma_semaphore, #tpu.memory_space<semaphore_mem>>
        %dma_start3A_179 = arith.constant 0 : i32
        %dma_start3A_180 = tpu.memref_slice %arg2[%add3A_98, %dma_start3A_179] : memref<819200x32xf32, #tpu.memory_space<hbm>> -> memref<512x32xf32, #tpu.memory_space<hbm>>
        %dma_start3A_181 = arith.constant 0 : i32
        %dma_start3A_182 = tpu.memref_slice %arg2[%add3A_98, %dma_start3A_181] : memref<819200x32xf32, #tpu.memory_space<hbm>> -> memref<512x32xf32, #tpu.memory_space<hbm>>
        tpu.enqueue_dma source(%dma_start3A_182 : memref<512x32xf32, #tpu.memory_space<hbm>>) target(%arg6 : memref<512x32xf32, #tpu.memory_space<vmem>>) target_semaphore(%run_scoped3A : memref<!tpu.dma_semaphore, #tpu.memory_space<semaphore_mem>>)
        %dma_wait3A_183 = arith.constant 0 : i32
        %dma_wait3A_184 = tpu.memref_slice %arg2[%add3A_98, %dma_wait3A_183] : memref<819200x32xf32, #tpu.memory_space<hbm>> -> memref<512x32xf32, #tpu.memory_space<hbm>>
        %dma_wait3A_185 = arith.constant 0 : i32
        %dma_wait3A_186 = tpu.memref_slice %arg2[%add3A_98, %dma_wait3A_185] : memref<819200x32xf32, #tpu.memory_space<hbm>> -> memref<512x32xf32, #tpu.memory_space<hbm>>
        tpu.wait_dma2 semaphore(%run_scoped3A : memref<!tpu.dma_semaphore, #tpu.memory_space<semaphore_mem>>) src(%dma_wait3A_186 : memref<512x32xf32, #tpu.memory_space<hbm>>) dst(%arg6 : memref<512x32xf32, #tpu.memory_space<vmem>>)
        tpu.yield
      }) : () -> ()
      %dma_start3A_99 = arith.constant 4 : i32
      %dma_start3A_100 = arith.constant 0 : i32
      %dma_start3A_101 = arith.constant 0 : i32
      %dma_start3A_102 = tpu.memref_slice %arg6[%dma_start3A_100, %dma_start3A_101] : memref<512x32xf32, #tpu.memory_space<vmem>> -> memref<128x32xf32, #tpu.memory_space<vmem>>
      %dma_start3A_103 = arith.constant 0 : i32
      %dma_start3A_104 = tpu.memref_slice %arg7[%dma_start3A_99, %dma_start3A_103] : memref<8x128xi32, #tpu.memory_space<vmem>> -> memref<1x128xi32, #tpu.memory_space<vmem>>
      %dma_start3A_105 = tpu.memref_squeeze %dma_start3A_104 : memref<1x128xi32, #tpu.memory_space<vmem>> -> memref<128xi32, #tpu.memory_space<vmem>>
      %dma_start3A_106 = arith.constant 0 : i32
      %dma_start3A_107 = arith.constant 0 : i32
      %dma_start3A_108 = tpu.memref_slice %arg8[%dma_start3A_106, %dma_start3A_107] : memref<50048x32xf32, #tpu.memory_space<vmem_shared>> -> memref<50048x32xf32, #tpu.memory_space<vmem_shared>>
      tpu.enqueue_indirect_dma source(%dma_start3A_102 : memref<128x32xf32, #tpu.memory_space<vmem>>) target(%dma_start3A_108 : memref<50048x32xf32, #tpu.memory_space<vmem_shared>>) offsets(%dma_start3A_105 : memref<128xi32, #tpu.memory_space<vmem>>) semaphore(%arg9 : memref<!tpu.dma_semaphore, #tpu.memory_space<semaphore_mem>>) {add = true}
      %dma_start3A_109 = arith.constant 5 : i32
      %dma_start3A_110 = arith.constant 128 : i32
      %dma_start3A_111 = arith.constant 0 : i32
      %dma_start3A_112 = tpu.memref_slice %arg6[%dma_start3A_110, %dma_start3A_111] : memref<512x32xf32, #tpu.memory_space<vmem>> -> memref<128x32xf32, #tpu.memory_space<vmem>>
      %dma_start3A_113 = arith.constant 0 : i32
      %dma_start3A_114 = tpu.memref_slice %arg7[%dma_start3A_109, %dma_start3A_113] : memref<8x128xi32, #tpu.memory_space<vmem>> -> memref<1x128xi32, #tpu.memory_space<vmem>>
      %dma_start3A_115 = tpu.memref_squeeze %dma_start3A_114 : memref<1x128xi32, #tpu.memory_space<vmem>> -> memref<128xi32, #tpu.memory_space<vmem>>
      %dma_start3A_116 = arith.constant 0 : i32
      %dma_start3A_117 = arith.constant 0 : i32
      %dma_start3A_118 = tpu.memref_slice %arg8[%dma_start3A_116, %dma_start3A_117] : memref<50048x32xf32, #tpu.memory_space<vmem_shared>> -> memref<50048x32xf32, #tpu.memory_space<vmem_shared>>
      tpu.enqueue_indirect_dma source(%dma_start3A_112 : memref<128x32xf32, #tpu.memory_space<vmem>>) target(%dma_start3A_118 : memref<50048x32xf32, #tpu.memory_space<vmem_shared>>) offsets(%dma_start3A_115 : memref<128xi32, #tpu.memory_space<vmem>>) semaphore(%arg9 : memref<!tpu.dma_semaphore, #tpu.memory_space<semaphore_mem>>) {add = true}
      %dma_start3A_119 = arith.constant 6 : i32
      %dma_start3A_120 = arith.constant 256 : i32
      %dma_start3A_121 = arith.constant 0 : i32
      %dma_start3A_122 = tpu.memref_slice %arg6[%dma_start3A_120, %dma_start3A_121] : memref<512x32xf32, #tpu.memory_space<vmem>> -> memref<128x32xf32, #tpu.memory_space<vmem>>
      %dma_start3A_123 = arith.constant 0 : i32
      %dma_start3A_124 = tpu.memref_slice %arg7[%dma_start3A_119, %dma_start3A_123] : memref<8x128xi32, #tpu.memory_space<vmem>> -> memref<1x128xi32, #tpu.memory_space<vmem>>
      %dma_start3A_125 = tpu.memref_squeeze %dma_start3A_124 : memref<1x128xi32, #tpu.memory_space<vmem>> -> memref<128xi32, #tpu.memory_space<vmem>>
      %dma_start3A_126 = arith.constant 0 : i32
      %dma_start3A_127 = arith.constant 0 : i32
      %dma_start3A_128 = tpu.memref_slice %arg8[%dma_start3A_126, %dma_start3A_127] : memref<50048x32xf32, #tpu.memory_space<vmem_shared>> -> memref<50048x32xf32, #tpu.memory_space<vmem_shared>>
      tpu.enqueue_indirect_dma source(%dma_start3A_122 : memref<128x32xf32, #tpu.memory_space<vmem>>) target(%dma_start3A_128 : memref<50048x32xf32, #tpu.memory_space<vmem_shared>>) offsets(%dma_start3A_125 : memref<128xi32, #tpu.memory_space<vmem>>) semaphore(%arg9 : memref<!tpu.dma_semaphore, #tpu.memory_space<semaphore_mem>>) {add = true}
      %dma_start3A_129 = arith.constant 7 : i32
      %dma_start3A_130 = arith.constant 384 : i32
      %dma_start3A_131 = arith.constant 0 : i32
      %dma_start3A_132 = tpu.memref_slice %arg6[%dma_start3A_130, %dma_start3A_131] : memref<512x32xf32, #tpu.memory_space<vmem>> -> memref<128x32xf32, #tpu.memory_space<vmem>>
      %dma_start3A_133 = arith.constant 0 : i32
      %dma_start3A_134 = tpu.memref_slice %arg7[%dma_start3A_129, %dma_start3A_133] : memref<8x128xi32, #tpu.memory_space<vmem>> -> memref<1x128xi32, #tpu.memory_space<vmem>>
      %dma_start3A_135 = tpu.memref_squeeze %dma_start3A_134 : memref<1x128xi32, #tpu.memory_space<vmem>> -> memref<128xi32, #tpu.memory_space<vmem>>
      %dma_start3A_136 = arith.constant 0 : i32
      %dma_start3A_137 = arith.constant 0 : i32
      %dma_start3A_138 = tpu.memref_slice %arg8[%dma_start3A_136, %dma_start3A_137] : memref<50048x32xf32, #tpu.memory_space<vmem_shared>> -> memref<50048x32xf32, #tpu.memory_space<vmem_shared>>
      tpu.enqueue_indirect_dma source(%dma_start3A_132 : memref<128x32xf32, #tpu.memory_space<vmem>>) target(%dma_start3A_138 : memref<50048x32xf32, #tpu.memory_space<vmem_shared>>) offsets(%dma_start3A_135 : memref<128xi32, #tpu.memory_space<vmem>>) semaphore(%arg9 : memref<!tpu.dma_semaphore, #tpu.memory_space<semaphore_mem>>) {add = true}
      %dma_wait3A_139 = arith.constant 4 : i32
      %dma_wait3A_140 = arith.constant 0 : i32
      %dma_wait3A_141 = arith.constant 0 : i32
      %dma_wait3A_142 = tpu.memref_slice %arg6[%dma_wait3A_140, %dma_wait3A_141] : memref<512x32xf32, #tpu.memory_space<vmem>> -> memref<128x32xf32, #tpu.memory_space<vmem>>
      %dma_wait3A_143 = arith.constant 0 : i32
      %dma_wait3A_144 = tpu.memref_slice %arg7[%dma_wait3A_139, %dma_wait3A_143] : memref<8x128xi32, #tpu.memory_space<vmem>> -> memref<1x128xi32, #tpu.memory_space<vmem>>
      %dma_wait3A_145 = tpu.memref_squeeze %dma_wait3A_144 : memref<1x128xi32, #tpu.memory_space<vmem>> -> memref<128xi32, #tpu.memory_space<vmem>>
      %dma_wait3A_146 = arith.constant 0 : i32
      %dma_wait3A_147 = arith.constant 0 : i32
      %dma_wait3A_148 = tpu.memref_slice %arg8[%dma_wait3A_146, %dma_wait3A_147] : memref<50048x32xf32, #tpu.memory_space<vmem_shared>> -> memref<50048x32xf32, #tpu.memory_space<vmem_shared>>
      tpu.wait_indirect_dma semaphore(%arg9 : memref<!tpu.dma_semaphore, #tpu.memory_space<semaphore_mem>>) src(%dma_wait3A_142 : memref<128x32xf32, #tpu.memory_space<vmem>>) dst(%dma_wait3A_148 : memref<50048x32xf32, #tpu.memory_space<vmem_shared>>)
      %dma_wait3A_149 = arith.constant 5 : i32
      %dma_wait3A_150 = arith.constant 128 : i32
      %dma_wait3A_151 = arith.constant 0 : i32
      %dma_wait3A_152 = tpu.memref_slice %arg6[%dma_wait3A_150, %dma_wait3A_151] : memref<512x32xf32, #tpu.memory_space<vmem>> -> memref<128x32xf32, #tpu.memory_space<vmem>>
      %dma_wait3A_153 = arith.constant 0 : i32
      %dma_wait3A_154 = tpu.memref_slice %arg7[%dma_wait3A_149, %dma_wait3A_153] : memref<8x128xi32, #tpu.memory_space<vmem>> -> memref<1x128xi32, #tpu.memory_space<vmem>>
      %dma_wait3A_155 = tpu.memref_squeeze %dma_wait3A_154 : memref<1x128xi32, #tpu.memory_space<vmem>> -> memref<128xi32, #tpu.memory_space<vmem>>
      %dma_wait3A_156 = arith.constant 0 : i32
      %dma_wait3A_157 = arith.constant 0 : i32
      %dma_wait3A_158 = tpu.memref_slice %arg8[%dma_wait3A_156, %dma_wait3A_157] : memref<50048x32xf32, #tpu.memory_space<vmem_shared>> -> memref<50048x32xf32, #tpu.memory_space<vmem_shared>>
      tpu.wait_indirect_dma semaphore(%arg9 : memref<!tpu.dma_semaphore, #tpu.memory_space<semaphore_mem>>) src(%dma_wait3A_152 : memref<128x32xf32, #tpu.memory_space<vmem>>) dst(%dma_wait3A_158 : memref<50048x32xf32, #tpu.memory_space<vmem_shared>>)
      %dma_wait3A_159 = arith.constant 6 : i32
      %dma_wait3A_160 = arith.constant 256 : i32
      %dma_wait3A_161 = arith.constant 0 : i32
      %dma_wait3A_162 = tpu.memref_slice %arg6[%dma_wait3A_160, %dma_wait3A_161] : memref<512x32xf32, #tpu.memory_space<vmem>> -> memref<128x32xf32, #tpu.memory_space<vmem>>
      %dma_wait3A_163 = arith.constant 0 : i32
      %dma_wait3A_164 = tpu.memref_slice %arg7[%dma_wait3A_159, %dma_wait3A_163] : memref<8x128xi32, #tpu.memory_space<vmem>> -> memref<1x128xi32, #tpu.memory_space<vmem>>
      %dma_wait3A_165 = tpu.memref_squeeze %dma_wait3A_164 : memref<1x128xi32, #tpu.memory_space<vmem>> -> memref<128xi32, #tpu.memory_space<vmem>>
      %dma_wait3A_166 = arith.constant 0 : i32
      %dma_wait3A_167 = arith.constant 0 : i32
      %dma_wait3A_168 = tpu.memref_slice %arg8[%dma_wait3A_166, %dma_wait3A_167] : memref<50048x32xf32, #tpu.memory_space<vmem_shared>> -> memref<50048x32xf32, #tpu.memory_space<vmem_shared>>
      tpu.wait_indirect_dma semaphore(%arg9 : memref<!tpu.dma_semaphore, #tpu.memory_space<semaphore_mem>>) src(%dma_wait3A_162 : memref<128x32xf32, #tpu.memory_space<vmem>>) dst(%dma_wait3A_168 : memref<50048x32xf32, #tpu.memory_space<vmem_shared>>)
      %dma_wait3A_169 = arith.constant 7 : i32
      %dma_wait3A_170 = arith.constant 384 : i32
      %dma_wait3A_171 = arith.constant 0 : i32
      %dma_wait3A_172 = tpu.memref_slice %arg6[%dma_wait3A_170, %dma_wait3A_171] : memref<512x32xf32, #tpu.memory_space<vmem>> -> memref<128x32xf32, #tpu.memory_space<vmem>>
      %dma_wait3A_173 = arith.constant 0 : i32
      %dma_wait3A_174 = tpu.memref_slice %arg7[%dma_wait3A_169, %dma_wait3A_173] : memref<8x128xi32, #tpu.memory_space<vmem>> -> memref<1x128xi32, #tpu.memory_space<vmem>>
      %dma_wait3A_175 = tpu.memref_squeeze %dma_wait3A_174 : memref<1x128xi32, #tpu.memory_space<vmem>> -> memref<128xi32, #tpu.memory_space<vmem>>
      %dma_wait3A_176 = arith.constant 0 : i32
      %dma_wait3A_177 = arith.constant 0 : i32
      %dma_wait3A_178 = tpu.memref_slice %arg8[%dma_wait3A_176, %dma_wait3A_177] : memref<50048x32xf32, #tpu.memory_space<vmem_shared>> -> memref<50048x32xf32, #tpu.memory_space<vmem_shared>>
      tpu.wait_indirect_dma semaphore(%arg9 : memref<!tpu.dma_semaphore, #tpu.memory_space<semaphore_mem>>) src(%dma_wait3A_172 : memref<128x32xf32, #tpu.memory_space<vmem>>) dst(%dma_wait3A_178 : memref<50048x32xf32, #tpu.memory_space<vmem_shared>>)
    }
    %scan3A_7 = arith.constant 25 : i32
    %barrier3A_8 = arith.constant 0 : index
    tpu.barrier barrier_id(%barrier3A_8)
    "tpu.region"() ({
      %run_scoped3A = tpu.sem_alloc : memref<!tpu.dma_semaphore, #tpu.memory_space<semaphore_mem>>
      %dma_start3A = arith.constant 0 : i32
      %dma_start3A_9 = arith.constant 0 : i32
      %dma_start3A_10 = tpu.memref_slice %arg5[%arg0, %dma_start3A, %dma_start3A_9] : memref<2x50048x32xf32, #tpu.memory_space<hbm>> -> memref<1x50048x32xf32, #tpu.memory_space<hbm>>
      %dma_start3A_11 = tpu.memref_squeeze %dma_start3A_10 : memref<1x50048x32xf32, #tpu.memory_space<hbm>> -> memref<50048x32xf32, #tpu.memory_space<hbm>>
      %dma_start3A_12 = arith.constant 0 : i32
      %dma_start3A_13 = tpu.memref_slice %dma_start3A_11[%mul3A_2, %dma_start3A_12] : memref<50048x32xf32, #tpu.memory_space<hbm>> -> memref<3128x32xf32, #tpu.memory_space<hbm>>
      %dma_start3A_14 = arith.constant 0 : i32
      %dma_start3A_15 = tpu.memref_slice %arg8[%mul3A_2, %dma_start3A_14] : memref<50048x32xf32, #tpu.memory_space<vmem_shared>> -> memref<3128x32xf32, #tpu.memory_space<vmem_shared>>
      tpu.enqueue_dma source(%dma_start3A_15 : memref<3128x32xf32, #tpu.memory_space<vmem_shared>>) target(%dma_start3A_13 : memref<3128x32xf32, #tpu.memory_space<hbm>>) target_semaphore(%run_scoped3A : memref<!tpu.dma_semaphore, #tpu.memory_space<semaphore_mem>>)
      %dma_wait3A = arith.constant 0 : i32
      %dma_wait3A_16 = arith.constant 0 : i32
      %dma_wait3A_17 = tpu.memref_slice %arg5[%arg0, %dma_wait3A, %dma_wait3A_16] : memref<2x50048x32xf32, #tpu.memory_space<hbm>> -> memref<1x50048x32xf32, #tpu.memory_space<hbm>>
      %dma_wait3A_18 = tpu.memref_squeeze %dma_wait3A_17 : memref<1x50048x32xf32, #tpu.memory_space<hbm>> -> memref<50048x32xf32, #tpu.memory_space<hbm>>
      %dma_wait3A_19 = arith.constant 0 : i32
      %dma_wait3A_20 = tpu.memref_slice %dma_wait3A_18[%mul3A_2, %dma_wait3A_19] : memref<50048x32xf32, #tpu.memory_space<hbm>> -> memref<3128x32xf32, #tpu.memory_space<hbm>>
      %dma_wait3A_21 = arith.constant 0 : i32
      %dma_wait3A_22 = tpu.memref_slice %arg8[%mul3A_2, %dma_wait3A_21] : memref<50048x32xf32, #tpu.memory_space<vmem_shared>> -> memref<3128x32xf32, #tpu.memory_space<vmem_shared>>
      tpu.wait_dma2 semaphore(%run_scoped3A : memref<!tpu.dma_semaphore, #tpu.memory_space<semaphore_mem>>) src(%dma_wait3A_22 : memref<3128x32xf32, #tpu.memory_space<vmem_shared>>) dst(%dma_wait3A_20 : memref<3128x32xf32, #tpu.memory_space<hbm>>)
      tpu.yield
    }) : () -> ()
    return
  }
}

#map = affine_map<(d0, d1) -> (0, 0)>
#map1 = affine_map<(d0, d1) -> (0)>
module attributes {stable_mosaic.version = 14 : i64} {
  func.func @_sc_gather(%arg0: i32, %arg1: i32, %arg2: memref<50000x16xf32, #tpu.memory_space<hbm>>, %arg3: memref<50000xf32, #tpu.memory_space<hbm>>, %arg4: memref<6400x128xi32, #tpu.memory_space<hbm>>, %arg5: memref<819200xi32, #tpu.memory_space<hbm>>, %arg6: memref<819200x16xf32, #tpu.memory_space<hbm>>, %arg7: memref<819200xf32, #tpu.memory_space<hbm>>, %arg8: memref<8x128xi32, #tpu.memory_space<vmem>>, %arg9: memref<1024x16xf32, #tpu.memory_space<vmem>>, %arg10: memref<1024xi32, #tpu.memory_space<vmem>>, %arg11: memref<1024xf32, #tpu.memory_space<vmem>>, %arg12: memref<50000xf32, #tpu.memory_space<vmem>>, %arg13: memref<!tpu.dma_semaphore, #tpu.memory_space<semaphore_mem>>) attributes {dimension_semantics = [#tpu.dimension_semantics<core_parallel>, #tpu.dimension_semantics<subcore_parallel>], iteration_bounds = array<i64: 2, 16>, scalar_prefetch = 0 : i64, scratch_operands = 6 : i64, tpu.core_type = #tpu.core_type<sc_vector_subcore>, window_params = [{transform_indices = #map}, {transform_indices = #map1}, {transform_indices = #map}, {transform_indices = #map1}, {transform_indices = #map}, {transform_indices = #map1}]} {
    %mul3A = arith.constant 2 : i32
    %mul3A_0 = arith.muli %arg1, %mul3A : i32
    %add3A = arith.addi %mul3A_0, %arg0 : i32
    %mul3A_1 = arith.constant 200 : i32
    %mul3A_2 = arith.muli %add3A, %mul3A_1 : i32
    "tpu.region"() ({
      %run_scoped3A = tpu.sem_alloc : memref<!tpu.dma_semaphore, #tpu.memory_space<semaphore_mem>>
      tpu.enqueue_dma source(%arg3 : memref<50000xf32, #tpu.memory_space<hbm>>) target(%arg12 : memref<50000xf32, #tpu.memory_space<vmem>>) target_semaphore(%run_scoped3A : memref<!tpu.dma_semaphore, #tpu.memory_space<semaphore_mem>>)
      tpu.wait_dma2 semaphore(%run_scoped3A : memref<!tpu.dma_semaphore, #tpu.memory_space<semaphore_mem>>) src(%arg3 : memref<50000xf32, #tpu.memory_space<hbm>>) dst(%arg12 : memref<50000xf32, #tpu.memory_space<vmem>>)
      tpu.yield
    }) : () -> ()
    %scan3A = arith.constant 0 : i32
    %scan3A_3 = arith.constant 0 : i32
    %scan3A_4 = arith.constant 25 : i32
    %scan3A_5 = arith.addi %scan3A_3, %scan3A_4 : i32
    %scan3A_6 = arith.constant 1 : i32
    scf.for %scan3A_8 = %scan3A_3 to %scan3A_5 step %scan3A_6  : i32 {
      %mul3A_9 = arith.constant 8 : i32
      %mul3A_10 = arith.muli %scan3A_8, %mul3A_9 : i32
      %add3A_11 = arith.addi %mul3A_2, %mul3A_10 : i32
      %mul3A_12 = arith.constant 128 : i32
      %mul3A_13 = arith.muli %add3A_11, %mul3A_12 : i32
      "tpu.region"() ({
        %run_scoped3A = tpu.sem_alloc : memref<!tpu.dma_semaphore, #tpu.memory_space<semaphore_mem>>
        %dma_start3A_489 = arith.constant 0 : i32
        %dma_start3A_490 = tpu.memref_slice %arg4[%add3A_11, %dma_start3A_489] : memref<6400x128xi32, #tpu.memory_space<hbm>> -> memref<8x128xi32, #tpu.memory_space<hbm>>
        %dma_start3A_491 = arith.constant 0 : i32
        %dma_start3A_492 = tpu.memref_slice %arg4[%add3A_11, %dma_start3A_491] : memref<6400x128xi32, #tpu.memory_space<hbm>> -> memref<8x128xi32, #tpu.memory_space<hbm>>
        tpu.enqueue_dma source(%dma_start3A_492 : memref<8x128xi32, #tpu.memory_space<hbm>>) target(%arg8 : memref<8x128xi32, #tpu.memory_space<vmem>>) target_semaphore(%run_scoped3A : memref<!tpu.dma_semaphore, #tpu.memory_space<semaphore_mem>>)
        %dma_wait3A_493 = arith.constant 0 : i32
        %dma_wait3A_494 = tpu.memref_slice %arg4[%add3A_11, %dma_wait3A_493] : memref<6400x128xi32, #tpu.memory_space<hbm>> -> memref<8x128xi32, #tpu.memory_space<hbm>>
        %dma_wait3A_495 = arith.constant 0 : i32
        %dma_wait3A_496 = tpu.memref_slice %arg4[%add3A_11, %dma_wait3A_495] : memref<6400x128xi32, #tpu.memory_space<hbm>> -> memref<8x128xi32, #tpu.memory_space<hbm>>
        tpu.wait_dma2 semaphore(%run_scoped3A : memref<!tpu.dma_semaphore, #tpu.memory_space<semaphore_mem>>) src(%dma_wait3A_496 : memref<8x128xi32, #tpu.memory_space<hbm>>) dst(%arg8 : memref<8x128xi32, #tpu.memory_space<vmem>>)
        tpu.yield
      }) : () -> ()
      %dma_start3A = arith.constant 0 : i32
      %dma_start3A_14 = arith.constant 0 : i32
      %dma_start3A_15 = arith.constant 0 : i32
      %dma_start3A_16 = tpu.memref_slice %arg9[%dma_start3A_14, %dma_start3A_15] : memref<1024x16xf32, #tpu.memory_space<vmem>> -> memref<128x16xf32, #tpu.memory_space<vmem>>
      %dma_start3A_17 = arith.constant 0 : i32
      %dma_start3A_18 = tpu.memref_slice %arg8[%dma_start3A, %dma_start3A_17] : memref<8x128xi32, #tpu.memory_space<vmem>> -> memref<1x128xi32, #tpu.memory_space<vmem>>
      %dma_start3A_19 = tpu.memref_squeeze %dma_start3A_18 : memref<1x128xi32, #tpu.memory_space<vmem>> -> memref<128xi32, #tpu.memory_space<vmem>>
      %dma_start3A_20 = arith.constant 0 : i32
      %dma_start3A_21 = arith.constant 0 : i32
      %dma_start3A_22 = tpu.memref_slice %arg2[%dma_start3A_20, %dma_start3A_21] : memref<50000x16xf32, #tpu.memory_space<hbm>> -> memref<50000x16xf32, #tpu.memory_space<hbm>>
      tpu.enqueue_indirect_dma source(%dma_start3A_22 : memref<50000x16xf32, #tpu.memory_space<hbm>>) target(%dma_start3A_16 : memref<128x16xf32, #tpu.memory_space<vmem>>) offsets(%dma_start3A_19 : memref<128xi32, #tpu.memory_space<vmem>>) semaphore(%arg13 : memref<!tpu.dma_semaphore, #tpu.memory_space<semaphore_mem>>)
      %dma_start3A_23 = arith.constant 1 : i32
      %dma_start3A_24 = arith.constant 128 : i32
      %dma_start3A_25 = arith.constant 0 : i32
      %dma_start3A_26 = tpu.memref_slice %arg9[%dma_start3A_24, %dma_start3A_25] : memref<1024x16xf32, #tpu.memory_space<vmem>> -> memref<128x16xf32, #tpu.memory_space<vmem>>
      %dma_start3A_27 = arith.constant 0 : i32
      %dma_start3A_28 = tpu.memref_slice %arg8[%dma_start3A_23, %dma_start3A_27] : memref<8x128xi32, #tpu.memory_space<vmem>> -> memref<1x128xi32, #tpu.memory_space<vmem>>
      %dma_start3A_29 = tpu.memref_squeeze %dma_start3A_28 : memref<1x128xi32, #tpu.memory_space<vmem>> -> memref<128xi32, #tpu.memory_space<vmem>>
      %dma_start3A_30 = arith.constant 0 : i32
      %dma_start3A_31 = arith.constant 0 : i32
      %dma_start3A_32 = tpu.memref_slice %arg2[%dma_start3A_30, %dma_start3A_31] : memref<50000x16xf32, #tpu.memory_space<hbm>> -> memref<50000x16xf32, #tpu.memory_space<hbm>>
      tpu.enqueue_indirect_dma source(%dma_start3A_32 : memref<50000x16xf32, #tpu.memory_space<hbm>>) target(%dma_start3A_26 : memref<128x16xf32, #tpu.memory_space<vmem>>) offsets(%dma_start3A_29 : memref<128xi32, #tpu.memory_space<vmem>>) semaphore(%arg13 : memref<!tpu.dma_semaphore, #tpu.memory_space<semaphore_mem>>)
      %dma_start3A_33 = arith.constant 2 : i32
      %dma_start3A_34 = arith.constant 256 : i32
      %dma_start3A_35 = arith.constant 0 : i32
      %dma_start3A_36 = tpu.memref_slice %arg9[%dma_start3A_34, %dma_start3A_35] : memref<1024x16xf32, #tpu.memory_space<vmem>> -> memref<128x16xf32, #tpu.memory_space<vmem>>
      %dma_start3A_37 = arith.constant 0 : i32
      %dma_start3A_38 = tpu.memref_slice %arg8[%dma_start3A_33, %dma_start3A_37] : memref<8x128xi32, #tpu.memory_space<vmem>> -> memref<1x128xi32, #tpu.memory_space<vmem>>
      %dma_start3A_39 = tpu.memref_squeeze %dma_start3A_38 : memref<1x128xi32, #tpu.memory_space<vmem>> -> memref<128xi32, #tpu.memory_space<vmem>>
      %dma_start3A_40 = arith.constant 0 : i32
      %dma_start3A_41 = arith.constant 0 : i32
      %dma_start3A_42 = tpu.memref_slice %arg2[%dma_start3A_40, %dma_start3A_41] : memref<50000x16xf32, #tpu.memory_space<hbm>> -> memref<50000x16xf32, #tpu.memory_space<hbm>>
      tpu.enqueue_indirect_dma source(%dma_start3A_42 : memref<50000x16xf32, #tpu.memory_space<hbm>>) target(%dma_start3A_36 : memref<128x16xf32, #tpu.memory_space<vmem>>) offsets(%dma_start3A_39 : memref<128xi32, #tpu.memory_space<vmem>>) semaphore(%arg13 : memref<!tpu.dma_semaphore, #tpu.memory_space<semaphore_mem>>)
      %dma_start3A_43 = arith.constant 3 : i32
      %dma_start3A_44 = arith.constant 384 : i32
      %dma_start3A_45 = arith.constant 0 : i32
      %dma_start3A_46 = tpu.memref_slice %arg9[%dma_start3A_44, %dma_start3A_45] : memref<1024x16xf32, #tpu.memory_space<vmem>> -> memref<128x16xf32, #tpu.memory_space<vmem>>
      %dma_start3A_47 = arith.constant 0 : i32
      %dma_start3A_48 = tpu.memref_slice %arg8[%dma_start3A_43, %dma_start3A_47] : memref<8x128xi32, #tpu.memory_space<vmem>> -> memref<1x128xi32, #tpu.memory_space<vmem>>
      %dma_start3A_49 = tpu.memref_squeeze %dma_start3A_48 : memref<1x128xi32, #tpu.memory_space<vmem>> -> memref<128xi32, #tpu.memory_space<vmem>>
      %dma_start3A_50 = arith.constant 0 : i32
      %dma_start3A_51 = arith.constant 0 : i32
      %dma_start3A_52 = tpu.memref_slice %arg2[%dma_start3A_50, %dma_start3A_51] : memref<50000x16xf32, #tpu.memory_space<hbm>> -> memref<50000x16xf32, #tpu.memory_space<hbm>>
      tpu.enqueue_indirect_dma source(%dma_start3A_52 : memref<50000x16xf32, #tpu.memory_space<hbm>>) target(%dma_start3A_46 : memref<128x16xf32, #tpu.memory_space<vmem>>) offsets(%dma_start3A_49 : memref<128xi32, #tpu.memory_space<vmem>>) semaphore(%arg13 : memref<!tpu.dma_semaphore, #tpu.memory_space<semaphore_mem>>)
      %dma_start3A_53 = arith.constant 4 : i32
      %dma_start3A_54 = arith.constant 512 : i32
      %dma_start3A_55 = arith.constant 0 : i32
      %dma_start3A_56 = tpu.memref_slice %arg9[%dma_start3A_54, %dma_start3A_55] : memref<1024x16xf32, #tpu.memory_space<vmem>> -> memref<128x16xf32, #tpu.memory_space<vmem>>
      %dma_start3A_57 = arith.constant 0 : i32
      %dma_start3A_58 = tpu.memref_slice %arg8[%dma_start3A_53, %dma_start3A_57] : memref<8x128xi32, #tpu.memory_space<vmem>> -> memref<1x128xi32, #tpu.memory_space<vmem>>
      %dma_start3A_59 = tpu.memref_squeeze %dma_start3A_58 : memref<1x128xi32, #tpu.memory_space<vmem>> -> memref<128xi32, #tpu.memory_space<vmem>>
      %dma_start3A_60 = arith.constant 0 : i32
      %dma_start3A_61 = arith.constant 0 : i32
      %dma_start3A_62 = tpu.memref_slice %arg2[%dma_start3A_60, %dma_start3A_61] : memref<50000x16xf32, #tpu.memory_space<hbm>> -> memref<50000x16xf32, #tpu.memory_space<hbm>>
      tpu.enqueue_indirect_dma source(%dma_start3A_62 : memref<50000x16xf32, #tpu.memory_space<hbm>>) target(%dma_start3A_56 : memref<128x16xf32, #tpu.memory_space<vmem>>) offsets(%dma_start3A_59 : memref<128xi32, #tpu.memory_space<vmem>>) semaphore(%arg13 : memref<!tpu.dma_semaphore, #tpu.memory_space<semaphore_mem>>)
      %dma_start3A_63 = arith.constant 5 : i32
      %dma_start3A_64 = arith.constant 640 : i32
      %dma_start3A_65 = arith.constant 0 : i32
      %dma_start3A_66 = tpu.memref_slice %arg9[%dma_start3A_64, %dma_start3A_65] : memref<1024x16xf32, #tpu.memory_space<vmem>> -> memref<128x16xf32, #tpu.memory_space<vmem>>
      %dma_start3A_67 = arith.constant 0 : i32
      %dma_start3A_68 = tpu.memref_slice %arg8[%dma_start3A_63, %dma_start3A_67] : memref<8x128xi32, #tpu.memory_space<vmem>> -> memref<1x128xi32, #tpu.memory_space<vmem>>
      %dma_start3A_69 = tpu.memref_squeeze %dma_start3A_68 : memref<1x128xi32, #tpu.memory_space<vmem>> -> memref<128xi32, #tpu.memory_space<vmem>>
      %dma_start3A_70 = arith.constant 0 : i32
      %dma_start3A_71 = arith.constant 0 : i32
      %dma_start3A_72 = tpu.memref_slice %arg2[%dma_start3A_70, %dma_start3A_71] : memref<50000x16xf32, #tpu.memory_space<hbm>> -> memref<50000x16xf32, #tpu.memory_space<hbm>>
      tpu.enqueue_indirect_dma source(%dma_start3A_72 : memref<50000x16xf32, #tpu.memory_space<hbm>>) target(%dma_start3A_66 : memref<128x16xf32, #tpu.memory_space<vmem>>) offsets(%dma_start3A_69 : memref<128xi32, #tpu.memory_space<vmem>>) semaphore(%arg13 : memref<!tpu.dma_semaphore, #tpu.memory_space<semaphore_mem>>)
      %dma_start3A_73 = arith.constant 6 : i32
      %dma_start3A_74 = arith.constant 768 : i32
      %dma_start3A_75 = arith.constant 0 : i32
      %dma_start3A_76 = tpu.memref_slice %arg9[%dma_start3A_74, %dma_start3A_75] : memref<1024x16xf32, #tpu.memory_space<vmem>> -> memref<128x16xf32, #tpu.memory_space<vmem>>
      %dma_start3A_77 = arith.constant 0 : i32
      %dma_start3A_78 = tpu.memref_slice %arg8[%dma_start3A_73, %dma_start3A_77] : memref<8x128xi32, #tpu.memory_space<vmem>> -> memref<1x128xi32, #tpu.memory_space<vmem>>
      %dma_start3A_79 = tpu.memref_squeeze %dma_start3A_78 : memref<1x128xi32, #tpu.memory_space<vmem>> -> memref<128xi32, #tpu.memory_space<vmem>>
      %dma_start3A_80 = arith.constant 0 : i32
      %dma_start3A_81 = arith.constant 0 : i32
      %dma_start3A_82 = tpu.memref_slice %arg2[%dma_start3A_80, %dma_start3A_81] : memref<50000x16xf32, #tpu.memory_space<hbm>> -> memref<50000x16xf32, #tpu.memory_space<hbm>>
      tpu.enqueue_indirect_dma source(%dma_start3A_82 : memref<50000x16xf32, #tpu.memory_space<hbm>>) target(%dma_start3A_76 : memref<128x16xf32, #tpu.memory_space<vmem>>) offsets(%dma_start3A_79 : memref<128xi32, #tpu.memory_space<vmem>>) semaphore(%arg13 : memref<!tpu.dma_semaphore, #tpu.memory_space<semaphore_mem>>)
      %dma_start3A_83 = arith.constant 7 : i32
      %dma_start3A_84 = arith.constant 896 : i32
      %dma_start3A_85 = arith.constant 0 : i32
      %dma_start3A_86 = tpu.memref_slice %arg9[%dma_start3A_84, %dma_start3A_85] : memref<1024x16xf32, #tpu.memory_space<vmem>> -> memref<128x16xf32, #tpu.memory_space<vmem>>
      %dma_start3A_87 = arith.constant 0 : i32
      %dma_start3A_88 = tpu.memref_slice %arg8[%dma_start3A_83, %dma_start3A_87] : memref<8x128xi32, #tpu.memory_space<vmem>> -> memref<1x128xi32, #tpu.memory_space<vmem>>
      %dma_start3A_89 = tpu.memref_squeeze %dma_start3A_88 : memref<1x128xi32, #tpu.memory_space<vmem>> -> memref<128xi32, #tpu.memory_space<vmem>>
      %dma_start3A_90 = arith.constant 0 : i32
      %dma_start3A_91 = arith.constant 0 : i32
      %dma_start3A_92 = tpu.memref_slice %arg2[%dma_start3A_90, %dma_start3A_91] : memref<50000x16xf32, #tpu.memory_space<hbm>> -> memref<50000x16xf32, #tpu.memory_space<hbm>>
      tpu.enqueue_indirect_dma source(%dma_start3A_92 : memref<50000x16xf32, #tpu.memory_space<hbm>>) target(%dma_start3A_86 : memref<128x16xf32, #tpu.memory_space<vmem>>) offsets(%dma_start3A_89 : memref<128xi32, #tpu.memory_space<vmem>>) semaphore(%arg13 : memref<!tpu.dma_semaphore, #tpu.memory_space<semaphore_mem>>)
      "tpu.region"() ({
        %run_scoped3A = tpu.sem_alloc : memref<!tpu.dma_semaphore, #tpu.memory_space<semaphore_mem>>
        %dma_start3A_489 = tpu.memref_slice %arg5[%mul3A_13] : memref<819200xi32, #tpu.memory_space<hbm>> -> memref<1024xi32, #tpu.memory_space<hbm>>
        %dma_start3A_490 = tpu.memref_slice %arg5[%mul3A_13] : memref<819200xi32, #tpu.memory_space<hbm>> -> memref<1024xi32, #tpu.memory_space<hbm>>
        tpu.enqueue_dma source(%dma_start3A_490 : memref<1024xi32, #tpu.memory_space<hbm>>) target(%arg10 : memref<1024xi32, #tpu.memory_space<vmem>>) target_semaphore(%run_scoped3A : memref<!tpu.dma_semaphore, #tpu.memory_space<semaphore_mem>>)
        %dma_wait3A_491 = tpu.memref_slice %arg5[%mul3A_13] : memref<819200xi32, #tpu.memory_space<hbm>> -> memref<1024xi32, #tpu.memory_space<hbm>>
        %dma_wait3A_492 = tpu.memref_slice %arg5[%mul3A_13] : memref<819200xi32, #tpu.memory_space<hbm>> -> memref<1024xi32, #tpu.memory_space<hbm>>
        tpu.wait_dma2 semaphore(%run_scoped3A : memref<!tpu.dma_semaphore, #tpu.memory_space<semaphore_mem>>) src(%dma_wait3A_492 : memref<1024xi32, #tpu.memory_space<hbm>>) dst(%arg10 : memref<1024xi32, #tpu.memory_space<vmem>>)
        tpu.yield
      }) : () -> ()
      %dma_wait3A = arith.constant 0 : i32
      %dma_wait3A_93 = arith.constant 0 : i32
      %dma_wait3A_94 = arith.constant 0 : i32
      %dma_wait3A_95 = tpu.memref_slice %arg9[%dma_wait3A_93, %dma_wait3A_94] : memref<1024x16xf32, #tpu.memory_space<vmem>> -> memref<128x16xf32, #tpu.memory_space<vmem>>
      %dma_wait3A_96 = arith.constant 0 : i32
      %dma_wait3A_97 = tpu.memref_slice %arg8[%dma_wait3A, %dma_wait3A_96] : memref<8x128xi32, #tpu.memory_space<vmem>> -> memref<1x128xi32, #tpu.memory_space<vmem>>
      %dma_wait3A_98 = tpu.memref_squeeze %dma_wait3A_97 : memref<1x128xi32, #tpu.memory_space<vmem>> -> memref<128xi32, #tpu.memory_space<vmem>>
      %dma_wait3A_99 = arith.constant 0 : i32
      %dma_wait3A_100 = arith.constant 0 : i32
      %dma_wait3A_101 = tpu.memref_slice %arg2[%dma_wait3A_99, %dma_wait3A_100] : memref<50000x16xf32, #tpu.memory_space<hbm>> -> memref<50000x16xf32, #tpu.memory_space<hbm>>
      tpu.wait_indirect_dma semaphore(%arg13 : memref<!tpu.dma_semaphore, #tpu.memory_space<semaphore_mem>>) src(%dma_wait3A_101 : memref<50000x16xf32, #tpu.memory_space<hbm>>) dst(%dma_wait3A_95 : memref<128x16xf32, #tpu.memory_space<vmem>>)
      %dma_wait3A_102 = arith.constant 1 : i32
      %dma_wait3A_103 = arith.constant 128 : i32
      %dma_wait3A_104 = arith.constant 0 : i32
      %dma_wait3A_105 = tpu.memref_slice %arg9[%dma_wait3A_103, %dma_wait3A_104] : memref<1024x16xf32, #tpu.memory_space<vmem>> -> memref<128x16xf32, #tpu.memory_space<vmem>>
      %dma_wait3A_106 = arith.constant 0 : i32
      %dma_wait3A_107 = tpu.memref_slice %arg8[%dma_wait3A_102, %dma_wait3A_106] : memref<8x128xi32, #tpu.memory_space<vmem>> -> memref<1x128xi32, #tpu.memory_space<vmem>>
      %dma_wait3A_108 = tpu.memref_squeeze %dma_wait3A_107 : memref<1x128xi32, #tpu.memory_space<vmem>> -> memref<128xi32, #tpu.memory_space<vmem>>
      %dma_wait3A_109 = arith.constant 0 : i32
      %dma_wait3A_110 = arith.constant 0 : i32
      %dma_wait3A_111 = tpu.memref_slice %arg2[%dma_wait3A_109, %dma_wait3A_110] : memref<50000x16xf32, #tpu.memory_space<hbm>> -> memref<50000x16xf32, #tpu.memory_space<hbm>>
      tpu.wait_indirect_dma semaphore(%arg13 : memref<!tpu.dma_semaphore, #tpu.memory_space<semaphore_mem>>) src(%dma_wait3A_111 : memref<50000x16xf32, #tpu.memory_space<hbm>>) dst(%dma_wait3A_105 : memref<128x16xf32, #tpu.memory_space<vmem>>)
      %dma_wait3A_112 = arith.constant 2 : i32
      %dma_wait3A_113 = arith.constant 256 : i32
      %dma_wait3A_114 = arith.constant 0 : i32
      %dma_wait3A_115 = tpu.memref_slice %arg9[%dma_wait3A_113, %dma_wait3A_114] : memref<1024x16xf32, #tpu.memory_space<vmem>> -> memref<128x16xf32, #tpu.memory_space<vmem>>
      %dma_wait3A_116 = arith.constant 0 : i32
      %dma_wait3A_117 = tpu.memref_slice %arg8[%dma_wait3A_112, %dma_wait3A_116] : memref<8x128xi32, #tpu.memory_space<vmem>> -> memref<1x128xi32, #tpu.memory_space<vmem>>
      %dma_wait3A_118 = tpu.memref_squeeze %dma_wait3A_117 : memref<1x128xi32, #tpu.memory_space<vmem>> -> memref<128xi32, #tpu.memory_space<vmem>>
      %dma_wait3A_119 = arith.constant 0 : i32
      %dma_wait3A_120 = arith.constant 0 : i32
      %dma_wait3A_121 = tpu.memref_slice %arg2[%dma_wait3A_119, %dma_wait3A_120] : memref<50000x16xf32, #tpu.memory_space<hbm>> -> memref<50000x16xf32, #tpu.memory_space<hbm>>
      tpu.wait_indirect_dma semaphore(%arg13 : memref<!tpu.dma_semaphore, #tpu.memory_space<semaphore_mem>>) src(%dma_wait3A_121 : memref<50000x16xf32, #tpu.memory_space<hbm>>) dst(%dma_wait3A_115 : memref<128x16xf32, #tpu.memory_space<vmem>>)
      %dma_wait3A_122 = arith.constant 3 : i32
      %dma_wait3A_123 = arith.constant 384 : i32
      %dma_wait3A_124 = arith.constant 0 : i32
      %dma_wait3A_125 = tpu.memref_slice %arg9[%dma_wait3A_123, %dma_wait3A_124] : memref<1024x16xf32, #tpu.memory_space<vmem>> -> memref<128x16xf32, #tpu.memory_space<vmem>>
      %dma_wait3A_126 = arith.constant 0 : i32
      %dma_wait3A_127 = tpu.memref_slice %arg8[%dma_wait3A_122, %dma_wait3A_126] : memref<8x128xi32, #tpu.memory_space<vmem>> -> memref<1x128xi32, #tpu.memory_space<vmem>>
      %dma_wait3A_128 = tpu.memref_squeeze %dma_wait3A_127 : memref<1x128xi32, #tpu.memory_space<vmem>> -> memref<128xi32, #tpu.memory_space<vmem>>
      %dma_wait3A_129 = arith.constant 0 : i32
      %dma_wait3A_130 = arith.constant 0 : i32
      %dma_wait3A_131 = tpu.memref_slice %arg2[%dma_wait3A_129, %dma_wait3A_130] : memref<50000x16xf32, #tpu.memory_space<hbm>> -> memref<50000x16xf32, #tpu.memory_space<hbm>>
      tpu.wait_indirect_dma semaphore(%arg13 : memref<!tpu.dma_semaphore, #tpu.memory_space<semaphore_mem>>) src(%dma_wait3A_131 : memref<50000x16xf32, #tpu.memory_space<hbm>>) dst(%dma_wait3A_125 : memref<128x16xf32, #tpu.memory_space<vmem>>)
      %dma_wait3A_132 = arith.constant 4 : i32
      %dma_wait3A_133 = arith.constant 512 : i32
      %dma_wait3A_134 = arith.constant 0 : i32
      %dma_wait3A_135 = tpu.memref_slice %arg9[%dma_wait3A_133, %dma_wait3A_134] : memref<1024x16xf32, #tpu.memory_space<vmem>> -> memref<128x16xf32, #tpu.memory_space<vmem>>
      %dma_wait3A_136 = arith.constant 0 : i32
      %dma_wait3A_137 = tpu.memref_slice %arg8[%dma_wait3A_132, %dma_wait3A_136] : memref<8x128xi32, #tpu.memory_space<vmem>> -> memref<1x128xi32, #tpu.memory_space<vmem>>
      %dma_wait3A_138 = tpu.memref_squeeze %dma_wait3A_137 : memref<1x128xi32, #tpu.memory_space<vmem>> -> memref<128xi32, #tpu.memory_space<vmem>>
      %dma_wait3A_139 = arith.constant 0 : i32
      %dma_wait3A_140 = arith.constant 0 : i32
      %dma_wait3A_141 = tpu.memref_slice %arg2[%dma_wait3A_139, %dma_wait3A_140] : memref<50000x16xf32, #tpu.memory_space<hbm>> -> memref<50000x16xf32, #tpu.memory_space<hbm>>
      tpu.wait_indirect_dma semaphore(%arg13 : memref<!tpu.dma_semaphore, #tpu.memory_space<semaphore_mem>>) src(%dma_wait3A_141 : memref<50000x16xf32, #tpu.memory_space<hbm>>) dst(%dma_wait3A_135 : memref<128x16xf32, #tpu.memory_space<vmem>>)
      %dma_wait3A_142 = arith.constant 5 : i32
      %dma_wait3A_143 = arith.constant 640 : i32
      %dma_wait3A_144 = arith.constant 0 : i32
      %dma_wait3A_145 = tpu.memref_slice %arg9[%dma_wait3A_143, %dma_wait3A_144] : memref<1024x16xf32, #tpu.memory_space<vmem>> -> memref<128x16xf32, #tpu.memory_space<vmem>>
      %dma_wait3A_146 = arith.constant 0 : i32
      %dma_wait3A_147 = tpu.memref_slice %arg8[%dma_wait3A_142, %dma_wait3A_146] : memref<8x128xi32, #tpu.memory_space<vmem>> -> memref<1x128xi32, #tpu.memory_space<vmem>>
      %dma_wait3A_148 = tpu.memref_squeeze %dma_wait3A_147 : memref<1x128xi32, #tpu.memory_space<vmem>> -> memref<128xi32, #tpu.memory_space<vmem>>
      %dma_wait3A_149 = arith.constant 0 : i32
      %dma_wait3A_150 = arith.constant 0 : i32
      %dma_wait3A_151 = tpu.memref_slice %arg2[%dma_wait3A_149, %dma_wait3A_150] : memref<50000x16xf32, #tpu.memory_space<hbm>> -> memref<50000x16xf32, #tpu.memory_space<hbm>>
      tpu.wait_indirect_dma semaphore(%arg13 : memref<!tpu.dma_semaphore, #tpu.memory_space<semaphore_mem>>) src(%dma_wait3A_151 : memref<50000x16xf32, #tpu.memory_space<hbm>>) dst(%dma_wait3A_145 : memref<128x16xf32, #tpu.memory_space<vmem>>)
      %dma_wait3A_152 = arith.constant 6 : i32
      %dma_wait3A_153 = arith.constant 768 : i32
      %dma_wait3A_154 = arith.constant 0 : i32
      %dma_wait3A_155 = tpu.memref_slice %arg9[%dma_wait3A_153, %dma_wait3A_154] : memref<1024x16xf32, #tpu.memory_space<vmem>> -> memref<128x16xf32, #tpu.memory_space<vmem>>
      %dma_wait3A_156 = arith.constant 0 : i32
      %dma_wait3A_157 = tpu.memref_slice %arg8[%dma_wait3A_152, %dma_wait3A_156] : memref<8x128xi32, #tpu.memory_space<vmem>> -> memref<1x128xi32, #tpu.memory_space<vmem>>
      %dma_wait3A_158 = tpu.memref_squeeze %dma_wait3A_157 : memref<1x128xi32, #tpu.memory_space<vmem>> -> memref<128xi32, #tpu.memory_space<vmem>>
      %dma_wait3A_159 = arith.constant 0 : i32
      %dma_wait3A_160 = arith.constant 0 : i32
      %dma_wait3A_161 = tpu.memref_slice %arg2[%dma_wait3A_159, %dma_wait3A_160] : memref<50000x16xf32, #tpu.memory_space<hbm>> -> memref<50000x16xf32, #tpu.memory_space<hbm>>
      tpu.wait_indirect_dma semaphore(%arg13 : memref<!tpu.dma_semaphore, #tpu.memory_space<semaphore_mem>>) src(%dma_wait3A_161 : memref<50000x16xf32, #tpu.memory_space<hbm>>) dst(%dma_wait3A_155 : memref<128x16xf32, #tpu.memory_space<vmem>>)
      %dma_wait3A_162 = arith.constant 7 : i32
      %dma_wait3A_163 = arith.constant 896 : i32
      %dma_wait3A_164 = arith.constant 0 : i32
      %dma_wait3A_165 = tpu.memref_slice %arg9[%dma_wait3A_163, %dma_wait3A_164] : memref<1024x16xf32, #tpu.memory_space<vmem>> -> memref<128x16xf32, #tpu.memory_space<vmem>>
      %dma_wait3A_166 = arith.constant 0 : i32
      %dma_wait3A_167 = tpu.memref_slice %arg8[%dma_wait3A_162, %dma_wait3A_166] : memref<8x128xi32, #tpu.memory_space<vmem>> -> memref<1x128xi32, #tpu.memory_space<vmem>>
      %dma_wait3A_168 = tpu.memref_squeeze %dma_wait3A_167 : memref<1x128xi32, #tpu.memory_space<vmem>> -> memref<128xi32, #tpu.memory_space<vmem>>
      %dma_wait3A_169 = arith.constant 0 : i32
      %dma_wait3A_170 = arith.constant 0 : i32
      %dma_wait3A_171 = tpu.memref_slice %arg2[%dma_wait3A_169, %dma_wait3A_170] : memref<50000x16xf32, #tpu.memory_space<hbm>> -> memref<50000x16xf32, #tpu.memory_space<hbm>>
      tpu.wait_indirect_dma semaphore(%arg13 : memref<!tpu.dma_semaphore, #tpu.memory_space<semaphore_mem>>) src(%dma_wait3A_171 : memref<50000x16xf32, #tpu.memory_space<hbm>>) dst(%dma_wait3A_165 : memref<128x16xf32, #tpu.memory_space<vmem>>)
      "tpu.region"() ({
        %run_scoped3A = tpu.sem_alloc : memref<!tpu.dma_semaphore, #tpu.memory_space<semaphore_mem>>
        %dma_start3A_489 = arith.constant 0 : i32
        %dma_start3A_490 = tpu.memref_slice %arg6[%mul3A_13, %dma_start3A_489] : memref<819200x16xf32, #tpu.memory_space<hbm>> -> memref<1024x16xf32, #tpu.memory_space<hbm>>
        %dma_start3A_491 = arith.constant 0 : i32
        %dma_start3A_492 = tpu.memref_slice %arg6[%mul3A_13, %dma_start3A_491] : memref<819200x16xf32, #tpu.memory_space<hbm>> -> memref<1024x16xf32, #tpu.memory_space<hbm>>
        tpu.enqueue_dma source(%arg9 : memref<1024x16xf32, #tpu.memory_space<vmem>>) target(%dma_start3A_492 : memref<1024x16xf32, #tpu.memory_space<hbm>>) target_semaphore(%run_scoped3A : memref<!tpu.dma_semaphore, #tpu.memory_space<semaphore_mem>>)
        %dma_wait3A_493 = arith.constant 0 : i32
        %dma_wait3A_494 = tpu.memref_slice %arg6[%mul3A_13, %dma_wait3A_493] : memref<819200x16xf32, #tpu.memory_space<hbm>> -> memref<1024x16xf32, #tpu.memory_space<hbm>>
        %dma_wait3A_495 = arith.constant 0 : i32
        %dma_wait3A_496 = tpu.memref_slice %arg6[%mul3A_13, %dma_wait3A_495] : memref<819200x16xf32, #tpu.memory_space<hbm>> -> memref<1024x16xf32, #tpu.memory_space<hbm>>
        tpu.wait_dma2 semaphore(%run_scoped3A : memref<!tpu.dma_semaphore, #tpu.memory_space<semaphore_mem>>) src(%arg9 : memref<1024x16xf32, #tpu.memory_space<vmem>>) dst(%dma_wait3A_496 : memref<1024x16xf32, #tpu.memory_space<hbm>>)
        tpu.yield
      }) : () -> ()
      %get3A = arith.constant 0 : index
      %get3A_172 = tpu.vector_load %arg10[%get3A] {strides = array<i32>} : memref<1024xi32, #tpu.memory_space<vmem>>, vector<16xi32>,
      %gather3A = tpu.vector_load_idx %arg12[%get3A_172] : memref<50000xf32, #tpu.memory_space<vmem>>[vector<16xi32>], vector<16xf32>,
      %swap3A = arith.constant 0 : index
      %swap3A_173 = tpu.vector_load %arg11[%swap3A] {strides = array<i32>} : memref<1024xf32, #tpu.memory_space<vmem>>, vector<16xf32>,
      tpu.vector_store %arg11[%swap3A], %gather3A {strides = array<i32>} : memref<1024xf32, #tpu.memory_space<vmem>>, vector<16xf32>,
      %get3A_174 = arith.constant 16 : index
      %get3A_175 = tpu.vector_load %arg10[%get3A_174] {strides = array<i32>} : memref<1024xi32, #tpu.memory_space<vmem>>, vector<16xi32>,
      %gather3A_176 = tpu.vector_load_idx %arg12[%get3A_175] : memref<50000xf32, #tpu.memory_space<vmem>>[vector<16xi32>], vector<16xf32>,
      %swap3A_177 = arith.constant 16 : index
      %swap3A_178 = tpu.vector_load %arg11[%swap3A_177] {strides = array<i32>} : memref<1024xf32, #tpu.memory_space<vmem>>, vector<16xf32>,
      tpu.vector_store %arg11[%swap3A_177], %gather3A_176 {strides = array<i32>} : memref<1024xf32, #tpu.memory_space<vmem>>, vector<16xf32>,
      %get3A_179 = arith.constant 32 : index
      %get3A_180 = tpu.vector_load %arg10[%get3A_179] {strides = array<i32>} : memref<1024xi32, #tpu.memory_space<vmem>>, vector<16xi32>,
      %gather3A_181 = tpu.vector_load_idx %arg12[%get3A_180] : memref<50000xf32, #tpu.memory_space<vmem>>[vector<16xi32>], vector<16xf32>,
      %swap3A_182 = arith.constant 32 : index
      %swap3A_183 = tpu.vector_load %arg11[%swap3A_182] {strides = array<i32>} : memref<1024xf32, #tpu.memory_space<vmem>>, vector<16xf32>,
      tpu.vector_store %arg11[%swap3A_182], %gather3A_181 {strides = array<i32>} : memref<1024xf32, #tpu.memory_space<vmem>>, vector<16xf32>,
      %get3A_184 = arith.constant 48 : index
      %get3A_185 = tpu.vector_load %arg10[%get3A_184] {strides = array<i32>} : memref<1024xi32, #tpu.memory_space<vmem>>, vector<16xi32>,
      %gather3A_186 = tpu.vector_load_idx %arg12[%get3A_185] : memref<50000xf32, #tpu.memory_space<vmem>>[vector<16xi32>], vector<16xf32>,
      %swap3A_187 = arith.constant 48 : index
      %swap3A_188 = tpu.vector_load %arg11[%swap3A_187] {strides = array<i32>} : memref<1024xf32, #tpu.memory_space<vmem>>, vector<16xf32>,
      tpu.vector_store %arg11[%swap3A_187], %gather3A_186 {strides = array<i32>} : memref<1024xf32, #tpu.memory_space<vmem>>, vector<16xf32>,
      %get3A_189 = arith.constant 64 : index
      %get3A_190 = tpu.vector_load %arg10[%get3A_189] {strides = array<i32>} : memref<1024xi32, #tpu.memory_space<vmem>>, vector<16xi32>,
      %gather3A_191 = tpu.vector_load_idx %arg12[%get3A_190] : memref<50000xf32, #tpu.memory_space<vmem>>[vector<16xi32>], vector<16xf32>,
      %swap3A_192 = arith.constant 64 : index
      %swap3A_193 = tpu.vector_load %arg11[%swap3A_192] {strides = array<i32>} : memref<1024xf32, #tpu.memory_space<vmem>>, vector<16xf32>,
      tpu.vector_store %arg11[%swap3A_192], %gather3A_191 {strides = array<i32>} : memref<1024xf32, #tpu.memory_space<vmem>>, vector<16xf32>,
      %get3A_194 = arith.constant 80 : index
      %get3A_195 = tpu.vector_load %arg10[%get3A_194] {strides = array<i32>} : memref<1024xi32, #tpu.memory_space<vmem>>, vector<16xi32>,
      %gather3A_196 = tpu.vector_load_idx %arg12[%get3A_195] : memref<50000xf32, #tpu.memory_space<vmem>>[vector<16xi32>], vector<16xf32>,
      %swap3A_197 = arith.constant 80 : index
      %swap3A_198 = tpu.vector_load %arg11[%swap3A_197] {strides = array<i32>} : memref<1024xf32, #tpu.memory_space<vmem>>, vector<16xf32>,
      tpu.vector_store %arg11[%swap3A_197], %gather3A_196 {strides = array<i32>} : memref<1024xf32, #tpu.memory_space<vmem>>, vector<16xf32>,
      %get3A_199 = arith.constant 96 : index
      %get3A_200 = tpu.vector_load %arg10[%get3A_199] {strides = array<i32>} : memref<1024xi32, #tpu.memory_space<vmem>>, vector<16xi32>,
      %gather3A_201 = tpu.vector_load_idx %arg12[%get3A_200] : memref<50000xf32, #tpu.memory_space<vmem>>[vector<16xi32>], vector<16xf32>,
      %swap3A_202 = arith.constant 96 : index
      %swap3A_203 = tpu.vector_load %arg11[%swap3A_202] {strides = array<i32>} : memref<1024xf32, #tpu.memory_space<vmem>>, vector<16xf32>,
      tpu.vector_store %arg11[%swap3A_202], %gather3A_201 {strides = array<i32>} : memref<1024xf32, #tpu.memory_space<vmem>>, vector<16xf32>,
      %get3A_204 = arith.constant 112 : index
      %get3A_205 = tpu.vector_load %arg10[%get3A_204] {strides = array<i32>} : memref<1024xi32, #tpu.memory_space<vmem>>, vector<16xi32>,
      %gather3A_206 = tpu.vector_load_idx %arg12[%get3A_205] : memref<50000xf32, #tpu.memory_space<vmem>>[vector<16xi32>], vector<16xf32>,
      %swap3A_207 = arith.constant 112 : index
      %swap3A_208 = tpu.vector_load %arg11[%swap3A_207] {strides = array<i32>} : memref<1024xf32, #tpu.memory_space<vmem>>, vector<16xf32>,
      tpu.vector_store %arg11[%swap3A_207], %gather3A_206 {strides = array<i32>} : memref<1024xf32, #tpu.memory_space<vmem>>, vector<16xf32>,
      %get3A_209 = arith.constant 128 : index
      %get3A_210 = tpu.vector_load %arg10[%get3A_209] {strides = array<i32>} : memref<1024xi32, #tpu.memory_space<vmem>>, vector<16xi32>,
      %gather3A_211 = tpu.vector_load_idx %arg12[%get3A_210] : memref<50000xf32, #tpu.memory_space<vmem>>[vector<16xi32>], vector<16xf32>,
      %swap3A_212 = arith.constant 128 : index
      %swap3A_213 = tpu.vector_load %arg11[%swap3A_212] {strides = array<i32>} : memref<1024xf32, #tpu.memory_space<vmem>>, vector<16xf32>,
      tpu.vector_store %arg11[%swap3A_212], %gather3A_211 {strides = array<i32>} : memref<1024xf32, #tpu.memory_space<vmem>>, vector<16xf32>,
      %get3A_214 = arith.constant 144 : index
      %get3A_215 = tpu.vector_load %arg10[%get3A_214] {strides = array<i32>} : memref<1024xi32, #tpu.memory_space<vmem>>, vector<16xi32>,
      %gather3A_216 = tpu.vector_load_idx %arg12[%get3A_215] : memref<50000xf32, #tpu.memory_space<vmem>>[vector<16xi32>], vector<16xf32>,
      %swap3A_217 = arith.constant 144 : index
      %swap3A_218 = tpu.vector_load %arg11[%swap3A_217] {strides = array<i32>} : memref<1024xf32, #tpu.memory_space<vmem>>, vector<16xf32>,
      tpu.vector_store %arg11[%swap3A_217], %gather3A_216 {strides = array<i32>} : memref<1024xf32, #tpu.memory_space<vmem>>, vector<16xf32>,
      %get3A_219 = arith.constant 160 : index
      %get3A_220 = tpu.vector_load %arg10[%get3A_219] {strides = array<i32>} : memref<1024xi32, #tpu.memory_space<vmem>>, vector<16xi32>,
      %gather3A_221 = tpu.vector_load_idx %arg12[%get3A_220] : memref<50000xf32, #tpu.memory_space<vmem>>[vector<16xi32>], vector<16xf32>,
      %swap3A_222 = arith.constant 160 : index
      %swap3A_223 = tpu.vector_load %arg11[%swap3A_222] {strides = array<i32>} : memref<1024xf32, #tpu.memory_space<vmem>>, vector<16xf32>,
      tpu.vector_store %arg11[%swap3A_222], %gather3A_221 {strides = array<i32>} : memref<1024xf32, #tpu.memory_space<vmem>>, vector<16xf32>,
      %get3A_224 = arith.constant 176 : index
      %get3A_225 = tpu.vector_load %arg10[%get3A_224] {strides = array<i32>} : memref<1024xi32, #tpu.memory_space<vmem>>, vector<16xi32>,
      %gather3A_226 = tpu.vector_load_idx %arg12[%get3A_225] : memref<50000xf32, #tpu.memory_space<vmem>>[vector<16xi32>], vector<16xf32>,
      %swap3A_227 = arith.constant 176 : index
      %swap3A_228 = tpu.vector_load %arg11[%swap3A_227] {strides = array<i32>} : memref<1024xf32, #tpu.memory_space<vmem>>, vector<16xf32>,
      tpu.vector_store %arg11[%swap3A_227], %gather3A_226 {strides = array<i32>} : memref<1024xf32, #tpu.memory_space<vmem>>, vector<16xf32>,
      %get3A_229 = arith.constant 192 : index
      %get3A_230 = tpu.vector_load %arg10[%get3A_229] {strides = array<i32>} : memref<1024xi32, #tpu.memory_space<vmem>>, vector<16xi32>,
      %gather3A_231 = tpu.vector_load_idx %arg12[%get3A_230] : memref<50000xf32, #tpu.memory_space<vmem>>[vector<16xi32>], vector<16xf32>,
      %swap3A_232 = arith.constant 192 : index
      %swap3A_233 = tpu.vector_load %arg11[%swap3A_232] {strides = array<i32>} : memref<1024xf32, #tpu.memory_space<vmem>>, vector<16xf32>,
      tpu.vector_store %arg11[%swap3A_232], %gather3A_231 {strides = array<i32>} : memref<1024xf32, #tpu.memory_space<vmem>>, vector<16xf32>,
      %get3A_234 = arith.constant 208 : index
      %get3A_235 = tpu.vector_load %arg10[%get3A_234] {strides = array<i32>} : memref<1024xi32, #tpu.memory_space<vmem>>, vector<16xi32>,
      %gather3A_236 = tpu.vector_load_idx %arg12[%get3A_235] : memref<50000xf32, #tpu.memory_space<vmem>>[vector<16xi32>], vector<16xf32>,
      %swap3A_237 = arith.constant 208 : index
      %swap3A_238 = tpu.vector_load %arg11[%swap3A_237] {strides = array<i32>} : memref<1024xf32, #tpu.memory_space<vmem>>, vector<16xf32>,
      tpu.vector_store %arg11[%swap3A_237], %gather3A_236 {strides = array<i32>} : memref<1024xf32, #tpu.memory_space<vmem>>, vector<16xf32>,
      %get3A_239 = arith.constant 224 : index
      %get3A_240 = tpu.vector_load %arg10[%get3A_239] {strides = array<i32>} : memref<1024xi32, #tpu.memory_space<vmem>>, vector<16xi32>,
      %gather3A_241 = tpu.vector_load_idx %arg12[%get3A_240] : memref<50000xf32, #tpu.memory_space<vmem>>[vector<16xi32>], vector<16xf32>,
      %swap3A_242 = arith.constant 224 : index
      %swap3A_243 = tpu.vector_load %arg11[%swap3A_242] {strides = array<i32>} : memref<1024xf32, #tpu.memory_space<vmem>>, vector<16xf32>,
      tpu.vector_store %arg11[%swap3A_242], %gather3A_241 {strides = array<i32>} : memref<1024xf32, #tpu.memory_space<vmem>>, vector<16xf32>,
      %get3A_244 = arith.constant 240 : index
      %get3A_245 = tpu.vector_load %arg10[%get3A_244] {strides = array<i32>} : memref<1024xi32, #tpu.memory_space<vmem>>, vector<16xi32>,
      %gather3A_246 = tpu.vector_load_idx %arg12[%get3A_245] : memref<50000xf32, #tpu.memory_space<vmem>>[vector<16xi32>], vector<16xf32>,
      %swap3A_247 = arith.constant 240 : index
      %swap3A_248 = tpu.vector_load %arg11[%swap3A_247] {strides = array<i32>} : memref<1024xf32, #tpu.memory_space<vmem>>, vector<16xf32>,
      tpu.vector_store %arg11[%swap3A_247], %gather3A_246 {strides = array<i32>} : memref<1024xf32, #tpu.memory_space<vmem>>, vector<16xf32>,
      %get3A_249 = arith.constant 256 : index
      %get3A_250 = tpu.vector_load %arg10[%get3A_249] {strides = array<i32>} : memref<1024xi32, #tpu.memory_space<vmem>>, vector<16xi32>,
      %gather3A_251 = tpu.vector_load_idx %arg12[%get3A_250] : memref<50000xf32, #tpu.memory_space<vmem>>[vector<16xi32>], vector<16xf32>,
      %swap3A_252 = arith.constant 256 : index
      %swap3A_253 = tpu.vector_load %arg11[%swap3A_252] {strides = array<i32>} : memref<1024xf32, #tpu.memory_space<vmem>>, vector<16xf32>,
      tpu.vector_store %arg11[%swap3A_252], %gather3A_251 {strides = array<i32>} : memref<1024xf32, #tpu.memory_space<vmem>>, vector<16xf32>,
      %get3A_254 = arith.constant 272 : index
      %get3A_255 = tpu.vector_load %arg10[%get3A_254] {strides = array<i32>} : memref<1024xi32, #tpu.memory_space<vmem>>, vector<16xi32>,
      %gather3A_256 = tpu.vector_load_idx %arg12[%get3A_255] : memref<50000xf32, #tpu.memory_space<vmem>>[vector<16xi32>], vector<16xf32>,
      %swap3A_257 = arith.constant 272 : index
      %swap3A_258 = tpu.vector_load %arg11[%swap3A_257] {strides = array<i32>} : memref<1024xf32, #tpu.memory_space<vmem>>, vector<16xf32>,
      tpu.vector_store %arg11[%swap3A_257], %gather3A_256 {strides = array<i32>} : memref<1024xf32, #tpu.memory_space<vmem>>, vector<16xf32>,
      %get3A_259 = arith.constant 288 : index
      %get3A_260 = tpu.vector_load %arg10[%get3A_259] {strides = array<i32>} : memref<1024xi32, #tpu.memory_space<vmem>>, vector<16xi32>,
      %gather3A_261 = tpu.vector_load_idx %arg12[%get3A_260] : memref<50000xf32, #tpu.memory_space<vmem>>[vector<16xi32>], vector<16xf32>,
      %swap3A_262 = arith.constant 288 : index
      %swap3A_263 = tpu.vector_load %arg11[%swap3A_262] {strides = array<i32>} : memref<1024xf32, #tpu.memory_space<vmem>>, vector<16xf32>,
      tpu.vector_store %arg11[%swap3A_262], %gather3A_261 {strides = array<i32>} : memref<1024xf32, #tpu.memory_space<vmem>>, vector<16xf32>,
      %get3A_264 = arith.constant 304 : index
      %get3A_265 = tpu.vector_load %arg10[%get3A_264] {strides = array<i32>} : memref<1024xi32, #tpu.memory_space<vmem>>, vector<16xi32>,
      %gather3A_266 = tpu.vector_load_idx %arg12[%get3A_265] : memref<50000xf32, #tpu.memory_space<vmem>>[vector<16xi32>], vector<16xf32>,
      %swap3A_267 = arith.constant 304 : index
      %swap3A_268 = tpu.vector_load %arg11[%swap3A_267] {strides = array<i32>} : memref<1024xf32, #tpu.memory_space<vmem>>, vector<16xf32>,
      tpu.vector_store %arg11[%swap3A_267], %gather3A_266 {strides = array<i32>} : memref<1024xf32, #tpu.memory_space<vmem>>, vector<16xf32>,
      %get3A_269 = arith.constant 320 : index
      %get3A_270 = tpu.vector_load %arg10[%get3A_269] {strides = array<i32>} : memref<1024xi32, #tpu.memory_space<vmem>>, vector<16xi32>,
      %gather3A_271 = tpu.vector_load_idx %arg12[%get3A_270] : memref<50000xf32, #tpu.memory_space<vmem>>[vector<16xi32>], vector<16xf32>,
      %swap3A_272 = arith.constant 320 : index
      %swap3A_273 = tpu.vector_load %arg11[%swap3A_272] {strides = array<i32>} : memref<1024xf32, #tpu.memory_space<vmem>>, vector<16xf32>,
      tpu.vector_store %arg11[%swap3A_272], %gather3A_271 {strides = array<i32>} : memref<1024xf32, #tpu.memory_space<vmem>>, vector<16xf32>,
      %get3A_274 = arith.constant 336 : index
      %get3A_275 = tpu.vector_load %arg10[%get3A_274] {strides = array<i32>} : memref<1024xi32, #tpu.memory_space<vmem>>, vector<16xi32>,
      %gather3A_276 = tpu.vector_load_idx %arg12[%get3A_275] : memref<50000xf32, #tpu.memory_space<vmem>>[vector<16xi32>], vector<16xf32>,
      %swap3A_277 = arith.constant 336 : index
      %swap3A_278 = tpu.vector_load %arg11[%swap3A_277] {strides = array<i32>} : memref<1024xf32, #tpu.memory_space<vmem>>, vector<16xf32>,
      tpu.vector_store %arg11[%swap3A_277], %gather3A_276 {strides = array<i32>} : memref<1024xf32, #tpu.memory_space<vmem>>, vector<16xf32>,
      %get3A_279 = arith.constant 352 : index
      %get3A_280 = tpu.vector_load %arg10[%get3A_279] {strides = array<i32>} : memref<1024xi32, #tpu.memory_space<vmem>>, vector<16xi32>,
      %gather3A_281 = tpu.vector_load_idx %arg12[%get3A_280] : memref<50000xf32, #tpu.memory_space<vmem>>[vector<16xi32>], vector<16xf32>,
      %swap3A_282 = arith.constant 352 : index
      %swap3A_283 = tpu.vector_load %arg11[%swap3A_282] {strides = array<i32>} : memref<1024xf32, #tpu.memory_space<vmem>>, vector<16xf32>,
      tpu.vector_store %arg11[%swap3A_282], %gather3A_281 {strides = array<i32>} : memref<1024xf32, #tpu.memory_space<vmem>>, vector<16xf32>,
      %get3A_284 = arith.constant 368 : index
      %get3A_285 = tpu.vector_load %arg10[%get3A_284] {strides = array<i32>} : memref<1024xi32, #tpu.memory_space<vmem>>, vector<16xi32>,
      %gather3A_286 = tpu.vector_load_idx %arg12[%get3A_285] : memref<50000xf32, #tpu.memory_space<vmem>>[vector<16xi32>], vector<16xf32>,
      %swap3A_287 = arith.constant 368 : index
      %swap3A_288 = tpu.vector_load %arg11[%swap3A_287] {strides = array<i32>} : memref<1024xf32, #tpu.memory_space<vmem>>, vector<16xf32>,
      tpu.vector_store %arg11[%swap3A_287], %gather3A_286 {strides = array<i32>} : memref<1024xf32, #tpu.memory_space<vmem>>, vector<16xf32>,
      %get3A_289 = arith.constant 384 : index
      %get3A_290 = tpu.vector_load %arg10[%get3A_289] {strides = array<i32>} : memref<1024xi32, #tpu.memory_space<vmem>>, vector<16xi32>,
      %gather3A_291 = tpu.vector_load_idx %arg12[%get3A_290] : memref<50000xf32, #tpu.memory_space<vmem>>[vector<16xi32>], vector<16xf32>,
      %swap3A_292 = arith.constant 384 : index
      %swap3A_293 = tpu.vector_load %arg11[%swap3A_292] {strides = array<i32>} : memref<1024xf32, #tpu.memory_space<vmem>>, vector<16xf32>,
      tpu.vector_store %arg11[%swap3A_292], %gather3A_291 {strides = array<i32>} : memref<1024xf32, #tpu.memory_space<vmem>>, vector<16xf32>,
      %get3A_294 = arith.constant 400 : index
      %get3A_295 = tpu.vector_load %arg10[%get3A_294] {strides = array<i32>} : memref<1024xi32, #tpu.memory_space<vmem>>, vector<16xi32>,
      %gather3A_296 = tpu.vector_load_idx %arg12[%get3A_295] : memref<50000xf32, #tpu.memory_space<vmem>>[vector<16xi32>], vector<16xf32>,
      %swap3A_297 = arith.constant 400 : index
      %swap3A_298 = tpu.vector_load %arg11[%swap3A_297] {strides = array<i32>} : memref<1024xf32, #tpu.memory_space<vmem>>, vector<16xf32>,
      tpu.vector_store %arg11[%swap3A_297], %gather3A_296 {strides = array<i32>} : memref<1024xf32, #tpu.memory_space<vmem>>, vector<16xf32>,
      %get3A_299 = arith.constant 416 : index
      %get3A_300 = tpu.vector_load %arg10[%get3A_299] {strides = array<i32>} : memref<1024xi32, #tpu.memory_space<vmem>>, vector<16xi32>,
      %gather3A_301 = tpu.vector_load_idx %arg12[%get3A_300] : memref<50000xf32, #tpu.memory_space<vmem>>[vector<16xi32>], vector<16xf32>,
      %swap3A_302 = arith.constant 416 : index
      %swap3A_303 = tpu.vector_load %arg11[%swap3A_302] {strides = array<i32>} : memref<1024xf32, #tpu.memory_space<vmem>>, vector<16xf32>,
      tpu.vector_store %arg11[%swap3A_302], %gather3A_301 {strides = array<i32>} : memref<1024xf32, #tpu.memory_space<vmem>>, vector<16xf32>,
      %get3A_304 = arith.constant 432 : index
      %get3A_305 = tpu.vector_load %arg10[%get3A_304] {strides = array<i32>} : memref<1024xi32, #tpu.memory_space<vmem>>, vector<16xi32>,
      %gather3A_306 = tpu.vector_load_idx %arg12[%get3A_305] : memref<50000xf32, #tpu.memory_space<vmem>>[vector<16xi32>], vector<16xf32>,
      %swap3A_307 = arith.constant 432 : index
      %swap3A_308 = tpu.vector_load %arg11[%swap3A_307] {strides = array<i32>} : memref<1024xf32, #tpu.memory_space<vmem>>, vector<16xf32>,
      tpu.vector_store %arg11[%swap3A_307], %gather3A_306 {strides = array<i32>} : memref<1024xf32, #tpu.memory_space<vmem>>, vector<16xf32>,
      %get3A_309 = arith.constant 448 : index
      %get3A_310 = tpu.vector_load %arg10[%get3A_309] {strides = array<i32>} : memref<1024xi32, #tpu.memory_space<vmem>>, vector<16xi32>,
      %gather3A_311 = tpu.vector_load_idx %arg12[%get3A_310] : memref<50000xf32, #tpu.memory_space<vmem>>[vector<16xi32>], vector<16xf32>,
      %swap3A_312 = arith.constant 448 : index
      %swap3A_313 = tpu.vector_load %arg11[%swap3A_312] {strides = array<i32>} : memref<1024xf32, #tpu.memory_space<vmem>>, vector<16xf32>,
      tpu.vector_store %arg11[%swap3A_312], %gather3A_311 {strides = array<i32>} : memref<1024xf32, #tpu.memory_space<vmem>>, vector<16xf32>,
      %get3A_314 = arith.constant 464 : index
      %get3A_315 = tpu.vector_load %arg10[%get3A_314] {strides = array<i32>} : memref<1024xi32, #tpu.memory_space<vmem>>, vector<16xi32>,
      %gather3A_316 = tpu.vector_load_idx %arg12[%get3A_315] : memref<50000xf32, #tpu.memory_space<vmem>>[vector<16xi32>], vector<16xf32>,
      %swap3A_317 = arith.constant 464 : index
      %swap3A_318 = tpu.vector_load %arg11[%swap3A_317] {strides = array<i32>} : memref<1024xf32, #tpu.memory_space<vmem>>, vector<16xf32>,
      tpu.vector_store %arg11[%swap3A_317], %gather3A_316 {strides = array<i32>} : memref<1024xf32, #tpu.memory_space<vmem>>, vector<16xf32>,
      %get3A_319 = arith.constant 480 : index
      %get3A_320 = tpu.vector_load %arg10[%get3A_319] {strides = array<i32>} : memref<1024xi32, #tpu.memory_space<vmem>>, vector<16xi32>,
      %gather3A_321 = tpu.vector_load_idx %arg12[%get3A_320] : memref<50000xf32, #tpu.memory_space<vmem>>[vector<16xi32>], vector<16xf32>,
      %swap3A_322 = arith.constant 480 : index
      %swap3A_323 = tpu.vector_load %arg11[%swap3A_322] {strides = array<i32>} : memref<1024xf32, #tpu.memory_space<vmem>>, vector<16xf32>,
      tpu.vector_store %arg11[%swap3A_322], %gather3A_321 {strides = array<i32>} : memref<1024xf32, #tpu.memory_space<vmem>>, vector<16xf32>,
      %get3A_324 = arith.constant 496 : index
      %get3A_325 = tpu.vector_load %arg10[%get3A_324] {strides = array<i32>} : memref<1024xi32, #tpu.memory_space<vmem>>, vector<16xi32>,
      %gather3A_326 = tpu.vector_load_idx %arg12[%get3A_325] : memref<50000xf32, #tpu.memory_space<vmem>>[vector<16xi32>], vector<16xf32>,
      %swap3A_327 = arith.constant 496 : index
      %swap3A_328 = tpu.vector_load %arg11[%swap3A_327] {strides = array<i32>} : memref<1024xf32, #tpu.memory_space<vmem>>, vector<16xf32>,
      tpu.vector_store %arg11[%swap3A_327], %gather3A_326 {strides = array<i32>} : memref<1024xf32, #tpu.memory_space<vmem>>, vector<16xf32>,
      %get3A_329 = arith.constant 512 : index
      %get3A_330 = tpu.vector_load %arg10[%get3A_329] {strides = array<i32>} : memref<1024xi32, #tpu.memory_space<vmem>>, vector<16xi32>,
      %gather3A_331 = tpu.vector_load_idx %arg12[%get3A_330] : memref<50000xf32, #tpu.memory_space<vmem>>[vector<16xi32>], vector<16xf32>,
      %swap3A_332 = arith.constant 512 : index
      %swap3A_333 = tpu.vector_load %arg11[%swap3A_332] {strides = array<i32>} : memref<1024xf32, #tpu.memory_space<vmem>>, vector<16xf32>,
      tpu.vector_store %arg11[%swap3A_332], %gather3A_331 {strides = array<i32>} : memref<1024xf32, #tpu.memory_space<vmem>>, vector<16xf32>,
      %get3A_334 = arith.constant 528 : index
      %get3A_335 = tpu.vector_load %arg10[%get3A_334] {strides = array<i32>} : memref<1024xi32, #tpu.memory_space<vmem>>, vector<16xi32>,
      %gather3A_336 = tpu.vector_load_idx %arg12[%get3A_335] : memref<50000xf32, #tpu.memory_space<vmem>>[vector<16xi32>], vector<16xf32>,
      %swap3A_337 = arith.constant 528 : index
      %swap3A_338 = tpu.vector_load %arg11[%swap3A_337] {strides = array<i32>} : memref<1024xf32, #tpu.memory_space<vmem>>, vector<16xf32>,
      tpu.vector_store %arg11[%swap3A_337], %gather3A_336 {strides = array<i32>} : memref<1024xf32, #tpu.memory_space<vmem>>, vector<16xf32>,
      %get3A_339 = arith.constant 544 : index
      %get3A_340 = tpu.vector_load %arg10[%get3A_339] {strides = array<i32>} : memref<1024xi32, #tpu.memory_space<vmem>>, vector<16xi32>,
      %gather3A_341 = tpu.vector_load_idx %arg12[%get3A_340] : memref<50000xf32, #tpu.memory_space<vmem>>[vector<16xi32>], vector<16xf32>,
      %swap3A_342 = arith.constant 544 : index
      %swap3A_343 = tpu.vector_load %arg11[%swap3A_342] {strides = array<i32>} : memref<1024xf32, #tpu.memory_space<vmem>>, vector<16xf32>,
      tpu.vector_store %arg11[%swap3A_342], %gather3A_341 {strides = array<i32>} : memref<1024xf32, #tpu.memory_space<vmem>>, vector<16xf32>,
      %get3A_344 = arith.constant 560 : index
      %get3A_345 = tpu.vector_load %arg10[%get3A_344] {strides = array<i32>} : memref<1024xi32, #tpu.memory_space<vmem>>, vector<16xi32>,
      %gather3A_346 = tpu.vector_load_idx %arg12[%get3A_345] : memref<50000xf32, #tpu.memory_space<vmem>>[vector<16xi32>], vector<16xf32>,
      %swap3A_347 = arith.constant 560 : index
      %swap3A_348 = tpu.vector_load %arg11[%swap3A_347] {strides = array<i32>} : memref<1024xf32, #tpu.memory_space<vmem>>, vector<16xf32>,
      tpu.vector_store %arg11[%swap3A_347], %gather3A_346 {strides = array<i32>} : memref<1024xf32, #tpu.memory_space<vmem>>, vector<16xf32>,
      %get3A_349 = arith.constant 576 : index
      %get3A_350 = tpu.vector_load %arg10[%get3A_349] {strides = array<i32>} : memref<1024xi32, #tpu.memory_space<vmem>>, vector<16xi32>,
      %gather3A_351 = tpu.vector_load_idx %arg12[%get3A_350] : memref<50000xf32, #tpu.memory_space<vmem>>[vector<16xi32>], vector<16xf32>,
      %swap3A_352 = arith.constant 576 : index
      %swap3A_353 = tpu.vector_load %arg11[%swap3A_352] {strides = array<i32>} : memref<1024xf32, #tpu.memory_space<vmem>>, vector<16xf32>,
      tpu.vector_store %arg11[%swap3A_352], %gather3A_351 {strides = array<i32>} : memref<1024xf32, #tpu.memory_space<vmem>>, vector<16xf32>,
      %get3A_354 = arith.constant 592 : index
      %get3A_355 = tpu.vector_load %arg10[%get3A_354] {strides = array<i32>} : memref<1024xi32, #tpu.memory_space<vmem>>, vector<16xi32>,
      %gather3A_356 = tpu.vector_load_idx %arg12[%get3A_355] : memref<50000xf32, #tpu.memory_space<vmem>>[vector<16xi32>], vector<16xf32>,
      %swap3A_357 = arith.constant 592 : index
      %swap3A_358 = tpu.vector_load %arg11[%swap3A_357] {strides = array<i32>} : memref<1024xf32, #tpu.memory_space<vmem>>, vector<16xf32>,
      tpu.vector_store %arg11[%swap3A_357], %gather3A_356 {strides = array<i32>} : memref<1024xf32, #tpu.memory_space<vmem>>, vector<16xf32>,
      %get3A_359 = arith.constant 608 : index
      %get3A_360 = tpu.vector_load %arg10[%get3A_359] {strides = array<i32>} : memref<1024xi32, #tpu.memory_space<vmem>>, vector<16xi32>,
      %gather3A_361 = tpu.vector_load_idx %arg12[%get3A_360] : memref<50000xf32, #tpu.memory_space<vmem>>[vector<16xi32>], vector<16xf32>,
      %swap3A_362 = arith.constant 608 : index
      %swap3A_363 = tpu.vector_load %arg11[%swap3A_362] {strides = array<i32>} : memref<1024xf32, #tpu.memory_space<vmem>>, vector<16xf32>,
      tpu.vector_store %arg11[%swap3A_362], %gather3A_361 {strides = array<i32>} : memref<1024xf32, #tpu.memory_space<vmem>>, vector<16xf32>,
      %get3A_364 = arith.constant 624 : index
      %get3A_365 = tpu.vector_load %arg10[%get3A_364] {strides = array<i32>} : memref<1024xi32, #tpu.memory_space<vmem>>, vector<16xi32>,
      %gather3A_366 = tpu.vector_load_idx %arg12[%get3A_365] : memref<50000xf32, #tpu.memory_space<vmem>>[vector<16xi32>], vector<16xf32>,
      %swap3A_367 = arith.constant 624 : index
      %swap3A_368 = tpu.vector_load %arg11[%swap3A_367] {strides = array<i32>} : memref<1024xf32, #tpu.memory_space<vmem>>, vector<16xf32>,
      tpu.vector_store %arg11[%swap3A_367], %gather3A_366 {strides = array<i32>} : memref<1024xf32, #tpu.memory_space<vmem>>, vector<16xf32>,
      %get3A_369 = arith.constant 640 : index
      %get3A_370 = tpu.vector_load %arg10[%get3A_369] {strides = array<i32>} : memref<1024xi32, #tpu.memory_space<vmem>>, vector<16xi32>,
      %gather3A_371 = tpu.vector_load_idx %arg12[%get3A_370] : memref<50000xf32, #tpu.memory_space<vmem>>[vector<16xi32>], vector<16xf32>,
      %swap3A_372 = arith.constant 640 : index
      %swap3A_373 = tpu.vector_load %arg11[%swap3A_372] {strides = array<i32>} : memref<1024xf32, #tpu.memory_space<vmem>>, vector<16xf32>,
      tpu.vector_store %arg11[%swap3A_372], %gather3A_371 {strides = array<i32>} : memref<1024xf32, #tpu.memory_space<vmem>>, vector<16xf32>,
      %get3A_374 = arith.constant 656 : index
      %get3A_375 = tpu.vector_load %arg10[%get3A_374] {strides = array<i32>} : memref<1024xi32, #tpu.memory_space<vmem>>, vector<16xi32>,
      %gather3A_376 = tpu.vector_load_idx %arg12[%get3A_375] : memref<50000xf32, #tpu.memory_space<vmem>>[vector<16xi32>], vector<16xf32>,
      %swap3A_377 = arith.constant 656 : index
      %swap3A_378 = tpu.vector_load %arg11[%swap3A_377] {strides = array<i32>} : memref<1024xf32, #tpu.memory_space<vmem>>, vector<16xf32>,
      tpu.vector_store %arg11[%swap3A_377], %gather3A_376 {strides = array<i32>} : memref<1024xf32, #tpu.memory_space<vmem>>, vector<16xf32>,
      %get3A_379 = arith.constant 672 : index
      %get3A_380 = tpu.vector_load %arg10[%get3A_379] {strides = array<i32>} : memref<1024xi32, #tpu.memory_space<vmem>>, vector<16xi32>,
      %gather3A_381 = tpu.vector_load_idx %arg12[%get3A_380] : memref<50000xf32, #tpu.memory_space<vmem>>[vector<16xi32>], vector<16xf32>,
      %swap3A_382 = arith.constant 672 : index
      %swap3A_383 = tpu.vector_load %arg11[%swap3A_382] {strides = array<i32>} : memref<1024xf32, #tpu.memory_space<vmem>>, vector<16xf32>,
      tpu.vector_store %arg11[%swap3A_382], %gather3A_381 {strides = array<i32>} : memref<1024xf32, #tpu.memory_space<vmem>>, vector<16xf32>,
      %get3A_384 = arith.constant 688 : index
      %get3A_385 = tpu.vector_load %arg10[%get3A_384] {strides = array<i32>} : memref<1024xi32, #tpu.memory_space<vmem>>, vector<16xi32>,
      %gather3A_386 = tpu.vector_load_idx %arg12[%get3A_385] : memref<50000xf32, #tpu.memory_space<vmem>>[vector<16xi32>], vector<16xf32>,
      %swap3A_387 = arith.constant 688 : index
      %swap3A_388 = tpu.vector_load %arg11[%swap3A_387] {strides = array<i32>} : memref<1024xf32, #tpu.memory_space<vmem>>, vector<16xf32>,
      tpu.vector_store %arg11[%swap3A_387], %gather3A_386 {strides = array<i32>} : memref<1024xf32, #tpu.memory_space<vmem>>, vector<16xf32>,
      %get3A_389 = arith.constant 704 : index
      %get3A_390 = tpu.vector_load %arg10[%get3A_389] {strides = array<i32>} : memref<1024xi32, #tpu.memory_space<vmem>>, vector<16xi32>,
      %gather3A_391 = tpu.vector_load_idx %arg12[%get3A_390] : memref<50000xf32, #tpu.memory_space<vmem>>[vector<16xi32>], vector<16xf32>,
      %swap3A_392 = arith.constant 704 : index
      %swap3A_393 = tpu.vector_load %arg11[%swap3A_392] {strides = array<i32>} : memref<1024xf32, #tpu.memory_space<vmem>>, vector<16xf32>,
      tpu.vector_store %arg11[%swap3A_392], %gather3A_391 {strides = array<i32>} : memref<1024xf32, #tpu.memory_space<vmem>>, vector<16xf32>,
      %get3A_394 = arith.constant 720 : index
      %get3A_395 = tpu.vector_load %arg10[%get3A_394] {strides = array<i32>} : memref<1024xi32, #tpu.memory_space<vmem>>, vector<16xi32>,
      %gather3A_396 = tpu.vector_load_idx %arg12[%get3A_395] : memref<50000xf32, #tpu.memory_space<vmem>>[vector<16xi32>], vector<16xf32>,
      %swap3A_397 = arith.constant 720 : index
      %swap3A_398 = tpu.vector_load %arg11[%swap3A_397] {strides = array<i32>} : memref<1024xf32, #tpu.memory_space<vmem>>, vector<16xf32>,
      tpu.vector_store %arg11[%swap3A_397], %gather3A_396 {strides = array<i32>} : memref<1024xf32, #tpu.memory_space<vmem>>, vector<16xf32>,
      %get3A_399 = arith.constant 736 : index
      %get3A_400 = tpu.vector_load %arg10[%get3A_399] {strides = array<i32>} : memref<1024xi32, #tpu.memory_space<vmem>>, vector<16xi32>,
      %gather3A_401 = tpu.vector_load_idx %arg12[%get3A_400] : memref<50000xf32, #tpu.memory_space<vmem>>[vector<16xi32>], vector<16xf32>,
      %swap3A_402 = arith.constant 736 : index
      %swap3A_403 = tpu.vector_load %arg11[%swap3A_402] {strides = array<i32>} : memref<1024xf32, #tpu.memory_space<vmem>>, vector<16xf32>,
      tpu.vector_store %arg11[%swap3A_402], %gather3A_401 {strides = array<i32>} : memref<1024xf32, #tpu.memory_space<vmem>>, vector<16xf32>,
      %get3A_404 = arith.constant 752 : index
      %get3A_405 = tpu.vector_load %arg10[%get3A_404] {strides = array<i32>} : memref<1024xi32, #tpu.memory_space<vmem>>, vector<16xi32>,
      %gather3A_406 = tpu.vector_load_idx %arg12[%get3A_405] : memref<50000xf32, #tpu.memory_space<vmem>>[vector<16xi32>], vector<16xf32>,
      %swap3A_407 = arith.constant 752 : index
      %swap3A_408 = tpu.vector_load %arg11[%swap3A_407] {strides = array<i32>} : memref<1024xf32, #tpu.memory_space<vmem>>, vector<16xf32>,
      tpu.vector_store %arg11[%swap3A_407], %gather3A_406 {strides = array<i32>} : memref<1024xf32, #tpu.memory_space<vmem>>, vector<16xf32>,
      %get3A_409 = arith.constant 768 : index
      %get3A_410 = tpu.vector_load %arg10[%get3A_409] {strides = array<i32>} : memref<1024xi32, #tpu.memory_space<vmem>>, vector<16xi32>,
      %gather3A_411 = tpu.vector_load_idx %arg12[%get3A_410] : memref<50000xf32, #tpu.memory_space<vmem>>[vector<16xi32>], vector<16xf32>,
      %swap3A_412 = arith.constant 768 : index
      %swap3A_413 = tpu.vector_load %arg11[%swap3A_412] {strides = array<i32>} : memref<1024xf32, #tpu.memory_space<vmem>>, vector<16xf32>,
      tpu.vector_store %arg11[%swap3A_412], %gather3A_411 {strides = array<i32>} : memref<1024xf32, #tpu.memory_space<vmem>>, vector<16xf32>,
      %get3A_414 = arith.constant 784 : index
      %get3A_415 = tpu.vector_load %arg10[%get3A_414] {strides = array<i32>} : memref<1024xi32, #tpu.memory_space<vmem>>, vector<16xi32>,
      %gather3A_416 = tpu.vector_load_idx %arg12[%get3A_415] : memref<50000xf32, #tpu.memory_space<vmem>>[vector<16xi32>], vector<16xf32>,
      %swap3A_417 = arith.constant 784 : index
      %swap3A_418 = tpu.vector_load %arg11[%swap3A_417] {strides = array<i32>} : memref<1024xf32, #tpu.memory_space<vmem>>, vector<16xf32>,
      tpu.vector_store %arg11[%swap3A_417], %gather3A_416 {strides = array<i32>} : memref<1024xf32, #tpu.memory_space<vmem>>, vector<16xf32>,
      %get3A_419 = arith.constant 800 : index
      %get3A_420 = tpu.vector_load %arg10[%get3A_419] {strides = array<i32>} : memref<1024xi32, #tpu.memory_space<vmem>>, vector<16xi32>,
      %gather3A_421 = tpu.vector_load_idx %arg12[%get3A_420] : memref<50000xf32, #tpu.memory_space<vmem>>[vector<16xi32>], vector<16xf32>,
      %swap3A_422 = arith.constant 800 : index
      %swap3A_423 = tpu.vector_load %arg11[%swap3A_422] {strides = array<i32>} : memref<1024xf32, #tpu.memory_space<vmem>>, vector<16xf32>,
      tpu.vector_store %arg11[%swap3A_422], %gather3A_421 {strides = array<i32>} : memref<1024xf32, #tpu.memory_space<vmem>>, vector<16xf32>,
      %get3A_424 = arith.constant 816 : index
      %get3A_425 = tpu.vector_load %arg10[%get3A_424] {strides = array<i32>} : memref<1024xi32, #tpu.memory_space<vmem>>, vector<16xi32>,
      %gather3A_426 = tpu.vector_load_idx %arg12[%get3A_425] : memref<50000xf32, #tpu.memory_space<vmem>>[vector<16xi32>], vector<16xf32>,
      %swap3A_427 = arith.constant 816 : index
      %swap3A_428 = tpu.vector_load %arg11[%swap3A_427] {strides = array<i32>} : memref<1024xf32, #tpu.memory_space<vmem>>, vector<16xf32>,
      tpu.vector_store %arg11[%swap3A_427], %gather3A_426 {strides = array<i32>} : memref<1024xf32, #tpu.memory_space<vmem>>, vector<16xf32>,
      %get3A_429 = arith.constant 832 : index
      %get3A_430 = tpu.vector_load %arg10[%get3A_429] {strides = array<i32>} : memref<1024xi32, #tpu.memory_space<vmem>>, vector<16xi32>,
      %gather3A_431 = tpu.vector_load_idx %arg12[%get3A_430] : memref<50000xf32, #tpu.memory_space<vmem>>[vector<16xi32>], vector<16xf32>,
      %swap3A_432 = arith.constant 832 : index
      %swap3A_433 = tpu.vector_load %arg11[%swap3A_432] {strides = array<i32>} : memref<1024xf32, #tpu.memory_space<vmem>>, vector<16xf32>,
      tpu.vector_store %arg11[%swap3A_432], %gather3A_431 {strides = array<i32>} : memref<1024xf32, #tpu.memory_space<vmem>>, vector<16xf32>,
      %get3A_434 = arith.constant 848 : index
      %get3A_435 = tpu.vector_load %arg10[%get3A_434] {strides = array<i32>} : memref<1024xi32, #tpu.memory_space<vmem>>, vector<16xi32>,
      %gather3A_436 = tpu.vector_load_idx %arg12[%get3A_435] : memref<50000xf32, #tpu.memory_space<vmem>>[vector<16xi32>], vector<16xf32>,
      %swap3A_437 = arith.constant 848 : index
      %swap3A_438 = tpu.vector_load %arg11[%swap3A_437] {strides = array<i32>} : memref<1024xf32, #tpu.memory_space<vmem>>, vector<16xf32>,
      tpu.vector_store %arg11[%swap3A_437], %gather3A_436 {strides = array<i32>} : memref<1024xf32, #tpu.memory_space<vmem>>, vector<16xf32>,
      %get3A_439 = arith.constant 864 : index
      %get3A_440 = tpu.vector_load %arg10[%get3A_439] {strides = array<i32>} : memref<1024xi32, #tpu.memory_space<vmem>>, vector<16xi32>,
      %gather3A_441 = tpu.vector_load_idx %arg12[%get3A_440] : memref<50000xf32, #tpu.memory_space<vmem>>[vector<16xi32>], vector<16xf32>,
      %swap3A_442 = arith.constant 864 : index
      %swap3A_443 = tpu.vector_load %arg11[%swap3A_442] {strides = array<i32>} : memref<1024xf32, #tpu.memory_space<vmem>>, vector<16xf32>,
      tpu.vector_store %arg11[%swap3A_442], %gather3A_441 {strides = array<i32>} : memref<1024xf32, #tpu.memory_space<vmem>>, vector<16xf32>,
      %get3A_444 = arith.constant 880 : index
      %get3A_445 = tpu.vector_load %arg10[%get3A_444] {strides = array<i32>} : memref<1024xi32, #tpu.memory_space<vmem>>, vector<16xi32>,
      %gather3A_446 = tpu.vector_load_idx %arg12[%get3A_445] : memref<50000xf32, #tpu.memory_space<vmem>>[vector<16xi32>], vector<16xf32>,
      %swap3A_447 = arith.constant 880 : index
      %swap3A_448 = tpu.vector_load %arg11[%swap3A_447] {strides = array<i32>} : memref<1024xf32, #tpu.memory_space<vmem>>, vector<16xf32>,
      tpu.vector_store %arg11[%swap3A_447], %gather3A_446 {strides = array<i32>} : memref<1024xf32, #tpu.memory_space<vmem>>, vector<16xf32>,
      %get3A_449 = arith.constant 896 : index
      %get3A_450 = tpu.vector_load %arg10[%get3A_449] {strides = array<i32>} : memref<1024xi32, #tpu.memory_space<vmem>>, vector<16xi32>,
      %gather3A_451 = tpu.vector_load_idx %arg12[%get3A_450] : memref<50000xf32, #tpu.memory_space<vmem>>[vector<16xi32>], vector<16xf32>,
      %swap3A_452 = arith.constant 896 : index
      %swap3A_453 = tpu.vector_load %arg11[%swap3A_452] {strides = array<i32>} : memref<1024xf32, #tpu.memory_space<vmem>>, vector<16xf32>,
      tpu.vector_store %arg11[%swap3A_452], %gather3A_451 {strides = array<i32>} : memref<1024xf32, #tpu.memory_space<vmem>>, vector<16xf32>,
      %get3A_454 = arith.constant 912 : index
      %get3A_455 = tpu.vector_load %arg10[%get3A_454] {strides = array<i32>} : memref<1024xi32, #tpu.memory_space<vmem>>, vector<16xi32>,
      %gather3A_456 = tpu.vector_load_idx %arg12[%get3A_455] : memref<50000xf32, #tpu.memory_space<vmem>>[vector<16xi32>], vector<16xf32>,
      %swap3A_457 = arith.constant 912 : index
      %swap3A_458 = tpu.vector_load %arg11[%swap3A_457] {strides = array<i32>} : memref<1024xf32, #tpu.memory_space<vmem>>, vector<16xf32>,
      tpu.vector_store %arg11[%swap3A_457], %gather3A_456 {strides = array<i32>} : memref<1024xf32, #tpu.memory_space<vmem>>, vector<16xf32>,
      %get3A_459 = arith.constant 928 : index
      %get3A_460 = tpu.vector_load %arg10[%get3A_459] {strides = array<i32>} : memref<1024xi32, #tpu.memory_space<vmem>>, vector<16xi32>,
      %gather3A_461 = tpu.vector_load_idx %arg12[%get3A_460] : memref<50000xf32, #tpu.memory_space<vmem>>[vector<16xi32>], vector<16xf32>,
      %swap3A_462 = arith.constant 928 : index
      %swap3A_463 = tpu.vector_load %arg11[%swap3A_462] {strides = array<i32>} : memref<1024xf32, #tpu.memory_space<vmem>>, vector<16xf32>,
      tpu.vector_store %arg11[%swap3A_462], %gather3A_461 {strides = array<i32>} : memref<1024xf32, #tpu.memory_space<vmem>>, vector<16xf32>,
      %get3A_464 = arith.constant 944 : index
      %get3A_465 = tpu.vector_load %arg10[%get3A_464] {strides = array<i32>} : memref<1024xi32, #tpu.memory_space<vmem>>, vector<16xi32>,
      %gather3A_466 = tpu.vector_load_idx %arg12[%get3A_465] : memref<50000xf32, #tpu.memory_space<vmem>>[vector<16xi32>], vector<16xf32>,
      %swap3A_467 = arith.constant 944 : index
      %swap3A_468 = tpu.vector_load %arg11[%swap3A_467] {strides = array<i32>} : memref<1024xf32, #tpu.memory_space<vmem>>, vector<16xf32>,
      tpu.vector_store %arg11[%swap3A_467], %gather3A_466 {strides = array<i32>} : memref<1024xf32, #tpu.memory_space<vmem>>, vector<16xf32>,
      %get3A_469 = arith.constant 960 : index
      %get3A_470 = tpu.vector_load %arg10[%get3A_469] {strides = array<i32>} : memref<1024xi32, #tpu.memory_space<vmem>>, vector<16xi32>,
      %gather3A_471 = tpu.vector_load_idx %arg12[%get3A_470] : memref<50000xf32, #tpu.memory_space<vmem>>[vector<16xi32>], vector<16xf32>,
      %swap3A_472 = arith.constant 960 : index
      %swap3A_473 = tpu.vector_load %arg11[%swap3A_472] {strides = array<i32>} : memref<1024xf32, #tpu.memory_space<vmem>>, vector<16xf32>,
      tpu.vector_store %arg11[%swap3A_472], %gather3A_471 {strides = array<i32>} : memref<1024xf32, #tpu.memory_space<vmem>>, vector<16xf32>,
      %get3A_474 = arith.constant 976 : index
      %get3A_475 = tpu.vector_load %arg10[%get3A_474] {strides = array<i32>} : memref<1024xi32, #tpu.memory_space<vmem>>, vector<16xi32>,
      %gather3A_476 = tpu.vector_load_idx %arg12[%get3A_475] : memref<50000xf32, #tpu.memory_space<vmem>>[vector<16xi32>], vector<16xf32>,
      %swap3A_477 = arith.constant 976 : index
      %swap3A_478 = tpu.vector_load %arg11[%swap3A_477] {strides = array<i32>} : memref<1024xf32, #tpu.memory_space<vmem>>, vector<16xf32>,
      tpu.vector_store %arg11[%swap3A_477], %gather3A_476 {strides = array<i32>} : memref<1024xf32, #tpu.memory_space<vmem>>, vector<16xf32>,
      %get3A_479 = arith.constant 992 : index
      %get3A_480 = tpu.vector_load %arg10[%get3A_479] {strides = array<i32>} : memref<1024xi32, #tpu.memory_space<vmem>>, vector<16xi32>,
      %gather3A_481 = tpu.vector_load_idx %arg12[%get3A_480] : memref<50000xf32, #tpu.memory_space<vmem>>[vector<16xi32>], vector<16xf32>,
      %swap3A_482 = arith.constant 992 : index
      %swap3A_483 = tpu.vector_load %arg11[%swap3A_482] {strides = array<i32>} : memref<1024xf32, #tpu.memory_space<vmem>>, vector<16xf32>,
      tpu.vector_store %arg11[%swap3A_482], %gather3A_481 {strides = array<i32>} : memref<1024xf32, #tpu.memory_space<vmem>>, vector<16xf32>,
      %get3A_484 = arith.constant 1008 : index
      %get3A_485 = tpu.vector_load %arg10[%get3A_484] {strides = array<i32>} : memref<1024xi32, #tpu.memory_space<vmem>>, vector<16xi32>,
      %gather3A_486 = tpu.vector_load_idx %arg12[%get3A_485] : memref<50000xf32, #tpu.memory_space<vmem>>[vector<16xi32>], vector<16xf32>,
      %swap3A_487 = arith.constant 1008 : index
      %swap3A_488 = tpu.vector_load %arg11[%swap3A_487] {strides = array<i32>} : memref<1024xf32, #tpu.memory_space<vmem>>, vector<16xf32>,
      tpu.vector_store %arg11[%swap3A_487], %gather3A_486 {strides = array<i32>} : memref<1024xf32, #tpu.memory_space<vmem>>, vector<16xf32>,
      "tpu.region"() ({
        %run_scoped3A = tpu.sem_alloc : memref<!tpu.dma_semaphore, #tpu.memory_space<semaphore_mem>>
        %dma_start3A_489 = tpu.memref_slice %arg7[%mul3A_13] : memref<819200xf32, #tpu.memory_space<hbm>> -> memref<1024xf32, #tpu.memory_space<hbm>>
        %dma_start3A_490 = tpu.memref_slice %arg7[%mul3A_13] : memref<819200xf32, #tpu.memory_space<hbm>> -> memref<1024xf32, #tpu.memory_space<hbm>>
        tpu.enqueue_dma source(%arg11 : memref<1024xf32, #tpu.memory_space<vmem>>) target(%dma_start3A_490 : memref<1024xf32, #tpu.memory_space<hbm>>) target_semaphore(%run_scoped3A : memref<!tpu.dma_semaphore, #tpu.memory_space<semaphore_mem>>)
        %dma_wait3A_491 = tpu.memref_slice %arg7[%mul3A_13] : memref<819200xf32, #tpu.memory_space<hbm>> -> memref<1024xf32, #tpu.memory_space<hbm>>
        %dma_wait3A_492 = tpu.memref_slice %arg7[%mul3A_13] : memref<819200xf32, #tpu.memory_space<hbm>> -> memref<1024xf32, #tpu.memory_space<hbm>>
        tpu.wait_dma2 semaphore(%run_scoped3A : memref<!tpu.dma_semaphore, #tpu.memory_space<semaphore_mem>>) src(%arg11 : memref<1024xf32, #tpu.memory_space<vmem>>) dst(%dma_wait3A_492 : memref<1024xf32, #tpu.memory_space<hbm>>)
        tpu.yield
      }) : () -> ()
    }
    %scan3A_7 = arith.constant 25 : i32
    return
  }
}

module attributes {stable_mosaic.version = 14 : i64} {
  func.func @_k1(%arg0: i32, %arg1: memref<2000x16xf32, #tpu.memory_space<vmem>>, %arg2: memref<16x16xf32, #tpu.memory_space<vmem>>, %arg3: memref<1x16xf32, #tpu.memory_space<vmem>>, %arg4: memref<16x16xf32, #tpu.memory_space<vmem>>, %arg5: memref<16x1xf32, #tpu.memory_space<vmem>>, %arg6: memref<1x1xf32, #tpu.memory_space<vmem>>, %arg7: memref<2000x16xf32, #tpu.memory_space<vmem>>, %arg8: memref<2000x16xf32, #tpu.memory_space<vmem>>, %arg9: memref<2000x1xf32, #tpu.memory_space<vmem>>) attributes {dimension_semantics = [#tpu.dimension_semantics<arbitrary>], iteration_bounds = array<i64: 25>, scalar_prefetch = 0 : i64, scratch_operands = 0 : i64, tpu.core_type = #tpu.core_type<tc>, window_params = [{transform_indices = @transform_0, window_bounds = array<i64: 2000, 16>}, {pipeline_mode = #tpu.pipeline_mode<synchronous>, transform_indices = @transform_1, window_bounds = array<i64: 16, 16>}, {pipeline_mode = #tpu.pipeline_mode<synchronous>, transform_indices = @transform_2, window_bounds = array<i64: 1, 16>}, {pipeline_mode = #tpu.pipeline_mode<synchronous>, transform_indices = @transform_3, window_bounds = array<i64: 16, 16>}, {pipeline_mode = #tpu.pipeline_mode<synchronous>, transform_indices = @transform_4, window_bounds = array<i64: 16, 1>}, {pipeline_mode = #tpu.pipeline_mode<synchronous>, transform_indices = @transform_5, window_bounds = array<i64: 1, 1>}, {transform_indices = @transform_6, window_bounds = array<i64: 2000, 16>}, {transform_indices = @transform_7, window_bounds = array<i64: 2000, 16>}, {transform_indices = @transform_8, window_bounds = array<i64: 2000, 1>}]} {
    %get3A = arith.constant 0 : index
    %get3A_0 = arith.constant 0 : index
    %get3A_1 = vector.load %arg1[%get3A, %get3A_0] : memref<2000x16xf32, #tpu.memory_space<vmem>>, vector<2000x16xf32>
    %get3A_2 = arith.constant 0 : index
    %get3A_3 = arith.constant 0 : index
    %get3A_4 = vector.load %arg2[%get3A_2, %get3A_3] : memref<16x16xf32, #tpu.memory_space<vmem>>, vector<16x16xf32>
    %dot_general3A = arith.constant dense<0.000000e+00> : vector<2000x16xf32>
    %dot_general3A_5 = tpu.matmul %get3A_1, %get3A_4, %dot_general3A {dimension_numbers = #tpu.dot_dimension_numbers<[1], [0], [0], [1], [0, 0, 1, 1], [], []>, transpose_lhs_hint = false} : vector<2000x16xf32>, vector<16x16xf32>, vector<2000x16xf32> -> vector<2000x16xf32>
    %get3A_6 = arith.constant 0 : index
    %get3A_7 = arith.constant 0 : index
    %get3A_8 = vector.load %arg3[%get3A_6, %get3A_7] : memref<1x16xf32, #tpu.memory_space<vmem>>, vector<1x16xf32>
    %add3A = vector.broadcast %get3A_8 : vector<1x16xf32> to vector<2000x16xf32>
    %add3A_9 = arith.addf %dot_general3A_5, %add3A : vector<2000x16xf32>
    %jit3A = arith.constant 0.00999999977 : f32
    %ge3A = arith.constant 0.000000e+00 : f32
    %ge3A_10 = vector.broadcast %ge3A : f32 to vector<2000x16xf32>
    %ge3A_11 = arith.cmpf oge, %add3A_9, %ge3A_10 : vector<2000x16xf32>
    %mul3A = vector.broadcast %jit3A : f32 to vector<2000x16xf32>
    %mul3A_12 = arith.mulf %mul3A, %add3A_9 : vector<2000x16xf32>
    %select_n3A = arith.select %ge3A_11, %add3A_9, %mul3A_12 : vector<2000x16xi1>, vector<2000x16xf32>
    %swap3A = arith.constant 0 : index
    %swap3A_13 = arith.constant 0 : index
    %swap3A_14 = vector.load %arg7[%swap3A, %swap3A_13] : memref<2000x16xf32, #tpu.memory_space<vmem>>, vector<2000x16xf32>
    tpu.vector_store %arg7[%swap3A, %swap3A_13], %select_n3A {strides = array<i32>} : memref<2000x16xf32, #tpu.memory_space<vmem>>, vector<2000x16xf32>,
    %get3A_15 = arith.constant 0 : index
    %get3A_16 = arith.constant 0 : index
    %get3A_17 = vector.load %arg4[%get3A_15, %get3A_16] : memref<16x16xf32, #tpu.memory_space<vmem>>, vector<16x16xf32>
    %dot_general3A_18 = arith.constant dense<0.000000e+00> : vector<2000x16xf32>
    %dot_general3A_19 = tpu.matmul %get3A_1, %get3A_17, %dot_general3A_18 {dimension_numbers = #tpu.dot_dimension_numbers<[1], [0], [0], [1], [0, 0, 1, 1], [], []>, transpose_lhs_hint = false} : vector<2000x16xf32>, vector<16x16xf32>, vector<2000x16xf32> -> vector<2000x16xf32>
    %swap3A_20 = arith.constant 0 : index
    %swap3A_21 = arith.constant 0 : index
    %swap3A_22 = vector.load %arg8[%swap3A_20, %swap3A_21] : memref<2000x16xf32, #tpu.memory_space<vmem>>, vector<2000x16xf32>
    tpu.vector_store %arg8[%swap3A_20, %swap3A_21], %dot_general3A_19 {strides = array<i32>} : memref<2000x16xf32, #tpu.memory_space<vmem>>, vector<2000x16xf32>,
    %get3A_23 = arith.constant 0 : index
    %get3A_24 = arith.constant 0 : index
    %get3A_25 = vector.load %arg5[%get3A_23, %get3A_24] : memref<16x1xf32, #tpu.memory_space<vmem>>, vector<16x1xf32>
    %dot_general3A_26 = arith.constant dense<0.000000e+00> : vector<2000x1xf32>
    %dot_general3A_27 = tpu.matmul %select_n3A, %get3A_25, %dot_general3A_26 {dimension_numbers = #tpu.dot_dimension_numbers<[1], [0], [0], [1], [0, 0, 1, 1], [], []>, transpose_lhs_hint = false} : vector<2000x16xf32>, vector<16x1xf32>, vector<2000x1xf32> -> vector<2000x1xf32>
    %get3A_28 = arith.constant 0 : index
    %get3A_29 = arith.constant 0 : index
    %get3A_30 = vector.load %arg6[%get3A_28, %get3A_29] : memref<1x1xf32, #tpu.memory_space<vmem>>, vector<1x1xf32>
    %get3A_31 = vector.extract %get3A_30[0, 0] : f32 from vector<1x1xf32>
    %add3A_32 = vector.broadcast %get3A_31 : f32 to vector<2000x1xf32>
    %add3A_33 = arith.addf %dot_general3A_27, %add3A_32 : vector<2000x1xf32>
    %swap3A_34 = arith.constant 0 : index
    %swap3A_35 = arith.constant 0 : index
    %swap3A_36 = vector.load %arg9[%swap3A_34, %swap3A_35] : memref<2000x1xf32, #tpu.memory_space<vmem>>, vector<2000x1xf32>
    tpu.vector_store %arg9[%swap3A_34, %swap3A_35], %add3A_33 {strides = array<i32>} : memref<2000x1xf32, #tpu.memory_space<vmem>>, vector<2000x1xf32>,
    return
  }
  func.func @transform_0(%arg0: i32) -> (i32, i32) {
    %c0_i32 = arith.constant 0 : i32
    %c0_i32_0 = arith.constant 0 : i32
    return %arg0, %c0_i32 : i32, i32
  }
  func.func @transform_1(%arg0: i32) -> (i32, i32) {
    %c0_i32 = arith.constant 0 : i32
    %c0_i32_0 = arith.constant 0 : i32
    %c0_i32_1 = arith.constant 0 : i32
    return %c0_i32, %c0_i32_0 : i32, i32
  }
  func.func @transform_2(%arg0: i32) -> (i32, i32) {
    %c0_i32 = arith.constant 0 : i32
    %c0_i32_0 = arith.constant 0 : i32
    %c0_i32_1 = arith.constant 0 : i32
    return %c0_i32, %c0_i32_0 : i32, i32
  }
  func.func @transform_3(%arg0: i32) -> (i32, i32) {
    %c0_i32 = arith.constant 0 : i32
    %c0_i32_0 = arith.constant 0 : i32
    %c0_i32_1 = arith.constant 0 : i32
    return %c0_i32, %c0_i32_0 : i32, i32
  }
  func.func @transform_4(%arg0: i32) -> (i32, i32) {
    %c0_i32 = arith.constant 0 : i32
    %c0_i32_0 = arith.constant 0 : i32
    %c0_i32_1 = arith.constant 0 : i32
    return %c0_i32, %c0_i32_0 : i32, i32
  }
  func.func @transform_5(%arg0: i32) -> (i32, i32) {
    %c0_i32 = arith.constant 0 : i32
    %c0_i32_0 = arith.constant 0 : i32
    %c0_i32_1 = arith.constant 0 : i32
    return %c0_i32, %c0_i32_0 : i32, i32
  }
  func.func @transform_6(%arg0: i32) -> (i32, i32) {
    %c0_i32 = arith.constant 0 : i32
    %c0_i32_0 = arith.constant 0 : i32
    return %arg0, %c0_i32 : i32, i32
  }
  func.func @transform_7(%arg0: i32) -> (i32, i32) {
    %c0_i32 = arith.constant 0 : i32
    %c0_i32_0 = arith.constant 0 : i32
    return %arg0, %c0_i32 : i32, i32
  }
  func.func @transform_8(%arg0: i32) -> (i32, i32) {
    %c0_i32 = arith.constant 0 : i32
    %c0_i32_0 = arith.constant 0 : i32
    return %arg0, %c0_i32 : i32, i32
  }
}

module attributes {stable_mosaic.version = 14 : i64} {
  func.func @_k2(%arg0: i32, %arg1: memref<6400x16xf32, #tpu.memory_space<vmem>>, %arg2: memref<6400x1xf32, #tpu.memory_space<vmem>>, %arg3: memref<6400x8xf32, #tpu.memory_space<vmem>>, %arg4: memref<8x16xf32, #tpu.memory_space<vmem>>, %arg5: memref<1x16xf32, #tpu.memory_space<vmem>>, %arg6: memref<16x1xf32, #tpu.memory_space<vmem>>, %arg7: memref<16x32xf32, #tpu.memory_space<vmem>>, %arg8: memref<1x32xf32, #tpu.memory_space<vmem>>, %arg9: memref<6400x32xf32, #tpu.memory_space<vmem>>) attributes {dimension_semantics = [#tpu.dimension_semantics<arbitrary>], iteration_bounds = array<i64: 128>, scalar_prefetch = 0 : i64, scratch_operands = 0 : i64, tpu.core_type = #tpu.core_type<tc>, window_params = [{transform_indices = @transform_0, window_bounds = array<i64: 6400, 16>}, {transform_indices = @transform_1, window_bounds = array<i64: 6400, 1>}, {transform_indices = @transform_2, window_bounds = array<i64: 6400, 8>}, {pipeline_mode = #tpu.pipeline_mode<synchronous>, transform_indices = @transform_3, window_bounds = array<i64: 8, 16>}, {pipeline_mode = #tpu.pipeline_mode<synchronous>, transform_indices = @transform_4, window_bounds = array<i64: 1, 16>}, {pipeline_mode = #tpu.pipeline_mode<synchronous>, transform_indices = @transform_5, window_bounds = array<i64: 16, 1>}, {pipeline_mode = #tpu.pipeline_mode<synchronous>, transform_indices = @transform_6, window_bounds = array<i64: 16, 32>}, {pipeline_mode = #tpu.pipeline_mode<synchronous>, transform_indices = @transform_7, window_bounds = array<i64: 1, 32>}, {transform_indices = @transform_8, window_bounds = array<i64: 6400, 32>}]} {
    %get3A = arith.constant 0 : index
    %get3A_0 = arith.constant 0 : index
    %get3A_1 = vector.load %arg1[%get3A, %get3A_0] : memref<6400x16xf32, #tpu.memory_space<vmem>>, vector<6400x16xf32>
    %get3A_2 = arith.constant 0 : index
    %get3A_3 = arith.constant 0 : index
    %get3A_4 = vector.load %arg3[%get3A_2, %get3A_3] : memref<6400x8xf32, #tpu.memory_space<vmem>>, vector<6400x8xf32>
    %get3A_5 = arith.constant 0 : index
    %get3A_6 = arith.constant 0 : index
    %get3A_7 = vector.load %arg4[%get3A_5, %get3A_6] : memref<8x16xf32, #tpu.memory_space<vmem>>, vector<8x16xf32>
    %dot_general3A = arith.constant dense<0.000000e+00> : vector<6400x16xf32>
    %dot_general3A_8 = tpu.matmul %get3A_4, %get3A_7, %dot_general3A {dimension_numbers = #tpu.dot_dimension_numbers<[1], [0], [0], [1], [0, 0, 1, 1], [], []>, transpose_lhs_hint = false} : vector<6400x8xf32>, vector<8x16xf32>, vector<6400x16xf32> -> vector<6400x16xf32>
    %add3A = arith.addf %get3A_1, %dot_general3A_8 : vector<6400x16xf32>
    %get3A_9 = arith.constant 0 : index
    %get3A_10 = arith.constant 0 : index
    %get3A_11 = vector.load %arg5[%get3A_9, %get3A_10] : memref<1x16xf32, #tpu.memory_space<vmem>>, vector<1x16xf32>
    %add3A_12 = vector.broadcast %get3A_11 : vector<1x16xf32> to vector<6400x16xf32>
    %add3A_13 = arith.addf %add3A, %add3A_12 : vector<6400x16xf32>
    %jit3A = arith.constant 0.00999999977 : f32
    %ge3A = arith.constant 0.000000e+00 : f32
    %ge3A_14 = vector.broadcast %ge3A : f32 to vector<6400x16xf32>
    %ge3A_15 = arith.cmpf oge, %add3A_13, %ge3A_14 : vector<6400x16xf32>
    %mul3A = vector.broadcast %jit3A : f32 to vector<6400x16xf32>
    %mul3A_16 = arith.mulf %mul3A, %add3A_13 : vector<6400x16xf32>
    %select_n3A = arith.select %ge3A_15, %add3A_13, %mul3A_16 : vector<6400x16xi1>, vector<6400x16xf32>
    %get3A_17 = arith.constant 0 : index
    %get3A_18 = arith.constant 0 : index
    %get3A_19 = vector.load %arg2[%get3A_17, %get3A_18] : memref<6400x1xf32, #tpu.memory_space<vmem>>, vector<6400x1xf32>
    %get3A_20 = arith.constant 0 : index
    %get3A_21 = arith.constant 0 : index
    %get3A_22 = vector.load %arg6[%get3A_20, %get3A_21] : memref<16x1xf32, #tpu.memory_space<vmem>>, vector<16x1xf32>
    %dot_general3A_23 = arith.constant dense<0.000000e+00> : vector<6400x1xf32>
    %dot_general3A_24 = tpu.matmul %select_n3A, %get3A_22, %dot_general3A_23 {dimension_numbers = #tpu.dot_dimension_numbers<[1], [0], [0], [1], [0, 0, 1, 1], [], []>, transpose_lhs_hint = false} : vector<6400x16xf32>, vector<16x1xf32>, vector<6400x1xf32> -> vector<6400x1xf32>
    %add3A_25 = arith.addf %get3A_19, %dot_general3A_24 : vector<6400x1xf32>
    %jit3A_26 = arith.constant 0.00999999977 : f32
    %ge3A_27 = arith.constant 0.000000e+00 : f32
    %ge3A_28 = vector.broadcast %ge3A_27 : f32 to vector<6400x1xf32>
    %ge3A_29 = arith.cmpf oge, %add3A_25, %ge3A_28 : vector<6400x1xf32>
    %mul3A_30 = vector.broadcast %jit3A_26 : f32 to vector<6400x1xf32>
    %mul3A_31 = arith.mulf %mul3A_30, %add3A_25 : vector<6400x1xf32>
    %select_n3A_32 = arith.select %ge3A_29, %add3A_25, %mul3A_31 : vector<6400x1xi1>, vector<6400x1xf32>
    %exp3A = math.exp %select_n3A_32 : vector<6400x1xf32>
    %mul3A_33 = arith.constant 6400 : i32
    %mul3A_34 = arith.muli %arg0, %mul3A_33 : i32
    %iota3A = tpu.iota {dimensions = array<i32: 0>} : vector<6400x1xi32>
    %add3A_35 = vector.broadcast %mul3A_34 : i32 to vector<6400x1xi32>
    %add3A_36 = arith.addi %add3A_35, %iota3A : vector<6400x1xi32>
    %lt3A = arith.constant 800000 : i32
    %lt3A_37 = vector.broadcast %lt3A : i32 to vector<6400x1xi32>
    %lt3A_38 = arith.cmpi slt, %add3A_36, %lt3A_37 : vector<6400x1xi32>
    %jit3A_39 = arith.constant 0.000000e+00 : f32
    %broadcast_in_dim3A = vector.broadcast %jit3A_39 : f32 to vector<6400x1xf32>
    %select_n3A_40 = arith.select %lt3A_38, %exp3A, %broadcast_in_dim3A : vector<6400x1xi1>, vector<6400x1xf32>
    %mul3A_41 = vector.broadcast %select_n3A_40 : vector<6400x1xf32> to vector<6400x16xf32>
    %mul3A_42 = arith.mulf %mul3A_41, %select_n3A : vector<6400x16xf32>
    %get3A_43 = arith.constant 0 : index
    %get3A_44 = arith.constant 0 : index
    %get3A_45 = vector.load %arg7[%get3A_43, %get3A_44] : memref<16x32xf32, #tpu.memory_space<vmem>>, vector<16x32xf32>
    %dot_general3A_46 = arith.constant dense<0.000000e+00> : vector<6400x32xf32>
    %dot_general3A_47 = tpu.matmul %mul3A_42, %get3A_45, %dot_general3A_46 {dimension_numbers = #tpu.dot_dimension_numbers<[1], [0], [0], [1], [0, 0, 1, 1], [], []>, transpose_lhs_hint = false} : vector<6400x16xf32>, vector<16x32xf32>, vector<6400x32xf32> -> vector<6400x32xf32>
    %get3A_48 = arith.constant 0 : index
    %get3A_49 = arith.constant 0 : index
    %get3A_50 = vector.load %arg8[%get3A_48, %get3A_49] : memref<1x32xf32, #tpu.memory_space<vmem>>, vector<1x32xf32>
    %mul3A_51 = vector.broadcast %select_n3A_40 : vector<6400x1xf32> to vector<6400x32xf32>
    %mul3A_52 = vector.broadcast %get3A_50 : vector<1x32xf32> to vector<6400x32xf32>
    %mul3A_53 = arith.mulf %mul3A_51, %mul3A_52 : vector<6400x32xf32>
    %add3A_54 = arith.addf %dot_general3A_47, %mul3A_53 : vector<6400x32xf32>
    %swap3A = arith.constant 0 : index
    %swap3A_55 = arith.constant 0 : index
    %swap3A_56 = vector.load %arg9[%swap3A, %swap3A_55] : memref<6400x32xf32, #tpu.memory_space<vmem>>, vector<6400x32xf32>
    tpu.vector_store %arg9[%swap3A, %swap3A_55], %add3A_54 {strides = array<i32>} : memref<6400x32xf32, #tpu.memory_space<vmem>>, vector<6400x32xf32>,
    return
  }
  func.func @transform_0(%arg0: i32) -> (i32, i32) {
    %c0_i32 = arith.constant 0 : i32
    %c0_i32_0 = arith.constant 0 : i32
    return %arg0, %c0_i32 : i32, i32
  }
  func.func @transform_1(%arg0: i32) -> (i32, i32) {
    %c0_i32 = arith.constant 0 : i32
    %c0_i32_0 = arith.constant 0 : i32
    return %arg0, %c0_i32 : i32, i32
  }
  func.func @transform_2(%arg0: i32) -> (i32, i32) {
    %c0_i32 = arith.constant 0 : i32
    %c0_i32_0 = arith.constant 0 : i32
    return %arg0, %c0_i32 : i32, i32
  }
  func.func @transform_3(%arg0: i32) -> (i32, i32) {
    %c0_i32 = arith.constant 0 : i32
    %c0_i32_0 = arith.constant 0 : i32
    %c0_i32_1 = arith.constant 0 : i32
    return %c0_i32, %c0_i32_0 : i32, i32
  }
  func.func @transform_4(%arg0: i32) -> (i32, i32) {
    %c0_i32 = arith.constant 0 : i32
    %c0_i32_0 = arith.constant 0 : i32
    %c0_i32_1 = arith.constant 0 : i32
    return %c0_i32, %c0_i32_0 : i32, i32
  }
  func.func @transform_5(%arg0: i32) -> (i32, i32) {
    %c0_i32 = arith.constant 0 : i32
    %c0_i32_0 = arith.constant 0 : i32
    %c0_i32_1 = arith.constant 0 : i32
    return %c0_i32, %c0_i32_0 : i32, i32
  }
  func.func @transform_6(%arg0: i32) -> (i32, i32) {
    %c0_i32 = arith.constant 0 : i32
    %c0_i32_0 = arith.constant 0 : i32
    %c0_i32_1 = arith.constant 0 : i32
    return %c0_i32, %c0_i32_0 : i32, i32
  }
  func.func @transform_7(%arg0: i32) -> (i32, i32) {
    %c0_i32 = arith.constant 0 : i32
    %c0_i32_0 = arith.constant 0 : i32
    %c0_i32_1 = arith.constant 0 : i32
    return %c0_i32, %c0_i32_0 : i32, i32
  }
  func.func @transform_8(%arg0: i32) -> (i32, i32) {
    %c0_i32 = arith.constant 0 : i32
    %c0_i32_0 = arith.constant 0 : i32
    return %arg0, %c0_i32 : i32, i32
  }
}

module attributes {stable_mosaic.version = 14 : i64} {
  func.func @_k4(%arg0: i32, %arg1: memref<2000x32xf32, #tpu.memory_space<vmem>>, %arg2: memref<2000x32xf32, #tpu.memory_space<vmem>>, %arg3: memref<2000x16xf32, #tpu.memory_space<vmem>>, %arg4: memref<16x16xf32, #tpu.memory_space<vmem>>, %arg5: memref<1x16xf32, #tpu.memory_space<vmem>>, %arg6: memref<16x96xf32, #tpu.memory_space<vmem>>, %arg7: memref<1x64xf32, #tpu.memory_space<vmem>>, %arg8: memref<16x16xf32, #tpu.memory_space<vmem>>, %arg9: memref<1x16xf32, #tpu.memory_space<vmem>>, %arg10: memref<16x1xf32, #tpu.memory_space<vmem>>, %arg11: memref<2000x16xf32, #tpu.memory_space<vmem>>, %arg12: memref<2000x16xf32, #tpu.memory_space<vmem>>, %arg13: memref<2000x1xf32, #tpu.memory_space<vmem>>) attributes {dimension_semantics = [#tpu.dimension_semantics<arbitrary>], iteration_bounds = array<i64: 25>, scalar_prefetch = 0 : i64, scratch_operands = 0 : i64, tpu.core_type = #tpu.core_type<tc>, window_params = [{transform_indices = @transform_0, window_bounds = array<i64: 2000, 32>}, {transform_indices = @transform_1, window_bounds = array<i64: 2000, 32>}, {transform_indices = @transform_2, window_bounds = array<i64: 2000, 16>}, {pipeline_mode = #tpu.pipeline_mode<synchronous>, transform_indices = @transform_3, window_bounds = array<i64: 16, 16>}, {pipeline_mode = #tpu.pipeline_mode<synchronous>, transform_indices = @transform_4, window_bounds = array<i64: 1, 16>}, {pipeline_mode = #tpu.pipeline_mode<synchronous>, transform_indices = @transform_5, window_bounds = array<i64: 16, 96>}, {pipeline_mode = #tpu.pipeline_mode<synchronous>, transform_indices = @transform_6, window_bounds = array<i64: 1, 64>}, {pipeline_mode = #tpu.pipeline_mode<synchronous>, transform_indices = @transform_7, window_bounds = array<i64: 16, 16>}, {pipeline_mode = #tpu.pipeline_mode<synchronous>, transform_indices = @transform_8, window_bounds = array<i64: 1, 16>}, {pipeline_mode = #tpu.pipeline_mode<synchronous>, transform_indices = @transform_9, window_bounds = array<i64: 16, 1>}, {transform_indices = @transform_10, window_bounds = array<i64: 2000, 16>}, {transform_indices = @transform_11, window_bounds = array<i64: 2000, 16>}, {transform_indices = @transform_12, window_bounds = array<i64: 2000, 1>}]} {
    %get3A = arith.constant 0 : index
    %get3A_0 = arith.constant 0 : index
    %get3A_1 = vector.load %arg1[%get3A, %get3A_0] : memref<2000x32xf32, #tpu.memory_space<vmem>>, vector<2000x32xf32>
    %get3A_2 = arith.constant 0 : index
    %get3A_3 = arith.constant 0 : index
    %get3A_4 = vector.load %arg2[%get3A_2, %get3A_3] : memref<2000x32xf32, #tpu.memory_space<vmem>>, vector<2000x32xf32>
    %add3A = arith.addf %get3A_1, %get3A_4 : vector<2000x32xf32>
    %slice3A = vector.extract_strided_slice %add3A {offsets = [0, 0], sizes = [2000, 16], strides = [1, 1]} : vector<2000x32xf32> to vector<2000x16xf32>
    %slice3A_5 = vector.extract_strided_slice %add3A {offsets = [0, 16], sizes = [2000, 1], strides = [1, 1]} : vector<2000x32xf32> to vector<2000x1xf32>
    %add3A_6 = arith.constant 9.99999996E-13 : f32
    %add3A_7 = vector.broadcast %add3A_6 : f32 to vector<2000x1xf32>
    %add3A_8 = arith.addf %slice3A_5, %add3A_7 : vector<2000x1xf32>
    %div3A = arith.divf %slice3A_5, %add3A_8 : vector<2000x1xf32>
    %add3A_9 = arith.constant 9.99999996E-13 : f32
    %add3A_10 = vector.broadcast %add3A_9 : f32 to vector<2000x1xf32>
    %add3A_11 = arith.addf %slice3A_5, %add3A_10 : vector<2000x1xf32>
    %div3A_12 = vector.broadcast %add3A_11 : vector<2000x1xf32> to vector<2000x16xf32>
    %div3A_13 = arith.divf %slice3A, %div3A_12 : vector<2000x16xf32>
    %get3A_14 = arith.constant 0 : index
    %get3A_15 = arith.constant 0 : index
    %get3A_16 = vector.load %arg4[%get3A_14, %get3A_15] : memref<16x16xf32, #tpu.memory_space<vmem>>, vector<16x16xf32>
    %dot_general3A = arith.constant dense<0.000000e+00> : vector<2000x16xf32>
    %dot_general3A_17 = tpu.matmul %div3A_13, %get3A_16, %dot_general3A {dimension_numbers = #tpu.dot_dimension_numbers<[1], [0], [0], [1], [0, 0, 1, 1], [], []>, transpose_lhs_hint = false} : vector<2000x16xf32>, vector<16x16xf32>, vector<2000x16xf32> -> vector<2000x16xf32>
    %get3A_18 = arith.constant 0 : index
    %get3A_19 = arith.constant 0 : index
    %get3A_20 = vector.load %arg5[%get3A_18, %get3A_19] : memref<1x16xf32, #tpu.memory_space<vmem>>, vector<1x16xf32>
    %mul3A = vector.broadcast %get3A_20 : vector<1x16xf32> to vector<2000x16xf32>
    %mul3A_21 = vector.broadcast %div3A : vector<2000x1xf32> to vector<2000x16xf32>
    %mul3A_22 = arith.mulf %mul3A, %mul3A_21 : vector<2000x16xf32>
    %add3A_23 = arith.addf %dot_general3A_17, %mul3A_22 : vector<2000x16xf32>
    %gt3A = arith.constant 0.000000e+00 : f32
    %gt3A_24 = vector.broadcast %gt3A : f32 to vector<2000x16xf32>
    %gt3A_25 = arith.cmpf ogt, %add3A_23, %gt3A_24 : vector<2000x16xf32>
    %exp3A = math.exp %add3A_23 : vector<2000x16xf32>
    %sub3A = arith.constant 1.000000e+00 : f32
    %sub3A_26 = vector.broadcast %sub3A : f32 to vector<2000x16xf32>
    %sub3A_27 = arith.subf %exp3A, %sub3A_26 : vector<2000x16xf32>
    %select_n3A = arith.select %gt3A_25, %add3A_23, %sub3A_27 : vector<2000x16xi1>, vector<2000x16xf32>
    %get3A_28 = arith.constant 0 : index
    %get3A_29 = arith.constant 0 : index
    %get3A_30 = vector.load %arg3[%get3A_28, %get3A_29] : memref<2000x16xf32, #tpu.memory_space<vmem>>, vector<2000x16xf32>
    %get3A_31 = arith.constant 0 : index
    %get3A_32 = arith.constant 0 : index
    %get3A_33 = vector.load %arg6[%get3A_31, %get3A_32] : memref<16x96xf32, #tpu.memory_space<vmem>>, vector<16x48xf32>
    %dot_general3A_34 = arith.constant dense<0.000000e+00> : vector<2000x48xf32>
    %dot_general3A_35 = tpu.matmul %select_n3A, %get3A_33, %dot_general3A_34 {dimension_numbers = #tpu.dot_dimension_numbers<[1], [0], [0], [1], [0, 0, 1, 1], [], []>, transpose_lhs_hint = false} : vector<2000x16xf32>, vector<16x48xf32>, vector<2000x48xf32> -> vector<2000x48xf32>
    %get3A_36 = arith.constant 0 : index
    %get3A_37 = arith.constant 48 : index
    %get3A_38 = vector.load %arg6[%get3A_36, %get3A_37] : memref<16x96xf32, #tpu.memory_space<vmem>>, vector<16x48xf32>
    %dot_general3A_39 = arith.constant dense<0.000000e+00> : vector<2000x48xf32>
    %dot_general3A_40 = tpu.matmul %get3A_30, %get3A_38, %dot_general3A_39 {dimension_numbers = #tpu.dot_dimension_numbers<[1], [0], [0], [1], [0, 0, 1, 1], [], []>, transpose_lhs_hint = false} : vector<2000x16xf32>, vector<16x48xf32>, vector<2000x48xf32> -> vector<2000x48xf32>
    %get3A_41 = arith.constant 0 : index
    %get3A_42 = arith.constant 0 : index
    %get3A_43 = vector.load %arg7[%get3A_41, %get3A_42] : memref<1x64xf32, #tpu.memory_space<vmem>>, vector<1x64xf32>
    %slice3A_44 = vector.extract_strided_slice %dot_general3A_35 {offsets = [0, 0], sizes = [2000, 16], strides = [1, 1]} : vector<2000x48xf32> to vector<2000x16xf32>
    %slice3A_45 = vector.extract_strided_slice %dot_general3A_40 {offsets = [0, 0], sizes = [2000, 16], strides = [1, 1]} : vector<2000x48xf32> to vector<2000x16xf32>
    %add3A_46 = arith.addf %slice3A_44, %slice3A_45 : vector<2000x16xf32>
    %slice3A_47 = vector.extract_strided_slice %get3A_43 {offsets = [0, 0], sizes = [1, 16], strides = [1, 1]} : vector<1x64xf32> to vector<1x16xf32>
    %add3A_48 = vector.broadcast %slice3A_47 : vector<1x16xf32> to vector<2000x16xf32>
    %add3A_49 = arith.addf %add3A_46, %add3A_48 : vector<2000x16xf32>
    %neg3A = arith.constant 0.000000e+00 : f32
    %neg3A_50 = vector.broadcast %neg3A : f32 to vector<2000x16xf32>
    %neg3A_51 = arith.subf %neg3A_50, %add3A_49 : vector<2000x16xf32>
    %exp3A_52 = math.exp %neg3A_51 : vector<2000x16xf32>
    %add3A_53 = arith.constant 1.000000e+00 : f32
    %add3A_54 = vector.broadcast %add3A_53 : f32 to vector<2000x16xf32>
    %add3A_55 = arith.addf %add3A_54, %exp3A_52 : vector<2000x16xf32>
    %div3A_56 = arith.constant 1.000000e+00 : f32
    %div3A_57 = vector.broadcast %div3A_56 : f32 to vector<2000x16xf32>
    %div3A_58 = arith.divf %div3A_57, %add3A_55 : vector<2000x16xf32>
    %slice3A_59 = vector.extract_strided_slice %dot_general3A_35 {offsets = [0, 16], sizes = [2000, 16], strides = [1, 1]} : vector<2000x48xf32> to vector<2000x16xf32>
    %slice3A_60 = vector.extract_strided_slice %dot_general3A_40 {offsets = [0, 16], sizes = [2000, 16], strides = [1, 1]} : vector<2000x48xf32> to vector<2000x16xf32>
    %add3A_61 = arith.addf %slice3A_59, %slice3A_60 : vector<2000x16xf32>
    %slice3A_62 = vector.extract_strided_slice %get3A_43 {offsets = [0, 16], sizes = [1, 16], strides = [1, 1]} : vector<1x64xf32> to vector<1x16xf32>
    %add3A_63 = vector.broadcast %slice3A_62 : vector<1x16xf32> to vector<2000x16xf32>
    %add3A_64 = arith.addf %add3A_61, %add3A_63 : vector<2000x16xf32>
    %neg3A_65 = arith.constant 0.000000e+00 : f32
    %neg3A_66 = vector.broadcast %neg3A_65 : f32 to vector<2000x16xf32>
    %neg3A_67 = arith.subf %neg3A_66, %add3A_64 : vector<2000x16xf32>
    %exp3A_68 = math.exp %neg3A_67 : vector<2000x16xf32>
    %add3A_69 = arith.constant 1.000000e+00 : f32
    %add3A_70 = vector.broadcast %add3A_69 : f32 to vector<2000x16xf32>
    %add3A_71 = arith.addf %add3A_70, %exp3A_68 : vector<2000x16xf32>
    %div3A_72 = arith.constant 1.000000e+00 : f32
    %div3A_73 = vector.broadcast %div3A_72 : f32 to vector<2000x16xf32>
    %div3A_74 = arith.divf %div3A_73, %add3A_71 : vector<2000x16xf32>
    %slice3A_75 = vector.extract_strided_slice %dot_general3A_35 {offsets = [0, 32], sizes = [2000, 16], strides = [1, 1]} : vector<2000x48xf32> to vector<2000x16xf32>
    %slice3A_76 = vector.extract_strided_slice %get3A_43 {offsets = [0, 32], sizes = [1, 16], strides = [1, 1]} : vector<1x64xf32> to vector<1x16xf32>
    %add3A_77 = vector.broadcast %slice3A_76 : vector<1x16xf32> to vector<2000x16xf32>
    %add3A_78 = arith.addf %slice3A_75, %add3A_77 : vector<2000x16xf32>
    %slice3A_79 = vector.extract_strided_slice %dot_general3A_40 {offsets = [0, 32], sizes = [2000, 16], strides = [1, 1]} : vector<2000x48xf32> to vector<2000x16xf32>
    %slice3A_80 = vector.extract_strided_slice %get3A_43 {offsets = [0, 48], sizes = [1, 16], strides = [1, 1]} : vector<1x64xf32> to vector<1x16xf32>
    %add3A_81 = vector.broadcast %slice3A_80 : vector<1x16xf32> to vector<2000x16xf32>
    %add3A_82 = arith.addf %slice3A_79, %add3A_81 : vector<2000x16xf32>
    %mul3A_83 = arith.mulf %div3A_58, %add3A_82 : vector<2000x16xf32>
    %add3A_84 = arith.addf %add3A_78, %mul3A_83 : vector<2000x16xf32>
    %tanh3A = math.tanh %add3A_84 : vector<2000x16xf32>
    %sub3A_85 = arith.constant 1.000000e+00 : f32
    %sub3A_86 = vector.broadcast %sub3A_85 : f32 to vector<2000x16xf32>
    %sub3A_87 = arith.subf %sub3A_86, %div3A_74 : vector<2000x16xf32>
    %mul3A_88 = arith.mulf %sub3A_87, %tanh3A : vector<2000x16xf32>
    %mul3A_89 = arith.mulf %div3A_74, %get3A_30 : vector<2000x16xf32>
    %add3A_90 = arith.addf %mul3A_88, %mul3A_89 : vector<2000x16xf32>
    %max3A = arith.constant 0.000000e+00 : f32
    %max3A_91 = vector.broadcast %max3A : f32 to vector<2000x16xf32>
    %max3A_92 = arith.maximumf %add3A_90, %max3A_91 : vector<2000x16xf32>
    %swap3A = arith.constant 0 : index
    %swap3A_93 = arith.constant 0 : index
    %swap3A_94 = vector.load %arg11[%swap3A, %swap3A_93] : memref<2000x16xf32, #tpu.memory_space<vmem>>, vector<2000x16xf32>
    tpu.vector_store %arg11[%swap3A, %swap3A_93], %max3A_92 {strides = array<i32>} : memref<2000x16xf32, #tpu.memory_space<vmem>>, vector<2000x16xf32>,
    %get3A_95 = arith.constant 0 : index
    %get3A_96 = arith.constant 0 : index
    %get3A_97 = vector.load %arg8[%get3A_95, %get3A_96] : memref<16x16xf32, #tpu.memory_space<vmem>>, vector<16x16xf32>
    %dot_general3A_98 = arith.constant dense<0.000000e+00> : vector<2000x16xf32>
    %dot_general3A_99 = tpu.matmul %max3A_92, %get3A_97, %dot_general3A_98 {dimension_numbers = #tpu.dot_dimension_numbers<[1], [0], [0], [1], [0, 0, 1, 1], [], []>, transpose_lhs_hint = false} : vector<2000x16xf32>, vector<16x16xf32>, vector<2000x16xf32> -> vector<2000x16xf32>
    %get3A_100 = arith.constant 0 : index
    %get3A_101 = arith.constant 0 : index
    %get3A_102 = vector.load %arg9[%get3A_100, %get3A_101] : memref<1x16xf32, #tpu.memory_space<vmem>>, vector<1x16xf32>
    %add3A_103 = vector.broadcast %get3A_102 : vector<1x16xf32> to vector<2000x16xf32>
    %add3A_104 = arith.addf %dot_general3A_99, %add3A_103 : vector<2000x16xf32>
    %swap3A_105 = arith.constant 0 : index
    %swap3A_106 = arith.constant 0 : index
    %swap3A_107 = vector.load %arg12[%swap3A_105, %swap3A_106] : memref<2000x16xf32, #tpu.memory_space<vmem>>, vector<2000x16xf32>
    tpu.vector_store %arg12[%swap3A_105, %swap3A_106], %add3A_104 {strides = array<i32>} : memref<2000x16xf32, #tpu.memory_space<vmem>>, vector<2000x16xf32>,
    %get3A_108 = arith.constant 0 : index
    %get3A_109 = arith.constant 0 : index
    %get3A_110 = vector.load %arg10[%get3A_108, %get3A_109] : memref<16x1xf32, #tpu.memory_space<vmem>>, vector<16x1xf32>
    %dot_general3A_111 = arith.constant dense<0.000000e+00> : vector<2000x1xf32>
    %dot_general3A_112 = tpu.matmul %max3A_92, %get3A_110, %dot_general3A_111 {dimension_numbers = #tpu.dot_dimension_numbers<[1], [0], [0], [1], [0, 0, 1, 1], [], []>, transpose_lhs_hint = false} : vector<2000x16xf32>, vector<16x1xf32>, vector<2000x1xf32> -> vector<2000x1xf32>
    %swap3A_113 = arith.constant 0 : index
    %swap3A_114 = arith.constant 0 : index
    %swap3A_115 = vector.load %arg13[%swap3A_113, %swap3A_114] : memref<2000x1xf32, #tpu.memory_space<vmem>>, vector<2000x1xf32>
    tpu.vector_store %arg13[%swap3A_113, %swap3A_114], %dot_general3A_112 {strides = array<i32>} : memref<2000x1xf32, #tpu.memory_space<vmem>>, vector<2000x1xf32>,
    return
  }
  func.func @transform_0(%arg0: i32) -> (i32, i32) {
    %c0_i32 = arith.constant 0 : i32
    %c0_i32_0 = arith.constant 0 : i32
    return %arg0, %c0_i32 : i32, i32
  }
  func.func @transform_1(%arg0: i32) -> (i32, i32) {
    %c0_i32 = arith.constant 0 : i32
    %c0_i32_0 = arith.constant 0 : i32
    return %arg0, %c0_i32 : i32, i32
  }
  func.func @transform_2(%arg0: i32) -> (i32, i32) {
    %c0_i32 = arith.constant 0 : i32
    %c0_i32_0 = arith.constant 0 : i32
    return %arg0, %c0_i32 : i32, i32
  }
  func.func @transform_3(%arg0: i32) -> (i32, i32) {
    %c0_i32 = arith.constant 0 : i32
    %c0_i32_0 = arith.constant 0 : i32
    %c0_i32_1 = arith.constant 0 : i32
    return %c0_i32, %c0_i32_0 : i32, i32
  }
  func.func @transform_4(%arg0: i32) -> (i32, i32) {
    %c0_i32 = arith.constant 0 : i32
    %c0_i32_0 = arith.constant 0 : i32
    %c0_i32_1 = arith.constant 0 : i32
    return %c0_i32, %c0_i32_0 : i32, i32
  }
  func.func @transform_5(%arg0: i32) -> (i32, i32) {
    %c0_i32 = arith.constant 0 : i32
    %c0_i32_0 = arith.constant 0 : i32
    %c0_i32_1 = arith.constant 0 : i32
    return %c0_i32, %c0_i32_0 : i32, i32
  }
  func.func @transform_6(%arg0: i32) -> (i32, i32) {
    %c0_i32 = arith.constant 0 : i32
    %c0_i32_0 = arith.constant 0 : i32
    %c0_i32_1 = arith.constant 0 : i32
    return %c0_i32, %c0_i32_0 : i32, i32
  }
  func.func @transform_7(%arg0: i32) -> (i32, i32) {
    %c0_i32 = arith.constant 0 : i32
    %c0_i32_0 = arith.constant 0 : i32
    %c0_i32_1 = arith.constant 0 : i32
    return %c0_i32, %c0_i32_0 : i32, i32
  }
  func.func @transform_8(%arg0: i32) -> (i32, i32) {
    %c0_i32 = arith.constant 0 : i32
    %c0_i32_0 = arith.constant 0 : i32
    %c0_i32_1 = arith.constant 0 : i32
    return %c0_i32, %c0_i32_0 : i32, i32
  }
  func.func @transform_9(%arg0: i32) -> (i32, i32) {
    %c0_i32 = arith.constant 0 : i32
    %c0_i32_0 = arith.constant 0 : i32
    %c0_i32_1 = arith.constant 0 : i32
    return %c0_i32, %c0_i32_0 : i32, i32
  }
  func.func @transform_10(%arg0: i32) -> (i32, i32) {
    %c0_i32 = arith.constant 0 : i32
    %c0_i32_0 = arith.constant 0 : i32
    return %arg0, %c0_i32 : i32, i32
  }
  func.func @transform_11(%arg0: i32) -> (i32, i32) {
    %c0_i32 = arith.constant 0 : i32
    %c0_i32_0 = arith.constant 0 : i32
    return %arg0, %c0_i32 : i32, i32
  }
  func.func @transform_12(%arg0: i32) -> (i32, i32) {
    %c0_i32 = arith.constant 0 : i32
    %c0_i32_0 = arith.constant 0 : i32
    return %arg0, %c0_i32 : i32, i32
  }
}

module attributes {stable_mosaic.version = 14 : i64} {
  func.func @_k5(%arg0: i32, %arg1: memref<1000x16xf32, #tpu.memory_space<vmem>>, %arg2: memref<1000x1xi32, #tpu.memory_space<vmem>>, %arg3: memref<16x1xf32, #tpu.memory_space<vmem>>, %arg4: memref<1x1xf32, #tpu.memory_space<vmem>>, %arg5: memref<2048x16xf32, #tpu.memory_space<vmem>>, %arg6: memref<2048x1xf32, #tpu.memory_space<vmem>>) attributes {dimension_semantics = [#tpu.dimension_semantics<arbitrary>], iteration_bounds = array<i64: 50>, scalar_prefetch = 0 : i64, scratch_operands = 0 : i64, tpu.core_type = #tpu.core_type<tc>, window_params = [{transform_indices = @transform_0, window_bounds = array<i64: 1000, 16>}, {transform_indices = @transform_1, window_bounds = array<i64: 1000, 1>}, {pipeline_mode = #tpu.pipeline_mode<synchronous>, transform_indices = @transform_2, window_bounds = array<i64: 16, 1>}, {pipeline_mode = #tpu.pipeline_mode<synchronous>, transform_indices = @transform_3, window_bounds = array<i64: 1, 1>}, {pipeline_mode = #tpu.pipeline_mode<synchronous>, transform_indices = @transform_4, window_bounds = array<i64: 2048, 16>}, {pipeline_mode = #tpu.pipeline_mode<synchronous>, transform_indices = @transform_5, window_bounds = array<i64: 2048, 1>}]} {
    %get3A = arith.constant 0 : index
    %get3A_0 = arith.constant 0 : index
    %get3A_1 = vector.load %arg2[%get3A, %get3A_0] : memref<1000x1xi32, #tpu.memory_space<vmem>>, vector<1000x1xi32>
    %iota3A = tpu.iota {dimensions = array<i32: 1>} : vector<1000x2048xi32>
    %eq3A = vector.broadcast %get3A_1 : vector<1000x1xi32> to vector<1000x2048xi32>
    %eq3A_2 = arith.cmpi eq, %eq3A, %iota3A : vector<1000x2048xi32>
    %jit3A = arith.constant 1.000000e+00 : f32
    %jit3A_3 = arith.constant 0.000000e+00 : f32
    %broadcast_in_dim3A = vector.broadcast %jit3A : f32 to vector<1000x2048xf32>
    %broadcast_in_dim3A_4 = vector.broadcast %jit3A_3 : f32 to vector<1000x2048xf32>
    %select_n3A = arith.select %eq3A_2, %broadcast_in_dim3A, %broadcast_in_dim3A_4 : vector<1000x2048xi1>, vector<1000x2048xf32>
    %get3A_5 = arith.constant 0 : index
    %get3A_6 = arith.constant 0 : index
    %get3A_7 = vector.load %arg1[%get3A_5, %get3A_6] : memref<1000x16xf32, #tpu.memory_space<vmem>>, vector<1000x16xf32>
    %dot_general3A = arith.constant dense<0.000000e+00> : vector<2048x16xf32>
    %dot_general3A_8 = tpu.matmul %select_n3A, %get3A_7, %dot_general3A {dimension_numbers = #tpu.dot_dimension_numbers<[0], [0], [1], [1], [0, 1, 1, 1], [], []>, transpose_lhs_hint = false} : vector<1000x2048xf32>, vector<1000x16xf32>, vector<2048x16xf32> -> vector<2048x16xf32>
    %eq3A_9 = arith.constant 0 : i32
    %eq3A_10 = arith.cmpi eq, %arg0, %eq3A_9 : i32
    %convert_element_type3A = arith.extui %eq3A_10 : i1 to i32
    %cond3A = arith.constant 0 : i32
    %cond3A_11 = arith.cmpi ne, %convert_element_type3A, %cond3A : i32
    scf.if %cond3A_11 {
      %broadcast_in_dim3A_22 = arith.constant 0.000000e+00 : f32
      %broadcast_in_dim3A_23 = vector.broadcast %broadcast_in_dim3A_22 : f32 to vector<2048x16xf32>
      %swap3A_24 = arith.constant 0 : index
      %swap3A_25 = arith.constant 0 : index
      %swap3A_26 = vector.load %arg5[%swap3A_24, %swap3A_25] : memref<2048x16xf32, #tpu.memory_space<vmem>>, vector<2048x16xf32>
      tpu.vector_store %arg5[%swap3A_24, %swap3A_25], %broadcast_in_dim3A_23 {strides = array<i32>} : memref<2048x16xf32, #tpu.memory_space<vmem>>, vector<2048x16xf32>,
      %broadcast_in_dim3A_27 = arith.constant 0.000000e+00 : f32
      %broadcast_in_dim3A_28 = vector.broadcast %broadcast_in_dim3A_27 : f32 to vector<2048x1xf32>
      %swap3A_29 = arith.constant 0 : index
      %swap3A_30 = arith.constant 0 : index
      %swap3A_31 = vector.load %arg6[%swap3A_29, %swap3A_30] : memref<2048x1xf32, #tpu.memory_space<vmem>>, vector<2048x1xf32>
      tpu.vector_store %arg6[%swap3A_29, %swap3A_30], %broadcast_in_dim3A_28 {strides = array<i32>} : memref<2048x1xf32, #tpu.memory_space<vmem>>, vector<2048x1xf32>,
    } else {
    }
    %get3A_12 = arith.constant 0 : index
    %get3A_13 = arith.constant 0 : index
    %get3A_14 = vector.load %arg5[%get3A_12, %get3A_13] : memref<2048x16xf32, #tpu.memory_space<vmem>>, vector<2048x16xf32>
    %add3A = arith.addf %get3A_14, %dot_general3A_8 : vector<2048x16xf32>
    %swap3A = arith.constant 0 : index
    %swap3A_15 = arith.constant 0 : index
    %swap3A_16 = vector.load %arg5[%swap3A, %swap3A_15] : memref<2048x16xf32, #tpu.memory_space<vmem>>, vector<2048x16xf32>
    tpu.vector_store %arg5[%swap3A, %swap3A_15], %add3A {strides = array<i32>} : memref<2048x16xf32, #tpu.memory_space<vmem>>, vector<2048x16xf32>,
    %eq3A_17 = arith.constant 49 : i32
    %eq3A_18 = arith.cmpi eq, %arg0, %eq3A_17 : i32
    %convert_element_type3A_19 = arith.extui %eq3A_18 : i1 to i32
    %cond3A_20 = arith.constant 0 : i32
    %cond3A_21 = arith.cmpi ne, %convert_element_type3A_19, %cond3A_20 : i32
    scf.if %cond3A_21 {
      %get3A_22 = arith.constant 0 : index
      %get3A_23 = arith.constant 0 : index
      %get3A_24 = vector.load %arg5[%get3A_22, %get3A_23] : memref<2048x16xf32, #tpu.memory_space<vmem>>, vector<2048x16xf32>
      %max3A = arith.constant 0.000000e+00 : f32
      %max3A_25 = vector.broadcast %max3A : f32 to vector<2048x16xf32>
      %max3A_26 = arith.maximumf %get3A_24, %max3A_25 : vector<2048x16xf32>
      %get3A_27 = arith.constant 0 : index
      %get3A_28 = arith.constant 0 : index
      %get3A_29 = vector.load %arg3[%get3A_27, %get3A_28] : memref<16x1xf32, #tpu.memory_space<vmem>>, vector<16x1xf32>
      %dot_general3A_30 = arith.constant dense<0.000000e+00> : vector<2048x1xf32>
      %dot_general3A_31 = tpu.matmul %max3A_26, %get3A_29, %dot_general3A_30 {dimension_numbers = #tpu.dot_dimension_numbers<[1], [0], [0], [1], [0, 0, 1, 1], [], []>, transpose_lhs_hint = false} : vector<2048x16xf32>, vector<16x1xf32>, vector<2048x1xf32> -> vector<2048x1xf32>
      %get3A_32 = arith.constant 0 : index
      %get3A_33 = arith.constant 0 : index
      %get3A_34 = vector.load %arg4[%get3A_32, %get3A_33] : memref<1x1xf32, #tpu.memory_space<vmem>>, vector<1x1xf32>
      %get3A_35 = vector.extract %get3A_34[0, 0] : f32 from vector<1x1xf32>
      %add3A_36 = vector.broadcast %get3A_35 : f32 to vector<2048x1xf32>
      %add3A_37 = arith.addf %dot_general3A_31, %add3A_36 : vector<2048x1xf32>
      %swap3A_38 = arith.constant 0 : index
      %swap3A_39 = arith.constant 0 : index
      %swap3A_40 = vector.load %arg6[%swap3A_38, %swap3A_39] : memref<2048x1xf32, #tpu.memory_space<vmem>>, vector<2048x1xf32>
      tpu.vector_store %arg6[%swap3A_38, %swap3A_39], %add3A_37 {strides = array<i32>} : memref<2048x1xf32, #tpu.memory_space<vmem>>, vector<2048x1xf32>,
    } else {
    }
    return
  }
  func.func @transform_0(%arg0: i32) -> (i32, i32) {
    %c0_i32 = arith.constant 0 : i32
    %c0_i32_0 = arith.constant 0 : i32
    return %arg0, %c0_i32 : i32, i32
  }
  func.func @transform_1(%arg0: i32) -> (i32, i32) {
    %c0_i32 = arith.constant 0 : i32
    %c0_i32_0 = arith.constant 0 : i32
    return %arg0, %c0_i32 : i32, i32
  }
  func.func @transform_2(%arg0: i32) -> (i32, i32) {
    %c0_i32 = arith.constant 0 : i32
    %c0_i32_0 = arith.constant 0 : i32
    %c0_i32_1 = arith.constant 0 : i32
    return %c0_i32, %c0_i32_0 : i32, i32
  }
  func.func @transform_3(%arg0: i32) -> (i32, i32) {
    %c0_i32 = arith.constant 0 : i32
    %c0_i32_0 = arith.constant 0 : i32
    %c0_i32_1 = arith.constant 0 : i32
    return %c0_i32, %c0_i32_0 : i32, i32
  }
  func.func @transform_4(%arg0: i32) -> (i32, i32) {
    %c0_i32 = arith.constant 0 : i32
    %c0_i32_0 = arith.constant 0 : i32
    %c0_i32_1 = arith.constant 0 : i32
    return %c0_i32, %c0_i32_0 : i32, i32
  }
  func.func @transform_5(%arg0: i32) -> (i32, i32) {
    %c0_i32 = arith.constant 0 : i32
    %c0_i32_0 = arith.constant 0 : i32
    %c0_i32_1 = arith.constant 0 : i32
    return %c0_i32, %c0_i32_0 : i32, i32
  }
}

module attributes {stable_mosaic.version = 14 : i64} {
  func.func @_k6(%arg0: i32, %arg1: memref<1000x16xf32, #tpu.memory_space<vmem>>, %arg2: memref<1000x1xf32, #tpu.memory_space<vmem>>, %arg3: memref<1000x1xi32, #tpu.memory_space<vmem>>, %arg4: memref<2048x1xf32, #tpu.memory_space<vmem>>, %arg5: memref<2048x16xf32, #tpu.memory_space<vmem>>, %arg6: memref<2048x1xf32, #tpu.memory_space<vmem>>) attributes {dimension_semantics = [#tpu.dimension_semantics<arbitrary>], iteration_bounds = array<i64: 50>, scalar_prefetch = 0 : i64, scratch_operands = 0 : i64, tpu.core_type = #tpu.core_type<tc>, window_params = [{transform_indices = @transform_0, window_bounds = array<i64: 1000, 16>}, {transform_indices = @transform_1, window_bounds = array<i64: 1000, 1>}, {transform_indices = @transform_2, window_bounds = array<i64: 1000, 1>}, {pipeline_mode = #tpu.pipeline_mode<synchronous>, transform_indices = @transform_3, window_bounds = array<i64: 2048, 1>}, {pipeline_mode = #tpu.pipeline_mode<synchronous>, transform_indices = @transform_4, window_bounds = array<i64: 2048, 16>}, {pipeline_mode = #tpu.pipeline_mode<synchronous>, transform_indices = @transform_5, window_bounds = array<i64: 2048, 1>}]} {
    %get3A = arith.constant 0 : index
    %get3A_0 = arith.constant 0 : index
    %get3A_1 = vector.load %arg3[%get3A, %get3A_0] : memref<1000x1xi32, #tpu.memory_space<vmem>>, vector<1000x1xi32>
    %iota3A = tpu.iota {dimensions = array<i32: 1>} : vector<1000x2048xi32>
    %eq3A = vector.broadcast %get3A_1 : vector<1000x1xi32> to vector<1000x2048xi32>
    %eq3A_2 = arith.cmpi eq, %eq3A, %iota3A : vector<1000x2048xi32>
    %jit3A = arith.constant 1.000000e+00 : f32
    %jit3A_3 = arith.constant 0.000000e+00 : f32
    %broadcast_in_dim3A = vector.broadcast %jit3A : f32 to vector<1000x2048xf32>
    %broadcast_in_dim3A_4 = vector.broadcast %jit3A_3 : f32 to vector<1000x2048xf32>
    %select_n3A = arith.select %eq3A_2, %broadcast_in_dim3A, %broadcast_in_dim3A_4 : vector<1000x2048xi1>, vector<1000x2048xf32>
    %get3A_5 = arith.constant 0 : index
    %get3A_6 = arith.constant 0 : index
    %get3A_7 = vector.load %arg4[%get3A_5, %get3A_6] : memref<2048x1xf32, #tpu.memory_space<vmem>>, vector<2048x1xf32>
    %dot_general3A = arith.constant dense<0.000000e+00> : vector<1000x1xf32>
    %dot_general3A_8 = tpu.matmul %select_n3A, %get3A_7, %dot_general3A {dimension_numbers = #tpu.dot_dimension_numbers<[1], [0], [0], [1], [0, 0, 1, 1], [], []>, transpose_lhs_hint = false} : vector<1000x2048xf32>, vector<2048x1xf32>, vector<1000x1xf32> -> vector<1000x1xf32>
    %get3A_9 = arith.constant 0 : index
    %get3A_10 = arith.constant 0 : index
    %get3A_11 = vector.load %arg2[%get3A_9, %get3A_10] : memref<1000x1xf32, #tpu.memory_space<vmem>>, vector<1000x1xf32>
    %add3A = arith.addf %dot_general3A_8, %get3A_11 : vector<1000x1xf32>
    %jit3A_12 = arith.constant 0.00999999977 : f32
    %ge3A = arith.constant 0.000000e+00 : f32
    %ge3A_13 = vector.broadcast %ge3A : f32 to vector<1000x1xf32>
    %ge3A_14 = arith.cmpf oge, %add3A, %ge3A_13 : vector<1000x1xf32>
    %mul3A = vector.broadcast %jit3A_12 : f32 to vector<1000x1xf32>
    %mul3A_15 = arith.mulf %mul3A, %add3A : vector<1000x1xf32>
    %select_n3A_16 = arith.select %ge3A_14, %add3A, %mul3A_15 : vector<1000x1xi1>, vector<1000x1xf32>
    %exp3A = math.exp %select_n3A_16 : vector<1000x1xf32>
    %get3A_17 = arith.constant 0 : index
    %get3A_18 = arith.constant 0 : index
    %get3A_19 = vector.load %arg1[%get3A_17, %get3A_18] : memref<1000x16xf32, #tpu.memory_space<vmem>>, vector<1000x16xf32>
    %mul3A_20 = vector.broadcast %exp3A : vector<1000x1xf32> to vector<1000x16xf32>
    %mul3A_21 = arith.mulf %mul3A_20, %get3A_19 : vector<1000x16xf32>
    %dot_general3A_22 = arith.constant dense<0.000000e+00> : vector<2048x16xf32>
    %dot_general3A_23 = tpu.matmul %select_n3A, %mul3A_21, %dot_general3A_22 {dimension_numbers = #tpu.dot_dimension_numbers<[0], [0], [1], [1], [0, 1, 1, 1], [], []>, transpose_lhs_hint = false} : vector<1000x2048xf32>, vector<1000x16xf32>, vector<2048x16xf32> -> vector<2048x16xf32>
    %dot_general3A_24 = arith.constant dense<0.000000e+00> : vector<2048x1xf32>
    %dot_general3A_25 = tpu.matmul %select_n3A, %exp3A, %dot_general3A_24 {dimension_numbers = #tpu.dot_dimension_numbers<[0], [0], [1], [1], [0, 1, 1, 1], [], []>, transpose_lhs_hint = false} : vector<1000x2048xf32>, vector<1000x1xf32>, vector<2048x1xf32> -> vector<2048x1xf32>
    %eq3A_26 = arith.constant 0 : i32
    %eq3A_27 = arith.cmpi eq, %arg0, %eq3A_26 : i32
    %convert_element_type3A = arith.extui %eq3A_27 : i1 to i32
    %cond3A = arith.constant 0 : i32
    %cond3A_28 = arith.cmpi ne, %convert_element_type3A, %cond3A : i32
    scf.if %cond3A_28 {
      %broadcast_in_dim3A_42 = arith.constant 0.000000e+00 : f32
      %broadcast_in_dim3A_43 = vector.broadcast %broadcast_in_dim3A_42 : f32 to vector<2048x16xf32>
      %swap3A_44 = arith.constant 0 : index
      %swap3A_45 = arith.constant 0 : index
      %swap3A_46 = vector.load %arg5[%swap3A_44, %swap3A_45] : memref<2048x16xf32, #tpu.memory_space<vmem>>, vector<2048x16xf32>
      tpu.vector_store %arg5[%swap3A_44, %swap3A_45], %broadcast_in_dim3A_43 {strides = array<i32>} : memref<2048x16xf32, #tpu.memory_space<vmem>>, vector<2048x16xf32>,
      %broadcast_in_dim3A_47 = arith.constant 0.000000e+00 : f32
      %broadcast_in_dim3A_48 = vector.broadcast %broadcast_in_dim3A_47 : f32 to vector<2048x1xf32>
      %swap3A_49 = arith.constant 0 : index
      %swap3A_50 = arith.constant 0 : index
      %swap3A_51 = vector.load %arg6[%swap3A_49, %swap3A_50] : memref<2048x1xf32, #tpu.memory_space<vmem>>, vector<2048x1xf32>
      tpu.vector_store %arg6[%swap3A_49, %swap3A_50], %broadcast_in_dim3A_48 {strides = array<i32>} : memref<2048x1xf32, #tpu.memory_space<vmem>>, vector<2048x1xf32>,
    } else {
    }
    %get3A_29 = arith.constant 0 : index
    %get3A_30 = arith.constant 0 : index
    %get3A_31 = vector.load %arg5[%get3A_29, %get3A_30] : memref<2048x16xf32, #tpu.memory_space<vmem>>, vector<2048x16xf32>
    %add3A_32 = arith.addf %get3A_31, %dot_general3A_23 : vector<2048x16xf32>
    %swap3A = arith.constant 0 : index
    %swap3A_33 = arith.constant 0 : index
    %swap3A_34 = vector.load %arg5[%swap3A, %swap3A_33] : memref<2048x16xf32, #tpu.memory_space<vmem>>, vector<2048x16xf32>
    tpu.vector_store %arg5[%swap3A, %swap3A_33], %add3A_32 {strides = array<i32>} : memref<2048x16xf32, #tpu.memory_space<vmem>>, vector<2048x16xf32>,
    %get3A_35 = arith.constant 0 : index
    %get3A_36 = arith.constant 0 : index
    %get3A_37 = vector.load %arg6[%get3A_35, %get3A_36] : memref<2048x1xf32, #tpu.memory_space<vmem>>, vector<2048x1xf32>
    %add3A_38 = arith.addf %get3A_37, %dot_general3A_25 : vector<2048x1xf32>
    %swap3A_39 = arith.constant 0 : index
    %swap3A_40 = arith.constant 0 : index
    %swap3A_41 = vector.load %arg6[%swap3A_39, %swap3A_40] : memref<2048x1xf32, #tpu.memory_space<vmem>>, vector<2048x1xf32>
    tpu.vector_store %arg6[%swap3A_39, %swap3A_40], %add3A_38 {strides = array<i32>} : memref<2048x1xf32, #tpu.memory_space<vmem>>, vector<2048x1xf32>,
    return
  }
  func.func @transform_0(%arg0: i32) -> (i32, i32) {
    %c0_i32 = arith.constant 0 : i32
    %c0_i32_0 = arith.constant 0 : i32
    return %arg0, %c0_i32 : i32, i32
  }
  func.func @transform_1(%arg0: i32) -> (i32, i32) {
    %c0_i32 = arith.constant 0 : i32
    %c0_i32_0 = arith.constant 0 : i32
    return %arg0, %c0_i32 : i32, i32
  }
  func.func @transform_2(%arg0: i32) -> (i32, i32) {
    %c0_i32 = arith.constant 0 : i32
    %c0_i32_0 = arith.constant 0 : i32
    return %arg0, %c0_i32 : i32, i32
  }
  func.func @transform_3(%arg0: i32) -> (i32, i32) {
    %c0_i32 = arith.constant 0 : i32
    %c0_i32_0 = arith.constant 0 : i32
    %c0_i32_1 = arith.constant 0 : i32
    return %c0_i32, %c0_i32_0 : i32, i32
  }
  func.func @transform_4(%arg0: i32) -> (i32, i32) {
    %c0_i32 = arith.constant 0 : i32
    %c0_i32_0 = arith.constant 0 : i32
    %c0_i32_1 = arith.constant 0 : i32
    return %c0_i32, %c0_i32_0 : i32, i32
  }
  func.func @transform_5(%arg0: i32) -> (i32, i32) {
    %c0_i32 = arith.constant 0 : i32
    %c0_i32_0 = arith.constant 0 : i32
    %c0_i32_1 = arith.constant 0 : i32
    return %c0_i32, %c0_i32_0 : i32, i32
  }
}

module attributes {stable_mosaic.version = 14 : i64} {
  func.func @_k7(%arg0: memref<2048x16xf32, #tpu.memory_space<vmem>>, %arg1: memref<2048x1xf32, #tpu.memory_space<vmem>>, %arg2: memref<2048x16xf32, #tpu.memory_space<vmem>>, %arg3: memref<2048x16xf32, #tpu.memory_space<vmem>>, %arg4: memref<2048x1xf32, #tpu.memory_space<vmem>>, %arg5: memref<2048x16xf32, #tpu.memory_space<vmem>>, %arg6: memref<16x96xf32, #tpu.memory_space<vmem>>, %arg7: memref<1x64xf32, #tpu.memory_space<vmem>>, %arg8: memref<2048x128xf32, #tpu.memory_space<vmem>>, %arg9: memref<6x128x128xf32, #tpu.memory_space<vmem>>, %arg10: memref<8x128xf32, #tpu.memory_space<vmem>>, %arg11: memref<16x128xf32, #tpu.memory_space<vmem>>, %arg12: memref<2048x128xf32, #tpu.memory_space<vmem>>) attributes {dimension_semantics = [], scalar_prefetch = 0 : i64, scratch_operands = 0 : i64, tpu.core_type = #tpu.core_type<tc>} {
    %get3A = arith.constant 0 : index
    %get3A_0 = arith.constant 0 : index
    %get3A_1 = vector.load %arg0[%get3A, %get3A_0] : memref<2048x16xf32, #tpu.memory_space<vmem>>, vector<2048x16xf32>
    %get3A_2 = arith.constant 0 : index
    %get3A_3 = arith.constant 0 : index
    %get3A_4 = vector.load %arg1[%get3A_2, %get3A_3] : memref<2048x1xf32, #tpu.memory_space<vmem>>, vector<2048x1xf32>
    %get3A_5 = arith.constant 0 : index
    %get3A_6 = arith.constant 0 : index
    %get3A_7 = vector.load %arg2[%get3A_5, %get3A_6] : memref<2048x16xf32, #tpu.memory_space<vmem>>, vector<2048x16xf32>
    %add3A = arith.constant 9.99999996E-13 : f32
    %add3A_8 = vector.broadcast %add3A : f32 to vector<2048x1xf32>
    %add3A_9 = arith.addf %get3A_4, %add3A_8 : vector<2048x1xf32>
    %div3A = vector.broadcast %add3A_9 : vector<2048x1xf32> to vector<2048x16xf32>
    %div3A_10 = arith.divf %get3A_1, %div3A : vector<2048x16xf32>
    %gt3A = arith.constant 0.000000e+00 : f32
    %gt3A_11 = vector.broadcast %gt3A : f32 to vector<2048x16xf32>
    %gt3A_12 = arith.cmpf ogt, %div3A_10, %gt3A_11 : vector<2048x16xf32>
    %exp3A = math.exp %div3A_10 : vector<2048x16xf32>
    %sub3A = arith.constant 1.000000e+00 : f32
    %sub3A_13 = vector.broadcast %sub3A : f32 to vector<2048x16xf32>
    %sub3A_14 = arith.subf %exp3A, %sub3A_13 : vector<2048x16xf32>
    %select_n3A = arith.select %gt3A_12, %div3A_10, %sub3A_14 : vector<2048x16xi1>, vector<2048x16xf32>
    %get3A_15 = arith.constant 0 : index
    %get3A_16 = arith.constant 0 : index
    %get3A_17 = vector.load %arg6[%get3A_15, %get3A_16] : memref<16x96xf32, #tpu.memory_space<vmem>>, vector<16x48xf32>
    %dot_general3A = arith.constant dense<0.000000e+00> : vector<2048x48xf32>
    %dot_general3A_18 = tpu.matmul %select_n3A, %get3A_17, %dot_general3A {dimension_numbers = #tpu.dot_dimension_numbers<[1], [0], [0], [1], [0, 0, 1, 1], [], []>, transpose_lhs_hint = false} : vector<2048x16xf32>, vector<16x48xf32>, vector<2048x48xf32> -> vector<2048x48xf32>
    %get3A_19 = arith.constant 0 : index
    %get3A_20 = arith.constant 48 : index
    %get3A_21 = vector.load %arg6[%get3A_19, %get3A_20] : memref<16x96xf32, #tpu.memory_space<vmem>>, vector<16x48xf32>
    %dot_general3A_22 = arith.constant dense<0.000000e+00> : vector<2048x48xf32>
    %dot_general3A_23 = tpu.matmul %get3A_7, %get3A_21, %dot_general3A_22 {dimension_numbers = #tpu.dot_dimension_numbers<[1], [0], [0], [1], [0, 0, 1, 1], [], []>, transpose_lhs_hint = false} : vector<2048x16xf32>, vector<16x48xf32>, vector<2048x48xf32> -> vector<2048x48xf32>
    %get3A_24 = arith.constant 0 : index
    %get3A_25 = arith.constant 0 : index
    %get3A_26 = vector.load %arg7[%get3A_24, %get3A_25] : memref<1x64xf32, #tpu.memory_space<vmem>>, vector<1x64xf32>
    %slice3A = vector.extract_strided_slice %dot_general3A_18 {offsets = [0, 0], sizes = [2048, 16], strides = [1, 1]} : vector<2048x48xf32> to vector<2048x16xf32>
    %slice3A_27 = vector.extract_strided_slice %dot_general3A_23 {offsets = [0, 0], sizes = [2048, 16], strides = [1, 1]} : vector<2048x48xf32> to vector<2048x16xf32>
    %add3A_28 = arith.addf %slice3A, %slice3A_27 : vector<2048x16xf32>
    %slice3A_29 = vector.extract_strided_slice %get3A_26 {offsets = [0, 0], sizes = [1, 16], strides = [1, 1]} : vector<1x64xf32> to vector<1x16xf32>
    %add3A_30 = vector.broadcast %slice3A_29 : vector<1x16xf32> to vector<2048x16xf32>
    %add3A_31 = arith.addf %add3A_28, %add3A_30 : vector<2048x16xf32>
    %neg3A = arith.constant 0.000000e+00 : f32
    %neg3A_32 = vector.broadcast %neg3A : f32 to vector<2048x16xf32>
    %neg3A_33 = arith.subf %neg3A_32, %add3A_31 : vector<2048x16xf32>
    %exp3A_34 = math.exp %neg3A_33 : vector<2048x16xf32>
    %add3A_35 = arith.constant 1.000000e+00 : f32
    %add3A_36 = vector.broadcast %add3A_35 : f32 to vector<2048x16xf32>
    %add3A_37 = arith.addf %add3A_36, %exp3A_34 : vector<2048x16xf32>
    %div3A_38 = arith.constant 1.000000e+00 : f32
    %div3A_39 = vector.broadcast %div3A_38 : f32 to vector<2048x16xf32>
    %div3A_40 = arith.divf %div3A_39, %add3A_37 : vector<2048x16xf32>
    %slice3A_41 = vector.extract_strided_slice %dot_general3A_18 {offsets = [0, 16], sizes = [2048, 16], strides = [1, 1]} : vector<2048x48xf32> to vector<2048x16xf32>
    %slice3A_42 = vector.extract_strided_slice %dot_general3A_23 {offsets = [0, 16], sizes = [2048, 16], strides = [1, 1]} : vector<2048x48xf32> to vector<2048x16xf32>
    %add3A_43 = arith.addf %slice3A_41, %slice3A_42 : vector<2048x16xf32>
    %slice3A_44 = vector.extract_strided_slice %get3A_26 {offsets = [0, 16], sizes = [1, 16], strides = [1, 1]} : vector<1x64xf32> to vector<1x16xf32>
    %add3A_45 = vector.broadcast %slice3A_44 : vector<1x16xf32> to vector<2048x16xf32>
    %add3A_46 = arith.addf %add3A_43, %add3A_45 : vector<2048x16xf32>
    %neg3A_47 = arith.constant 0.000000e+00 : f32
    %neg3A_48 = vector.broadcast %neg3A_47 : f32 to vector<2048x16xf32>
    %neg3A_49 = arith.subf %neg3A_48, %add3A_46 : vector<2048x16xf32>
    %exp3A_50 = math.exp %neg3A_49 : vector<2048x16xf32>
    %add3A_51 = arith.constant 1.000000e+00 : f32
    %add3A_52 = vector.broadcast %add3A_51 : f32 to vector<2048x16xf32>
    %add3A_53 = arith.addf %add3A_52, %exp3A_50 : vector<2048x16xf32>
    %div3A_54 = arith.constant 1.000000e+00 : f32
    %div3A_55 = vector.broadcast %div3A_54 : f32 to vector<2048x16xf32>
    %div3A_56 = arith.divf %div3A_55, %add3A_53 : vector<2048x16xf32>
    %slice3A_57 = vector.extract_strided_slice %dot_general3A_18 {offsets = [0, 32], sizes = [2048, 16], strides = [1, 1]} : vector<2048x48xf32> to vector<2048x16xf32>
    %slice3A_58 = vector.extract_strided_slice %get3A_26 {offsets = [0, 32], sizes = [1, 16], strides = [1, 1]} : vector<1x64xf32> to vector<1x16xf32>
    %add3A_59 = vector.broadcast %slice3A_58 : vector<1x16xf32> to vector<2048x16xf32>
    %add3A_60 = arith.addf %slice3A_57, %add3A_59 : vector<2048x16xf32>
    %slice3A_61 = vector.extract_strided_slice %dot_general3A_23 {offsets = [0, 32], sizes = [2048, 16], strides = [1, 1]} : vector<2048x48xf32> to vector<2048x16xf32>
    %slice3A_62 = vector.extract_strided_slice %get3A_26 {offsets = [0, 48], sizes = [1, 16], strides = [1, 1]} : vector<1x64xf32> to vector<1x16xf32>
    %add3A_63 = vector.broadcast %slice3A_62 : vector<1x16xf32> to vector<2048x16xf32>
    %add3A_64 = arith.addf %slice3A_61, %add3A_63 : vector<2048x16xf32>
    %mul3A = arith.mulf %div3A_40, %add3A_64 : vector<2048x16xf32>
    %add3A_65 = arith.addf %add3A_60, %mul3A : vector<2048x16xf32>
    %tanh3A = math.tanh %add3A_65 : vector<2048x16xf32>
    %sub3A_66 = arith.constant 1.000000e+00 : f32
    %sub3A_67 = vector.broadcast %sub3A_66 : f32 to vector<2048x16xf32>
    %sub3A_68 = arith.subf %sub3A_67, %div3A_56 : vector<2048x16xf32>
    %mul3A_69 = arith.mulf %sub3A_68, %tanh3A : vector<2048x16xf32>
    %mul3A_70 = arith.mulf %div3A_56, %get3A_7 : vector<2048x16xf32>
    %add3A_71 = arith.addf %mul3A_69, %mul3A_70 : vector<2048x16xf32>
    %max3A = arith.constant 0.000000e+00 : f32
    %max3A_72 = vector.broadcast %max3A : f32 to vector<2048x16xf32>
    %max3A_73 = arith.maximumf %add3A_71, %max3A_72 : vector<2048x16xf32>
    %get3A_74 = arith.constant 0 : index
    %get3A_75 = arith.constant 0 : index
    %get3A_76 = vector.load %arg3[%get3A_74, %get3A_75] : memref<2048x16xf32, #tpu.memory_space<vmem>>, vector<2048x16xf32>
    %get3A_77 = arith.constant 0 : index
    %get3A_78 = arith.constant 0 : index
    %get3A_79 = vector.load %arg4[%get3A_77, %get3A_78] : memref<2048x1xf32, #tpu.memory_space<vmem>>, vector<2048x1xf32>
    %get3A_80 = arith.constant 0 : index
    %get3A_81 = arith.constant 0 : index
    %get3A_82 = vector.load %arg5[%get3A_80, %get3A_81] : memref<2048x16xf32, #tpu.memory_space<vmem>>, vector<2048x16xf32>
    %add3A_83 = arith.constant 9.99999996E-13 : f32
    %add3A_84 = vector.broadcast %add3A_83 : f32 to vector<2048x1xf32>
    %add3A_85 = arith.addf %get3A_79, %add3A_84 : vector<2048x1xf32>
    %div3A_86 = vector.broadcast %add3A_85 : vector<2048x1xf32> to vector<2048x16xf32>
    %div3A_87 = arith.divf %get3A_76, %div3A_86 : vector<2048x16xf32>
    %gt3A_88 = arith.constant 0.000000e+00 : f32
    %gt3A_89 = vector.broadcast %gt3A_88 : f32 to vector<2048x16xf32>
    %gt3A_90 = arith.cmpf ogt, %div3A_87, %gt3A_89 : vector<2048x16xf32>
    %exp3A_91 = math.exp %div3A_87 : vector<2048x16xf32>
    %sub3A_92 = arith.constant 1.000000e+00 : f32
    %sub3A_93 = vector.broadcast %sub3A_92 : f32 to vector<2048x16xf32>
    %sub3A_94 = arith.subf %exp3A_91, %sub3A_93 : vector<2048x16xf32>
    %select_n3A_95 = arith.select %gt3A_90, %div3A_87, %sub3A_94 : vector<2048x16xi1>, vector<2048x16xf32>
    %get3A_96 = arith.constant 0 : index
    %get3A_97 = arith.constant 0 : index
    %get3A_98 = vector.load %arg6[%get3A_96, %get3A_97] : memref<16x96xf32, #tpu.memory_space<vmem>>, vector<16x48xf32>
    %dot_general3A_99 = arith.constant dense<0.000000e+00> : vector<2048x48xf32>
    %dot_general3A_100 = tpu.matmul %select_n3A_95, %get3A_98, %dot_general3A_99 {dimension_numbers = #tpu.dot_dimension_numbers<[1], [0], [0], [1], [0, 0, 1, 1], [], []>, transpose_lhs_hint = false} : vector<2048x16xf32>, vector<16x48xf32>, vector<2048x48xf32> -> vector<2048x48xf32>
    %get3A_101 = arith.constant 0 : index
    %get3A_102 = arith.constant 48 : index
    %get3A_103 = vector.load %arg6[%get3A_101, %get3A_102] : memref<16x96xf32, #tpu.memory_space<vmem>>, vector<16x48xf32>
    %dot_general3A_104 = arith.constant dense<0.000000e+00> : vector<2048x48xf32>
    %dot_general3A_105 = tpu.matmul %get3A_82, %get3A_103, %dot_general3A_104 {dimension_numbers = #tpu.dot_dimension_numbers<[1], [0], [0], [1], [0, 0, 1, 1], [], []>, transpose_lhs_hint = false} : vector<2048x16xf32>, vector<16x48xf32>, vector<2048x48xf32> -> vector<2048x48xf32>
    %get3A_106 = arith.constant 0 : index
    %get3A_107 = arith.constant 0 : index
    %get3A_108 = vector.load %arg7[%get3A_106, %get3A_107] : memref<1x64xf32, #tpu.memory_space<vmem>>, vector<1x64xf32>
    %slice3A_109 = vector.extract_strided_slice %dot_general3A_100 {offsets = [0, 0], sizes = [2048, 16], strides = [1, 1]} : vector<2048x48xf32> to vector<2048x16xf32>
    %slice3A_110 = vector.extract_strided_slice %dot_general3A_105 {offsets = [0, 0], sizes = [2048, 16], strides = [1, 1]} : vector<2048x48xf32> to vector<2048x16xf32>
    %add3A_111 = arith.addf %slice3A_109, %slice3A_110 : vector<2048x16xf32>
    %slice3A_112 = vector.extract_strided_slice %get3A_108 {offsets = [0, 0], sizes = [1, 16], strides = [1, 1]} : vector<1x64xf32> to vector<1x16xf32>
    %add3A_113 = vector.broadcast %slice3A_112 : vector<1x16xf32> to vector<2048x16xf32>
    %add3A_114 = arith.addf %add3A_111, %add3A_113 : vector<2048x16xf32>
    %neg3A_115 = arith.constant 0.000000e+00 : f32
    %neg3A_116 = vector.broadcast %neg3A_115 : f32 to vector<2048x16xf32>
    %neg3A_117 = arith.subf %neg3A_116, %add3A_114 : vector<2048x16xf32>
    %exp3A_118 = math.exp %neg3A_117 : vector<2048x16xf32>
    %add3A_119 = arith.constant 1.000000e+00 : f32
    %add3A_120 = vector.broadcast %add3A_119 : f32 to vector<2048x16xf32>
    %add3A_121 = arith.addf %add3A_120, %exp3A_118 : vector<2048x16xf32>
    %div3A_122 = arith.constant 1.000000e+00 : f32
    %div3A_123 = vector.broadcast %div3A_122 : f32 to vector<2048x16xf32>
    %div3A_124 = arith.divf %div3A_123, %add3A_121 : vector<2048x16xf32>
    %slice3A_125 = vector.extract_strided_slice %dot_general3A_100 {offsets = [0, 16], sizes = [2048, 16], strides = [1, 1]} : vector<2048x48xf32> to vector<2048x16xf32>
    %slice3A_126 = vector.extract_strided_slice %dot_general3A_105 {offsets = [0, 16], sizes = [2048, 16], strides = [1, 1]} : vector<2048x48xf32> to vector<2048x16xf32>
    %add3A_127 = arith.addf %slice3A_125, %slice3A_126 : vector<2048x16xf32>
    %slice3A_128 = vector.extract_strided_slice %get3A_108 {offsets = [0, 16], sizes = [1, 16], strides = [1, 1]} : vector<1x64xf32> to vector<1x16xf32>
    %add3A_129 = vector.broadcast %slice3A_128 : vector<1x16xf32> to vector<2048x16xf32>
    %add3A_130 = arith.addf %add3A_127, %add3A_129 : vector<2048x16xf32>
    %neg3A_131 = arith.constant 0.000000e+00 : f32
    %neg3A_132 = vector.broadcast %neg3A_131 : f32 to vector<2048x16xf32>
    %neg3A_133 = arith.subf %neg3A_132, %add3A_130 : vector<2048x16xf32>
    %exp3A_134 = math.exp %neg3A_133 : vector<2048x16xf32>
    %add3A_135 = arith.constant 1.000000e+00 : f32
    %add3A_136 = vector.broadcast %add3A_135 : f32 to vector<2048x16xf32>
    %add3A_137 = arith.addf %add3A_136, %exp3A_134 : vector<2048x16xf32>
    %div3A_138 = arith.constant 1.000000e+00 : f32
    %div3A_139 = vector.broadcast %div3A_138 : f32 to vector<2048x16xf32>
    %div3A_140 = arith.divf %div3A_139, %add3A_137 : vector<2048x16xf32>
    %slice3A_141 = vector.extract_strided_slice %dot_general3A_100 {offsets = [0, 32], sizes = [2048, 16], strides = [1, 1]} : vector<2048x48xf32> to vector<2048x16xf32>
    %slice3A_142 = vector.extract_strided_slice %get3A_108 {offsets = [0, 32], sizes = [1, 16], strides = [1, 1]} : vector<1x64xf32> to vector<1x16xf32>
    %add3A_143 = vector.broadcast %slice3A_142 : vector<1x16xf32> to vector<2048x16xf32>
    %add3A_144 = arith.addf %slice3A_141, %add3A_143 : vector<2048x16xf32>
    %slice3A_145 = vector.extract_strided_slice %dot_general3A_105 {offsets = [0, 32], sizes = [2048, 16], strides = [1, 1]} : vector<2048x48xf32> to vector<2048x16xf32>
    %slice3A_146 = vector.extract_strided_slice %get3A_108 {offsets = [0, 48], sizes = [1, 16], strides = [1, 1]} : vector<1x64xf32> to vector<1x16xf32>
    %add3A_147 = vector.broadcast %slice3A_146 : vector<1x16xf32> to vector<2048x16xf32>
    %add3A_148 = arith.addf %slice3A_145, %add3A_147 : vector<2048x16xf32>
    %mul3A_149 = arith.mulf %div3A_124, %add3A_148 : vector<2048x16xf32>
    %add3A_150 = arith.addf %add3A_144, %mul3A_149 : vector<2048x16xf32>
    %tanh3A_151 = math.tanh %add3A_150 : vector<2048x16xf32>
    %sub3A_152 = arith.constant 1.000000e+00 : f32
    %sub3A_153 = vector.broadcast %sub3A_152 : f32 to vector<2048x16xf32>
    %sub3A_154 = arith.subf %sub3A_153, %div3A_140 : vector<2048x16xf32>
    %mul3A_155 = arith.mulf %sub3A_154, %tanh3A_151 : vector<2048x16xf32>
    %mul3A_156 = arith.mulf %div3A_140, %get3A_82 : vector<2048x16xf32>
    %add3A_157 = arith.addf %mul3A_155, %mul3A_156 : vector<2048x16xf32>
    %max3A_158 = arith.constant 0.000000e+00 : f32
    %max3A_159 = vector.broadcast %max3A_158 : f32 to vector<2048x16xf32>
    %max3A_160 = arith.maximumf %add3A_157, %max3A_159 : vector<2048x16xf32>
    %mul3A_161 = arith.mulf %max3A_73, %max3A_73 : vector<2048x16xf32>
    %reduce_sum3A = arith.constant dense<0.000000e+00> : vector<2048xf32>
    %reduce_sum3A_162 = vector.multi_reduction <add>, %mul3A_161, %reduce_sum3A [1] : vector<2048x16xf32> to vector<2048xf32>
    %broadcast_in_dim3A = vector.shape_cast %reduce_sum3A_162 : vector<2048xf32> to vector<2048x1xf32>
    %mul3A_163 = arith.mulf %max3A_160, %max3A_160 : vector<2048x16xf32>
    %reduce_sum3A_164 = arith.constant dense<0.000000e+00> : vector<2048xf32>
    %reduce_sum3A_165 = vector.multi_reduction <add>, %mul3A_163, %reduce_sum3A_164 [1] : vector<2048x16xf32> to vector<2048xf32>
    %broadcast_in_dim3A_166 = vector.shape_cast %reduce_sum3A_165 : vector<2048xf32> to vector<2048x1xf32>
    %mul3A_167 = arith.mulf %max3A_73, %max3A_160 : vector<2048x16xf32>
    %sqrt3A = math.sqrt %broadcast_in_dim3A : vector<2048x1xf32>
    %sqrt3A_168 = math.sqrt %broadcast_in_dim3A_166 : vector<2048x1xf32>
    %mul3A_169 = arith.mulf %sqrt3A, %sqrt3A_168 : vector<2048x1xf32>
    %div3A_170 = vector.broadcast %mul3A_169 : vector<2048x1xf32> to vector<2048x16xf32>
    %div3A_171 = arith.divf %mul3A_167, %div3A_170 : vector<2048x16xf32>
    %get3A_172 = arith.constant 0 : index
    %get3A_173 = arith.constant 0 : index
    %get3A_174 = vector.load %arg11[%get3A_172, %get3A_173] : memref<16x128xf32, #tpu.memory_space<vmem>>, vector<16x128xf32>
    %dot_general3A_175 = arith.constant dense<0.000000e+00> : vector<2048x128xf32>
    %dot_general3A_176 = tpu.matmul %div3A_171, %get3A_174, %dot_general3A_175 {dimension_numbers = #tpu.dot_dimension_numbers<[1], [0], [0], [1], [0, 0, 1, 1], [], []>, transpose_lhs_hint = false} : vector<2048x16xf32>, vector<16x128xf32>, vector<2048x128xf32> -> vector<2048x128xf32>
    %iota3A = tpu.iota {dimensions = array<i32: 1>} : vector<2048x128xi32>
    %ge3A = arith.constant 16 : i32
    %ge3A_177 = vector.broadcast %ge3A : i32 to vector<2048x128xi32>
    %ge3A_178 = arith.cmpi sge, %iota3A, %ge3A_177 : vector<2048x128xi32>
    %lt3A = arith.constant 32 : i32
    %lt3A_179 = vector.broadcast %lt3A : i32 to vector<2048x128xi32>
    %lt3A_180 = arith.cmpi slt, %iota3A, %lt3A_179 : vector<2048x128xi32>
    %and3A = arith.andi %ge3A_178, %lt3A_180 : vector<2048x128xi1>
    %jit3A = arith.constant 1.000000e+00 : f32
    %broadcast_in_dim3A_181 = vector.broadcast %jit3A : f32 to vector<2048x128xf32>
    %select_n3A_182 = arith.select %and3A, %broadcast_in_dim3A_181, %dot_general3A_176 : vector<2048x128xi1>, vector<2048x128xf32>
    %get3A_183 = arith.constant 0 : index
    %get3A_184 = arith.constant 0 : index
    %get3A_185 = vector.load %arg8[%get3A_183, %get3A_184] : memref<2048x128xf32, #tpu.memory_space<vmem>>, vector<2048x128xf32>
    %get3A_186 = arith.constant 0 : index
    %get3A_187 = arith.constant 0 : index
    %get3A_188 = arith.constant 0 : index
    %get3A_189 = vector.load %arg9[%get3A_186, %get3A_187, %get3A_188] : memref<6x128x128xf32, #tpu.memory_space<vmem>>, vector<1x128x128xf32>
    %get3A_190 = vector.shape_cast %get3A_189 : vector<1x128x128xf32> to vector<128x128xf32>
    %dot_general3A_191 = arith.constant dense<0.000000e+00> : vector<2048x128xf32>
    %dot_general3A_192 = tpu.matmul %get3A_185, %get3A_190, %dot_general3A_191 {dimension_numbers = #tpu.dot_dimension_numbers<[1], [0], [0], [1], [0, 0, 1, 1], [], []>, transpose_lhs_hint = false} : vector<2048x128xf32>, vector<128x128xf32>, vector<2048x128xf32> -> vector<2048x128xf32>
    %get3A_193 = arith.constant 0 : index
    %get3A_194 = arith.constant 0 : index
    %get3A_195 = vector.load %arg10[%get3A_193, %get3A_194] : memref<8x128xf32, #tpu.memory_space<vmem>>, vector<1x128xf32>
    %get3A_196 = vector.shape_cast %get3A_195 : vector<1x128xf32> to vector<128xf32>
    %broadcast_in_dim3A_197 = vector.shape_cast %get3A_196 : vector<128xf32> to vector<1x128xf32>
    %add3A_198 = vector.broadcast %broadcast_in_dim3A_197 : vector<1x128xf32> to vector<2048x128xf32>
    %add3A_199 = arith.addf %dot_general3A_192, %add3A_198 : vector<2048x128xf32>
    %get3A_200 = arith.constant 1 : index
    %get3A_201 = arith.constant 0 : index
    %get3A_202 = arith.constant 0 : index
    %get3A_203 = vector.load %arg9[%get3A_200, %get3A_201, %get3A_202] : memref<6x128x128xf32, #tpu.memory_space<vmem>>, vector<1x128x128xf32>
    %get3A_204 = vector.shape_cast %get3A_203 : vector<1x128x128xf32> to vector<128x128xf32>
    %dot_general3A_205 = arith.constant dense<0.000000e+00> : vector<2048x128xf32>
    %dot_general3A_206 = tpu.matmul %add3A_199, %get3A_204, %dot_general3A_205 {dimension_numbers = #tpu.dot_dimension_numbers<[1], [0], [0], [1], [0, 0, 1, 1], [], []>, transpose_lhs_hint = false} : vector<2048x128xf32>, vector<128x128xf32>, vector<2048x128xf32> -> vector<2048x128xf32>
    %get3A_207 = arith.constant 1 : index
    %get3A_208 = arith.constant 0 : index
    %get3A_209 = vector.load %arg10[%get3A_207, %get3A_208] : memref<8x128xf32, #tpu.memory_space<vmem>>, vector<1x128xf32>
    %get3A_210 = vector.shape_cast %get3A_209 : vector<1x128xf32> to vector<128xf32>
    %broadcast_in_dim3A_211 = vector.shape_cast %get3A_210 : vector<128xf32> to vector<1x128xf32>
    %add3A_212 = vector.broadcast %broadcast_in_dim3A_211 : vector<1x128xf32> to vector<2048x128xf32>
    %add3A_213 = arith.addf %dot_general3A_206, %add3A_212 : vector<2048x128xf32>
    %tanh3A_214 = math.tanh %add3A_213 : vector<2048x128xf32>
    %get3A_215 = arith.constant 2 : index
    %get3A_216 = arith.constant 0 : index
    %get3A_217 = arith.constant 0 : index
    %get3A_218 = vector.load %arg9[%get3A_215, %get3A_216, %get3A_217] : memref<6x128x128xf32, #tpu.memory_space<vmem>>, vector<1x128x128xf32>
    %get3A_219 = vector.shape_cast %get3A_218 : vector<1x128x128xf32> to vector<128x128xf32>
    %dot_general3A_220 = arith.constant dense<0.000000e+00> : vector<2048x128xf32>
    %dot_general3A_221 = tpu.matmul %tanh3A_214, %get3A_219, %dot_general3A_220 {dimension_numbers = #tpu.dot_dimension_numbers<[1], [0], [0], [1], [0, 0, 1, 1], [], []>, transpose_lhs_hint = false} : vector<2048x128xf32>, vector<128x128xf32>, vector<2048x128xf32> -> vector<2048x128xf32>
    %get3A_222 = arith.constant 2 : index
    %get3A_223 = arith.constant 0 : index
    %get3A_224 = vector.load %arg10[%get3A_222, %get3A_223] : memref<8x128xf32, #tpu.memory_space<vmem>>, vector<1x128xf32>
    %get3A_225 = vector.shape_cast %get3A_224 : vector<1x128xf32> to vector<128xf32>
    %broadcast_in_dim3A_226 = vector.shape_cast %get3A_225 : vector<128xf32> to vector<1x128xf32>
    %add3A_227 = vector.broadcast %broadcast_in_dim3A_226 : vector<1x128xf32> to vector<2048x128xf32>
    %add3A_228 = arith.addf %dot_general3A_221, %add3A_227 : vector<2048x128xf32>
    %add3A_229 = arith.addf %add3A_228, %add3A_199 : vector<2048x128xf32>
    %tanh3A_230 = math.tanh %add3A_229 : vector<2048x128xf32>
    %get3A_231 = arith.constant 3 : index
    %get3A_232 = arith.constant 0 : index
    %get3A_233 = arith.constant 0 : index
    %get3A_234 = vector.load %arg9[%get3A_231, %get3A_232, %get3A_233] : memref<6x128x128xf32, #tpu.memory_space<vmem>>, vector<1x128x128xf32>
    %get3A_235 = vector.shape_cast %get3A_234 : vector<1x128x128xf32> to vector<128x128xf32>
    %dot_general3A_236 = arith.constant dense<0.000000e+00> : vector<2048x128xf32>
    %dot_general3A_237 = tpu.matmul %tanh3A_230, %get3A_235, %dot_general3A_236 {dimension_numbers = #tpu.dot_dimension_numbers<[1], [0], [0], [1], [0, 0, 1, 1], [], []>, transpose_lhs_hint = false} : vector<2048x128xf32>, vector<128x128xf32>, vector<2048x128xf32> -> vector<2048x128xf32>
    %get3A_238 = arith.constant 3 : index
    %get3A_239 = arith.constant 0 : index
    %get3A_240 = vector.load %arg10[%get3A_238, %get3A_239] : memref<8x128xf32, #tpu.memory_space<vmem>>, vector<1x128xf32>
    %get3A_241 = vector.shape_cast %get3A_240 : vector<1x128xf32> to vector<128xf32>
    %broadcast_in_dim3A_242 = vector.shape_cast %get3A_241 : vector<128xf32> to vector<1x128xf32>
    %add3A_243 = vector.broadcast %broadcast_in_dim3A_242 : vector<1x128xf32> to vector<2048x128xf32>
    %add3A_244 = arith.addf %dot_general3A_237, %add3A_243 : vector<2048x128xf32>
    %tanh3A_245 = math.tanh %add3A_244 : vector<2048x128xf32>
    %get3A_246 = arith.constant 4 : index
    %get3A_247 = arith.constant 0 : index
    %get3A_248 = arith.constant 0 : index
    %get3A_249 = vector.load %arg9[%get3A_246, %get3A_247, %get3A_248] : memref<6x128x128xf32, #tpu.memory_space<vmem>>, vector<1x128x128xf32>
    %get3A_250 = vector.shape_cast %get3A_249 : vector<1x128x128xf32> to vector<128x128xf32>
    %dot_general3A_251 = arith.constant dense<0.000000e+00> : vector<2048x128xf32>
    %dot_general3A_252 = tpu.matmul %tanh3A_245, %get3A_250, %dot_general3A_251 {dimension_numbers = #tpu.dot_dimension_numbers<[1], [0], [0], [1], [0, 0, 1, 1], [], []>, transpose_lhs_hint = false} : vector<2048x128xf32>, vector<128x128xf32>, vector<2048x128xf32> -> vector<2048x128xf32>
    %get3A_253 = arith.constant 4 : index
    %get3A_254 = arith.constant 0 : index
    %get3A_255 = vector.load %arg10[%get3A_253, %get3A_254] : memref<8x128xf32, #tpu.memory_space<vmem>>, vector<1x128xf32>
    %get3A_256 = vector.shape_cast %get3A_255 : vector<1x128xf32> to vector<128xf32>
    %broadcast_in_dim3A_257 = vector.shape_cast %get3A_256 : vector<128xf32> to vector<1x128xf32>
    %add3A_258 = vector.broadcast %broadcast_in_dim3A_257 : vector<1x128xf32> to vector<2048x128xf32>
    %add3A_259 = arith.addf %dot_general3A_252, %add3A_258 : vector<2048x128xf32>
    %add3A_260 = arith.addf %add3A_259, %tanh3A_230 : vector<2048x128xf32>
    %mul3A_261 = arith.mulf %select_n3A_182, %add3A_260 : vector<2048x128xf32>
    %get3A_262 = arith.constant 5 : index
    %get3A_263 = arith.constant 0 : index
    %get3A_264 = arith.constant 0 : index
    %get3A_265 = vector.load %arg9[%get3A_262, %get3A_263, %get3A_264] : memref<6x128x128xf32, #tpu.memory_space<vmem>>, vector<1x128x128xf32>
    %get3A_266 = vector.shape_cast %get3A_265 : vector<1x128x128xf32> to vector<128x128xf32>
    %dot_general3A_267 = arith.constant dense<0.000000e+00> : vector<2048x128xf32>
    %dot_general3A_268 = tpu.matmul %mul3A_261, %get3A_266, %dot_general3A_267 {dimension_numbers = #tpu.dot_dimension_numbers<[1], [0], [0], [1], [0, 0, 1, 1], [], []>, transpose_lhs_hint = false} : vector<2048x128xf32>, vector<128x128xf32>, vector<2048x128xf32> -> vector<2048x128xf32>
    %get3A_269 = arith.constant 5 : index
    %get3A_270 = arith.constant 0 : index
    %get3A_271 = vector.load %arg10[%get3A_269, %get3A_270] : memref<8x128xf32, #tpu.memory_space<vmem>>, vector<1x128xf32>
    %get3A_272 = vector.shape_cast %get3A_271 : vector<1x128xf32> to vector<128xf32>
    %broadcast_in_dim3A_273 = vector.shape_cast %get3A_272 : vector<128xf32> to vector<1x128xf32>
    %add3A_274 = vector.broadcast %broadcast_in_dim3A_273 : vector<1x128xf32> to vector<2048x128xf32>
    %add3A_275 = arith.addf %dot_general3A_268, %add3A_274 : vector<2048x128xf32>
    %swap3A = arith.constant 0 : index
    %swap3A_276 = arith.constant 0 : index
    %swap3A_277 = vector.load %arg12[%swap3A, %swap3A_276] : memref<2048x128xf32, #tpu.memory_space<vmem>>, vector<2048x128xf32>
    tpu.vector_store %arg12[%swap3A, %swap3A_276], %add3A_275 {strides = array<i32>} : memref<2048x128xf32, #tpu.memory_space<vmem>>, vector<2048x128xf32>,
    return
  }
}

</mosaic_0001>

<sc_bundles>
// kernel: kernel.17.cloned.1.call-start
scs
__scs_entry_jumppad:
0x0: {  	(pc) =	sbr.rel $0x88, $3  }
0x1: {  	(tag) =	ssettag $0x0;
	lr =	simm.s32 $0x1  }
0x2: {  	[smem:$0x3F78] =	sst lr;
	_ =	strace $0xD0000000  }
0x3: {  	_ = 	snop  }
0x4: {  	_ = 	snop  }
0x5: {  	_ = 	snop  }
0x6: {  	_ = 	snop  }
0x7: {  	_ = 	snop  }
__scs_overlays_trampoline_lowered:
0x8: {  	[smem:$0x3F87] =	sst s0  }
0x9: {  	[smem:$0x3F88] =	sst s1  }
0xa: {  	[smem:$0x3F89] =	sst s2  }
0xb: {  	[smem:$0x3F8A] =	sst s3  }
0xc: {  	[smem:$0x3F8B] =	sst s4  }
0xd: {  	[smem:$0x3F8C] =	sst s5  }
0xe: {  	[smem:$0x3F8D] =	sst s6  }
0xf: {  	[smem:$0x3F8E] =	sst s7  }
0x10: {  	[smem:$0x3F8F] =	sst s8  }
0x11: {  	[smem:$0x3F90] =	sst s9;
	s0 =	simm.s32 @!p0 $0x0  }
0x12: {  	s1 =	sld [smem:$0x3F76];
	s0 =	simm.s32 @p0 $0x1  }
0x13: {  	[smem:$0x3F91] =	sst s0;
	s0 =	simm.s32 @!p1 $0x0  }
0x14: {  	s2 =	sld [smem:$0x3F75];
	s0 =	simm.s32 @p1 $0x1  }
0x15: {  	[smem:$0x3F92] =	sst s0;
	s0 =	simm.s32 @!p2 $0x0  }
0x16: {  	s3 =	sld [smem:$0x3FDB];
	s0 =	simm.s32 @p2 $0x1  }
0x17: {  	s4 =	simm.s32 $0x1BF5;
	[smem:$0x3F94] =	sst s0  }
0x18: {  	s0 =	sld [smem:$0x3F77];
	_ =	swait.ge [sflag:s4], $0x0  }
0x19: {  	s7 =	sld [smem:$0x3F78]  }
0x1a: {  	s8 =	sadd.s32 $0xFFFFE003, lr  }
0x1b: {  	s9 =	sadd.s32 $0xFFFFFEF7, lr;
	s5 =	simm.s32 $0xFFFFFFFF;
	p2 =	slt.u32 s8, $0xFFFFF086  }
0x1c: {  	p1 =	slt.u32 s9, $0xF7A;
	s5 =	simm.s32 @!p2 $0x0  }
0x1d: {  	s5 =	simm.s32 @p1 $0x1;
	p0 =	seq.s32 s7, s2  }
0x1e: {  	s7 =	smul.u32 @!p0 $0xF7A, s2;
	p2 =	seq.s32 @!p0 s5, $0x0  }
0x1f: {  	s9 =	smul.u32 $0xF7A, s1;
	s8 =	simm.s32 @!p0 $0x1BF5;
	p2 =	por !p2, p0  }
0x20: {  	[sflag:s8] =	ssyncset.s32 @!p0 $0xFFFFF086;
	s6 =	sadd.s32 @!p0 s3, s7;
	s7 =	simm.s32 @!p0 $0x108  }
0x21: {  	s3 =	sadd.s32 s3, s9;
	s6 =	sadd.s32 @!p0 $0x88, s6;
	s7 =	simm.s32 @p2 $0x1082  }
0x22: {  	[simem:s7], [sflag:s8] =	dma.local @!p0 [hbm:s6], $0xF7A  }
0x23: {  	s9 =	sor.u32 $0xD0000000, s2;
	s6 =	simm.s32 $0x108;
	_ =	swait.ge @!p0 [sflag:s8], $0x0  }
0x24: {  	s3 =	sadd.s32 $0x88, s3;
	s6 =	simm.s32 @!p1 $0x1082;
	[sflag:s4] =	ssyncset.s32 $0xFFFFF086  }
0x25: {  	[simem:s6], [sflag:s4] =	dma.local [hbm:s3], $0xF7A  }
0x26: {  	[smem:$0x3F78] =	sst s1;
	(tag) =	ssettag s2;
	_ =	strace s9  }
0x27: {  	s1 =	sld [smem:$0x3F88]  }
0x28: {  	s2 =	sld [smem:$0x3F89]  }
0x29: {  	s4 =	sld [smem:$0x3F8B]  }
0x2a: {  	p0 =	seq.s32 s5, $0x0;
	s5 =	sld [smem:$0x3F8C]  }
0x2b: {  	s6 =	sld [smem:$0x3F8D]  }
0x2c: {  	s7 =	sld [smem:$0x3F8E]  }
0x2d: {  	s3 =	simm.s32 $0x108;
	s8 =	sld [smem:$0x3F8F]  }
0x2e: {  	s3 =	simm.s32 @!p0 $0x1082;
	s9 =	sld [smem:$0x3F90]  }
0x2f: {  	lr =	sadd.s32 s0, s3;
	s0 =	sld [smem:$0x3F87]  }
0x30: {  	s3 =	sld [smem:$0x3F8A]  }
0x31: {  	[smem:$0x3F93] =	sst s10  }
0x32: {  	s10 =	sld [smem:$0x3F91];
	_ =	sdelay $0x3  }
0x33: {  	p0 =	seq.s32 s10, $0x1;
	s10 =	sld [smem:$0x3F93];
	_ =	sdelay $0x3  }
0x34: {  	[smem:$0x3F93] =	sst s10  }
0x35: {  	s10 =	sld [smem:$0x3F92];
	_ =	sdelay $0x3  }
0x36: {  	p1 =	seq.s32 s10, $0x1;
	s10 =	sld [smem:$0x3F93];
	_ =	sdelay $0x3  }
0x37: {  	[smem:$0x3F93] =	sst s10  }
0x38: {  	s10 =	sld [smem:$0x3F94]  }
0x39: {  	_ = 	snop;
	(pc) =	sbr.ind lr, $3  }
0x3a: {  	_ = 	snop  }
0x3b: {  	_ = 	snop  }
0x3c: {  	p2 =	seq.s32 s10, $0x1;
	s10 =	sld [smem:$0x3F93]  }
0x3d: {  	_ =	shalt  }
0x3e: {  	_ =	shalt  }
0x3f: {  	_ =	shalt  }
0x40: {  	_ =	shalt  }
0x41: {  	_ =	shalt  }
0x42: {  	_ =	shalt  }
0x43: {  	_ =	shalt  }
0x44: {  	_ =	shalt  }
0x45: {  	_ =	shalt  }
0x46: {  	_ =	shalt  }
0x47: {  	_ =	shalt  }
0x48: {  	_ =	shalt  }
0x49: {  	_ =	shalt  }
0x4a: {  	_ =	shalt  }
0x4b: {  	_ =	shalt  }
0x4c: {  	_ =	shalt  }
0x4d: {  	_ =	shalt  }
0x4e: {  	_ =	shalt  }
0x4f: {  	_ =	shalt  }
0x50: {  	_ =	shalt  }
0x51: {  	_ =	shalt  }
0x52: {  	_ =	shalt  }
0x53: {  	_ =	shalt  }
0x54: {  	_ =	shalt  }
0x55: {  	_ =	shalt  }
0x56: {  	_ =	shalt  }
0x57: {  	_ =	shalt  }
0x58: {  	_ =	shalt  }
0x59: {  	_ =	shalt  }
0x5a: {  	_ =	shalt  }
0x5b: {  	_ =	shalt  }
0x5c: {  	_ =	shalt  }
0x5d: {  	_ =	shalt  }
0x5e: {  	_ =	shalt  }
0x5f: {  	_ =	shalt  }
0x60: {  	_ =	shalt  }
0x61: {  	_ =	shalt  }
0x62: {  	_ =	shalt  }
0x63: {  	_ =	shalt  }
0x64: {  	_ =	shalt  }
0x65: {  	_ =	shalt  }
0x66: {  	_ =	shalt  }
0x67: {  	_ =	shalt  }
0x68: {  	_ =	shalt  }
0x69: {  	_ =	shalt  }
0x6a: {  	_ =	shalt  }
0x6b: {  	_ =	shalt  }
0x6c: {  	_ =	shalt  }
0x6d: {  	_ =	shalt  }
0x6e: {  	_ =	shalt  }
0x6f: {  	_ =	shalt  }
0x70: {  	_ =	shalt  }
0x71: {  	_ =	shalt  }
0x72: {  	_ =	shalt  }
0x73: {  	_ =	shalt  }
0x74: {  	_ =	shalt  }
0x75: {  	_ =	shalt  }
0x76: {  	_ =	shalt  }
0x77: {  	_ =	shalt  }
0x78: {  	_ =	shalt  }
0x79: {  	_ =	shalt  }
0x7a: {  	_ =	shalt  }
0x7b: {  	_ =	shalt  }
0x7c: {  	_ =	shalt  }
0x7d: {  	_ =	shalt  }
0x7e: {  	_ =	shalt  }
0x7f: {  	_ =	shalt  }
0x80: {  	_ =	shalt  }
0x81: {  	_ =	shalt  }
0x82: {  	_ =	shalt  }
0x83: {  	_ =	shalt  }
0x84: {  	_ =	shalt  }
0x85: {  	_ =	shalt  }
0x86: {  	_ =	shalt  }
0x87: {  	_ =	shalt  }
.Lfunc_end0:
.L_simem_size_0:
called_computation_lowered:
.L_overlay_start_0:
0x88: {  	s2 =	sld [smem:$0x3FD9]  }
0x89: {  	s3 =	sld [smem:$0x3FFE];
	_ =	sdelay $0x1  }
0x8a: {  	s1 =	srdreg.scid  }
0x8b: {  	s0 =	sand.u32 $0x1, s1  }
0x8c: {  	s16 =	sshll.u32 s0, $0xA;
	s2 =	sadd.s32 s3, s2  }
0x8d: {  	s2 =	sadd.s32 s2, s16  }
0x8e: {  	[smem:$0x3F9F] =	sst s2  }
0x8f: {  	_ = 	snop  }
0x90: {  	(tm) =	ssettm $0x1  }
0x91: {  	s17 =	sld [smem:$0x3FFB];
	_ =	sdelay $0x3  }
0x92: {  	_ =	strace s17  }
0x93: {  	s2 =	sld [smem:$0x3FFC];
	_ =	sdelay $0x3  }
0x94: {  	_ =	strace s2  }
0x95: {  	s2 =	sld [smem:$0x3FFD];
	_ =	sdelay $0x3  }
0x96: {  	_ =	strace s2  }
0x97: {  	_ =	strace $0x8FFFFFFF  }
0x98: {  	s18 =	sld [smem:$0x3FDB];
	_ =	sdelay $0x1  }
0x99: {  	s19 =	simm.s32 $_scs_section_size  }
0x9a: {  	s4 =	simm.s32 $_size__tile_overlayer_lowered;
	s5 =	simm.s32 $_tile_overlayer_lowered  }
0x9b: {  	s22 =	simm.s32 $0x1BFF;
	s21 =	sshll.u32 s5, $0x1;
	s2 =	sadd.s32 s19, s18  }
0x9c: {  	s6 =	simm.s32 $0x0;
	s20 =	sshll.u32 s4, $0x1;
	s4 =	sadd.s32 s21, s2  }
0x9d: {  	[timem:s6], [sflag:s22] =	dma.local [hbm:s4], s20  }
0x9e: {  	_ =	swait.ge [sflag:s22], s20  }
0x9f: {  	s3 =	ssub.s32 $0x0, s20;
	[sflag:s22] =	ssyncset.done $0x0  }
0xa0: {  	[sflag:s22] =	ssyncadd.s32 s3;
	_ =	sdelay $0x1  }
0xa1: {  	s23 =	simm.s32 $0x1B8B  }
0xa2: {  	_ =	swait.ge [sflag:s23], $0x1  }
0xa3: {  	[sflag:s23] =	ssyncset.done $0x0  }
0xa4: {  	s25 =	simm.s32 $0x1B8E;
	s24 =	sld [smem:$0x3FFE];
	[sflag:s23] =	ssyncadd.s32 $0xFFFFFFFF  }
0xa5: {  	s26 =	simm.s32 $execute0_lowered;
	[smem:$0x3FD2] =	sst s25  }
0xa6: {  	s4 =	sshll.u32 s26, $0x1;
	_ =	strace $0x80000046;
	[dreg:$0x1] =	wrdreg $0xFFFFFFFF  }
0xa7: {  	s28 =	simm.s32 $_size_execute0_lowered;
	s2 =	sadd.s32 s2, s4;
	[dreg:$0x0] =	wrdreg $0x0  }
0xa8: {  	s4 =	sshll.u32 s28, $0x1;
	[dreg:$0x2] =	wrdreg s2  }
0xa9: {  	[dreg:$0x3] =	wrdreg s4  }
0xaa: {  	[dreg:$0x4] =	wrdreg $0xC0  }
0xab: {  	_ =	task [dreg:s6], $0x5FFFF  }
0xac: {  	[dreg:$0x1] =	wrdreg $0xFFFFFFFF  }
0xad: {  	[dreg:$0x0] =	wrdreg $0x60  }
0xae: {  	[dreg:$0x2] =	wrdreg s24  }
0xaf: {  	[dreg:$0x3] =	wrdreg $0x9  }
0xb0: {  	_ =	task.clear_ibuf [dreg:s6], $0x4FFFF;
	_ =	strace $0x90000046  }
0xb1: {  	s29 =	simm.s32 $0x9;
	_ =	strace $0x80000048  }
0xb2: {  	_ =	swait.ge [sflag:s29], $0x1  }
0xb3: {  	[sflag:s29] =	ssyncadd.s32 $0xFFFFFFFF  }
0xb4: {  	_ =	strace $0x90000048  }
0xb5: {  	_ =	sfence  }
0xb6: {  	s30 =	sld [smem:$0x0];
	_ =	sdelay $0x2  }
0xb7: {  	s31 =	sshll.u32 s1, $0xD;
	s1 =	sshrl.u32 s1, $0x2  }
0xb8: {  	s3 =	sand.u32 $0x4000, s31;
	s1 =	sadd.s32 s1, s30  }
0xb9: {  	s0 =	sor.u32 s3, s0;
	s1 =	sshll.u32 s1, $0x11  }
0xba: {  	s0 =	sor.u32 s1, s0  }
0xbb: {  	s0 =	sadd.s32 $0x8F2B, s0  }
0xbc: {  	[sflag:s0] =	ssyncadd.remote.s32 $0x1  }
0xbd: {  	_ =	sfence.sel $0xFFFF  }
0xbe: {  	[dreg:$0x0] =	wrdreg $0xFFFFFFFF;
	(pc) =	sbr.abs _section_cstart, $3  }
0xbf: {  	[dreg:$0x1] =	wrdreg $0xFFFFFFFF  }
0xc0: {  	_ =	task.clear_ibuf [dreg:s6], $0x2FFFF;
	_ =	strace $0x9FFFFFFF  }
0xc1: {  	(tm) =	ssettm $0x7FFFFFFF  }
tec
execute0_lowered:
.L_overlay_start_1:
0x0: {  	(tag) =	ssettag $0x1  }
0x1: {  	s0 =	rddreg [dreg:$0x0];
	s2 =	simm.s32 $0x0;
	s3 =	srdreg.scid  }
0x2: {  	s1 =	stileid.u32;
	s10 =	simm.s32 $0x2;
	s11 =	simm.s32 $0x80  }
0x3: {  	s12 =	simm.s32 $0x400;
	s13 =	simm.s32 $0xC00;
	s14 =	simm.s32 $0x100  }
0x4: {  	s15 =	simm.s32 $0x1400;
	s16 =	simm.s32 $0x180;
	s17 =	simm.s32 $0x1C00  }
0x5: {  	s18 =	simm.s32 $0x200;
	s19 =	simm.s32 $0x2400;
	s20 =	simm.s32 $0x280  }
0x6: {  	s21 =	simm.s32 $0x2C00;
	s22 =	simm.s32 $0x300;
	s23 =	simm.s32 $0x3400  }
0x7: {  	s28 =	simm.s32 $0x1;
	s29 =	simm.s32 $0x4800;
	s6 =	smul.u32 $0xC800, s1  }
0x8: {  	s30 =	simm.s32 $0x0;
	s5 =	sand.u32 $0x1, s3;
	s8 =	smul.u32 $0x19000, s1  }
0x9: {  	[smem:$0x7FF] =	sst s2;
	s3 =	sadd.s32 $0xD600, s0;
	s7 =	smul.u32 $0x6400, s5  }
0xa: {  	s4 =	sadd.s32 $0x57E00, s0;
	s24 =	ssub.s32 $0x2, s5;
	s5 =	smul.u32 $0xC800, s5  }
0xb: {  	_ =	strace $0x80000047;
	s8 =	sadd.s32 s8, s0;
	s9 =	sshrl.u32 s24, $0x1  }
0xc: {  	s6 =	sadd.s32 s7, s6;
	s25 =	ssub.s32 s24, s9;
	s26 =	sadd.s32 s5, s8  }
0xd: {  	s9 =	simm.s32 $0x4C00;
	s24 =	simm.s32 $0x380;
	s6 =	sshrl.u32 s6, $0x3  }
0xe: {  	s5 =	smax.u32 s25, $0x1;
	s25 =	simm.s32 $0x3C00;
	s0 =	sadd.s32 s6, s0  }
0xf: {  	s6 =	sadd.s32 $0x31B000, s26;
	s26 =	simm.s32 $0x4400;
	s31 =	sadd.s32 $0x3EE00, s0  }
0x10: {  	s7 =	sadd.s32 $0x59800, s0;
	s8 =	sadd.s32 $0x25E00, s0;
	[dreg:$0x2] =	wrdreg s31  }
.LBB2_1:
0x11: {  	[tilespmem:s9], [sflag:$0x2] =	stream.linear.gather [hbm4b:s4+s2], $0xC350, $0x38;
	[tilespmem:$0x10F50] =	vst v63  }
0x12: {  	_ =	swait.ge [sflag:s10], $0xC350  }
0x13: {  	[sflag:s10] =	ssyncset.done $0x0  }
0x14: {  	s31 =	smov.u32 s6;
	s0 =	simm.s32 $0x0;
	[sflag:s10] =	ssyncadd.s32 $0xFFFF3CB0  }
.LBB2_2:
0x15: {  	s1 =	sadd.s32 s0, s8  }
0x16: {  	[tilespmem:s2], [sflag:$0x2] =	stream.linear.gather [hbm4b:s1+s2], $0x400, $0x38;
	[tilespmem:$0x10F50] =	vst v63  }
0x17: {  	_ =	swait.ge [sflag:s10], $0x400  }
0x18: {  	[sflag:s10] =	ssyncset.done $0x0  }
0x19: {  	[sflag:s10] =	ssyncadd.s32 $0xFFFFFC00  }
0x1a: {  	[tilespmem:s12], [sflag:$0x1] =	stream.indirect.gather [hbm4b:s3+s11], $0x10, s2, s11, $0xb8;
	[tilespmem:$0x10F50] =	vst v63  }
0x1b: {  	_ = 	snop  }
0x1c: {  	[tilespmem:s13], [sflag:$0x1] =	stream.indirect.gather [hbm4b:s3+s11], $0x10, s11, s11, $0xb8;
	[tilespmem:$0x10F50] =	vst v63  }
0x1d: {  	_ = 	snop  }
0x1e: {  	[tilespmem:s15], [sflag:$0x1] =	stream.indirect.gather [hbm4b:s3+s11], $0x10, s14, s11, $0xb8;
	[tilespmem:$0x10F50] =	vst v63  }
0x1f: {  	_ = 	snop  }
0x20: {  	[tilespmem:s17], [sflag:$0x1] =	stream.indirect.gather [hbm4b:s3+s11], $0x10, s16, s11, $0xb8;
	[tilespmem:$0x10F50] =	vst v63  }
0x21: {  	_ = 	snop  }
0x22: {  	[tilespmem:s19], [sflag:$0x1] =	stream.indirect.gather [hbm4b:s3+s11], $0x10, s18, s11, $0xb8;
	[tilespmem:$0x10F50] =	vst v63  }
0x23: {  	_ = 	snop  }
0x24: {  	[tilespmem:s21], [sflag:$0x1] =	stream.indirect.gather [hbm4b:s3+s11], $0x10, s20, s11, $0xb8;
	[tilespmem:$0x10F50] =	vst v63  }
0x25: {  	_ = 	snop  }
0x26: {  	[tilespmem:s23], [sflag:$0x1] =	stream.indirect.gather [hbm4b:s3+s11], $0x10, s22, s11, $0xb8;
	[tilespmem:$0x10F50] =	vst v63  }
0x27: {  	s1 =	rddreg [dreg:$0x2]  }
0x28: {  	[tilespmem:s25], [sflag:$0x1] =	stream.indirect.gather [hbm4b:s3+s11], $0x10, s24, s11, $0xb8;
	[tilespmem:$0x10F50] =	vst v63  }
0x29: {  	s1 =	sadd.s32 s0, s1  }
0x2a: {  	[tilespmem:s26], [sflag:$0x2] =	stream.linear.gather [hbm4b:s1+s2], $0x400, $0x38;
	[tilespmem:$0x10F50] =	vst v63  }
0x2b: {  	_ =	swait.ge [sflag:s10], $0x400  }
0x2c: {  	[sflag:s10] =	ssyncset.done $0x0  }
0x2d: {  	[sflag:s10] =	ssyncadd.s32 $0xFFFFFC00  }
0x2e: {  	_ =	swait.ge [sflag:s28], $0x800  }
0x2f: {  	[sflag:s28] =	ssyncset.done $0x0  }
0x30: {  	[sflag:s28] =	ssyncadd.s32 $0xFFFFF800  }
0x31: {  	_ =	swait.ge [sflag:s28], $0x800  }
0x32: {  	[sflag:s28] =	ssyncset.done $0x0  }
0x33: {  	[sflag:s28] =	ssyncadd.s32 $0xFFFFF800  }
0x34: {  	_ =	swait.ge [sflag:s28], $0x800  }
0x35: {  	[sflag:s28] =	ssyncset.done $0x0  }
0x36: {  	[sflag:s28] =	ssyncadd.s32 $0xFFFFF800  }
0x37: {  	_ =	swait.ge [sflag:s28], $0x800  }
0x38: {  	[sflag:s28] =	ssyncset.done $0x0  }
0x39: {  	[sflag:s28] =	ssyncadd.s32 $0xFFFFF800  }
0x3a: {  	_ =	swait.ge [sflag:s28], $0x800  }
0x3b: {  	[sflag:s28] =	ssyncset.done $0x0  }
0x3c: {  	[sflag:s28] =	ssyncadd.s32 $0xFFFFF800  }
0x3d: {  	_ =	swait.ge [sflag:s28], $0x800  }
0x3e: {  	[sflag:s28] =	ssyncset.done $0x0  }
0x3f: {  	[sflag:s28] =	ssyncadd.s32 $0xFFFFF800  }
0x40: {  	_ =	swait.ge [sflag:s28], $0x800  }
0x41: {  	[sflag:s28] =	ssyncset.done $0x0  }
0x42: {  	[sflag:s28] =	ssyncadd.s32 $0xFFFFF800  }
0x43: {  	_ =	swait.ge [sflag:s28], $0x800  }
0x44: {  	[sflag:s28] =	ssyncset.done $0x0  }
0x45: {  	[sflag:s28] =	ssyncadd.s32 $0xFFFFF800  }
0x46: {  	[hbm4b:s31+s2] =	stream.linear.scatter [tilespmem:s12], [sflag:$0x2], $0x4000, $0x38;
	[tilespmem:$0x10F50] =	vst v63  }
0x47: {  	_ =	swait.ge [sflag:s10], $0x4000  }
0x48: {  	[sflag:s10] =	ssyncset.done $0x0  }
0x49: {  	[sflag:s10] =	ssyncadd.s32 $0xFFFFC000  }
0x4a: {  	v0 =	vld [tilespmem:$0x4400];
	_ =	sdelay $0x5  }
0x4b: {  	v1 =	vld [tilespmem:$0x4410];
	_ =	sdelay $0x1  }
0x4c: {  	v0 =	vld.idx.msk [tilespmem:v0+s9+$0x0], $0xffff;
	_ =	sdelay $0x3  }
0x4d: {  	v2 =	vld [tilespmem:$0x4420]  }
0x4e: {  	[tilespmem:$0x4800] =	vst v0  }
0x4f: {  	v0 =	vld.idx.msk [tilespmem:v1+s9+$0x0], $0xffff;
	_ =	sdelay $0x3  }
0x50: {  	v63 =	vld [tilespmem:$0x4430]  }
0x51: {  	[tilespmem:$0x4810] =	vst v0  }
0x52: {  	v0 =	vld.idx.msk [tilespmem:v2+s9+$0x0], $0xffff;
	_ =	sdelay $0x3  }
0x53: {  	v4 =	vld [tilespmem:$0x4440]  }
0x54: {  	[tilespmem:$0x4820] =	vst v0  }
0x55: {  	v0 =	vld.idx.msk [tilespmem:v63+s9+$0x0], $0xffff;
	_ =	sdelay $0x3  }
0x56: {  	v5 =	vld [tilespmem:$0x4450]  }
0x57: {  	[tilespmem:$0x4830] =	vst v0  }
0x58: {  	v0 =	vld.idx.msk [tilespmem:v4+s9+$0x0], $0xffff;
	_ =	sdelay $0x3  }
0x59: {  	v6 =	vld [tilespmem:$0x4460]  }
0x5a: {  	[tilespmem:$0x4840] =	vst v0  }
0x5b: {  	v0 =	vld.idx.msk [tilespmem:v5+s9+$0x0], $0xffff;
	_ =	sdelay $0x3  }
0x5c: {  	v7 =	vld [tilespmem:$0x4470]  }
0x5d: {  	[tilespmem:$0x4850] =	vst v0  }
0x5e: {  	v0 =	vld.idx.msk [tilespmem:v6+s9+$0x0], $0xffff;
	_ =	sdelay $0x3  }
0x5f: {  	v8 =	vld [tilespmem:$0x4480]  }
0x60: {  	[tilespmem:$0x4860] =	vst v0  }
0x61: {  	v0 =	vld.idx.msk [tilespmem:v7+s9+$0x0], $0xffff;
	_ =	sdelay $0x3  }
0x62: {  	v9 =	vld [tilespmem:$0x4490]  }
0x63: {  	[tilespmem:$0x4870] =	vst v0  }
0x64: {  	v0 =	vld.idx.msk [tilespmem:v8+s9+$0x0], $0xffff;
	_ =	sdelay $0x3  }
0x65: {  	v10 =	vld [tilespmem:$0x44A0]  }
0x66: {  	[tilespmem:$0x4880] =	vst v0  }
0x67: {  	v0 =	vld.idx.msk [tilespmem:v9+s9+$0x0], $0xffff;
	_ =	sdelay $0x3  }
0x68: {  	v11 =	vld [tilespmem:$0x44B0]  }
0x69: {  	[tilespmem:$0x4890] =	vst v0  }
0x6a: {  	v0 =	vld.idx.msk [tilespmem:v10+s9+$0x0], $0xffff;
	_ =	sdelay $0x3  }
0x6b: {  	v12 =	vld [tilespmem:$0x44C0]  }
0x6c: {  	[tilespmem:$0x48A0] =	vst v0  }
0x6d: {  	v0 =	vld.idx.msk [tilespmem:v11+s9+$0x0], $0xffff;
	_ =	sdelay $0x3  }
0x6e: {  	v13 =	vld [tilespmem:$0x44D0]  }
0x6f: {  	[tilespmem:$0x48B0] =	vst v0  }
0x70: {  	v0 =	vld.idx.msk [tilespmem:v12+s9+$0x0], $0xffff;
	_ =	sdelay $0x3  }
0x71: {  	v14 =	vld [tilespmem:$0x44E0]  }
0x72: {  	[tilespmem:$0x48C0] =	vst v0  }
0x73: {  	v0 =	vld.idx.msk [tilespmem:v13+s9+$0x0], $0xffff;
	_ =	sdelay $0x3  }
0x74: {  	v15 =	vld [tilespmem:$0x44F0]  }
0x75: {  	[tilespmem:$0x48D0] =	vst v0  }
0x76: {  	v0 =	vld.idx.msk [tilespmem:v14+s9+$0x0], $0xffff;
	_ =	sdelay $0x3  }
0x77: {  	v16 =	vld [tilespmem:$0x4500]  }
0x78: {  	[tilespmem:$0x48E0] =	vst v0  }
0x79: {  	v0 =	vld.idx.msk [tilespmem:v15+s9+$0x0], $0xffff;
	_ =	sdelay $0x3  }
0x7a: {  	v17 =	vld [tilespmem:$0x4510]  }
0x7b: {  	[tilespmem:$0x48F0] =	vst v0  }
0x7c: {  	v0 =	vld.idx.msk [tilespmem:v16+s9+$0x0], $0xffff;
	_ =	sdelay $0x3  }
0x7d: {  	v18 =	vld [tilespmem:$0x4520]  }
0x7e: {  	[tilespmem:$0x4900] =	vst v0  }
0x7f: {  	v0 =	vld.idx.msk [tilespmem:v17+s9+$0x0], $0xffff;
	_ =	sdelay $0x3  }
0x80: {  	v19 =	vld [tilespmem:$0x4530]  }
0x81: {  	[tilespmem:$0x4910] =	vst v0  }
0x82: {  	v0 =	vld.idx.msk [tilespmem:v18+s9+$0x0], $0xffff;
	_ =	sdelay $0x3  }
0x83: {  	v20 =	vld [tilespmem:$0x4540]  }
0x84: {  	[tilespmem:$0x4920] =	vst v0  }
0x85: {  	v0 =	vld.idx.msk [tilespmem:v19+s9+$0x0], $0xffff;
	_ =	sdelay $0x3  }
0x86: {  	v21 =	vld [tilespmem:$0x4550]  }
0x87: {  	[tilespmem:$0x4930] =	vst v0  }
0x88: {  	v0 =	vld.idx.msk [tilespmem:v20+s9+$0x0], $0xffff;
	_ =	sdelay $0x3  }
0x89: {  	v22 =	vld [tilespmem:$0x4560]  }
0x8a: {  	[tilespmem:$0x4940] =	vst v0  }
0x8b: {  	v0 =	vld.idx.msk [tilespmem:v21+s9+$0x0], $0xffff;
	_ =	sdelay $0x3  }
0x8c: {  	v23 =	vld [tilespmem:$0x4570]  }
0x8d: {  	[tilespmem:$0x4950] =	vst v0  }
0x8e: {  	v0 =	vld.idx.msk [tilespmem:v22+s9+$0x0], $0xffff;
	_ =	sdelay $0x3  }
0x8f: {  	v24 =	vld [tilespmem:$0x4580]  }
0x90: {  	[tilespmem:$0x4960] =	vst v0  }
0x91: {  	v0 =	vld.idx.msk [tilespmem:v23+s9+$0x0], $0xffff;
	_ =	sdelay $0x3  }
0x92: {  	v25 =	vld [tilespmem:$0x4590]  }
0x93: {  	[tilespmem:$0x4970] =	vst v0  }
0x94: {  	v0 =	vld.idx.msk [tilespmem:v24+s9+$0x0], $0xffff;
	_ =	sdelay $0x3  }
0x95: {  	v26 =	vld [tilespmem:$0x45A0]  }
0x96: {  	[tilespmem:$0x4980] =	vst v0  }
0x97: {  	v0 =	vld.idx.msk [tilespmem:v25+s9+$0x0], $0xffff;
	_ =	sdelay $0x3  }
0x98: {  	v27 =	vld [tilespmem:$0x45B0]  }
0x99: {  	[tilespmem:$0x4990] =	vst v0  }
0x9a: {  	v0 =	vld.idx.msk [tilespmem:v26+s9+$0x0], $0xffff;
	_ =	sdelay $0x3  }
0x9b: {  	v28 =	vld [tilespmem:$0x45C0]  }
0x9c: {  	[tilespmem:$0x49A0] =	vst v0  }
0x9d: {  	v0 =	vld.idx.msk [tilespmem:v27+s9+$0x0], $0xffff;
	_ =	sdelay $0x3  }
0x9e: {  	v29 =	vld [tilespmem:$0x45D0]  }
0x9f: {  	[tilespmem:$0x49B0] =	vst v0  }
0xa0: {  	v0 =	vld.idx.msk [tilespmem:v28+s9+$0x0], $0xffff;
	_ =	sdelay $0x3  }
0xa1: {  	v30 =	vld [tilespmem:$0x45E0]  }
0xa2: {  	[tilespmem:$0x49C0] =	vst v0  }
0xa3: {  	v0 =	vld.idx.msk [tilespmem:v29+s9+$0x0], $0xffff;
	_ =	sdelay $0x3  }
0xa4: {  	v31 =	vld [tilespmem:$0x45F0]  }
0xa5: {  	[tilespmem:$0x49D0] =	vst v0  }
0xa6: {  	v0 =	vld.idx.msk [tilespmem:v30+s9+$0x0], $0xffff;
	_ =	sdelay $0x3  }
0xa7: {  	v32 =	vld [tilespmem:$0x4600]  }
0xa8: {  	[tilespmem:$0x49E0] =	vst v0  }
0xa9: {  	v0 =	vld.idx.msk [tilespmem:v31+s9+$0x0], $0xffff;
	_ =	sdelay $0x3  }
0xaa: {  	v33 =	vld [tilespmem:$0x4610]  }
0xab: {  	[tilespmem:$0x49F0] =	vst v0  }
0xac: {  	v0 =	vld.idx.msk [tilespmem:v32+s9+$0x0], $0xffff;
	_ =	sdelay $0x3  }
0xad: {  	v34 =	vld [tilespmem:$0x4620]  }
0xae: {  	[tilespmem:$0x4A00] =	vst v0  }
0xaf: {  	v0 =	vld.idx.msk [tilespmem:v33+s9+$0x0], $0xffff;
	_ =	sdelay $0x3  }
0xb0: {  	v35 =	vld [tilespmem:$0x4630]  }
0xb1: {  	[tilespmem:$0x4A10] =	vst v0  }
0xb2: {  	v0 =	vld.idx.msk [tilespmem:v34+s9+$0x0], $0xffff;
	_ =	sdelay $0x3  }
0xb3: {  	v36 =	vld [tilespmem:$0x4640]  }
0xb4: {  	[tilespmem:$0x4A20] =	vst v0  }
0xb5: {  	v0 =	vld.idx.msk [tilespmem:v35+s9+$0x0], $0xffff;
	_ =	sdelay $0x3  }
0xb6: {  	v37 =	vld [tilespmem:$0x4650]  }
0xb7: {  	[tilespmem:$0x4A30] =	vst v0  }
0xb8: {  	v0 =	vld.idx.msk [tilespmem:v36+s9+$0x0], $0xffff;
	_ =	sdelay $0x3  }
0xb9: {  	v38 =	vld [tilespmem:$0x4660]  }
0xba: {  	[tilespmem:$0x4A40] =	vst v0  }
0xbb: {  	v0 =	vld.idx.msk [tilespmem:v37+s9+$0x0], $0xffff;
	_ =	sdelay $0x3  }
0xbc: {  	v39 =	vld [tilespmem:$0x4670]  }
0xbd: {  	[tilespmem:$0x4A50] =	vst v0  }
0xbe: {  	v0 =	vld.idx.msk [tilespmem:v38+s9+$0x0], $0xffff;
	_ =	sdelay $0x3  }
0xbf: {  	v40 =	vld [tilespmem:$0x4680]  }
0xc0: {  	[tilespmem:$0x4A60] =	vst v0  }
0xc1: {  	v0 =	vld.idx.msk [tilespmem:v39+s9+$0x0], $0xffff;
	_ =	sdelay $0x3  }
0xc2: {  	v41 =	vld [tilespmem:$0x4690]  }
0xc3: {  	[tilespmem:$0x4A70] =	vst v0  }
0xc4: {  	v0 =	vld.idx.msk [tilespmem:v40+s9+$0x0], $0xffff;
	_ =	sdelay $0x3  }
0xc5: {  	v42 =	vld [tilespmem:$0x46A0]  }
0xc6: {  	[tilespmem:$0x4A80] =	vst v0  }
0xc7: {  	v0 =	vld.idx.msk [tilespmem:v41+s9+$0x0], $0xffff;
	_ =	sdelay $0x3  }
0xc8: {  	v43 =	vld [tilespmem:$0x46B0]  }
0xc9: {  	[tilespmem:$0x4A90] =	vst v0  }
0xca: {  	v0 =	vld.idx.msk [tilespmem:v42+s9+$0x0], $0xffff;
	_ =	sdelay $0x3  }
0xcb: {  	v44 =	vld [tilespmem:$0x46C0]  }
0xcc: {  	[tilespmem:$0x4AA0] =	vst v0  }
0xcd: {  	v0 =	vld.idx.msk [tilespmem:v43+s9+$0x0], $0xffff;
	_ =	sdelay $0x3  }
0xce: {  	v45 =	vld [tilespmem:$0x46D0]  }
0xcf: {  	[tilespmem:$0x4AB0] =	vst v0  }
0xd0: {  	v0 =	vld.idx.msk [tilespmem:v44+s9+$0x0], $0xffff;
	_ =	sdelay $0x3  }
0xd1: {  	v46 =	vld [tilespmem:$0x46E0]  }
0xd2: {  	[tilespmem:$0x4AC0] =	vst v0  }
0xd3: {  	v0 =	vld.idx.msk [tilespmem:v45+s9+$0x0], $0xffff;
	_ =	sdelay $0x3  }
0xd4: {  	v47 =	vld [tilespmem:$0x46F0]  }
0xd5: {  	[tilespmem:$0x4AD0] =	vst v0  }
0xd6: {  	v0 =	vld.idx.msk [tilespmem:v46+s9+$0x0], $0xffff;
	_ =	sdelay $0x3  }
0xd7: {  	v48 =	vld [tilespmem:$0x4700]  }
0xd8: {  	[tilespmem:$0x4AE0] =	vst v0  }
0xd9: {  	v0 =	vld.idx.msk [tilespmem:v47+s9+$0x0], $0xffff;
	_ =	sdelay $0x3  }
0xda: {  	v49 =	vld [tilespmem:$0x4710]  }
0xdb: {  	[tilespmem:$0x4AF0] =	vst v0  }
0xdc: {  	v0 =	vld.idx.msk [tilespmem:v48+s9+$0x0], $0xffff;
	_ =	sdelay $0x3  }
0xdd: {  	v50 =	vld [tilespmem:$0x4720]  }
0xde: {  	[tilespmem:$0x4B00] =	vst v0  }
0xdf: {  	v0 =	vld.idx.msk [tilespmem:v49+s9+$0x0], $0xffff;
	_ =	sdelay $0x3  }
0xe0: {  	v51 =	vld [tilespmem:$0x4730]  }
0xe1: {  	[tilespmem:$0x4B10] =	vst v0  }
0xe2: {  	v0 =	vld.idx.msk [tilespmem:v50+s9+$0x0], $0xffff;
	_ =	sdelay $0x3  }
0xe3: {  	v52 =	vld [tilespmem:$0x4740]  }
0xe4: {  	[tilespmem:$0x4B20] =	vst v0  }
0xe5: {  	v0 =	vld.idx.msk [tilespmem:v51+s9+$0x0], $0xffff;
	_ =	sdelay $0x3  }
0xe6: {  	v53 =	vld [tilespmem:$0x4750]  }
0xe7: {  	[tilespmem:$0x4B30] =	vst v0  }
0xe8: {  	v0 =	vld.idx.msk [tilespmem:v52+s9+$0x0], $0xffff;
	_ =	sdelay $0x3  }
0xe9: {  	v54 =	vld [tilespmem:$0x4760]  }
0xea: {  	[tilespmem:$0x4B40] =	vst v0  }
0xeb: {  	v0 =	vld.idx.msk [tilespmem:v53+s9+$0x0], $0xffff;
	_ =	sdelay $0x3  }
0xec: {  	v55 =	vld [tilespmem:$0x4770]  }
0xed: {  	[tilespmem:$0x4B50] =	vst v0  }
0xee: {  	v0 =	vld.idx.msk [tilespmem:v54+s9+$0x0], $0xffff;
	_ =	sdelay $0x3  }
0xef: {  	v56 =	vld [tilespmem:$0x4780]  }
0xf0: {  	[tilespmem:$0x4B60] =	vst v0  }
0xf1: {  	v0 =	vld.idx.msk [tilespmem:v55+s9+$0x0], $0xffff;
	_ =	sdelay $0x3  }
0xf2: {  	v57 =	vld [tilespmem:$0x4790]  }
0xf3: {  	[tilespmem:$0x4B70] =	vst v0  }
0xf4: {  	v0 =	vld.idx.msk [tilespmem:v56+s9+$0x0], $0xffff;
	_ =	sdelay $0x3  }
0xf5: {  	v58 =	vld [tilespmem:$0x47A0]  }
0xf6: {  	[tilespmem:$0x4B80] =	vst v0  }
0xf7: {  	v0 =	vld.idx.msk [tilespmem:v57+s9+$0x0], $0xffff;
	_ =	sdelay $0x3  }
0xf8: {  	v59 =	vld [tilespmem:$0x47B0]  }
0xf9: {  	[tilespmem:$0x4B90] =	vst v0  }
0xfa: {  	v0 =	vld.idx.msk [tilespmem:v58+s9+$0x0], $0xffff;
	_ =	sdelay $0x3  }
0xfb: {  	v60 =	vld [tilespmem:$0x47C0]  }
0xfc: {  	[tilespmem:$0x4BA0] =	vst v0  }
0xfd: {  	v0 =	vld.idx.msk [tilespmem:v59+s9+$0x0], $0xffff;
	_ =	sdelay $0x3  }
0xfe: {  	v61 =	vld [tilespmem:$0x47D0]  }
0xff: {  	[tilespmem:$0x4BB0] =	vst v0  }
0x100: {  	v0 =	vld.idx.msk [tilespmem:v60+s9+$0x0], $0xffff;
	_ =	sdelay $0x3  }
0x101: {  	v62 =	vld [tilespmem:$0x47E0]  }
0x102: {  	[tilespmem:$0x4BC0] =	vst v0  }
0x103: {  	v0 =	vld.idx.msk [tilespmem:v61+s9+$0x0], $0xffff;
	_ =	sdelay $0x3  }
0x104: {  	v63 =	vld [tilespmem:$0x47F0]  }
0x105: {  	[tilespmem:$0x4BD0] =	vst v0  }
0x106: {  	v0 =	vld.idx.msk [tilespmem:v62+s9+$0x0], $0xffff;
	_ =	sdelay $0x4  }
0x107: {  	[tilespmem:$0x4BE0] =	vst v0  }
0x108: {  	v0 =	vld.idx.msk [tilespmem:v63+s9+$0x0], $0xffff;
	_ =	sdelay $0x3  }
0x109: {  	p0 =	sne.s32 s0, $0xC00  }
.Ltmp0:
0x10a: {  	s1 =	sadd.s32 s0, s7;
	[tilespmem:$0x4BF0] =	vst v0;
	(pc) =	sbr.rel @p0 .LBB2_2-.Ltmp0, $4  }
0x10b: {  	[hbm4b:s1+s2] =	stream.linear.scatter [tilespmem:s29], [sflag:$0x2], $0x400, $0x38;
	[tilespmem:$0x10F50] =	vst v63  }
0x10c: {  	_ =	swait.ge [sflag:s10], $0x400  }
0x10d: {  	[sflag:s10] =	ssyncset.done $0x0  }
0x10e: {  	s0 =	sadd.s32 $0x80, s0;
	s31 =	sadd.s32 $0x800, s31;
	[sflag:s10] =	ssyncadd.s32 $0xFFFFFC00  }
0x10f: {  	s30 =	sadd.s32 $0x1, s30  }
0x110: {  	p0 =	sne.s32 s30, s5  }
.Ltmp1:
0x111: {  	_ = 	snop;
	(pc) =	sbr.rel @p0 .LBB2_1-.Ltmp1, $1  }
0x112: {  	_ =	sdelay $0x3  }
0x113: {  	_ =	sfence.sel $0x180000  }
0x114: {  	[bflag:$0x0] =	sbarrier.arrive $0xFFFF  }
0x115: {  	_ =	strace $0x90000047  }
0x116: {  	s0 =	stileid.u32;
	[bflag:$0x2] =	sbarrier.arrive $0xFFFF  }
0x117: {  	p0 =	sne.s32 s0, $0x0;
	s0 =	rddreg [dreg:$0x1]  }
0x118: {  	s0 =	sadd.s32 @!p0 $0x100000, s0  }
0x119: {  	[sflag:s0] =	ssyncadd.tile.s32 @!p0 $0x1;
	_ =	shalt  }
.Lfunc_end2:
_tile_overlayer_lowered:
.L_overlay_start_2:
0x11a: {  	(tag) =	ssettag $0x2  }
0x11b: {  	s0 =	rddreg [dreg:$0x0];
	s2 =	stileid.u32  }
0x11c: {  	s1 =	rddreg [dreg:$0x1];
	p0 =	sne.s32 s2, $0x0  }
0x11d: {  	s3 =	rddreg [dreg:$0x2];
	[bflag:$0x3] =	sbarrier.arrive $0xFFFF;
	s2 =	simm.s32 @!p0 $0x1C02  }
0x11e: {  	[timem:s3], [sflag:s2] =	dma.local @!p0 [hbm:s0], s1  }
0x11f: {  	s0 =	simm.s32 @!p0 $0x2  }
0x120: {  	_ =	swait.ge @!p0 [sflag:s0], s1  }
0x121: {  	s1 =	ssub.s32 @!p0 $0x0, s1;
	[sflag:s0] =	ssyncset.done @!p0 $0x0  }
0x122: {  	[sflag:s0] =	ssyncadd.s32 @!p0 s1  }
0x123: {  	[bflag:$0x3] =	sbarrier.arrive $0xFFFF  }
0x124: {  	_ =	shalt  }

// kernel: kernel.20.cloned.1.call-start
scs
__scs_entry_jumppad:
0x0: {  	(pc) =	sbr.rel $0x88, $3  }
0x1: {  	(tag) =	ssettag $0x0;
	lr =	simm.s32 $0x1  }
0x2: {  	[smem:$0x3F78] =	sst lr;
	_ =	strace $0xD0000000  }
0x3: {  	_ = 	snop  }
0x4: {  	_ = 	snop  }
0x5: {  	_ = 	snop  }
0x6: {  	_ = 	snop  }
0x7: {  	_ = 	snop  }
__scs_overlays_trampoline_lowered:
0x8: {  	[smem:$0x3F87] =	sst s0  }
0x9: {  	[smem:$0x3F88] =	sst s1  }
0xa: {  	[smem:$0x3F89] =	sst s2  }
0xb: {  	[smem:$0x3F8A] =	sst s3  }
0xc: {  	[smem:$0x3F8B] =	sst s4  }
0xd: {  	[smem:$0x3F8C] =	sst s5  }
0xe: {  	[smem:$0x3F8D] =	sst s6  }
0xf: {  	[smem:$0x3F8E] =	sst s7  }
0x10: {  	[smem:$0x3F8F] =	sst s8  }
0x11: {  	[smem:$0x3F90] =	sst s9;
	s0 =	simm.s32 @!p0 $0x0  }
0x12: {  	s1 =	sld [smem:$0x3F76];
	s0 =	simm.s32 @p0 $0x1  }
0x13: {  	[smem:$0x3F91] =	sst s0;
	s0 =	simm.s32 @!p1 $0x0  }
0x14: {  	s2 =	sld [smem:$0x3F75];
	s0 =	simm.s32 @p1 $0x1  }
0x15: {  	[smem:$0x3F92] =	sst s0;
	s0 =	simm.s32 @!p2 $0x0  }
0x16: {  	s3 =	sld [smem:$0x3FDB];
	s0 =	simm.s32 @p2 $0x1  }
0x17: {  	s4 =	simm.s32 $0x1BF5;
	[smem:$0x3F94] =	sst s0  }
0x18: {  	s0 =	sld [smem:$0x3F77];
	_ =	swait.ge [sflag:s4], $0x0  }
0x19: {  	s7 =	sld [smem:$0x3F78]  }
0x1a: {  	s8 =	sadd.s32 $0xFFFFE003, lr  }
0x1b: {  	s9 =	sadd.s32 $0xFFFFFEF7, lr;
	s5 =	simm.s32 $0xFFFFFFFF;
	p2 =	slt.u32 s8, $0xFFFFF086  }
0x1c: {  	p1 =	slt.u32 s9, $0xF7A;
	s5 =	simm.s32 @!p2 $0x0  }
0x1d: {  	s5 =	simm.s32 @p1 $0x1;
	p0 =	seq.s32 s7, s2  }
0x1e: {  	s7 =	smul.u32 @!p0 $0xF7A, s2;
	p2 =	seq.s32 @!p0 s5, $0x0  }
0x1f: {  	s9 =	smul.u32 $0xF7A, s1;
	s8 =	simm.s32 @!p0 $0x1BF5;
	p2 =	por !p2, p0  }
0x20: {  	[sflag:s8] =	ssyncset.s32 @!p0 $0xFFFFF086;
	s6 =	sadd.s32 @!p0 s3, s7;
	s7 =	simm.s32 @!p0 $0x108  }
0x21: {  	s3 =	sadd.s32 s3, s9;
	s6 =	sadd.s32 @!p0 $0x88, s6;
	s7 =	simm.s32 @p2 $0x1082  }
0x22: {  	[simem:s7], [sflag:s8] =	dma.local @!p0 [hbm:s6], $0xF7A  }
0x23: {  	s9 =	sor.u32 $0xD0000000, s2;
	s6 =	simm.s32 $0x108;
	_ =	swait.ge @!p0 [sflag:s8], $0x0  }
0x24: {  	s3 =	sadd.s32 $0x88, s3;
	s6 =	simm.s32 @!p1 $0x1082;
	[sflag:s4] =	ssyncset.s32 $0xFFFFF086  }
0x25: {  	[simem:s6], [sflag:s4] =	dma.local [hbm:s3], $0xF7A  }
0x26: {  	[smem:$0x3F78] =	sst s1;
	(tag) =	ssettag s2;
	_ =	strace s9  }
0x27: {  	s1 =	sld [smem:$0x3F88]  }
0x28: {  	s2 =	sld [smem:$0x3F89]  }
0x29: {  	s4 =	sld [smem:$0x3F8B]  }
0x2a: {  	p0 =	seq.s32 s5, $0x0;
	s5 =	sld [smem:$0x3F8C]  }
0x2b: {  	s6 =	sld [smem:$0x3F8D]  }
0x2c: {  	s7 =	sld [smem:$0x3F8E]  }
0x2d: {  	s3 =	simm.s32 $0x108;
	s8 =	sld [smem:$0x3F8F]  }
0x2e: {  	s3 =	simm.s32 @!p0 $0x1082;
	s9 =	sld [smem:$0x3F90]  }
0x2f: {  	lr =	sadd.s32 s0, s3;
	s0 =	sld [smem:$0x3F87]  }
0x30: {  	s3 =	sld [smem:$0x3F8A]  }
0x31: {  	[smem:$0x3F93] =	sst s10  }
0x32: {  	s10 =	sld [smem:$0x3F91];
	_ =	sdelay $0x3  }
0x33: {  	p0 =	seq.s32 s10, $0x1;
	s10 =	sld [smem:$0x3F93];
	_ =	sdelay $0x3  }
0x34: {  	[smem:$0x3F93] =	sst s10  }
0x35: {  	s10 =	sld [smem:$0x3F92];
	_ =	sdelay $0x3  }
0x36: {  	p1 =	seq.s32 s10, $0x1;
	s10 =	sld [smem:$0x3F93];
	_ =	sdelay $0x3  }
0x37: {  	[smem:$0x3F93] =	sst s10  }
0x38: {  	s10 =	sld [smem:$0x3F94]  }
0x39: {  	_ = 	snop;
	(pc) =	sbr.ind lr, $3  }
0x3a: {  	_ = 	snop  }
0x3b: {  	_ = 	snop  }
0x3c: {  	p2 =	seq.s32 s10, $0x1;
	s10 =	sld [smem:$0x3F93]  }
0x3d: {  	_ =	shalt  }
0x3e: {  	_ =	shalt  }
0x3f: {  	_ =	shalt  }
0x40: {  	_ =	shalt  }
0x41: {  	_ =	shalt  }
0x42: {  	_ =	shalt  }
0x43: {  	_ =	shalt  }
0x44: {  	_ =	shalt  }
0x45: {  	_ =	shalt  }
0x46: {  	_ =	shalt  }
0x47: {  	_ =	shalt  }
0x48: {  	_ =	shalt  }
0x49: {  	_ =	shalt  }
0x4a: {  	_ =	shalt  }
0x4b: {  	_ =	shalt  }
0x4c: {  	_ =	shalt  }
0x4d: {  	_ =	shalt  }
0x4e: {  	_ =	shalt  }
0x4f: {  	_ =	shalt  }
0x50: {  	_ =	shalt  }
0x51: {  	_ =	shalt  }
0x52: {  	_ =	shalt  }
0x53: {  	_ =	shalt  }
0x54: {  	_ =	shalt  }
0x55: {  	_ =	shalt  }
0x56: {  	_ =	shalt  }
0x57: {  	_ =	shalt  }
0x58: {  	_ =	shalt  }
0x59: {  	_ =	shalt  }
0x5a: {  	_ =	shalt  }
0x5b: {  	_ =	shalt  }
0x5c: {  	_ =	shalt  }
0x5d: {  	_ =	shalt  }
0x5e: {  	_ =	shalt  }
0x5f: {  	_ =	shalt  }
0x60: {  	_ =	shalt  }
0x61: {  	_ =	shalt  }
0x62: {  	_ =	shalt  }
0x63: {  	_ =	shalt  }
0x64: {  	_ =	shalt  }
0x65: {  	_ =	shalt  }
0x66: {  	_ =	shalt  }
0x67: {  	_ =	shalt  }
0x68: {  	_ =	shalt  }
0x69: {  	_ =	shalt  }
0x6a: {  	_ =	shalt  }
0x6b: {  	_ =	shalt  }
0x6c: {  	_ =	shalt  }
0x6d: {  	_ =	shalt  }
0x6e: {  	_ =	shalt  }
0x6f: {  	_ =	shalt  }
0x70: {  	_ =	shalt  }
0x71: {  	_ =	shalt  }
0x72: {  	_ =	shalt  }
0x73: {  	_ =	shalt  }
0x74: {  	_ =	shalt  }
0x75: {  	_ =	shalt  }
0x76: {  	_ =	shalt  }
0x77: {  	_ =	shalt  }
0x78: {  	_ =	shalt  }
0x79: {  	_ =	shalt  }
0x7a: {  	_ =	shalt  }
0x7b: {  	_ =	shalt  }
0x7c: {  	_ =	shalt  }
0x7d: {  	_ =	shalt  }
0x7e: {  	_ =	shalt  }
0x7f: {  	_ =	shalt  }
0x80: {  	_ =	shalt  }
0x81: {  	_ =	shalt  }
0x82: {  	_ =	shalt  }
0x83: {  	_ =	shalt  }
0x84: {  	_ =	shalt  }
0x85: {  	_ =	shalt  }
0x86: {  	_ =	shalt  }
0x87: {  	_ =	shalt  }
.Lfunc_end0:
.L_simem_size_0:
called_computation.1_lowered:
.L_overlay_start_0:
0x88: {  	s2 =	sld [smem:$0x3FD9]  }
0x89: {  	s3 =	sld [smem:$0x3FFE];
	_ =	sdelay $0x1  }
0x8a: {  	s1 =	srdreg.scid  }
0x8b: {  	s0 =	sand.u32 $0x1, s1  }
0x8c: {  	s17 =	sshll.u32 s0, $0xA;
	s2 =	sadd.s32 s3, s2  }
0x8d: {  	s2 =	sadd.s32 s2, s17  }
0x8e: {  	[smem:$0x3F9F] =	sst s2  }
0x8f: {  	_ = 	snop  }
0x90: {  	(tm) =	ssettm $0x1  }
0x91: {  	s18 =	sld [smem:$0x3FFB];
	_ =	sdelay $0x3  }
0x92: {  	_ =	strace s18  }
0x93: {  	s2 =	sld [smem:$0x3FFC];
	_ =	sdelay $0x3  }
0x94: {  	_ =	strace s2  }
0x95: {  	s2 =	sld [smem:$0x3FFD];
	_ =	sdelay $0x3  }
0x96: {  	_ =	strace s2  }
0x97: {  	_ =	strace $0x8FFFFFFF  }
0x98: {  	s19 =	sld [smem:$0x3FDB];
	_ =	sdelay $0x1  }
0x99: {  	s20 =	simm.s32 $_scs_section_size  }
0x9a: {  	s4 =	simm.s32 $_size__tile_overlayer_lowered;
	s5 =	simm.s32 $_tile_overlayer_lowered  }
0x9b: {  	s6 =	simm.s32 $0x1BFF;
	s21 =	sshll.u32 s5, $0x1;
	s3 =	sadd.s32 s20, s19  }
0x9c: {  	s22 =	simm.s32 $0x0;
	s4 =	sshll.u32 s4, $0x1;
	s5 =	sadd.s32 s21, s3  }
0x9d: {  	[timem:s22], [sflag:s6] =	dma.local [hbm:s5], s4  }
0x9e: {  	_ =	swait.ge [sflag:s6], s4  }
0x9f: {  	s4 =	ssub.s32 $0x0, s4;
	[sflag:s6] =	ssyncset.done $0x0  }
0xa0: {  	[sflag:s6] =	ssyncadd.s32 s4;
	_ =	sdelay $0x1  }
0xa1: {  	s23 =	simm.s32 $0x1B8B  }
0xa2: {  	_ =	swait.ge [sflag:s23], $0x1  }
0xa3: {  	[sflag:s23] =	ssyncset.done $0x0  }
0xa4: {  	[sflag:s23] =	ssyncadd.s32 $0xFFFFFFFF  }
0xa5: {  	s4 =	sld [smem:$0x0]  }
0xa6: {  	s5 =	sand.u32 $0xFFFFFFFE, s1  }
0xa7: {  	p0 =	sne.s32 s1, s5  }
0xa8: {  	s5 =	sshll.u32 @p0 s5, $0xE  }
0xa9: {  	s5 =	sadd.s32 @p0 $0x11B8D, s5;
	s6 =	sshll.u32 @p0 s4, $0x11  }
0xaa: {  	s5 =	sor.u32 @p0 s6, s5  }
0xab: {  	[sflag:s5] =	ssyncadd.remote.s32 @p0 $0x1;
	_ =	sdelay $0x1  }
0xac: {  	s5 =	simm.s32 @p0 $0x1B8D  }
0xad: {  	_ =	swait.eq @p0 [sflag:s5], $0x1  }
0xae: {  	[sflag:s5] =	ssyncadd.s32 @p0 $0xFFFFFFFF  }
0xaf: {  	s6 =	sshll.u32 @!p0 s1, $0xE  }
0xb0: {  	s6 =	sor.u32 @!p0 $0x4000, s6;
	s5 =	simm.s32 @!p0 $0x1B8D  }
0xb1: {  	s4 =	sshll.u32 @!p0 s4, $0x11;
	s6 =	sadd.s32 @!p0 $0x11B8D, s6;
	_ =	swait.eq @!p0 [sflag:s5], $0x1  }
0xb2: {  	s4 =	sor.u32 @!p0 s4, s6;
	[sflag:s5] =	ssyncadd.s32 @!p0 $0xFFFFFFFF  }
0xb3: {  	s25 =	simm.s32 $0x1B8E;
	s24 =	sld [smem:$0x3FFE];
	[sflag:s4] =	ssyncadd.remote.s32 @!p0 $0x1  }
0xb4: {  	s26 =	simm.s32 $execute0_lowered;
	[smem:$0x3FD2] =	sst s25  }
0xb5: {  	s5 =	sshll.u32 s26, $0x1;
	_ =	strace $0x8000004C;
	[dreg:$0x1] =	wrdreg $0xFFFFFFFF  }
0xb6: {  	s28 =	simm.s32 $_size_execute0_lowered;
	s3 =	sadd.s32 s3, s5;
	[dreg:$0x0] =	wrdreg $0x0  }
0xb7: {  	s5 =	sshll.u32 s28, $0x1;
	[dreg:$0x2] =	wrdreg s3  }
0xb8: {  	[dreg:$0x3] =	wrdreg s5  }
0xb9: {  	[dreg:$0x4] =	wrdreg $0xC0  }
0xba: {  	_ =	task [dreg:s22], $0x5FFFF  }
0xbb: {  	[dreg:$0x1] =	wrdreg $0xFFFFFFFF  }
0xbc: {  	[dreg:$0x0] =	wrdreg $0x60  }
0xbd: {  	[dreg:$0x2] =	wrdreg s24  }
0xbe: {  	[dreg:$0x3] =	wrdreg $0x44000  }
0xbf: {  	[dreg:$0x4] =	wrdreg $0x9  }
0xc0: {  	_ =	task.clear_ibuf [dreg:s22], $0x5FFFF;
	_ =	strace $0x9000004C  }
0xc1: {  	s29 =	simm.s32 $0x9;
	_ =	strace $0x8000004E  }
0xc2: {  	_ =	swait.ge [sflag:s29], $0x1  }
0xc3: {  	[sflag:s29] =	ssyncadd.s32 $0xFFFFFFFF  }
0xc4: {  	_ =	strace $0x9000004E  }
0xc5: {  	_ =	sfence  }
0xc6: {  	s30 =	sld [smem:$0x0];
	_ =	sdelay $0x2  }
0xc7: {  	s31 =	sshll.u32 s1, $0xD;
	s1 =	sshrl.u32 s1, $0x2  }
0xc8: {  	s4 =	sand.u32 $0x4000, s31;
	s1 =	sadd.s32 s1, s30  }
0xc9: {  	s0 =	sor.u32 s4, s0;
	s1 =	sshll.u32 s1, $0x11  }
0xca: {  	s0 =	sor.u32 s1, s0  }
0xcb: {  	s0 =	sadd.s32 $0x8F2B, s0  }
0xcc: {  	[sflag:s0] =	ssyncadd.remote.s32 $0x1  }
0xcd: {  	_ =	sfence.sel $0xFFFF  }
0xce: {  	[dreg:$0x0] =	wrdreg $0xFFFFFFFF;
	(pc) =	sbr.abs _section_cstart, $3  }
0xcf: {  	[dreg:$0x1] =	wrdreg $0xFFFFFFFF  }
0xd0: {  	_ =	task.clear_ibuf [dreg:s22], $0x2FFFF;
	_ =	strace $0x9FFFFFFF  }
0xd1: {  	(tm) =	ssettm $0x7FFFFFFF  }
tec
execute0_lowered:
.L_overlay_start_1:
0x0: {  	(tag) =	ssettag $0x1  }
0x1: {  	s0 =	stileid.u32;
	s5 =	rddreg [dreg:$0x0]  }
0x2: {  	s1 =	srdreg.scid;
	s2 =	rddreg [dreg:$0x1];
	s3 =	simm.s32 $0x0  }
0x3: {  	s13 =	simm.s32 $0x4080;
	s14 =	simm.s32 $0x1000;
	s15 =	simm.s32 $0x4100  }
0x4: {  	s16 =	simm.s32 $0x2000;
	s17 =	simm.s32 $0x4180;
	s18 =	simm.s32 $0x3000  }
0x5: {  	s19 =	simm.s32 $0x1;
	s20 =	simm.s32 $0x4200;
	s4 =	smul.u32 $0xC800, s0  }
0x6: {  	s21 =	simm.s32 $0x4280;
	s22 =	simm.s32 $0x4300;
	s8 =	smul.u32 $0x32000, s0  }
0x7: {  	s6 =	sand.u32 $0x1, s1;
	s1 =	rddreg [dreg:$0x2];
	s11 =	smul.u32 $0x18700, s0  }
0x8: {  	s23 =	simm.s32 $0x4380;
	[smem:$0x7FF] =	sst s3;
	s7 =	smul.u32 $0x6400, s6  }
0x9: {  	s31 =	sshll.u32 s0, $0x6;
	_ =	strace $0x8000004D;
	s9 =	smul.u32 $0x30E00, s6  }
0xa: {  	s10 =	ssub.s32 $0x2, s6;
	s6 =	smul.u32 $0x19000, s6;
	s28 =	sadd.s32 s8, s5  }
0xb: {  	s30 =	sshrl.u32 s10, $0x1;
	s12 =	sadd.s32 s11, s2;
	s25 =	sshrl.u32 s11, $0x3  }
0xc: {  	s11 =	simm.s32 $0x4000;
	s4 =	sadd.s32 s7, s4;
	s9 =	sadd.s32 s9, s5  }
0xd: {  	s10 =	ssub.s32 s10, s30;
	s7 =	sadd.s32 s6, s28;
	s4 =	sshrl.u32 s4, $0x3  }
0xe: {  	s24 =	sadd.s32 $0x4C4600, s9;
	s6 =	smax.u32 s10, $0x1;
	s7 =	sadd.s32 $0x7C1C00, s7  }
0xf: {  	s9 =	sshrl.u32 s12, $0x3;
	s10 =	simm.s32 $0x2;
	s12 =	simm.s32 $0x80  }
0x10: {  	s29 =	sadd.s32 s4, s5;
	s4 =	sadd.s32 $0x57E00, s5;
	s5 =	sor.u32 $0x1C02, s31  }
0x11: {  	s24 =	sadd.s32 s25, s24;
	s25 =	simm.s32 $0x0;
	s8 =	sadd.s32 $0x3EE00, s29  }
.LBB2_1:
0x12: {  	[spmem:s9], [sflag:s5] =	dma.local [hbm:s4], $0x30E0  }
0x13: {  	_ =	swait.ge [sflag:s10], $0x30E0  }
0x14: {  	[sflag:s10] =	ssyncset.done $0x0  }
0x15: {  	[sflag:s10] =	ssyncadd.s32 $0xFFFFCF20  }
0x16: {  	s26 =	sadd.s32 $0x0, s8;
	[bflag:$0x0] =	sbarrier.arrive $0xFFFF  }
0x17: {  	[tilespmem:s11], [sflag:$0x2] =	stream.linear.gather [hbm4b:s26+s3], $0x400, $0x38;
	[tilespmem:$0x1CB00] =	vst v63  }
0x18: {  	_ =	swait.ge [sflag:s10], $0x400  }
0x19: {  	[sflag:s10] =	ssyncset.done $0x0  }
0x1a: {  	[sflag:s10] =	ssyncadd.s32 $0xFFFFFC00  }
0x1b: {  	[tilespmem:s3], [sflag:$0x2] =	stream.linear.gather [hbm4b:s7+s3], $0x4000, $0x38;
	[tilespmem:$0x1CB00] =	vst v63  }
0x1c: {  	_ =	swait.ge [sflag:s10], $0x4000  }
0x1d: {  	[sflag:s10] =	ssyncset.done $0x0  }
0x1e: {  	[sflag:s10] =	ssyncadd.s32 $0xFFFFC000  }
0x1f: {  	[spmem:s2] =	stream.indirect.scatter.add.f32 [tilespmem:s3], [sflag:$0x1], $0x20, s11, s12, $0xb8;
	[tilespmem:$0x1CB00] =	vst v63  }
0x20: {  	_ = 	snop  }
0x21: {  	[spmem:s2] =	stream.indirect.scatter.add.f32 [tilespmem:s14], [sflag:$0x1], $0x20, s13, s12, $0xb8;
	[tilespmem:$0x1CB00] =	vst v63  }
0x22: {  	_ = 	snop  }
0x23: {  	[spmem:s2] =	stream.indirect.scatter.add.f32 [tilespmem:s16], [sflag:$0x1], $0x20, s15, s12, $0xb8;
	[tilespmem:$0x1CB00] =	vst v63  }
0x24: {  	_ = 	snop  }
0x25: {  	[spmem:s2] =	stream.indirect.scatter.add.f32 [tilespmem:s18], [sflag:$0x1], $0x20, s17, s12, $0xb8;
	[tilespmem:$0x1CB00] =	vst v63  }
0x26: {  	_ =	swait.ge [sflag:s19], $0x1000  }
0x27: {  	[sflag:s19] =	ssyncset.done $0x0  }
0x28: {  	[sflag:s19] =	ssyncadd.s32 $0xFFFFF000  }
0x29: {  	_ =	swait.ge [sflag:s19], $0x1000  }
0x2a: {  	[sflag:s19] =	ssyncset.done $0x0  }
0x2b: {  	[sflag:s19] =	ssyncadd.s32 $0xFFFFF000  }
0x2c: {  	_ =	swait.ge [sflag:s19], $0x1000  }
0x2d: {  	[sflag:s19] =	ssyncset.done $0x0  }
0x2e: {  	[sflag:s19] =	ssyncadd.s32 $0xFFFFF000  }
0x2f: {  	_ =	swait.ge [sflag:s19], $0x1000  }
0x30: {  	[sflag:s19] =	ssyncset.done $0x0  }
0x31: {  	s31 =	sadd.s32 $0x800, s7;
	[sflag:s19] =	ssyncadd.s32 $0xFFFFF000  }
0x32: {  	[tilespmem:s3], [sflag:$0x2] =	stream.linear.gather [hbm4b:s31+s3], $0x4000, $0x38;
	[tilespmem:$0x1CB00] =	vst v63  }
0x33: {  	_ =	swait.ge [sflag:s10], $0x4000  }
0x34: {  	[sflag:s10] =	ssyncset.done $0x0  }
0x35: {  	[sflag:s10] =	ssyncadd.s32 $0xFFFFC000  }
0x36: {  	[spmem:s2] =	stream.indirect.scatter.add.f32 [tilespmem:s3], [sflag:$0x1], $0x20, s20, s12, $0xb8;
	[tilespmem:$0x1CB00] =	vst v63  }
0x37: {  	_ = 	snop  }
0x38: {  	[spmem:s2] =	stream.indirect.scatter.add.f32 [tilespmem:s14], [sflag:$0x1], $0x20, s21, s12, $0xb8;
	[tilespmem:$0x1CB00] =	vst v63  }
0x39: {  	_ = 	snop  }
0x3a: {  	[spmem:s2] =	stream.indirect.scatter.add.f32 [tilespmem:s16], [sflag:$0x1], $0x20, s22, s12, $0xb8;
	[tilespmem:$0x1CB00] =	vst v63  }
0x3b: {  	_ = 	snop  }
0x3c: {  	[spmem:s2] =	stream.indirect.scatter.add.f32 [tilespmem:s18], [sflag:$0x1], $0x20, s23, s12, $0xb8;
	[tilespmem:$0x1CB00] =	vst v63  }
0x3d: {  	_ =	swait.ge [sflag:s19], $0x1000  }
0x3e: {  	[sflag:s19] =	ssyncset.done $0x0  }
0x3f: {  	[sflag:s19] =	ssyncadd.s32 $0xFFFFF000  }
0x40: {  	_ =	swait.ge [sflag:s19], $0x1000  }
0x41: {  	[sflag:s19] =	ssyncset.done $0x0  }
0x42: {  	[sflag:s19] =	ssyncadd.s32 $0xFFFFF000  }
0x43: {  	_ =	swait.ge [sflag:s19], $0x1000  }
0x44: {  	[sflag:s19] =	ssyncset.done $0x0  }
0x45: {  	[sflag:s19] =	ssyncadd.s32 $0xFFFFF000  }
0x46: {  	s28 =	simm.s32 $0x80;
	_ =	swait.ge [sflag:s19], $0x1000  }
0x47: {  	s30 =	simm.s32 $0x100;
	s26 =	sadd.s32 $0x1000, s7;
	[sflag:s19] =	ssyncset.done $0x0  }
.LBB2_2:
0x48: {  	s31 =	sadd.s32 s28, s8  }
0x49: {  	[sflag:s19] =	ssyncadd.s32 $0xFFFFF000;
	s28 =	smov.u32 s30;
	s29 =	sadd.s32 $0x80, s30  }
0x4a: {  	[tilespmem:s11], [sflag:$0x2] =	stream.linear.gather [hbm4b:s31+s3], $0x400, $0x38;
	[tilespmem:$0x1CB00] =	vst v63  }
0x4b: {  	p0 =	sne.s32 s30, $0xC00;
	_ =	swait.ge [sflag:s10], $0x400  }
0x4c: {  	[sflag:s10] =	ssyncset.done $0x0  }
0x4d: {  	[sflag:s10] =	ssyncadd.s32 $0xFFFFFC00  }
0x4e: {  	[tilespmem:s3], [sflag:$0x2] =	stream.linear.gather [hbm4b:s26+s3], $0x4000, $0x38;
	[tilespmem:$0x1CB00] =	vst v63  }
0x4f: {  	_ =	swait.ge [sflag:s10], $0x4000  }
0x50: {  	[sflag:s10] =	ssyncset.done $0x0  }
0x51: {  	[sflag:s10] =	ssyncadd.s32 $0xFFFFC000  }
0x52: {  	[spmem:s2] =	stream.indirect.scatter.add.f32 [tilespmem:s3], [sflag:$0x1], $0x20, s11, s12, $0xb8;
	[tilespmem:$0x1CB00] =	vst v63  }
0x53: {  	_ = 	snop  }
0x54: {  	[spmem:s2] =	stream.indirect.scatter.add.f32 [tilespmem:s14], [sflag:$0x1], $0x20, s13, s12, $0xb8;
	[tilespmem:$0x1CB00] =	vst v63  }
0x55: {  	_ = 	snop  }
0x56: {  	[spmem:s2] =	stream.indirect.scatter.add.f32 [tilespmem:s16], [sflag:$0x1], $0x20, s15, s12, $0xb8;
	[tilespmem:$0x1CB00] =	vst v63  }
0x57: {  	_ = 	snop  }
0x58: {  	[spmem:s2] =	stream.indirect.scatter.add.f32 [tilespmem:s18], [sflag:$0x1], $0x20, s17, s12, $0xb8;
	[tilespmem:$0x1CB00] =	vst v63  }
0x59: {  	_ =	swait.ge [sflag:s19], $0x1000  }
0x5a: {  	[sflag:s19] =	ssyncset.done $0x0  }
0x5b: {  	[sflag:s19] =	ssyncadd.s32 $0xFFFFF000  }
0x5c: {  	_ =	swait.ge [sflag:s19], $0x1000  }
0x5d: {  	[sflag:s19] =	ssyncset.done $0x0  }
0x5e: {  	[sflag:s19] =	ssyncadd.s32 $0xFFFFF000  }
0x5f: {  	_ =	swait.ge [sflag:s19], $0x1000  }
0x60: {  	[sflag:s19] =	ssyncset.done $0x0  }
0x61: {  	[sflag:s19] =	ssyncadd.s32 $0xFFFFF000  }
0x62: {  	_ =	swait.ge [sflag:s19], $0x1000  }
0x63: {  	[sflag:s19] =	ssyncset.done $0x0  }
0x64: {  	s30 =	sadd.s32 $0x800, s26;
	[sflag:s19] =	ssyncadd.s32 $0xFFFFF000  }
0x65: {  	[tilespmem:s3], [sflag:$0x2] =	stream.linear.gather [hbm4b:s30+s3], $0x4000, $0x38;
	[tilespmem:$0x1CB00] =	vst v63  }
0x66: {  	_ =	swait.ge [sflag:s10], $0x4000  }
0x67: {  	[sflag:s10] =	ssyncset.done $0x0  }
0x68: {  	[sflag:s10] =	ssyncadd.s32 $0xFFFFC000  }
0x69: {  	[spmem:s2] =	stream.indirect.scatter.add.f32 [tilespmem:s3], [sflag:$0x1], $0x20, s20, s12, $0xb8;
	[tilespmem:$0x1CB00] =	vst v63  }
0x6a: {  	_ = 	snop  }
0x6b: {  	[spmem:s2] =	stream.indirect.scatter.add.f32 [tilespmem:s14], [sflag:$0x1], $0x20, s21, s12, $0xb8;
	[tilespmem:$0x1CB00] =	vst v63  }
0x6c: {  	_ = 	snop  }
0x6d: {  	[spmem:s2] =	stream.indirect.scatter.add.f32 [tilespmem:s16], [sflag:$0x1], $0x20, s22, s12, $0xb8;
	[tilespmem:$0x1CB00] =	vst v63  }
0x6e: {  	_ = 	snop  }
0x6f: {  	[spmem:s2] =	stream.indirect.scatter.add.f32 [tilespmem:s18], [sflag:$0x1], $0x20, s23, s12, $0xb8;
	[tilespmem:$0x1CB00] =	vst v63  }
0x70: {  	_ =	swait.ge [sflag:s19], $0x1000  }
0x71: {  	[sflag:s19] =	ssyncset.done $0x0  }
0x72: {  	[sflag:s19] =	ssyncadd.s32 $0xFFFFF000  }
0x73: {  	_ =	swait.ge [sflag:s19], $0x1000  }
0x74: {  	[sflag:s19] =	ssyncset.done $0x0  }
0x75: {  	[sflag:s19] =	ssyncadd.s32 $0xFFFFF000  }
.Ltmp0:
0x76: {  	_ =	swait.ge [sflag:s19], $0x1000;
	(pc) =	sbr.rel @p0 .LBB2_2-.Ltmp0, $4  }
0x77: {  	[sflag:s19] =	ssyncset.done $0x0  }
0x78: {  	[sflag:s19] =	ssyncadd.s32 $0xFFFFF000  }
0x79: {  	_ =	swait.ge [sflag:s19], $0x1000  }
0x7a: {  	s26 =	sadd.s32 $0x1000, s26;
	s30 =	smov.u32 s29;
	[sflag:s19] =	ssyncset.done $0x0  }
0x7b: {  	s28 =	sadd.s32 s28, s8;
	[sflag:s19] =	ssyncadd.s32 $0xFFFFF000  }
0x7c: {  	[tilespmem:s11], [sflag:$0x2] =	stream.linear.gather [hbm4b:s28+s3], $0x400, $0x38;
	[tilespmem:$0x1CB00] =	vst v63  }
0x7d: {  	_ =	swait.ge [sflag:s10], $0x400  }
0x7e: {  	[sflag:s10] =	ssyncset.done $0x0  }
0x7f: {  	[sflag:s10] =	ssyncadd.s32 $0xFFFFFC00  }
0x80: {  	[tilespmem:s3], [sflag:$0x2] =	stream.linear.gather [hbm4b:s26+s3], $0x4000, $0x38;
	[tilespmem:$0x1CB00] =	vst v63  }
0x81: {  	_ =	swait.ge [sflag:s10], $0x4000  }
0x82: {  	[sflag:s10] =	ssyncset.done $0x0  }
0x83: {  	[sflag:s10] =	ssyncadd.s32 $0xFFFFC000  }
0x84: {  	[spmem:s2] =	stream.indirect.scatter.add.f32 [tilespmem:s3], [sflag:$0x1], $0x20, s11, s12, $0xb8;
	[tilespmem:$0x1CB00] =	vst v63  }
0x85: {  	_ = 	snop  }
0x86: {  	[spmem:s2] =	stream.indirect.scatter.add.f32 [tilespmem:s14], [sflag:$0x1], $0x20, s13, s12, $0xb8;
	[tilespmem:$0x1CB00] =	vst v63  }
0x87: {  	_ = 	snop  }
0x88: {  	[spmem:s2] =	stream.indirect.scatter.add.f32 [tilespmem:s16], [sflag:$0x1], $0x20, s15, s12, $0xb8;
	[tilespmem:$0x1CB00] =	vst v63  }
0x89: {  	_ = 	snop  }
0x8a: {  	[spmem:s2] =	stream.indirect.scatter.add.f32 [tilespmem:s18], [sflag:$0x1], $0x20, s17, s12, $0xb8;
	[tilespmem:$0x1CB00] =	vst v63  }
0x8b: {  	_ =	swait.ge [sflag:s19], $0x1000  }
0x8c: {  	[sflag:s19] =	ssyncset.done $0x0  }
0x8d: {  	[sflag:s19] =	ssyncadd.s32 $0xFFFFF000  }
0x8e: {  	_ =	swait.ge [sflag:s19], $0x1000  }
0x8f: {  	[sflag:s19] =	ssyncset.done $0x0  }
0x90: {  	[sflag:s19] =	ssyncadd.s32 $0xFFFFF000  }
0x91: {  	_ =	swait.ge [sflag:s19], $0x1000  }
0x92: {  	[sflag:s19] =	ssyncset.done $0x0  }
0x93: {  	[sflag:s19] =	ssyncadd.s32 $0xFFFFF000  }
0x94: {  	_ =	swait.ge [sflag:s19], $0x1000  }
0x95: {  	[sflag:s19] =	ssyncset.done $0x0  }
0x96: {  	s31 =	sadd.s32 $0x800, s26;
	[sflag:s19] =	ssyncadd.s32 $0xFFFFF000  }
0x97: {  	[tilespmem:s3], [sflag:$0x2] =	stream.linear.gather [hbm4b:s31+s3], $0x4000, $0x38;
	[tilespmem:$0x1CB00] =	vst v63  }
0x98: {  	_ =	swait.ge [sflag:s10], $0x4000  }
0x99: {  	[sflag:s10] =	ssyncset.done $0x0  }
0x9a: {  	[sflag:s10] =	ssyncadd.s32 $0xFFFFC000  }
0x9b: {  	[spmem:s2] =	stream.indirect.scatter.add.f32 [tilespmem:s3], [sflag:$0x1], $0x20, s20, s12, $0xb8;
	[tilespmem:$0x1CB00] =	vst v63  }
0x9c: {  	_ = 	snop  }
0x9d: {  	[spmem:s2] =	stream.indirect.scatter.add.f32 [tilespmem:s14], [sflag:$0x1], $0x20, s21, s12, $0xb8;
	[tilespmem:$0x1CB00] =	vst v63  }
0x9e: {  	_ = 	snop  }
0x9f: {  	[spmem:s2] =	stream.indirect.scatter.add.f32 [tilespmem:s16], [sflag:$0x1], $0x20, s22, s12, $0xb8;
	[tilespmem:$0x1CB00] =	vst v63  }
0xa0: {  	_ = 	snop  }
0xa1: {  	[spmem:s2] =	stream.indirect.scatter.add.f32 [tilespmem:s18], [sflag:$0x1], $0x20, s23, s12, $0xb8;
	[tilespmem:$0x1CB00] =	vst v63  }
0xa2: {  	_ =	swait.ge [sflag:s19], $0x1000  }
0xa3: {  	[sflag:s19] =	ssyncset.done $0x0  }
0xa4: {  	[sflag:s19] =	ssyncadd.s32 $0xFFFFF000  }
0xa5: {  	_ =	swait.ge [sflag:s19], $0x1000  }
0xa6: {  	[sflag:s19] =	ssyncset.done $0x0  }
0xa7: {  	[sflag:s19] =	ssyncadd.s32 $0xFFFFF000  }
0xa8: {  	_ =	swait.ge [sflag:s19], $0x1000  }
0xa9: {  	[sflag:s19] =	ssyncset.done $0x0  }
0xaa: {  	[sflag:s19] =	ssyncadd.s32 $0xFFFFF000  }
0xab: {  	_ =	swait.ge [sflag:s19], $0x1000  }
0xac: {  	s25 =	sadd.s32 $0x1, s25;
	[sflag:s19] =	ssyncset.done $0x0  }
0xad: {  	p0 =	sne.s32 s25, s6;
	[sflag:s19] =	ssyncadd.s32 $0xFFFFF000  }
.Ltmp1:
0xae: {  	[bflag:$0x0] =	sbarrier.arrive $0xFFFF;
	(pc) =	sbr.rel @p0 .LBB2_1-.Ltmp1, $4  }
0xaf: {  	[hbm:s24], [sflag:s5] =	dma.local [spmem:s9], $0x30E0  }
0xb0: {  	_ =	swait.ge [sflag:s10], $0x30E0  }
0xb1: {  	[sflag:s10] =	ssyncset.done $0x0  }
0xb2: {  	[sflag:s10] =	ssyncadd.s32 $0xFFFFCF20  }
0xb3: {  	_ =	sfence.sel $0x180000  }
0xb4: {  	[bflag:$0x0] =	sbarrier.arrive $0xFFFF  }
0xb5: {  	p0 =	sne.s32 s0, $0x0;
	_ =	strace $0x9000004D  }
0xb6: {  	s0 =	sadd.s32 @!p0 $0x100000, s1;
	[bflag:$0x2] =	sbarrier.arrive $0xFFFF  }
0xb7: {  	[sflag:s0] =	ssyncadd.tile.s32 @!p0 $0x1;
	_ =	shalt  }
.Lfunc_end2:
_tile_overlayer_lowered:
.L_overlay_start_2:
0xb8: {  	(tag) =	ssettag $0x2  }
0xb9: {  	s0 =	rddreg [dreg:$0x0];
	s2 =	stileid.u32  }
0xba: {  	s1 =	rddreg [dreg:$0x1];
	p0 =	sne.s32 s2, $0x0  }
0xbb: {  	s3 =	rddreg [dreg:$0x2];
	[bflag:$0x3] =	sbarrier.arrive $0xFFFF;
	s2 =	simm.s32 @!p0 $0x1C02  }
0xbc: {  	[timem:s3], [sflag:s2] =	dma.local @!p0 [hbm:s0], s1  }
0xbd: {  	s0 =	simm.s32 @!p0 $0x2  }
0xbe: {  	_ =	swait.ge @!p0 [sflag:s0], s1  }
0xbf: {  	s1 =	ssub.s32 @!p0 $0x0, s1;
	[sflag:s0] =	ssyncset.done @!p0 $0x0  }
0xc0: {  	[sflag:s0] =	ssyncadd.s32 @!p0 s1  }
0xc1: {  	[bflag:$0x3] =	sbarrier.arrive $0xFFFF  }
0xc2: {  	_ =	shalt  }

// kernel: kernel.23.cloned.1.call-start
scs
__scs_entry_jumppad:
0x0: {  	(pc) =	sbr.rel $0x88, $3  }
0x1: {  	(tag) =	ssettag $0x0;
	lr =	simm.s32 $0x1  }
0x2: {  	[smem:$0x3F78] =	sst lr;
	_ =	strace $0xD0000000  }
0x3: {  	_ = 	snop  }
0x4: {  	_ = 	snop  }
0x5: {  	_ = 	snop  }
0x6: {  	_ = 	snop  }
0x7: {  	_ = 	snop  }
__scs_overlays_trampoline_lowered:
0x8: {  	[smem:$0x3F87] =	sst s0  }
0x9: {  	[smem:$0x3F88] =	sst s1  }
0xa: {  	[smem:$0x3F89] =	sst s2  }
0xb: {  	[smem:$0x3F8A] =	sst s3  }
0xc: {  	[smem:$0x3F8B] =	sst s4  }
0xd: {  	[smem:$0x3F8C] =	sst s5  }
0xe: {  	[smem:$0x3F8D] =	sst s6  }
0xf: {  	[smem:$0x3F8E] =	sst s7  }
0x10: {  	[smem:$0x3F8F] =	sst s8  }
0x11: {  	[smem:$0x3F90] =	sst s9;
	s0 =	simm.s32 @!p0 $0x0  }
0x12: {  	s1 =	sld [smem:$0x3F76];
	s0 =	simm.s32 @p0 $0x1  }
0x13: {  	[smem:$0x3F91] =	sst s0;
	s0 =	simm.s32 @!p1 $0x0  }
0x14: {  	s2 =	sld [smem:$0x3F75];
	s0 =	simm.s32 @p1 $0x1  }
0x15: {  	[smem:$0x3F92] =	sst s0;
	s0 =	simm.s32 @!p2 $0x0  }
0x16: {  	s3 =	sld [smem:$0x3FDB];
	s0 =	simm.s32 @p2 $0x1  }
0x17: {  	s4 =	simm.s32 $0x1BF5;
	[smem:$0x3F94] =	sst s0  }
0x18: {  	s0 =	sld [smem:$0x3F77];
	_ =	swait.ge [sflag:s4], $0x0  }
0x19: {  	s7 =	sld [smem:$0x3F78]  }
0x1a: {  	s8 =	sadd.s32 $0xFFFFE003, lr  }
0x1b: {  	s9 =	sadd.s32 $0xFFFFFEF7, lr;
	s5 =	simm.s32 $0xFFFFFFFF;
	p2 =	slt.u32 s8, $0xFFFFF086  }
0x1c: {  	p1 =	slt.u32 s9, $0xF7A;
	s5 =	simm.s32 @!p2 $0x0  }
0x1d: {  	s5 =	simm.s32 @p1 $0x1;
	p0 =	seq.s32 s7, s2  }
0x1e: {  	s7 =	smul.u32 @!p0 $0xF7A, s2;
	p2 =	seq.s32 @!p0 s5, $0x0  }
0x1f: {  	s9 =	smul.u32 $0xF7A, s1;
	s8 =	simm.s32 @!p0 $0x1BF5;
	p2 =	por !p2, p0  }
0x20: {  	[sflag:s8] =	ssyncset.s32 @!p0 $0xFFFFF086;
	s6 =	sadd.s32 @!p0 s3, s7;
	s7 =	simm.s32 @!p0 $0x108  }
0x21: {  	s3 =	sadd.s32 s3, s9;
	s6 =	sadd.s32 @!p0 $0x88, s6;
	s7 =	simm.s32 @p2 $0x1082  }
0x22: {  	[simem:s7], [sflag:s8] =	dma.local @!p0 [hbm:s6], $0xF7A  }
0x23: {  	s9 =	sor.u32 $0xD0000000, s2;
	s6 =	simm.s32 $0x108;
	_ =	swait.ge @!p0 [sflag:s8], $0x0  }
0x24: {  	s3 =	sadd.s32 $0x88, s3;
	s6 =	simm.s32 @!p1 $0x1082;
	[sflag:s4] =	ssyncset.s32 $0xFFFFF086  }
0x25: {  	[simem:s6], [sflag:s4] =	dma.local [hbm:s3], $0xF7A  }
0x26: {  	[smem:$0x3F78] =	sst s1;
	(tag) =	ssettag s2;
	_ =	strace s9  }
0x27: {  	s1 =	sld [smem:$0x3F88]  }
0x28: {  	s2 =	sld [smem:$0x3F89]  }
0x29: {  	s4 =	sld [smem:$0x3F8B]  }
0x2a: {  	p0 =	seq.s32 s5, $0x0;
	s5 =	sld [smem:$0x3F8C]  }
0x2b: {  	s6 =	sld [smem:$0x3F8D]  }
0x2c: {  	s7 =	sld [smem:$0x3F8E]  }
0x2d: {  	s3 =	simm.s32 $0x108;
	s8 =	sld [smem:$0x3F8F]  }
0x2e: {  	s3 =	simm.s32 @!p0 $0x1082;
	s9 =	sld [smem:$0x3F90]  }
0x2f: {  	lr =	sadd.s32 s0, s3;
	s0 =	sld [smem:$0x3F87]  }
0x30: {  	s3 =	sld [smem:$0x3F8A]  }
0x31: {  	[smem:$0x3F93] =	sst s10  }
0x32: {  	s10 =	sld [smem:$0x3F91];
	_ =	sdelay $0x3  }
0x33: {  	p0 =	seq.s32 s10, $0x1;
	s10 =	sld [smem:$0x3F93];
	_ =	sdelay $0x3  }
0x34: {  	[smem:$0x3F93] =	sst s10  }
0x35: {  	s10 =	sld [smem:$0x3F92];
	_ =	sdelay $0x3  }
0x36: {  	p1 =	seq.s32 s10, $0x1;
	s10 =	sld [smem:$0x3F93];
	_ =	sdelay $0x3  }
0x37: {  	[smem:$0x3F93] =	sst s10  }
0x38: {  	s10 =	sld [smem:$0x3F94]  }
0x39: {  	_ = 	snop;
	(pc) =	sbr.ind lr, $3  }
0x3a: {  	_ = 	snop  }
0x3b: {  	_ = 	snop  }
0x3c: {  	p2 =	seq.s32 s10, $0x1;
	s10 =	sld [smem:$0x3F93]  }
0x3d: {  	_ =	shalt  }
0x3e: {  	_ =	shalt  }
0x3f: {  	_ =	shalt  }
0x40: {  	_ =	shalt  }
0x41: {  	_ =	shalt  }
0x42: {  	_ =	shalt  }
0x43: {  	_ =	shalt  }
0x44: {  	_ =	shalt  }
0x45: {  	_ =	shalt  }
0x46: {  	_ =	shalt  }
0x47: {  	_ =	shalt  }
0x48: {  	_ =	shalt  }
0x49: {  	_ =	shalt  }
0x4a: {  	_ =	shalt  }
0x4b: {  	_ =	shalt  }
0x4c: {  	_ =	shalt  }
0x4d: {  	_ =	shalt  }
0x4e: {  	_ =	shalt  }
0x4f: {  	_ =	shalt  }
0x50: {  	_ =	shalt  }
0x51: {  	_ =	shalt  }
0x52: {  	_ =	shalt  }
0x53: {  	_ =	shalt  }
0x54: {  	_ =	shalt  }
0x55: {  	_ =	shalt  }
0x56: {  	_ =	shalt  }
0x57: {  	_ =	shalt  }
0x58: {  	_ =	shalt  }
0x59: {  	_ =	shalt  }
0x5a: {  	_ =	shalt  }
0x5b: {  	_ =	shalt  }
0x5c: {  	_ =	shalt  }
0x5d: {  	_ =	shalt  }
0x5e: {  	_ =	shalt  }
0x5f: {  	_ =	shalt  }
0x60: {  	_ =	shalt  }
0x61: {  	_ =	shalt  }
0x62: {  	_ =	shalt  }
0x63: {  	_ =	shalt  }
0x64: {  	_ =	shalt  }
0x65: {  	_ =	shalt  }
0x66: {  	_ =	shalt  }
0x67: {  	_ =	shalt  }
0x68: {  	_ =	shalt  }
0x69: {  	_ =	shalt  }
0x6a: {  	_ =	shalt  }
0x6b: {  	_ =	shalt  }
0x6c: {  	_ =	shalt  }
0x6d: {  	_ =	shalt  }
0x6e: {  	_ =	shalt  }
0x6f: {  	_ =	shalt  }
0x70: {  	_ =	shalt  }
0x71: {  	_ =	shalt  }
0x72: {  	_ =	shalt  }
0x73: {  	_ =	shalt  }
0x74: {  	_ =	shalt  }
0x75: {  	_ =	shalt  }
0x76: {  	_ =	shalt  }
0x77: {  	_ =	shalt  }
0x78: {  	_ =	shalt  }
0x79: {  	_ =	shalt  }
0x7a: {  	_ =	shalt  }
0x7b: {  	_ =	shalt  }
0x7c: {  	_ =	shalt  }
0x7d: {  	_ =	shalt  }
0x7e: {  	_ =	shalt  }
0x7f: {  	_ =	shalt  }
0x80: {  	_ =	shalt  }
0x81: {  	_ =	shalt  }
0x82: {  	_ =	shalt  }
0x83: {  	_ =	shalt  }
0x84: {  	_ =	shalt  }
0x85: {  	_ =	shalt  }
0x86: {  	_ =	shalt  }
0x87: {  	_ =	shalt  }
.Lfunc_end0:
.L_simem_size_0:
called_computation.2_lowered:
.L_overlay_start_0:
0x88: {  	s2 =	sld [smem:$0x3FD9]  }
0x89: {  	s3 =	sld [smem:$0x3FFE];
	_ =	sdelay $0x1  }
0x8a: {  	s1 =	srdreg.scid  }
0x8b: {  	s0 =	sand.u32 $0x1, s1  }
0x8c: {  	s17 =	sshll.u32 s0, $0xA;
	s2 =	sadd.s32 s3, s2  }
0x8d: {  	s2 =	sadd.s32 s2, s17  }
0x8e: {  	[smem:$0x3F9F] =	sst s2  }
0x8f: {  	_ = 	snop  }
0x90: {  	(tm) =	ssettm $0x1  }
0x91: {  	s18 =	sld [smem:$0x3FFB];
	_ =	sdelay $0x3  }
0x92: {  	_ =	strace s18  }
0x93: {  	s2 =	sld [smem:$0x3FFC];
	_ =	sdelay $0x3  }
0x94: {  	_ =	strace s2  }
0x95: {  	s2 =	sld [smem:$0x3FFD];
	_ =	sdelay $0x3  }
0x96: {  	_ =	strace s2  }
0x97: {  	_ =	strace $0x8FFFFFFF  }
0x98: {  	s19 =	sld [smem:$0x3FDB];
	_ =	sdelay $0x1  }
0x99: {  	s20 =	simm.s32 $_scs_section_size  }
0x9a: {  	s4 =	simm.s32 $_size__tile_overlayer_lowered;
	s5 =	simm.s32 $_tile_overlayer_lowered  }
0x9b: {  	s6 =	simm.s32 $0x1BFF;
	s21 =	sshll.u32 s5, $0x1;
	s3 =	sadd.s32 s20, s19  }
0x9c: {  	s22 =	simm.s32 $0x0;
	s4 =	sshll.u32 s4, $0x1;
	s5 =	sadd.s32 s21, s3  }
0x9d: {  	[timem:s22], [sflag:s6] =	dma.local [hbm:s5], s4  }
0x9e: {  	_ =	swait.ge [sflag:s6], s4  }
0x9f: {  	s4 =	ssub.s32 $0x0, s4;
	[sflag:s6] =	ssyncset.done $0x0  }
0xa0: {  	[sflag:s6] =	ssyncadd.s32 s4;
	_ =	sdelay $0x1  }
0xa1: {  	s23 =	simm.s32 $0x1B8B  }
0xa2: {  	_ =	swait.ge [sflag:s23], $0x1  }
0xa3: {  	[sflag:s23] =	ssyncset.done $0x0  }
0xa4: {  	[sflag:s23] =	ssyncadd.s32 $0xFFFFFFFF  }
0xa5: {  	s4 =	sld [smem:$0x0]  }
0xa6: {  	s5 =	sand.u32 $0xFFFFFFFE, s1  }
0xa7: {  	p0 =	sne.s32 s1, s5  }
0xa8: {  	s5 =	sshll.u32 @p0 s5, $0xE  }
0xa9: {  	s5 =	sadd.s32 @p0 $0x11B8D, s5;
	s6 =	sshll.u32 @p0 s4, $0x11  }
0xaa: {  	s5 =	sor.u32 @p0 s6, s5  }
0xab: {  	[sflag:s5] =	ssyncadd.remote.s32 @p0 $0x1;
	_ =	sdelay $0x1  }
0xac: {  	s5 =	simm.s32 @p0 $0x1B8D  }
0xad: {  	_ =	swait.eq @p0 [sflag:s5], $0x1  }
0xae: {  	[sflag:s5] =	ssyncadd.s32 @p0 $0xFFFFFFFF  }
0xaf: {  	s6 =	sshll.u32 @!p0 s1, $0xE  }
0xb0: {  	s6 =	sor.u32 @!p0 $0x4000, s6;
	s5 =	simm.s32 @!p0 $0x1B8D  }
0xb1: {  	s4 =	sshll.u32 @!p0 s4, $0x11;
	s6 =	sadd.s32 @!p0 $0x11B8D, s6;
	_ =	swait.eq @!p0 [sflag:s5], $0x1  }
0xb2: {  	s4 =	sor.u32 @!p0 s4, s6;
	[sflag:s5] =	ssyncadd.s32 @!p0 $0xFFFFFFFF  }
0xb3: {  	s25 =	simm.s32 $0x1B8E;
	s24 =	sld [smem:$0x3FFE];
	[sflag:s4] =	ssyncadd.remote.s32 @!p0 $0x1  }
0xb4: {  	s26 =	simm.s32 $execute0_lowered;
	[smem:$0x3FD2] =	sst s25  }
0xb5: {  	s5 =	sshll.u32 s26, $0x1;
	_ =	strace $0x80000049;
	[dreg:$0x1] =	wrdreg $0xFFFFFFFF  }
0xb6: {  	s28 =	simm.s32 $_size_execute0_lowered;
	s3 =	sadd.s32 s3, s5;
	[dreg:$0x0] =	wrdreg $0x0  }
0xb7: {  	s5 =	sshll.u32 s28, $0x1;
	[dreg:$0x2] =	wrdreg s3  }
0xb8: {  	[dreg:$0x3] =	wrdreg s5  }
0xb9: {  	[dreg:$0x4] =	wrdreg $0xC0  }
0xba: {  	_ =	task [dreg:s22], $0x5FFFF  }
0xbb: {  	[dreg:$0x1] =	wrdreg $0xFFFFFFFF  }
0xbc: {  	[dreg:$0x0] =	wrdreg $0x60  }
0xbd: {  	[dreg:$0x2] =	wrdreg s24  }
0xbe: {  	[dreg:$0x3] =	wrdreg $0xA  }
0xbf: {  	_ =	task.clear_ibuf [dreg:s22], $0x4FFFF;
	_ =	strace $0x90000049  }
0xc0: {  	s29 =	simm.s32 $0xA;
	_ =	strace $0x8000004B  }
0xc1: {  	_ =	swait.ge [sflag:s29], $0x1  }
0xc2: {  	[sflag:s29] =	ssyncadd.s32 $0xFFFFFFFF  }
0xc3: {  	_ =	strace $0x9000004B  }
0xc4: {  	_ =	sfence  }
0xc5: {  	s30 =	sld [smem:$0x0];
	_ =	sdelay $0x2  }
0xc6: {  	s31 =	sshll.u32 s1, $0xD;
	s1 =	sshrl.u32 s1, $0x2  }
0xc7: {  	s4 =	sand.u32 $0x4000, s31;
	s1 =	sadd.s32 s1, s30  }
0xc8: {  	s0 =	sor.u32 s4, s0;
	s1 =	sshll.u32 s1, $0x11  }
0xc9: {  	s0 =	sor.u32 s1, s0  }
0xca: {  	s0 =	sadd.s32 $0x8F2B, s0  }
0xcb: {  	[sflag:s0] =	ssyncadd.remote.s32 $0x1  }
0xcc: {  	_ =	sfence.sel $0xFFFF  }
0xcd: {  	[dreg:$0x0] =	wrdreg $0xFFFFFFFF;
	(pc) =	sbr.abs _section_cstart, $3  }
0xce: {  	[dreg:$0x1] =	wrdreg $0xFFFFFFFF  }
0xcf: {  	_ =	task.clear_ibuf [dreg:s22], $0x2FFFF;
	_ =	strace $0x9FFFFFFF  }
0xd0: {  	(tm) =	ssettm $0x7FFFFFFF  }
0xd1: {  	_ =	shalt  }
tec
execute0_lowered:
.L_overlay_start_1:
0x0: {  	(tag) =	ssettag $0x1  }
0x1: {  	s0 =	rddreg [dreg:$0x0];
	s2 =	simm.s32 $0x0;
	s3 =	srdreg.scid  }
0x2: {  	s1 =	stileid.u32;
	s10 =	simm.s32 $0x2;
	s11 =	simm.s32 $0x80  }
0x3: {  	s12 =	simm.s32 $0x400;
	s13 =	simm.s32 $0xC00;
	s14 =	simm.s32 $0x100  }
0x4: {  	s15 =	simm.s32 $0x1400;
	s16 =	simm.s32 $0x180;
	s17 =	simm.s32 $0x1C00  }
0x5: {  	s18 =	simm.s32 $0x200;
	s19 =	simm.s32 $0x2400;
	s20 =	simm.s32 $0x280  }
0x6: {  	s21 =	simm.s32 $0x2C00;
	s22 =	simm.s32 $0x300;
	s23 =	simm.s32 $0x3400  }
0x7: {  	s28 =	simm.s32 $0x1;
	s29 =	simm.s32 $0x4800;
	s6 =	smul.u32 $0xC800, s1  }
0x8: {  	s30 =	simm.s32 $0x0;
	s5 =	sand.u32 $0x1, s3;
	s8 =	smul.u32 $0x19000, s1  }
0x9: {  	[smem:$0x7FF] =	sst s2;
	s3 =	sadd.s32 $0x72800, s0;
	s7 =	smul.u32 $0x6400, s5  }
0xa: {  	s4 =	sadd.s32 $0x8B000, s0;
	s24 =	ssub.s32 $0x2, s5;
	s5 =	smul.u32 $0xC800, s5  }
0xb: {  	_ =	strace $0x8000004A;
	s8 =	sadd.s32 s8, s0;
	s9 =	sshrl.u32 s24, $0x1  }
0xc: {  	s6 =	sadd.s32 s7, s6;
	s25 =	ssub.s32 s24, s9;
	s26 =	sadd.s32 s5, s8  }
0xd: {  	s9 =	simm.s32 $0x4C00;
	s24 =	simm.s32 $0x380;
	s6 =	sshrl.u32 s6, $0x3  }
0xe: {  	s5 =	smax.u32 s25, $0x1;
	s25 =	simm.s32 $0x3C00;
	s0 =	sadd.s32 s6, s0  }
0xf: {  	s6 =	sadd.s32 $0x631C00, s26;
	s26 =	simm.s32 $0x4400;
	s31 =	sadd.s32 $0xA5A00, s0  }
0x10: {  	s7 =	sadd.s32 $0x4AB000, s0;
	s8 =	sadd.s32 $0x8CA00, s0;
	[dreg:$0x2] =	wrdreg s31  }
.LBB2_1:
0x11: {  	[tilespmem:s9], [sflag:$0x2] =	stream.linear.gather [hbm4b:s4+s2], $0xC350, $0x38;
	[tilespmem:$0x10F50] =	vst v63  }
0x12: {  	_ =	swait.ge [sflag:s10], $0xC350  }
0x13: {  	[sflag:s10] =	ssyncset.done $0x0  }
0x14: {  	s31 =	smov.u32 s6;
	s0 =	simm.s32 $0x0;
	[sflag:s10] =	ssyncadd.s32 $0xFFFF3CB0  }
.LBB2_2:
0x15: {  	s1 =	sadd.s32 s0, s8  }
0x16: {  	[tilespmem:s2], [sflag:$0x2] =	stream.linear.gather [hbm4b:s1+s2], $0x400, $0x38;
	[tilespmem:$0x10F50] =	vst v63  }
0x17: {  	_ =	swait.ge [sflag:s10], $0x400  }
0x18: {  	[sflag:s10] =	ssyncset.done $0x0  }
0x19: {  	[sflag:s10] =	ssyncadd.s32 $0xFFFFFC00  }
0x1a: {  	[tilespmem:s12], [sflag:$0x1] =	stream.indirect.gather [hbm4b:s3+s11], $0x10, s2, s11, $0xb8;
	[tilespmem:$0x10F50] =	vst v63  }
0x1b: {  	_ = 	snop  }
0x1c: {  	[tilespmem:s13], [sflag:$0x1] =	stream.indirect.gather [hbm4b:s3+s11], $0x10, s11, s11, $0xb8;
	[tilespmem:$0x10F50] =	vst v63  }
0x1d: {  	_ = 	snop  }
0x1e: {  	[tilespmem:s15], [sflag:$0x1] =	stream.indirect.gather [hbm4b:s3+s11], $0x10, s14, s11, $0xb8;
	[tilespmem:$0x10F50] =	vst v63  }
0x1f: {  	_ = 	snop  }
0x20: {  	[tilespmem:s17], [sflag:$0x1] =	stream.indirect.gather [hbm4b:s3+s11], $0x10, s16, s11, $0xb8;
	[tilespmem:$0x10F50] =	vst v63  }
0x21: {  	_ = 	snop  }
0x22: {  	[tilespmem:s19], [sflag:$0x1] =	stream.indirect.gather [hbm4b:s3+s11], $0x10, s18, s11, $0xb8;
	[tilespmem:$0x10F50] =	vst v63  }
0x23: {  	_ = 	snop  }
0x24: {  	[tilespmem:s21], [sflag:$0x1] =	stream.indirect.gather [hbm4b:s3+s11], $0x10, s20, s11, $0xb8;
	[tilespmem:$0x10F50] =	vst v63  }
0x25: {  	_ = 	snop  }
0x26: {  	[tilespmem:s23], [sflag:$0x1] =	stream.indirect.gather [hbm4b:s3+s11], $0x10, s22, s11, $0xb8;
	[tilespmem:$0x10F50] =	vst v63  }
0x27: {  	s1 =	rddreg [dreg:$0x2]  }
0x28: {  	[tilespmem:s25], [sflag:$0x1] =	stream.indirect.gather [hbm4b:s3+s11], $0x10, s24, s11, $0xb8;
	[tilespmem:$0x10F50] =	vst v63  }
0x29: {  	s1 =	sadd.s32 s0, s1  }
0x2a: {  	[tilespmem:s26], [sflag:$0x2] =	stream.linear.gather [hbm4b:s1+s2], $0x400, $0x38;
	[tilespmem:$0x10F50] =	vst v63  }
0x2b: {  	_ =	swait.ge [sflag:s10], $0x400  }
0x2c: {  	[sflag:s10] =	ssyncset.done $0x0  }
0x2d: {  	[sflag:s10] =	ssyncadd.s32 $0xFFFFFC00  }
0x2e: {  	_ =	swait.ge [sflag:s28], $0x800  }
0x2f: {  	[sflag:s28] =	ssyncset.done $0x0  }
0x30: {  	[sflag:s28] =	ssyncadd.s32 $0xFFFFF800  }
0x31: {  	_ =	swait.ge [sflag:s28], $0x800  }
0x32: {  	[sflag:s28] =	ssyncset.done $0x0  }
0x33: {  	[sflag:s28] =	ssyncadd.s32 $0xFFFFF800  }
0x34: {  	_ =	swait.ge [sflag:s28], $0x800  }
0x35: {  	[sflag:s28] =	ssyncset.done $0x0  }
0x36: {  	[sflag:s28] =	ssyncadd.s32 $0xFFFFF800  }
0x37: {  	_ =	swait.ge [sflag:s28], $0x800  }
0x38: {  	[sflag:s28] =	ssyncset.done $0x0  }
0x39: {  	[sflag:s28] =	ssyncadd.s32 $0xFFFFF800  }
0x3a: {  	_ =	swait.ge [sflag:s28], $0x800  }
0x3b: {  	[sflag:s28] =	ssyncset.done $0x0  }
0x3c: {  	[sflag:s28] =	ssyncadd.s32 $0xFFFFF800  }
0x3d: {  	_ =	swait.ge [sflag:s28], $0x800  }
0x3e: {  	[sflag:s28] =	ssyncset.done $0x0  }
0x3f: {  	[sflag:s28] =	ssyncadd.s32 $0xFFFFF800  }
0x40: {  	_ =	swait.ge [sflag:s28], $0x800  }
0x41: {  	[sflag:s28] =	ssyncset.done $0x0  }
0x42: {  	[sflag:s28] =	ssyncadd.s32 $0xFFFFF800  }
0x43: {  	_ =	swait.ge [sflag:s28], $0x800  }
0x44: {  	[sflag:s28] =	ssyncset.done $0x0  }
0x45: {  	[sflag:s28] =	ssyncadd.s32 $0xFFFFF800  }
0x46: {  	[hbm4b:s31+s2] =	stream.linear.scatter [tilespmem:s12], [sflag:$0x2], $0x4000, $0x38;
	[tilespmem:$0x10F50] =	vst v63  }
0x47: {  	_ =	swait.ge [sflag:s10], $0x4000  }
0x48: {  	[sflag:s10] =	ssyncset.done $0x0  }
0x49: {  	[sflag:s10] =	ssyncadd.s32 $0xFFFFC000  }
0x4a: {  	v0 =	vld [tilespmem:$0x4400];
	_ =	sdelay $0x5  }
0x4b: {  	v1 =	vld [tilespmem:$0x4410];
	_ =	sdelay $0x1  }
0x4c: {  	v0 =	vld.idx.msk [tilespmem:v0+s9+$0x0], $0xffff;
	_ =	sdelay $0x3  }
0x4d: {  	v2 =	vld [tilespmem:$0x4420]  }
0x4e: {  	[tilespmem:$0x4800] =	vst v0  }
0x4f: {  	v0 =	vld.idx.msk [tilespmem:v1+s9+$0x0], $0xffff;
	_ =	sdelay $0x3  }
0x50: {  	v63 =	vld [tilespmem:$0x4430]  }
0x51: {  	[tilespmem:$0x4810] =	vst v0  }
0x52: {  	v0 =	vld.idx.msk [tilespmem:v2+s9+$0x0], $0xffff;
	_ =	sdelay $0x3  }
0x53: {  	v4 =	vld [tilespmem:$0x4440]  }
0x54: {  	[tilespmem:$0x4820] =	vst v0  }
0x55: {  	v0 =	vld.idx.msk [tilespmem:v63+s9+$0x0], $0xffff;
	_ =	sdelay $0x3  }
0x56: {  	v5 =	vld [tilespmem:$0x4450]  }
0x57: {  	[tilespmem:$0x4830] =	vst v0  }
0x58: {  	v0 =	vld.idx.msk [tilespmem:v4+s9+$0x0], $0xffff;
	_ =	sdelay $0x3  }
0x59: {  	v6 =	vld [tilespmem:$0x4460]  }
0x5a: {  	[tilespmem:$0x4840] =	vst v0  }
0x5b: {  	v0 =	vld.idx.msk [tilespmem:v5+s9+$0x0], $0xffff;
	_ =	sdelay $0x3  }
0x5c: {  	v7 =	vld [tilespmem:$0x4470]  }
0x5d: {  	[tilespmem:$0x4850] =	vst v0  }
0x5e: {  	v0 =	vld.idx.msk [tilespmem:v6+s9+$0x0], $0xffff;
	_ =	sdelay $0x3  }
0x5f: {  	v8 =	vld [tilespmem:$0x4480]  }
0x60: {  	[tilespmem:$0x4860] =	vst v0  }
0x61: {  	v0 =	vld.idx.msk [tilespmem:v7+s9+$0x0], $0xffff;
	_ =	sdelay $0x3  }
0x62: {  	v9 =	vld [tilespmem:$0x4490]  }
0x63: {  	[tilespmem:$0x4870] =	vst v0  }
0x64: {  	v0 =	vld.idx.msk [tilespmem:v8+s9+$0x0], $0xffff;
	_ =	sdelay $0x3  }
0x65: {  	v10 =	vld [tilespmem:$0x44A0]  }
0x66: {  	[tilespmem:$0x4880] =	vst v0  }
0x67: {  	v0 =	vld.idx.msk [tilespmem:v9+s9+$0x0], $0xffff;
	_ =	sdelay $0x3  }
0x68: {  	v11 =	vld [tilespmem:$0x44B0]  }
0x69: {  	[tilespmem:$0x4890] =	vst v0  }
0x6a: {  	v0 =	vld.idx.msk [tilespmem:v10+s9+$0x0], $0xffff;
	_ =	sdelay $0x3  }
0x6b: {  	v12 =	vld [tilespmem:$0x44C0]  }
0x6c: {  	[tilespmem:$0x48A0] =	vst v0  }
0x6d: {  	v0 =	vld.idx.msk [tilespmem:v11+s9+$0x0], $0xffff;
	_ =	sdelay $0x3  }
0x6e: {  	v13 =	vld [tilespmem:$0x44D0]  }
0x6f: {  	[tilespmem:$0x48B0] =	vst v0  }
0x70: {  	v0 =	vld.idx.msk [tilespmem:v12+s9+$0x0], $0xffff;
	_ =	sdelay $0x3  }
0x71: {  	v14 =	vld [tilespmem:$0x44E0]  }
0x72: {  	[tilespmem:$0x48C0] =	vst v0  }
0x73: {  	v0 =	vld.idx.msk [tilespmem:v13+s9+$0x0], $0xffff;
	_ =	sdelay $0x3  }
0x74: {  	v15 =	vld [tilespmem:$0x44F0]  }
0x75: {  	[tilespmem:$0x48D0] =	vst v0  }
0x76: {  	v0 =	vld.idx.msk [tilespmem:v14+s9+$0x0], $0xffff;
	_ =	sdelay $0x3  }
0x77: {  	v16 =	vld [tilespmem:$0x4500]  }
0x78: {  	[tilespmem:$0x48E0] =	vst v0  }
0x79: {  	v0 =	vld.idx.msk [tilespmem:v15+s9+$0x0], $0xffff;
	_ =	sdelay $0x3  }
0x7a: {  	v17 =	vld [tilespmem:$0x4510]  }
0x7b: {  	[tilespmem:$0x48F0] =	vst v0  }
0x7c: {  	v0 =	vld.idx.msk [tilespmem:v16+s9+$0x0], $0xffff;
	_ =	sdelay $0x3  }
0x7d: {  	v18 =	vld [tilespmem:$0x4520]  }
0x7e: {  	[tilespmem:$0x4900] =	vst v0  }
0x7f: {  	v0 =	vld.idx.msk [tilespmem:v17+s9+$0x0], $0xffff;
	_ =	sdelay $0x3  }
0x80: {  	v19 =	vld [tilespmem:$0x4530]  }
0x81: {  	[tilespmem:$0x4910] =	vst v0  }
0x82: {  	v0 =	vld.idx.msk [tilespmem:v18+s9+$0x0], $0xffff;
	_ =	sdelay $0x3  }
0x83: {  	v20 =	vld [tilespmem:$0x4540]  }
0x84: {  	[tilespmem:$0x4920] =	vst v0  }
0x85: {  	v0 =	vld.idx.msk [tilespmem:v19+s9+$0x0], $0xffff;
	_ =	sdelay $0x3  }
0x86: {  	v21 =	vld [tilespmem:$0x4550]  }
0x87: {  	[tilespmem:$0x4930] =	vst v0  }
0x88: {  	v0 =	vld.idx.msk [tilespmem:v20+s9+$0x0], $0xffff;
	_ =	sdelay $0x3  }
0x89: {  	v22 =	vld [tilespmem:$0x4560]  }
0x8a: {  	[tilespmem:$0x4940] =	vst v0  }
0x8b: {  	v0 =	vld.idx.msk [tilespmem:v21+s9+$0x0], $0xffff;
	_ =	sdelay $0x3  }
0x8c: {  	v23 =	vld [tilespmem:$0x4570]  }
0x8d: {  	[tilespmem:$0x4950] =	vst v0  }
0x8e: {  	v0 =	vld.idx.msk [tilespmem:v22+s9+$0x0], $0xffff;
	_ =	sdelay $0x3  }
0x8f: {  	v24 =	vld [tilespmem:$0x4580]  }
0x90: {  	[tilespmem:$0x4960] =	vst v0  }
0x91: {  	v0 =	vld.idx.msk [tilespmem:v23+s9+$0x0], $0xffff;
	_ =	sdelay $0x3  }
0x92: {  	v25 =	vld [tilespmem:$0x4590]  }
0x93: {  	[tilespmem:$0x4970] =	vst v0  }
0x94: {  	v0 =	vld.idx.msk [tilespmem:v24+s9+$0x0], $0xffff;
	_ =	sdelay $0x3  }
0x95: {  	v26 =	vld [tilespmem:$0x45A0]  }
0x96: {  	[tilespmem:$0x4980] =	vst v0  }
0x97: {  	v0 =	vld.idx.msk [tilespmem:v25+s9+$0x0], $0xffff;
	_ =	sdelay $0x3  }
0x98: {  	v27 =	vld [tilespmem:$0x45B0]  }
0x99: {  	[tilespmem:$0x4990] =	vst v0  }
0x9a: {  	v0 =	vld.idx.msk [tilespmem:v26+s9+$0x0], $0xffff;
	_ =	sdelay $0x3  }
0x9b: {  	v28 =	vld [tilespmem:$0x45C0]  }
0x9c: {  	[tilespmem:$0x49A0] =	vst v0  }
0x9d: {  	v0 =	vld.idx.msk [tilespmem:v27+s9+$0x0], $0xffff;
	_ =	sdelay $0x3  }
0x9e: {  	v29 =	vld [tilespmem:$0x45D0]  }
0x9f: {  	[tilespmem:$0x49B0] =	vst v0  }
0xa0: {  	v0 =	vld.idx.msk [tilespmem:v28+s9+$0x0], $0xffff;
	_ =	sdelay $0x3  }
0xa1: {  	v30 =	vld [tilespmem:$0x45E0]  }
0xa2: {  	[tilespmem:$0x49C0] =	vst v0  }
0xa3: {  	v0 =	vld.idx.msk [tilespmem:v29+s9+$0x0], $0xffff;
	_ =	sdelay $0x3  }
0xa4: {  	v31 =	vld [tilespmem:$0x45F0]  }
0xa5: {  	[tilespmem:$0x49D0] =	vst v0  }
0xa6: {  	v0 =	vld.idx.msk [tilespmem:v30+s9+$0x0], $0xffff;
	_ =	sdelay $0x3  }
0xa7: {  	v32 =	vld [tilespmem:$0x4600]  }
0xa8: {  	[tilespmem:$0x49E0] =	vst v0  }
0xa9: {  	v0 =	vld.idx.msk [tilespmem:v31+s9+$0x0], $0xffff;
	_ =	sdelay $0x3  }
0xaa: {  	v33 =	vld [tilespmem:$0x4610]  }
0xab: {  	[tilespmem:$0x49F0] =	vst v0  }
0xac: {  	v0 =	vld.idx.msk [tilespmem:v32+s9+$0x0], $0xffff;
	_ =	sdelay $0x3  }
0xad: {  	v34 =	vld [tilespmem:$0x4620]  }
0xae: {  	[tilespmem:$0x4A00] =	vst v0  }
0xaf: {  	v0 =	vld.idx.msk [tilespmem:v33+s9+$0x0], $0xffff;
	_ =	sdelay $0x3  }
0xb0: {  	v35 =	vld [tilespmem:$0x4630]  }
0xb1: {  	[tilespmem:$0x4A10] =	vst v0  }
0xb2: {  	v0 =	vld.idx.msk [tilespmem:v34+s9+$0x0], $0xffff;
	_ =	sdelay $0x3  }
0xb3: {  	v36 =	vld [tilespmem:$0x4640]  }
0xb4: {  	[tilespmem:$0x4A20] =	vst v0  }
0xb5: {  	v0 =	vld.idx.msk [tilespmem:v35+s9+$0x0], $0xffff;
	_ =	sdelay $0x3  }
0xb6: {  	v37 =	vld [tilespmem:$0x4650]  }
0xb7: {  	[tilespmem:$0x4A30] =	vst v0  }
0xb8: {  	v0 =	vld.idx.msk [tilespmem:v36+s9+$0x0], $0xffff;
	_ =	sdelay $0x3  }
0xb9: {  	v38 =	vld [tilespmem:$0x4660]  }
0xba: {  	[tilespmem:$0x4A40] =	vst v0  }
0xbb: {  	v0 =	vld.idx.msk [tilespmem:v37+s9+$0x0], $0xffff;
	_ =	sdelay $0x3  }
0xbc: {  	v39 =	vld [tilespmem:$0x4670]  }
0xbd: {  	[tilespmem:$0x4A50] =	vst v0  }
0xbe: {  	v0 =	vld.idx.msk [tilespmem:v38+s9+$0x0], $0xffff;
	_ =	sdelay $0x3  }
0xbf: {  	v40 =	vld [tilespmem:$0x4680]  }
0xc0: {  	[tilespmem:$0x4A60] =	vst v0  }
0xc1: {  	v0 =	vld.idx.msk [tilespmem:v39+s9+$0x0], $0xffff;
	_ =	sdelay $0x3  }
0xc2: {  	v41 =	vld [tilespmem:$0x4690]  }
0xc3: {  	[tilespmem:$0x4A70] =	vst v0  }
0xc4: {  	v0 =	vld.idx.msk [tilespmem:v40+s9+$0x0], $0xffff;
	_ =	sdelay $0x3  }
0xc5: {  	v42 =	vld [tilespmem:$0x46A0]  }
0xc6: {  	[tilespmem:$0x4A80] =	vst v0  }
0xc7: {  	v0 =	vld.idx.msk [tilespmem:v41+s9+$0x0], $0xffff;
	_ =	sdelay $0x3  }
0xc8: {  	v43 =	vld [tilespmem:$0x46B0]  }
0xc9: {  	[tilespmem:$0x4A90] =	vst v0  }
0xca: {  	v0 =	vld.idx.msk [tilespmem:v42+s9+$0x0], $0xffff;
	_ =	sdelay $0x3  }
0xcb: {  	v44 =	vld [tilespmem:$0x46C0]  }
0xcc: {  	[tilespmem:$0x4AA0] =	vst v0  }
0xcd: {  	v0 =	vld.idx.msk [tilespmem:v43+s9+$0x0], $0xffff;
	_ =	sdelay $0x3  }
0xce: {  	v45 =	vld [tilespmem:$0x46D0]  }
0xcf: {  	[tilespmem:$0x4AB0] =	vst v0  }
0xd0: {  	v0 =	vld.idx.msk [tilespmem:v44+s9+$0x0], $0xffff;
	_ =	sdelay $0x3  }
0xd1: {  	v46 =	vld [tilespmem:$0x46E0]  }
0xd2: {  	[tilespmem:$0x4AC0] =	vst v0  }
0xd3: {  	v0 =	vld.idx.msk [tilespmem:v45+s9+$0x0], $0xffff;
	_ =	sdelay $0x3  }
0xd4: {  	v47 =	vld [tilespmem:$0x46F0]  }
0xd5: {  	[tilespmem:$0x4AD0] =	vst v0  }
0xd6: {  	v0 =	vld.idx.msk [tilespmem:v46+s9+$0x0], $0xffff;
	_ =	sdelay $0x3  }
0xd7: {  	v48 =	vld [tilespmem:$0x4700]  }
0xd8: {  	[tilespmem:$0x4AE0] =	vst v0  }
0xd9: {  	v0 =	vld.idx.msk [tilespmem:v47+s9+$0x0], $0xffff;
	_ =	sdelay $0x3  }
0xda: {  	v49 =	vld [tilespmem:$0x4710]  }
0xdb: {  	[tilespmem:$0x4AF0] =	vst v0  }
0xdc: {  	v0 =	vld.idx.msk [tilespmem:v48+s9+$0x0], $0xffff;
	_ =	sdelay $0x3  }
0xdd: {  	v50 =	vld [tilespmem:$0x4720]  }
0xde: {  	[tilespmem:$0x4B00] =	vst v0  }
0xdf: {  	v0 =	vld.idx.msk [tilespmem:v49+s9+$0x0], $0xffff;
	_ =	sdelay $0x3  }
0xe0: {  	v51 =	vld [tilespmem:$0x4730]  }
0xe1: {  	[tilespmem:$0x4B10] =	vst v0  }
0xe2: {  	v0 =	vld.idx.msk [tilespmem:v50+s9+$0x0], $0xffff;
	_ =	sdelay $0x3  }
0xe3: {  	v52 =	vld [tilespmem:$0x4740]  }
0xe4: {  	[tilespmem:$0x4B20] =	vst v0  }
0xe5: {  	v0 =	vld.idx.msk [tilespmem:v51+s9+$0x0], $0xffff;
	_ =	sdelay $0x3  }
0xe6: {  	v53 =	vld [tilespmem:$0x4750]  }
0xe7: {  	[tilespmem:$0x4B30] =	vst v0  }
0xe8: {  	v0 =	vld.idx.msk [tilespmem:v52+s9+$0x0], $0xffff;
	_ =	sdelay $0x3  }
0xe9: {  	v54 =	vld [tilespmem:$0x4760]  }
0xea: {  	[tilespmem:$0x4B40] =	vst v0  }
0xeb: {  	v0 =	vld.idx.msk [tilespmem:v53+s9+$0x0], $0xffff;
	_ =	sdelay $0x3  }
0xec: {  	v55 =	vld [tilespmem:$0x4770]  }
0xed: {  	[tilespmem:$0x4B50] =	vst v0  }
0xee: {  	v0 =	vld.idx.msk [tilespmem:v54+s9+$0x0], $0xffff;
	_ =	sdelay $0x3  }
0xef: {  	v56 =	vld [tilespmem:$0x4780]  }
0xf0: {  	[tilespmem:$0x4B60] =	vst v0  }
0xf1: {  	v0 =	vld.idx.msk [tilespmem:v55+s9+$0x0], $0xffff;
	_ =	sdelay $0x3  }
0xf2: {  	v57 =	vld [tilespmem:$0x4790]  }
0xf3: {  	[tilespmem:$0x4B70] =	vst v0  }
0xf4: {  	v0 =	vld.idx.msk [tilespmem:v56+s9+$0x0], $0xffff;
	_ =	sdelay $0x3  }
0xf5: {  	v58 =	vld [tilespmem:$0x47A0]  }
0xf6: {  	[tilespmem:$0x4B80] =	vst v0  }
0xf7: {  	v0 =	vld.idx.msk [tilespmem:v57+s9+$0x0], $0xffff;
	_ =	sdelay $0x3  }
0xf8: {  	v59 =	vld [tilespmem:$0x47B0]  }
0xf9: {  	[tilespmem:$0x4B90] =	vst v0  }
0xfa: {  	v0 =	vld.idx.msk [tilespmem:v58+s9+$0x0], $0xffff;
	_ =	sdelay $0x3  }
0xfb: {  	v60 =	vld [tilespmem:$0x47C0]  }
0xfc: {  	[tilespmem:$0x4BA0] =	vst v0  }
0xfd: {  	v0 =	vld.idx.msk [tilespmem:v59+s9+$0x0], $0xffff;
	_ =	sdelay $0x3  }
0xfe: {  	v61 =	vld [tilespmem:$0x47D0]  }
0xff: {  	[tilespmem:$0x4BB0] =	vst v0  }
0x100: {  	v0 =	vld.idx.msk [tilespmem:v60+s9+$0x0], $0xffff;
	_ =	sdelay $0x3  }
0x101: {  	v62 =	vld [tilespmem:$0x47E0]  }
0x102: {  	[tilespmem:$0x4BC0] =	vst v0  }
0x103: {  	v0 =	vld.idx.msk [tilespmem:v61+s9+$0x0], $0xffff;
	_ =	sdelay $0x3  }
0x104: {  	v63 =	vld [tilespmem:$0x47F0]  }
0x105: {  	[tilespmem:$0x4BD0] =	vst v0  }
0x106: {  	v0 =	vld.idx.msk [tilespmem:v62+s9+$0x0], $0xffff;
	_ =	sdelay $0x4  }
0x107: {  	[tilespmem:$0x4BE0] =	vst v0  }
0x108: {  	v0 =	vld.idx.msk [tilespmem:v63+s9+$0x0], $0xffff;
	_ =	sdelay $0x3  }
0x109: {  	p0 =	sne.s32 s0, $0xC00  }
.Ltmp0:
0x10a: {  	s1 =	sadd.s32 s0, s7;
	[tilespmem:$0x4BF0] =	vst v0;
	(pc) =	sbr.rel @p0 .LBB2_2-.Ltmp0, $4  }
0x10b: {  	[hbm4b:s1+s2] =	stream.linear.scatter [tilespmem:s29], [sflag:$0x2], $0x400, $0x38;
	[tilespmem:$0x10F50] =	vst v63  }
0x10c: {  	_ =	swait.ge [sflag:s10], $0x400  }
0x10d: {  	[sflag:s10] =	ssyncset.done $0x0  }
0x10e: {  	s0 =	sadd.s32 $0x80, s0;
	s31 =	sadd.s32 $0x800, s31;
	[sflag:s10] =	ssyncadd.s32 $0xFFFFFC00  }
0x10f: {  	s30 =	sadd.s32 $0x1, s30  }
0x110: {  	p0 =	sne.s32 s30, s5  }
.Ltmp1:
0x111: {  	_ = 	snop;
	(pc) =	sbr.rel @p0 .LBB2_1-.Ltmp1, $1  }
0x112: {  	_ =	sdelay $0x3  }
0x113: {  	_ =	sfence.sel $0x180000  }
0x114: {  	[bflag:$0x0] =	sbarrier.arrive $0xFFFF  }
0x115: {  	_ =	strace $0x9000004A  }
0x116: {  	s0 =	stileid.u32;
	[bflag:$0x2] =	sbarrier.arrive $0xFFFF  }
0x117: {  	p0 =	sne.s32 s0, $0x0;
	s0 =	rddreg [dreg:$0x1]  }
0x118: {  	s0 =	sadd.s32 @!p0 $0x100000, s0  }
0x119: {  	[sflag:s0] =	ssyncadd.tile.s32 @!p0 $0x1;
	_ =	shalt  }
.Lfunc_end2:
_tile_overlayer_lowered:
.L_overlay_start_2:
0x11a: {  	(tag) =	ssettag $0x2  }
0x11b: {  	s0 =	rddreg [dreg:$0x0];
	s2 =	stileid.u32  }
0x11c: {  	s1 =	rddreg [dreg:$0x1];
	p0 =	sne.s32 s2, $0x0  }
0x11d: {  	s3 =	rddreg [dreg:$0x2];
	[bflag:$0x3] =	sbarrier.arrive $0xFFFF;
	s2 =	simm.s32 @!p0 $0x1C02  }
0x11e: {  	[timem:s3], [sflag:s2] =	dma.local @!p0 [hbm:s0], s1  }
0x11f: {  	s0 =	simm.s32 @!p0 $0x2  }
0x120: {  	_ =	swait.ge @!p0 [sflag:s0], s1  }
0x121: {  	s1 =	ssub.s32 @!p0 $0x0, s1;
	[sflag:s0] =	ssyncset.done @!p0 $0x0  }
0x122: {  	[sflag:s0] =	ssyncadd.s32 @!p0 s1  }
0x123: {  	[bflag:$0x3] =	sbarrier.arrive $0xFFFF  }
0x124: {  	_ =	shalt  }

// kernel: kernel.26.cloned.1.call-start
scs
__scs_entry_jumppad:
0x0: {  	(pc) =	sbr.rel $0x88, $3  }
0x1: {  	(tag) =	ssettag $0x0;
	lr =	simm.s32 $0x1  }
0x2: {  	[smem:$0x3F78] =	sst lr;
	_ =	strace $0xD0000000  }
0x3: {  	_ = 	snop  }
0x4: {  	_ = 	snop  }
0x5: {  	_ = 	snop  }
0x6: {  	_ = 	snop  }
0x7: {  	_ = 	snop  }
__scs_overlays_trampoline_lowered:
0x8: {  	[smem:$0x3F87] =	sst s0  }
0x9: {  	[smem:$0x3F88] =	sst s1  }
0xa: {  	[smem:$0x3F89] =	sst s2  }
0xb: {  	[smem:$0x3F8A] =	sst s3  }
0xc: {  	[smem:$0x3F8B] =	sst s4  }
0xd: {  	[smem:$0x3F8C] =	sst s5  }
0xe: {  	[smem:$0x3F8D] =	sst s6  }
0xf: {  	[smem:$0x3F8E] =	sst s7  }
0x10: {  	[smem:$0x3F8F] =	sst s8  }
0x11: {  	[smem:$0x3F90] =	sst s9;
	s0 =	simm.s32 @!p0 $0x0  }
0x12: {  	s1 =	sld [smem:$0x3F76];
	s0 =	simm.s32 @p0 $0x1  }
0x13: {  	[smem:$0x3F91] =	sst s0;
	s0 =	simm.s32 @!p1 $0x0  }
0x14: {  	s2 =	sld [smem:$0x3F75];
	s0 =	simm.s32 @p1 $0x1  }
0x15: {  	[smem:$0x3F92] =	sst s0;
	s0 =	simm.s32 @!p2 $0x0  }
0x16: {  	s3 =	sld [smem:$0x3FDB];
	s0 =	simm.s32 @p2 $0x1  }
0x17: {  	s4 =	simm.s32 $0x1BF5;
	[smem:$0x3F94] =	sst s0  }
0x18: {  	s0 =	sld [smem:$0x3F77];
	_ =	swait.ge [sflag:s4], $0x0  }
0x19: {  	s7 =	sld [smem:$0x3F78]  }
0x1a: {  	s8 =	sadd.s32 $0xFFFFE003, lr  }
0x1b: {  	s9 =	sadd.s32 $0xFFFFFEF7, lr;
	s5 =	simm.s32 $0xFFFFFFFF;
	p2 =	slt.u32 s8, $0xFFFFF086  }
0x1c: {  	p1 =	slt.u32 s9, $0xF7A;
	s5 =	simm.s32 @!p2 $0x0  }
0x1d: {  	s5 =	simm.s32 @p1 $0x1;
	p0 =	seq.s32 s7, s2  }
0x1e: {  	s7 =	smul.u32 @!p0 $0xF7A, s2;
	p2 =	seq.s32 @!p0 s5, $0x0  }
0x1f: {  	s9 =	smul.u32 $0xF7A, s1;
	s8 =	simm.s32 @!p0 $0x1BF5;
	p2 =	por !p2, p0  }
0x20: {  	[sflag:s8] =	ssyncset.s32 @!p0 $0xFFFFF086;
	s6 =	sadd.s32 @!p0 s3, s7;
	s7 =	simm.s32 @!p0 $0x108  }
0x21: {  	s3 =	sadd.s32 s3, s9;
	s6 =	sadd.s32 @!p0 $0x88, s6;
	s7 =	simm.s32 @p2 $0x1082  }
0x22: {  	[simem:s7], [sflag:s8] =	dma.local @!p0 [hbm:s6], $0xF7A  }
0x23: {  	s9 =	sor.u32 $0xD0000000, s2;
	s6 =	simm.s32 $0x108;
	_ =	swait.ge @!p0 [sflag:s8], $0x0  }
0x24: {  	s3 =	sadd.s32 $0x88, s3;
	s6 =	simm.s32 @!p1 $0x1082;
	[sflag:s4] =	ssyncset.s32 $0xFFFFF086  }
0x25: {  	[simem:s6], [sflag:s4] =	dma.local [hbm:s3], $0xF7A  }
0x26: {  	[smem:$0x3F78] =	sst s1;
	(tag) =	ssettag s2;
	_ =	strace s9  }
0x27: {  	s1 =	sld [smem:$0x3F88]  }
0x28: {  	s2 =	sld [smem:$0x3F89]  }
0x29: {  	s4 =	sld [smem:$0x3F8B]  }
0x2a: {  	p0 =	seq.s32 s5, $0x0;
	s5 =	sld [smem:$0x3F8C]  }
0x2b: {  	s6 =	sld [smem:$0x3F8D]  }
0x2c: {  	s7 =	sld [smem:$0x3F8E]  }
0x2d: {  	s3 =	simm.s32 $0x108;
	s8 =	sld [smem:$0x3F8F]  }
0x2e: {  	s3 =	simm.s32 @!p0 $0x1082;
	s9 =	sld [smem:$0x3F90]  }
0x2f: {  	lr =	sadd.s32 s0, s3;
	s0 =	sld [smem:$0x3F87]  }
0x30: {  	s3 =	sld [smem:$0x3F8A]  }
0x31: {  	[smem:$0x3F93] =	sst s10  }
0x32: {  	s10 =	sld [smem:$0x3F91];
	_ =	sdelay $0x3  }
0x33: {  	p0 =	seq.s32 s10, $0x1;
	s10 =	sld [smem:$0x3F93];
	_ =	sdelay $0x3  }
0x34: {  	[smem:$0x3F93] =	sst s10  }
0x35: {  	s10 =	sld [smem:$0x3F92];
	_ =	sdelay $0x3  }
0x36: {  	p1 =	seq.s32 s10, $0x1;
	s10 =	sld [smem:$0x3F93];
	_ =	sdelay $0x3  }
0x37: {  	[smem:$0x3F93] =	sst s10  }
0x38: {  	s10 =	sld [smem:$0x3F94]  }
0x39: {  	_ = 	snop;
	(pc) =	sbr.ind lr, $3  }
0x3a: {  	_ = 	snop  }
0x3b: {  	_ = 	snop  }
0x3c: {  	p2 =	seq.s32 s10, $0x1;
	s10 =	sld [smem:$0x3F93]  }
0x3d: {  	_ =	shalt  }
0x3e: {  	_ =	shalt  }
0x3f: {  	_ =	shalt  }
0x40: {  	_ =	shalt  }
0x41: {  	_ =	shalt  }
0x42: {  	_ =	shalt  }
0x43: {  	_ =	shalt  }
0x44: {  	_ =	shalt  }
0x45: {  	_ =	shalt  }
0x46: {  	_ =	shalt  }
0x47: {  	_ =	shalt  }
0x48: {  	_ =	shalt  }
0x49: {  	_ =	shalt  }
0x4a: {  	_ =	shalt  }
0x4b: {  	_ =	shalt  }
0x4c: {  	_ =	shalt  }
0x4d: {  	_ =	shalt  }
0x4e: {  	_ =	shalt  }
0x4f: {  	_ =	shalt  }
0x50: {  	_ =	shalt  }
0x51: {  	_ =	shalt  }
0x52: {  	_ =	shalt  }
0x53: {  	_ =	shalt  }
0x54: {  	_ =	shalt  }
0x55: {  	_ =	shalt  }
0x56: {  	_ =	shalt  }
0x57: {  	_ =	shalt  }
0x58: {  	_ =	shalt  }
0x59: {  	_ =	shalt  }
0x5a: {  	_ =	shalt  }
0x5b: {  	_ =	shalt  }
0x5c: {  	_ =	shalt  }
0x5d: {  	_ =	shalt  }
0x5e: {  	_ =	shalt  }
0x5f: {  	_ =	shalt  }
0x60: {  	_ =	shalt  }
0x61: {  	_ =	shalt  }
0x62: {  	_ =	shalt  }
0x63: {  	_ =	shalt  }
0x64: {  	_ =	shalt  }
0x65: {  	_ =	shalt  }
0x66: {  	_ =	shalt  }
0x67: {  	_ =	shalt  }
0x68: {  	_ =	shalt  }
0x69: {  	_ =	shalt  }
0x6a: {  	_ =	shalt  }
0x6b: {  	_ =	shalt  }
0x6c: {  	_ =	shalt  }
0x6d: {  	_ =	shalt  }
0x6e: {  	_ =	shalt  }
0x6f: {  	_ =	shalt  }
0x70: {  	_ =	shalt  }
0x71: {  	_ =	shalt  }
0x72: {  	_ =	shalt  }
0x73: {  	_ =	shalt  }
0x74: {  	_ =	shalt  }
0x75: {  	_ =	shalt  }
0x76: {  	_ =	shalt  }
0x77: {  	_ =	shalt  }
0x78: {  	_ =	shalt  }
0x79: {  	_ =	shalt  }
0x7a: {  	_ =	shalt  }
0x7b: {  	_ =	shalt  }
0x7c: {  	_ =	shalt  }
0x7d: {  	_ =	shalt  }
0x7e: {  	_ =	shalt  }
0x7f: {  	_ =	shalt  }
0x80: {  	_ =	shalt  }
0x81: {  	_ =	shalt  }
0x82: {  	_ =	shalt  }
0x83: {  	_ =	shalt  }
0x84: {  	_ =	shalt  }
0x85: {  	_ =	shalt  }
0x86: {  	_ =	shalt  }
0x87: {  	_ =	shalt  }
.Lfunc_end0:
.L_simem_size_0:
called_computation.3_lowered:
.L_overlay_start_0:
0x88: {  	s2 =	sld [smem:$0x3FD9]  }
0x89: {  	s3 =	sld [smem:$0x3FFE];
	_ =	sdelay $0x1  }
0x8a: {  	s1 =	srdreg.scid  }
0x8b: {  	s0 =	sand.u32 $0x1, s1  }
0x8c: {  	s17 =	sshll.u32 s0, $0xA;
	s2 =	sadd.s32 s3, s2  }
0x8d: {  	s2 =	sadd.s32 s2, s17  }
0x8e: {  	[smem:$0x3F9F] =	sst s2  }
0x8f: {  	_ = 	snop  }
0x90: {  	(tm) =	ssettm $0x1  }
0x91: {  	s18 =	sld [smem:$0x3FFB];
	_ =	sdelay $0x3  }
0x92: {  	_ =	strace s18  }
0x93: {  	s2 =	sld [smem:$0x3FFC];
	_ =	sdelay $0x3  }
0x94: {  	_ =	strace s2  }
0x95: {  	s2 =	sld [smem:$0x3FFD];
	_ =	sdelay $0x3  }
0x96: {  	_ =	strace s2  }
0x97: {  	_ =	strace $0x8FFFFFFF  }
0x98: {  	s19 =	sld [smem:$0x3FDB];
	_ =	sdelay $0x1  }
0x99: {  	s20 =	simm.s32 $_scs_section_size  }
0x9a: {  	s4 =	simm.s32 $_size__tile_overlayer_lowered;
	s5 =	simm.s32 $_tile_overlayer_lowered  }
0x9b: {  	s6 =	simm.s32 $0x1BFF;
	s21 =	sshll.u32 s5, $0x1;
	s3 =	sadd.s32 s20, s19  }
0x9c: {  	s22 =	simm.s32 $0x0;
	s4 =	sshll.u32 s4, $0x1;
	s5 =	sadd.s32 s21, s3  }
0x9d: {  	[timem:s22], [sflag:s6] =	dma.local [hbm:s5], s4  }
0x9e: {  	_ =	swait.ge [sflag:s6], s4  }
0x9f: {  	s4 =	ssub.s32 $0x0, s4;
	[sflag:s6] =	ssyncset.done $0x0  }
0xa0: {  	[sflag:s6] =	ssyncadd.s32 s4;
	_ =	sdelay $0x1  }
0xa1: {  	s23 =	simm.s32 $0x1B8B  }
0xa2: {  	_ =	swait.ge [sflag:s23], $0x1  }
0xa3: {  	[sflag:s23] =	ssyncset.done $0x0  }
0xa4: {  	[sflag:s23] =	ssyncadd.s32 $0xFFFFFFFF  }
0xa5: {  	s4 =	sld [smem:$0x0]  }
0xa6: {  	s5 =	sand.u32 $0xFFFFFFFE, s1  }
0xa7: {  	p0 =	sne.s32 s1, s5  }
0xa8: {  	s5 =	sshll.u32 @p0 s5, $0xE  }
0xa9: {  	s5 =	sadd.s32 @p0 $0x11B8D, s5;
	s6 =	sshll.u32 @p0 s4, $0x11  }
0xaa: {  	s5 =	sor.u32 @p0 s6, s5  }
0xab: {  	[sflag:s5] =	ssyncadd.remote.s32 @p0 $0x1;
	_ =	sdelay $0x1  }
0xac: {  	s5 =	simm.s32 @p0 $0x1B8D  }
0xad: {  	_ =	swait.eq @p0 [sflag:s5], $0x1  }
0xae: {  	[sflag:s5] =	ssyncadd.s32 @p0 $0xFFFFFFFF  }
0xaf: {  	s6 =	sshll.u32 @!p0 s1, $0xE  }
0xb0: {  	s6 =	sor.u32 @!p0 $0x4000, s6;
	s5 =	simm.s32 @!p0 $0x1B8D  }
0xb1: {  	s4 =	sshll.u32 @!p0 s4, $0x11;
	s6 =	sadd.s32 @!p0 $0x11B8D, s6;
	_ =	swait.eq @!p0 [sflag:s5], $0x1  }
0xb2: {  	s4 =	sor.u32 @!p0 s4, s6;
	[sflag:s5] =	ssyncadd.s32 @!p0 $0xFFFFFFFF  }
0xb3: {  	s25 =	simm.s32 $0x1B8E;
	s24 =	sld [smem:$0x3FFE];
	[sflag:s4] =	ssyncadd.remote.s32 @!p0 $0x1  }
0xb4: {  	s26 =	simm.s32 $execute0_lowered;
	[smem:$0x3FD2] =	sst s25  }
0xb5: {  	s5 =	sshll.u32 s26, $0x1;
	_ =	strace $0x8000004F;
	[dreg:$0x1] =	wrdreg $0xFFFFFFFF  }
0xb6: {  	s28 =	simm.s32 $_size_execute0_lowered;
	s3 =	sadd.s32 s3, s5;
	[dreg:$0x0] =	wrdreg $0x0  }
0xb7: {  	s5 =	sshll.u32 s28, $0x1;
	[dreg:$0x2] =	wrdreg s3  }
0xb8: {  	[dreg:$0x3] =	wrdreg s5  }
0xb9: {  	[dreg:$0x4] =	wrdreg $0xC0  }
0xba: {  	_ =	task [dreg:s22], $0x5FFFF  }
0xbb: {  	[dreg:$0x1] =	wrdreg $0xFFFFFFFF  }
0xbc: {  	[dreg:$0x0] =	wrdreg $0x60  }
0xbd: {  	[dreg:$0x2] =	wrdreg s24  }
0xbe: {  	[dreg:$0x3] =	wrdreg $0x44000  }
0xbf: {  	[dreg:$0x4] =	wrdreg $0xA  }
0xc0: {  	_ =	task.clear_ibuf [dreg:s22], $0x5FFFF;
	_ =	strace $0x9000004F  }
0xc1: {  	s29 =	simm.s32 $0xA;
	_ =	strace $0x80000051  }
0xc2: {  	_ =	swait.ge [sflag:s29], $0x1  }
0xc3: {  	[sflag:s29] =	ssyncadd.s32 $0xFFFFFFFF  }
0xc4: {  	_ =	strace $0x90000051  }
0xc5: {  	_ =	sfence  }
0xc6: {  	s30 =	sld [smem:$0x0];
	_ =	sdelay $0x2  }
0xc7: {  	s31 =	sshll.u32 s1, $0xD;
	s1 =	sshrl.u32 s1, $0x2  }
0xc8: {  	s4 =	sand.u32 $0x4000, s31;
	s1 =	sadd.s32 s1, s30  }
0xc9: {  	s0 =	sor.u32 s4, s0;
	s1 =	sshll.u32 s1, $0x11  }
0xca: {  	s0 =	sor.u32 s1, s0  }
0xcb: {  	s0 =	sadd.s32 $0x8F2B, s0  }
0xcc: {  	[sflag:s0] =	ssyncadd.remote.s32 $0x1  }
0xcd: {  	_ =	sfence.sel $0xFFFF  }
0xce: {  	[dreg:$0x0] =	wrdreg $0xFFFFFFFF;
	(pc) =	sbr.abs _section_cstart, $3  }
0xcf: {  	[dreg:$0x1] =	wrdreg $0xFFFFFFFF  }
0xd0: {  	_ =	task.clear_ibuf [dreg:s22], $0x2FFFF;
	_ =	strace $0x9FFFFFFF  }
0xd1: {  	(tm) =	ssettm $0x7FFFFFFF  }
tec
execute0_lowered:
.L_overlay_start_1:
0x0: {  	(tag) =	ssettag $0x1  }
0x1: {  	s0 =	stileid.u32;
	s5 =	rddreg [dreg:$0x0]  }
0x2: {  	s1 =	srdreg.scid;
	s2 =	rddreg [dreg:$0x1];
	s3 =	simm.s32 $0x0  }
0x3: {  	s13 =	simm.s32 $0x4080;
	s14 =	simm.s32 $0x1000;
	s15 =	simm.s32 $0x4100  }
0x4: {  	s16 =	simm.s32 $0x2000;
	s17 =	simm.s32 $0x4180;
	s18 =	simm.s32 $0x3000  }
0x5: {  	s19 =	simm.s32 $0x1;
	s20 =	simm.s32 $0x4200;
	s4 =	smul.u32 $0xC800, s0  }
0x6: {  	s21 =	simm.s32 $0x4280;
	s22 =	simm.s32 $0x4300;
	s8 =	smul.u32 $0x32000, s0  }
0x7: {  	s6 =	sand.u32 $0x1, s1;
	s1 =	rddreg [dreg:$0x2];
	s11 =	smul.u32 $0x18700, s0  }
0x8: {  	s23 =	simm.s32 $0x4380;
	[smem:$0x7FF] =	sst s3;
	s7 =	smul.u32 $0x6400, s6  }
0x9: {  	s31 =	sshll.u32 s0, $0x6;
	_ =	strace $0x80000050;
	s9 =	smul.u32 $0x30E00, s6  }
0xa: {  	s10 =	ssub.s32 $0x2, s6;
	s6 =	smul.u32 $0x19000, s6;
	s28 =	sadd.s32 s8, s5  }
0xb: {  	s30 =	sshrl.u32 s10, $0x1;
	s12 =	sadd.s32 s11, s2;
	s25 =	sshrl.u32 s11, $0x3  }
0xc: {  	s11 =	simm.s32 $0x4000;
	s4 =	sadd.s32 s7, s4;
	s9 =	sadd.s32 s9, s5  }
0xd: {  	s10 =	ssub.s32 s10, s30;
	s7 =	sadd.s32 s6, s28;
	s4 =	sshrl.u32 s4, $0x3  }
0xe: {  	s24 =	sadd.s32 $0x631C00, s9;
	s6 =	smax.u32 s10, $0x1;
	s7 =	sadd.s32 $0xAE1C00, s7  }
0xf: {  	s9 =	sshrl.u32 s12, $0x3;
	s10 =	simm.s32 $0x2;
	s12 =	simm.s32 $0x80  }
0x10: {  	s29 =	sadd.s32 s4, s5;
	s4 =	sadd.s32 $0x57E00, s5;
	s5 =	sor.u32 $0x1C02, s31  }
0x11: {  	s24 =	sadd.s32 s25, s24;
	s25 =	simm.s32 $0x0;
	s8 =	sadd.s32 $0xA5A00, s29  }
.LBB2_1:
0x12: {  	[spmem:s9], [sflag:s5] =	dma.local [hbm:s4], $0x30E0  }
0x13: {  	_ =	swait.ge [sflag:s10], $0x30E0  }
0x14: {  	[sflag:s10] =	ssyncset.done $0x0  }
0x15: {  	[sflag:s10] =	ssyncadd.s32 $0xFFFFCF20  }
0x16: {  	s26 =	sadd.s32 $0x0, s8;
	[bflag:$0x0] =	sbarrier.arrive $0xFFFF  }
0x17: {  	[tilespmem:s11], [sflag:$0x2] =	stream.linear.gather [hbm4b:s26+s3], $0x400, $0x38;
	[tilespmem:$0x1CB00] =	vst v63  }
0x18: {  	_ =	swait.ge [sflag:s10], $0x400  }
0x19: {  	[sflag:s10] =	ssyncset.done $0x0  }
0x1a: {  	[sflag:s10] =	ssyncadd.s32 $0xFFFFFC00  }
0x1b: {  	[tilespmem:s3], [sflag:$0x2] =	stream.linear.gather [hbm4b:s7+s3], $0x4000, $0x38;
	[tilespmem:$0x1CB00] =	vst v63  }
0x1c: {  	_ =	swait.ge [sflag:s10], $0x4000  }
0x1d: {  	[sflag:s10] =	ssyncset.done $0x0  }
0x1e: {  	[sflag:s10] =	ssyncadd.s32 $0xFFFFC000  }
0x1f: {  	[spmem:s2] =	stream.indirect.scatter.add.f32 [tilespmem:s3], [sflag:$0x1], $0x20, s11, s12, $0xb8;
	[tilespmem:$0x1CB00] =	vst v63  }
0x20: {  	_ = 	snop  }
0x21: {  	[spmem:s2] =	stream.indirect.scatter.add.f32 [tilespmem:s14], [sflag:$0x1], $0x20, s13, s12, $0xb8;
	[tilespmem:$0x1CB00] =	vst v63  }
0x22: {  	_ = 	snop  }
0x23: {  	[spmem:s2] =	stream.indirect.scatter.add.f32 [tilespmem:s16], [sflag:$0x1], $0x20, s15, s12, $0xb8;
	[tilespmem:$0x1CB00] =	vst v63  }
0x24: {  	_ = 	snop  }
0x25: {  	[spmem:s2] =	stream.indirect.scatter.add.f32 [tilespmem:s18], [sflag:$0x1], $0x20, s17, s12, $0xb8;
	[tilespmem:$0x1CB00] =	vst v63  }
0x26: {  	_ =	swait.ge [sflag:s19], $0x1000  }
0x27: {  	[sflag:s19] =	ssyncset.done $0x0  }
0x28: {  	[sflag:s19] =	ssyncadd.s32 $0xFFFFF000  }
0x29: {  	_ =	swait.ge [sflag:s19], $0x1000  }
0x2a: {  	[sflag:s19] =	ssyncset.done $0x0  }
0x2b: {  	[sflag:s19] =	ssyncadd.s32 $0xFFFFF000  }
0x2c: {  	_ =	swait.ge [sflag:s19], $0x1000  }
0x2d: {  	[sflag:s19] =	ssyncset.done $0x0  }
0x2e: {  	[sflag:s19] =	ssyncadd.s32 $0xFFFFF000  }
0x2f: {  	_ =	swait.ge [sflag:s19], $0x1000  }
0x30: {  	[sflag:s19] =	ssyncset.done $0x0  }
0x31: {  	s31 =	sadd.s32 $0x800, s7;
	[sflag:s19] =	ssyncadd.s32 $0xFFFFF000  }
0x32: {  	[tilespmem:s3], [sflag:$0x2] =	stream.linear.gather [hbm4b:s31+s3], $0x4000, $0x38;
	[tilespmem:$0x1CB00] =	vst v63  }
0x33: {  	_ =	swait.ge [sflag:s10], $0x4000  }
0x34: {  	[sflag:s10] =	ssyncset.done $0x0  }
0x35: {  	[sflag:s10] =	ssyncadd.s32 $0xFFFFC000  }
0x36: {  	[spmem:s2] =	stream.indirect.scatter.add.f32 [tilespmem:s3], [sflag:$0x1], $0x20, s20, s12, $0xb8;
	[tilespmem:$0x1CB00] =	vst v63  }
0x37: {  	_ = 	snop  }
0x38: {  	[spmem:s2] =	stream.indirect.scatter.add.f32 [tilespmem:s14], [sflag:$0x1], $0x20, s21, s12, $0xb8;
	[tilespmem:$0x1CB00] =	vst v63  }
0x39: {  	_ = 	snop  }
0x3a: {  	[spmem:s2] =	stream.indirect.scatter.add.f32 [tilespmem:s16], [sflag:$0x1], $0x20, s22, s12, $0xb8;
	[tilespmem:$0x1CB00] =	vst v63  }
0x3b: {  	_ = 	snop  }
0x3c: {  	[spmem:s2] =	stream.indirect.scatter.add.f32 [tilespmem:s18], [sflag:$0x1], $0x20, s23, s12, $0xb8;
	[tilespmem:$0x1CB00] =	vst v63  }
0x3d: {  	_ =	swait.ge [sflag:s19], $0x1000  }
0x3e: {  	[sflag:s19] =	ssyncset.done $0x0  }
0x3f: {  	[sflag:s19] =	ssyncadd.s32 $0xFFFFF000  }
0x40: {  	_ =	swait.ge [sflag:s19], $0x1000  }
0x41: {  	[sflag:s19] =	ssyncset.done $0x0  }
0x42: {  	[sflag:s19] =	ssyncadd.s32 $0xFFFFF000  }
0x43: {  	_ =	swait.ge [sflag:s19], $0x1000  }
0x44: {  	[sflag:s19] =	ssyncset.done $0x0  }
0x45: {  	[sflag:s19] =	ssyncadd.s32 $0xFFFFF000  }
0x46: {  	s28 =	simm.s32 $0x80;
	_ =	swait.ge [sflag:s19], $0x1000  }
0x47: {  	s30 =	simm.s32 $0x100;
	s26 =	sadd.s32 $0x1000, s7;
	[sflag:s19] =	ssyncset.done $0x0  }
.LBB2_2:
0x48: {  	s31 =	sadd.s32 s28, s8  }
0x49: {  	[sflag:s19] =	ssyncadd.s32 $0xFFFFF000;
	s28 =	smov.u32 s30;
	s29 =	sadd.s32 $0x80, s30  }
0x4a: {  	[tilespmem:s11], [sflag:$0x2] =	stream.linear.gather [hbm4b:s31+s3], $0x400, $0x38;
	[tilespmem:$0x1CB00] =	vst v63  }
0x4b: {  	p0 =	sne.s32 s30, $0xC00;
	_ =	swait.ge [sflag:s10], $0x400  }
0x4c: {  	[sflag:s10] =	ssyncset.done $0x0  }
0x4d: {  	[sflag:s10] =	ssyncadd.s32 $0xFFFFFC00  }
0x4e: {  	[tilespmem:s3], [sflag:$0x2] =	stream.linear.gather [hbm4b:s26+s3], $0x4000, $0x38;
	[tilespmem:$0x1CB00] =	vst v63  }
0x4f: {  	_ =	swait.ge [sflag:s10], $0x4000  }
0x50: {  	[sflag:s10] =	ssyncset.done $0x0  }
0x51: {  	[sflag:s10] =	ssyncadd.s32 $0xFFFFC000  }
0x52: {  	[spmem:s2] =	stream.indirect.scatter.add.f32 [tilespmem:s3], [sflag:$0x1], $0x20, s11, s12, $0xb8;
	[tilespmem:$0x1CB00] =	vst v63  }
0x53: {  	_ = 	snop  }
0x54: {  	[spmem:s2] =	stream.indirect.scatter.add.f32 [tilespmem:s14], [sflag:$0x1], $0x20, s13, s12, $0xb8;
	[tilespmem:$0x1CB00] =	vst v63  }
0x55: {  	_ = 	snop  }
0x56: {  	[spmem:s2] =	stream.indirect.scatter.add.f32 [tilespmem:s16], [sflag:$0x1], $0x20, s15, s12, $0xb8;
	[tilespmem:$0x1CB00] =	vst v63  }
0x57: {  	_ = 	snop  }
0x58: {  	[spmem:s2] =	stream.indirect.scatter.add.f32 [tilespmem:s18], [sflag:$0x1], $0x20, s17, s12, $0xb8;
	[tilespmem:$0x1CB00] =	vst v63  }
0x59: {  	_ =	swait.ge [sflag:s19], $0x1000  }
0x5a: {  	[sflag:s19] =	ssyncset.done $0x0  }
0x5b: {  	[sflag:s19] =	ssyncadd.s32 $0xFFFFF000  }
0x5c: {  	_ =	swait.ge [sflag:s19], $0x1000  }
0x5d: {  	[sflag:s19] =	ssyncset.done $0x0  }
0x5e: {  	[sflag:s19] =	ssyncadd.s32 $0xFFFFF000  }
0x5f: {  	_ =	swait.ge [sflag:s19], $0x1000  }
0x60: {  	[sflag:s19] =	ssyncset.done $0x0  }
0x61: {  	[sflag:s19] =	ssyncadd.s32 $0xFFFFF000  }
0x62: {  	_ =	swait.ge [sflag:s19], $0x1000  }
0x63: {  	[sflag:s19] =	ssyncset.done $0x0  }
0x64: {  	s30 =	sadd.s32 $0x800, s26;
	[sflag:s19] =	ssyncadd.s32 $0xFFFFF000  }
0x65: {  	[tilespmem:s3], [sflag:$0x2] =	stream.linear.gather [hbm4b:s30+s3], $0x4000, $0x38;
	[tilespmem:$0x1CB00] =	vst v63  }
0x66: {  	_ =	swait.ge [sflag:s10], $0x4000  }
0x67: {  	[sflag:s10] =	ssyncset.done $0x0  }
0x68: {  	[sflag:s10] =	ssyncadd.s32 $0xFFFFC000  }
0x69: {  	[spmem:s2] =	stream.indirect.scatter.add.f32 [tilespmem:s3], [sflag:$0x1], $0x20, s20, s12, $0xb8;
	[tilespmem:$0x1CB00] =	vst v63  }
0x6a: {  	_ = 	snop  }
0x6b: {  	[spmem:s2] =	stream.indirect.scatter.add.f32 [tilespmem:s14], [sflag:$0x1], $0x20, s21, s12, $0xb8;
	[tilespmem:$0x1CB00] =	vst v63  }
0x6c: {  	_ = 	snop  }
0x6d: {  	[spmem:s2] =	stream.indirect.scatter.add.f32 [tilespmem:s16], [sflag:$0x1], $0x20, s22, s12, $0xb8;
	[tilespmem:$0x1CB00] =	vst v63  }
0x6e: {  	_ = 	snop  }
0x6f: {  	[spmem:s2] =	stream.indirect.scatter.add.f32 [tilespmem:s18], [sflag:$0x1], $0x20, s23, s12, $0xb8;
	[tilespmem:$0x1CB00] =	vst v63  }
0x70: {  	_ =	swait.ge [sflag:s19], $0x1000  }
0x71: {  	[sflag:s19] =	ssyncset.done $0x0  }
0x72: {  	[sflag:s19] =	ssyncadd.s32 $0xFFFFF000  }
0x73: {  	_ =	swait.ge [sflag:s19], $0x1000  }
0x74: {  	[sflag:s19] =	ssyncset.done $0x0  }
0x75: {  	[sflag:s19] =	ssyncadd.s32 $0xFFFFF000  }
.Ltmp0:
0x76: {  	_ =	swait.ge [sflag:s19], $0x1000;
	(pc) =	sbr.rel @p0 .LBB2_2-.Ltmp0, $4  }
0x77: {  	[sflag:s19] =	ssyncset.done $0x0  }
0x78: {  	[sflag:s19] =	ssyncadd.s32 $0xFFFFF000  }
0x79: {  	_ =	swait.ge [sflag:s19], $0x1000  }
0x7a: {  	s26 =	sadd.s32 $0x1000, s26;
	s30 =	smov.u32 s29;
	[sflag:s19] =	ssyncset.done $0x0  }
0x7b: {  	s28 =	sadd.s32 s28, s8;
	[sflag:s19] =	ssyncadd.s32 $0xFFFFF000  }
0x7c: {  	[tilespmem:s11], [sflag:$0x2] =	stream.linear.gather [hbm4b:s28+s3], $0x400, $0x38;
	[tilespmem:$0x1CB00] =	vst v63  }
0x7d: {  	_ =	swait.ge [sflag:s10], $0x400  }
0x7e: {  	[sflag:s10] =	ssyncset.done $0x0  }
0x7f: {  	[sflag:s10] =	ssyncadd.s32 $0xFFFFFC00  }
0x80: {  	[tilespmem:s3], [sflag:$0x2] =	stream.linear.gather [hbm4b:s26+s3], $0x4000, $0x38;
	[tilespmem:$0x1CB00] =	vst v63  }
0x81: {  	_ =	swait.ge [sflag:s10], $0x4000  }
0x82: {  	[sflag:s10] =	ssyncset.done $0x0  }
0x83: {  	[sflag:s10] =	ssyncadd.s32 $0xFFFFC000  }
0x84: {  	[spmem:s2] =	stream.indirect.scatter.add.f32 [tilespmem:s3], [sflag:$0x1], $0x20, s11, s12, $0xb8;
	[tilespmem:$0x1CB00] =	vst v63  }
0x85: {  	_ = 	snop  }
0x86: {  	[spmem:s2] =	stream.indirect.scatter.add.f32 [tilespmem:s14], [sflag:$0x1], $0x20, s13, s12, $0xb8;
	[tilespmem:$0x1CB00] =	vst v63  }
0x87: {  	_ = 	snop  }
0x88: {  	[spmem:s2] =	stream.indirect.scatter.add.f32 [tilespmem:s16], [sflag:$0x1], $0x20, s15, s12, $0xb8;
	[tilespmem:$0x1CB00] =	vst v63  }
0x89: {  	_ = 	snop  }
0x8a: {  	[spmem:s2] =	stream.indirect.scatter.add.f32 [tilespmem:s18], [sflag:$0x1], $0x20, s17, s12, $0xb8;
	[tilespmem:$0x1CB00] =	vst v63  }
0x8b: {  	_ =	swait.ge [sflag:s19], $0x1000  }
0x8c: {  	[sflag:s19] =	ssyncset.done $0x0  }
0x8d: {  	[sflag:s19] =	ssyncadd.s32 $0xFFFFF000  }
0x8e: {  	_ =	swait.ge [sflag:s19], $0x1000  }
0x8f: {  	[sflag:s19] =	ssyncset.done $0x0  }
0x90: {  	[sflag:s19] =	ssyncadd.s32 $0xFFFFF000  }
0x91: {  	_ =	swait.ge [sflag:s19], $0x1000  }
0x92: {  	[sflag:s19] =	ssyncset.done $0x0  }
0x93: {  	[sflag:s19] =	ssyncadd.s32 $0xFFFFF000  }
0x94: {  	_ =	swait.ge [sflag:s19], $0x1000  }
0x95: {  	[sflag:s19] =	ssyncset.done $0x0  }
0x96: {  	s31 =	sadd.s32 $0x800, s26;
	[sflag:s19] =	ssyncadd.s32 $0xFFFFF000  }
0x97: {  	[tilespmem:s3], [sflag:$0x2] =	stream.linear.gather [hbm4b:s31+s3], $0x4000, $0x38;
	[tilespmem:$0x1CB00] =	vst v63  }
0x98: {  	_ =	swait.ge [sflag:s10], $0x4000  }
0x99: {  	[sflag:s10] =	ssyncset.done $0x0  }
0x9a: {  	[sflag:s10] =	ssyncadd.s32 $0xFFFFC000  }
0x9b: {  	[spmem:s2] =	stream.indirect.scatter.add.f32 [tilespmem:s3], [sflag:$0x1], $0x20, s20, s12, $0xb8;
	[tilespmem:$0x1CB00] =	vst v63  }
0x9c: {  	_ = 	snop  }
0x9d: {  	[spmem:s2] =	stream.indirect.scatter.add.f32 [tilespmem:s14], [sflag:$0x1], $0x20, s21, s12, $0xb8;
	[tilespmem:$0x1CB00] =	vst v63  }
0x9e: {  	_ = 	snop  }
0x9f: {  	[spmem:s2] =	stream.indirect.scatter.add.f32 [tilespmem:s16], [sflag:$0x1], $0x20, s22, s12, $0xb8;
	[tilespmem:$0x1CB00] =	vst v63  }
0xa0: {  	_ = 	snop  }
0xa1: {  	[spmem:s2] =	stream.indirect.scatter.add.f32 [tilespmem:s18], [sflag:$0x1], $0x20, s23, s12, $0xb8;
	[tilespmem:$0x1CB00] =	vst v63  }
0xa2: {  	_ =	swait.ge [sflag:s19], $0x1000  }
0xa3: {  	[sflag:s19] =	ssyncset.done $0x0  }
0xa4: {  	[sflag:s19] =	ssyncadd.s32 $0xFFFFF000  }
0xa5: {  	_ =	swait.ge [sflag:s19], $0x1000  }
0xa6: {  	[sflag:s19] =	ssyncset.done $0x0  }
0xa7: {  	[sflag:s19] =	ssyncadd.s32 $0xFFFFF000  }
0xa8: {  	_ =	swait.ge [sflag:s19], $0x1000  }
0xa9: {  	[sflag:s19] =	ssyncset.done $0x0  }
0xaa: {  	[sflag:s19] =	ssyncadd.s32 $0xFFFFF000  }
0xab: {  	_ =	swait.ge [sflag:s19], $0x1000  }
0xac: {  	s25 =	sadd.s32 $0x1, s25;
	[sflag:s19] =	ssyncset.done $0x0  }
0xad: {  	p0 =	sne.s32 s25, s6;
	[sflag:s19] =	ssyncadd.s32 $0xFFFFF000  }
.Ltmp1:
0xae: {  	[bflag:$0x0] =	sbarrier.arrive $0xFFFF;
	(pc) =	sbr.rel @p0 .LBB2_1-.Ltmp1, $4  }
0xaf: {  	[hbm:s24], [sflag:s5] =	dma.local [spmem:s9], $0x30E0  }
0xb0: {  	_ =	swait.ge [sflag:s10], $0x30E0  }
0xb1: {  	[sflag:s10] =	ssyncset.done $0x0  }
0xb2: {  	[sflag:s10] =	ssyncadd.s32 $0xFFFFCF20  }
0xb3: {  	_ =	sfence.sel $0x180000  }
0xb4: {  	[bflag:$0x0] =	sbarrier.arrive $0xFFFF  }
0xb5: {  	p0 =	sne.s32 s0, $0x0;
	_ =	strace $0x90000050  }
0xb6: {  	s0 =	sadd.s32 @!p0 $0x100000, s1;
	[bflag:$0x2] =	sbarrier.arrive $0xFFFF  }
0xb7: {  	[sflag:s0] =	ssyncadd.tile.s32 @!p0 $0x1;
	_ =	shalt  }
.Lfunc_end2:
_tile_overlayer_lowered:
.L_overlay_start_2:
0xb8: {  	(tag) =	ssettag $0x2  }
0xb9: {  	s0 =	rddreg [dreg:$0x0];
	s2 =	stileid.u32  }
0xba: {  	s1 =	rddreg [dreg:$0x1];
	p0 =	sne.s32 s2, $0x0  }
0xbb: {  	s3 =	rddreg [dreg:$0x2];
	[bflag:$0x3] =	sbarrier.arrive $0xFFFF;
	s2 =	simm.s32 @!p0 $0x1C02  }
0xbc: {  	[timem:s3], [sflag:s2] =	dma.local @!p0 [hbm:s0], s1  }
0xbd: {  	s0 =	simm.s32 @!p0 $0x2  }
0xbe: {  	_ =	swait.ge @!p0 [sflag:s0], s1  }
0xbf: {  	s1 =	ssub.s32 @!p0 $0x0, s1;
	[sflag:s0] =	ssyncset.done @!p0 $0x0  }
0xc0: {  	[sflag:s0] =	ssyncadd.s32 @!p0 s1  }
0xc1: {  	[bflag:$0x3] =	sbarrier.arrive $0xFFFF  }
0xc2: {  	_ =	shalt  }

</sc_bundles>
